<compile_context>
chip_gen: v7x
topology: tpu7x:2x2x1
jax: 0.10.2.dev20260603
libtpu: 0.0.44.dev20260713+nightly
codegen_flags: <defaults>
</compile_context>

<pallas_src>
import functools

import jax
import jax.numpy as jnp
from jax import lax
from jax.experimental import pallas as pl
from jax.experimental.pallas import tpu as pltpu
from jax.experimental.pallas import tpu_sc as plsc

N = 10000
E = 320000
F = 128
K = 4

NC = 2
NS = 16
NW = NC * NS
L = 16

EPW = E // NW
DN = 10112
B = 64
NCHUNK = 160
CPW = NCHUNK * B
EPAD = NW * CPW
ZR = 632
NPAD = NS * ZR
CR = 624

_mesh = plsc.VectorSubcoreMesh(core_axis_name="c", subcore_axis_name="s")


_DCH = 16


@functools.partial(
    pl.kernel,
    out_type=jax.ShapeDtypeStruct((NW, 1, DN), jnp.float32),
    mesh=_mesh,
    scratch_types=[
        pltpu.VMEM((_DCH, B), jnp.int32),
        pltpu.VMEM((1, DN), jnp.float32),
    ],
    compiler_params=pltpu.CompilerParams(needs_layout_passes=False),
)
def _sc_degree(col_hbm, dpart_hbm, colv, dloc):
    wid = lax.axis_index("s") * NC + lax.axis_index("c")

    def _zero(i, _):
        dloc[0, pl.ds(i * L, L)] = jnp.zeros((L,), jnp.float32)
        return _

    lax.fori_loop(0, DN // L, _zero, None)
    ones = jnp.ones((L,), jnp.float32)
    zrow = jnp.zeros((L,), jnp.int32)
    vpr = B // L

    def _acc(i, _):
        idx = colv[i // vpr, pl.ds((i % vpr) * L, L)]
        plsc.addupdate_scatter(dloc, [zrow, idx], ones)
        return _

    for cc in range(NCHUNK // _DCH):
        pltpu.sync_copy(col_hbm.at[wid, pl.ds(cc * _DCH, _DCH), :], colv)
        lax.fori_loop(0, _DCH * vpr, _acc, None)
    pltpu.sync_copy(dloc, dpart_hbm.at[wid])


@functools.partial(
    pl.kernel,
    out_type=jax.ShapeDtypeStruct((NC, N, F), jnp.float32),
    mesh=_mesh,
    scratch_types=[
        pltpu.VMEM((2, 2, B), jnp.int32),
        pltpu.VMEM((2, B, F), jnp.float32),
        pltpu.VMEM_SHARED((NPAD, F), jnp.float32),
        pltpu.SemaphoreType.DMA,
        pltpu.SemaphoreType.DMA,
        pltpu.SemaphoreType.DMA,
        pltpu.SemaphoreType.DMA,
    ],
    compiler_params=pltpu.CompilerParams(needs_layout_passes=False),
)
def _sc_spmm(rc_hbm, xs_hbm, aggp_hbm, rcv, buf, agg, si0, si1, sg0, sg1):
    cid = lax.axis_index("c")
    sid = lax.axis_index("s")
    wid = sid * NC + cid

    def _zrow(r, _):
        for c in range(F // L):
            buf[0, r, pl.ds(c * L, L)] = jnp.zeros((L,), jnp.float32)
        return _

    lax.fori_loop(0, B, _zrow, None)
    zoff = 0
    while zoff < ZR:
        sz = min(B, ZR - zoff)
        pltpu.sync_copy(buf.at[0, pl.ds(0, sz)],
                        agg.at[pl.ds(sid * ZR + zoff, sz)])
        zoff += sz
    plsc.subcore_barrier()

    sis = (si0, si1)
    sgs = (sg0, sg1)
    pltpu.make_async_copy(rc_hbm.at[wid, 0], rcv.at[0], si0).start()
    pltpu.make_async_copy(rc_hbm.at[wid, 1], rcv.at[1], si1).start()
    pltpu.make_async_copy(rc_hbm.at[wid, 0], rcv.at[0], si0).wait()
    pltpu.make_async_copy(xs_hbm.at[rcv.at[0, 0]], buf.at[0], sg0).start()

    def _step(jj, _):
        for b in range(2):
            j = jj * 2 + b
            nb = 1 - b

            @pl.when(j + 1 < NCHUNK)
            def _start_next_gather():
                pltpu.make_async_copy(rc_hbm.at[wid, j + 1], rcv.at[nb],
                                      sis[nb]).wait()
                pltpu.make_async_copy(xs_hbm.at[rcv.at[nb, 0]], buf.at[nb],
                                      sgs[nb]).start()

            pltpu.make_async_copy(xs_hbm.at[rcv.at[b, 0]], buf.at[b],
                                  sgs[b]).wait()
            pltpu.sync_copy(buf.at[b], agg.at[rcv.at[b, 1]], add=True)

            @pl.when(j + 2 < NCHUNK)
            def _start_next_idx():
                pltpu.make_async_copy(rc_hbm.at[wid, j + 2], rcv.at[b],
                                      sis[b]).start()

        return _

    lax.fori_loop(0, NCHUNK // 2, _step, None)
    plsc.subcore_barrier()

    def _copy_out(nrows):
        coff = 0
        while coff < nrows:
            sz = min(B, nrows - coff)
            base = sid * CR + coff
            pltpu.sync_copy(agg.at[pl.ds(base, sz)], buf.at[0, pl.ds(0, sz)])
            pltpu.sync_copy(buf.at[0, pl.ds(0, sz)],
                            aggp_hbm.at[cid, pl.ds(base, sz)])
            coff += sz

    @pl.when(sid < NS - 1)
    def _():
        _copy_out(CR)

    @pl.when(sid == NS - 1)
    def _():
        _copy_out(N - (NS - 1) * CR)


def _tc_scale_body(dp_ref, x_ref, xs_ref, rn_ref):
    dp = dp_ref[0]
    ones = jnp.ones((NW, 1), jnp.float32)
    dcol = lax.dot_general(dp, ones, (((0,), (0,)), ((), ())),
                           preferred_element_type=jnp.float32)
    rn = jnp.where(dcol > 0.0, lax.rsqrt(dcol), 0.0)
    rn_ref[...] = rn
    xs_ref[...] = x_ref[...] * rn


def _tc_dense_body(aggp_ref, rn_ref, x_ref, e_ref, w_ref, out_ref):
    s = aggp_ref[0] + aggp_ref[1]
    h1 = s * rn_ref[...]
    x = x_ref[...]
    acc = x
    for k in range(K):
        yk = (jnp.dot(h1, w_ref[k, :F, :],
                      preferred_element_type=jnp.float32)
              + jnp.dot(x, w_ref[k, F:, :],
                        preferred_element_type=jnp.float32))
        acc = acc + e_ref[:, k:k + 1] * yk
    out_ref[...] = acc


_R = 1000


def kernel(x, adj, e, W):
    row = adj[0]
    col = adj[1]
    pad = EPAD - E
    row_p = jnp.concatenate(
        [row, jnp.zeros((pad,), jnp.int32)]).reshape(NW, NCHUNK, B)
    col_p = jnp.concatenate(
        [col, jnp.full((pad,), N, jnp.int32)]).reshape(NW, NCHUNK, B)
    rc_p = jnp.stack([row_p, col_p], axis=2)

    dpart = _sc_degree(col_p)
    dpart_t = (dpart.reshape(NW, DN)[:, :N]
               .reshape(NW, N // _R, _R).transpose(1, 0, 2))

    xs, rn = pl.pallas_call(
        _tc_scale_body,
        grid=(N // _R,),
        in_specs=[
            pl.BlockSpec((1, NW, _R), lambda i: (i, 0, 0)),
            pl.BlockSpec((_R, F), lambda i: (i, 0)),
        ],
        out_specs=[
            pl.BlockSpec((_R, F), lambda i: (i, 0)),
            pl.BlockSpec((_R, 1), lambda i: (i, 0)),
        ],
        out_shape=[
            jax.ShapeDtypeStruct((N, F), jnp.float32),
            jax.ShapeDtypeStruct((N, 1), jnp.float32),
        ],
    )(dpart_t, x)

    aggp = _sc_spmm(rc_p, xs)

    out = pl.pallas_call(
        _tc_dense_body,
        grid=(N // _R,),
        in_specs=[
            pl.BlockSpec((NC, _R, F), lambda i: (0, i, 0)),
            pl.BlockSpec((_R, 1), lambda i: (i, 0)),
            pl.BlockSpec((_R, F), lambda i: (i, 0)),
            pl.BlockSpec((_R, K), lambda i: (i, 0)),
            pl.BlockSpec((K, 2 * F, F), lambda i: (0, 0, 0)),
        ],
        out_specs=pl.BlockSpec((_R, F), lambda i: (i, 0)),
        out_shape=jax.ShapeDtypeStruct((N, F), jnp.float32),
    )(aggp, rn, x, e, W)
    return out

# --- scband reference (transcript-rebuilt; emitter-appended) ---
"""Pipeline reference for scband-ca-net-conv-12970801234187 (READ-ONLY COPY).

The authoritative reference and input builder live on the scoring server;
editing this copy changes nothing except your own understanding.
"""

import jax, jax.numpy as jnp
import numpy as np

N = 10000
E = 320000
F_IN = 128
F_OUT = 128
K = 4


def setup_inputs(seed: int = 0) -> dict:
    key = jax.random.key(seed)
    k1, k2, k3, k4 = jax.random.split(key, 4)
    x = jax.random.normal(k1, (N, F_IN), dtype=jnp.float32)
    adj = jax.random.randint(k2, (2, E), 0, N, dtype=jnp.int32)
    e = jax.random.uniform(k3, (N, K), dtype=jnp.float32)
    stdv = 1.0 / np.sqrt(F_OUT)
    W = jax.random.uniform(k4, (K, 2 * F_IN, F_OUT), minval=-stdv, maxval=stdv, dtype=jnp.float32)
    return {"x": x, "adj": adj, "e": e, "W": W}


def gcn_conv(x, edge_index):
    n = x.shape[0]
    row = edge_index[0]
    col = edge_index[1]
    # degree of col (in-degree of destination nodes)
    d = jnp.zeros((n,), dtype=jnp.float32).at[col].add(1.0)
    d_norm_in = jnp.sqrt(1.0 / d[col])
    d_norm_out = jnp.sqrt(1.0 / d[row])
    value = d_norm_in * d_norm_out
    value = jnp.nan_to_num(value, nan=0.0, posinf=0.0, neginf=0.0)
    # SparseTensor(row=col, col=row, value) @ x  ==  out[col] += value * x[row]
    msgs = value[:, None] * jnp.take(x, row, axis=0)
    return jnp.zeros_like(x).at[col].add(msgs)


def reference(x, adj, e, W):
    hi = gcn_conv(x, adj)
    hi = jnp.concatenate([hi, x], axis=1)  # [N, 2*F_IN]
    # hi.unsqueeze(0).repeat(K,1,1) @ W[k]  then transpose -> [N, K, F_OUT]
    outputs = jnp.einsum('nf,kfo->nko', hi, W)
    # es = e[:, :, None] broadcast over out_features; sum over K
    output = jnp.sum(e[:, :, None] * outputs, axis=1)
    # residual
    output = output + x
    return output

if __name__ == "__main__":
    import jax
    _d = setup_inputs()
    print(jax.jit(kernel)(*tuple(_d.values())))

</pallas_src>

<mosaic_0001>
#map = affine_map<(d0, d1) -> (0, 0, 0, 0)>
#map1 = affine_map<(d0, d1) -> (0, 0)>
#map2 = affine_map<(d0, d1) -> (0, 0, 0)>
module attributes {stable_mosaic.version = 14 : i64} {
  func.func @_sc_spmm(%arg0: i32, %arg1: i32, %arg2: memref<32x160x2x64xi32, #tpu.memory_space<hbm>>, %arg3: memref<10000x128xf32, #tpu.memory_space<hbm>>, %arg4: memref<2x10000x128xf32, #tpu.memory_space<hbm>>, %arg5: memref<2x2x64xi32, #tpu.memory_space<vmem>>, %arg6: memref<2x64x128xf32, #tpu.memory_space<vmem>>, %arg7: memref<10112x128xf32, #tpu.memory_space<vmem_shared>>, %arg8: memref<!tpu.dma_semaphore, #tpu.memory_space<semaphore_mem>>, %arg9: memref<!tpu.dma_semaphore, #tpu.memory_space<semaphore_mem>>, %arg10: memref<!tpu.dma_semaphore, #tpu.memory_space<semaphore_mem>>, %arg11: memref<!tpu.dma_semaphore, #tpu.memory_space<semaphore_mem>>) attributes {dimension_semantics = [#tpu.dimension_semantics<core_parallel>, #tpu.dimension_semantics<subcore_parallel>], iteration_bounds = array<i64: 2, 16>, scalar_prefetch = 0 : i64, scratch_operands = 7 : i64, tpu.core_type = #tpu.core_type<sc_vector_subcore>, window_params = [{transform_indices = #map}, {transform_indices = #map1}, {transform_indices = #map2}]} {
    %mul3A = arith.constant 2 : i32
    %mul3A_0 = arith.muli %arg1, %mul3A : i32
    %add3A = arith.addi %mul3A_0, %arg0 : i32
    %scan3A = arith.constant 0 : i32
    %scan3A_1 = arith.constant 64 : i32
    %scan3A_2 = arith.addi %scan3A, %scan3A_1 : i32
    %scan3A_3 = arith.constant 1 : i32
    scf.for %scan3A_131 = %scan3A to %scan3A_2 step %scan3A_3  : i32 {
      %broadcast_in_dim3A = arith.constant 0.000000e+00 : f32
      %broadcast_in_dim3A_132 = vector.broadcast %broadcast_in_dim3A : f32 to vector<16xf32>
      %swap3A = arith.constant 0 : i32
      %swap3A_133 = arith.index_cast %swap3A : i32 to index
      %swap3A_134 = arith.index_cast %scan3A_131 : i32 to index
      %swap3A_135 = arith.constant 0 : index
      %swap3A_136 = tpu.vector_load %arg6[%swap3A_133, %swap3A_134, %swap3A_135] {strides = array<i32>} : memref<2x64x128xf32, #tpu.memory_space<vmem>>, vector<16xf32>,
      tpu.vector_store %arg6[%swap3A_133, %swap3A_134, %swap3A_135], %broadcast_in_dim3A_132 {strides = array<i32>} : memref<2x64x128xf32, #tpu.memory_space<vmem>>, vector<16xf32>,
      %broadcast_in_dim3A_137 = arith.constant 0.000000e+00 : f32
      %broadcast_in_dim3A_138 = vector.broadcast %broadcast_in_dim3A_137 : f32 to vector<16xf32>
      %swap3A_139 = arith.constant 0 : i32
      %swap3A_140 = arith.index_cast %swap3A_139 : i32 to index
      %swap3A_141 = arith.index_cast %scan3A_131 : i32 to index
      %swap3A_142 = arith.constant 16 : index
      %swap3A_143 = tpu.vector_load %arg6[%swap3A_140, %swap3A_141, %swap3A_142] {strides = array<i32>} : memref<2x64x128xf32, #tpu.memory_space<vmem>>, vector<16xf32>,
      tpu.vector_store %arg6[%swap3A_140, %swap3A_141, %swap3A_142], %broadcast_in_dim3A_138 {strides = array<i32>} : memref<2x64x128xf32, #tpu.memory_space<vmem>>, vector<16xf32>,
      %broadcast_in_dim3A_144 = arith.constant 0.000000e+00 : f32
      %broadcast_in_dim3A_145 = vector.broadcast %broadcast_in_dim3A_144 : f32 to vector<16xf32>
      %swap3A_146 = arith.constant 0 : i32
      %swap3A_147 = arith.index_cast %swap3A_146 : i32 to index
      %swap3A_148 = arith.index_cast %scan3A_131 : i32 to index
      %swap3A_149 = arith.constant 32 : index
      %swap3A_150 = tpu.vector_load %arg6[%swap3A_147, %swap3A_148, %swap3A_149] {strides = array<i32>} : memref<2x64x128xf32, #tpu.memory_space<vmem>>, vector<16xf32>,
      tpu.vector_store %arg6[%swap3A_147, %swap3A_148, %swap3A_149], %broadcast_in_dim3A_145 {strides = array<i32>} : memref<2x64x128xf32, #tpu.memory_space<vmem>>, vector<16xf32>,
      %broadcast_in_dim3A_151 = arith.constant 0.000000e+00 : f32
      %broadcast_in_dim3A_152 = vector.broadcast %broadcast_in_dim3A_151 : f32 to vector<16xf32>
      %swap3A_153 = arith.constant 0 : i32
      %swap3A_154 = arith.index_cast %swap3A_153 : i32 to index
      %swap3A_155 = arith.index_cast %scan3A_131 : i32 to index
      %swap3A_156 = arith.constant 48 : index
      %swap3A_157 = tpu.vector_load %arg6[%swap3A_154, %swap3A_155, %swap3A_156] {strides = array<i32>} : memref<2x64x128xf32, #tpu.memory_space<vmem>>, vector<16xf32>,
      tpu.vector_store %arg6[%swap3A_154, %swap3A_155, %swap3A_156], %broadcast_in_dim3A_152 {strides = array<i32>} : memref<2x64x128xf32, #tpu.memory_space<vmem>>, vector<16xf32>,
      %broadcast_in_dim3A_158 = arith.constant 0.000000e+00 : f32
      %broadcast_in_dim3A_159 = vector.broadcast %broadcast_in_dim3A_158 : f32 to vector<16xf32>
      %swap3A_160 = arith.constant 0 : i32
      %swap3A_161 = arith.index_cast %swap3A_160 : i32 to index
      %swap3A_162 = arith.index_cast %scan3A_131 : i32 to index
      %swap3A_163 = arith.constant 64 : index
      %swap3A_164 = tpu.vector_load %arg6[%swap3A_161, %swap3A_162, %swap3A_163] {strides = array<i32>} : memref<2x64x128xf32, #tpu.memory_space<vmem>>, vector<16xf32>,
      tpu.vector_store %arg6[%swap3A_161, %swap3A_162, %swap3A_163], %broadcast_in_dim3A_159 {strides = array<i32>} : memref<2x64x128xf32, #tpu.memory_space<vmem>>, vector<16xf32>,
      %broadcast_in_dim3A_165 = arith.constant 0.000000e+00 : f32
      %broadcast_in_dim3A_166 = vector.broadcast %broadcast_in_dim3A_165 : f32 to vector<16xf32>
      %swap3A_167 = arith.constant 0 : i32
      %swap3A_168 = arith.index_cast %swap3A_167 : i32 to index
      %swap3A_169 = arith.index_cast %scan3A_131 : i32 to index
      %swap3A_170 = arith.constant 80 : index
      %swap3A_171 = tpu.vector_load %arg6[%swap3A_168, %swap3A_169, %swap3A_170] {strides = array<i32>} : memref<2x64x128xf32, #tpu.memory_space<vmem>>, vector<16xf32>,
      tpu.vector_store %arg6[%swap3A_168, %swap3A_169, %swap3A_170], %broadcast_in_dim3A_166 {strides = array<i32>} : memref<2x64x128xf32, #tpu.memory_space<vmem>>, vector<16xf32>,
      %broadcast_in_dim3A_172 = arith.constant 0.000000e+00 : f32
      %broadcast_in_dim3A_173 = vector.broadcast %broadcast_in_dim3A_172 : f32 to vector<16xf32>
      %swap3A_174 = arith.constant 0 : i32
      %swap3A_175 = arith.index_cast %swap3A_174 : i32 to index
      %swap3A_176 = arith.index_cast %scan3A_131 : i32 to index
      %swap3A_177 = arith.constant 96 : index
      %swap3A_178 = tpu.vector_load %arg6[%swap3A_175, %swap3A_176, %swap3A_177] {strides = array<i32>} : memref<2x64x128xf32, #tpu.memory_space<vmem>>, vector<16xf32>,
      tpu.vector_store %arg6[%swap3A_175, %swap3A_176, %swap3A_177], %broadcast_in_dim3A_173 {strides = array<i32>} : memref<2x64x128xf32, #tpu.memory_space<vmem>>, vector<16xf32>,
      %broadcast_in_dim3A_179 = arith.constant 0.000000e+00 : f32
      %broadcast_in_dim3A_180 = vector.broadcast %broadcast_in_dim3A_179 : f32 to vector<16xf32>
      %swap3A_181 = arith.constant 0 : i32
      %swap3A_182 = arith.index_cast %swap3A_181 : i32 to index
      %swap3A_183 = arith.index_cast %scan3A_131 : i32 to index
      %swap3A_184 = arith.constant 112 : index
      %swap3A_185 = tpu.vector_load %arg6[%swap3A_182, %swap3A_183, %swap3A_184] {strides = array<i32>} : memref<2x64x128xf32, #tpu.memory_space<vmem>>, vector<16xf32>,
      tpu.vector_store %arg6[%swap3A_182, %swap3A_183, %swap3A_184], %broadcast_in_dim3A_180 {strides = array<i32>} : memref<2x64x128xf32, #tpu.memory_space<vmem>>, vector<16xf32>,
    }
    %scan3A_4 = arith.constant 64 : i32
    %mul3A_5 = arith.constant 632 : i32
    %mul3A_6 = arith.muli %arg1, %mul3A_5 : i32
    %add3A_7 = arith.constant 0 : i32
    %add3A_8 = arith.addi %mul3A_6, %add3A_7 : i32
    %run_scoped3A = arith.constant 0 : i32
    "tpu.region"() ({
      %run_scoped3A_131 = tpu.sem_alloc : memref<!tpu.dma_semaphore, #tpu.memory_space<semaphore_mem>>
      %dma_start3A_132 = arith.constant 0 : i32
      %dma_start3A_133 = arith.constant 0 : i32
      %dma_start3A_134 = tpu.memref_slice %arg6[%run_scoped3A, %dma_start3A_132, %dma_start3A_133] : memref<2x64x128xf32, #tpu.memory_space<vmem>> -> memref<1x64x128xf32, #tpu.memory_space<vmem>>
      %dma_start3A_135 = tpu.memref_squeeze %dma_start3A_134 : memref<1x64x128xf32, #tpu.memory_space<vmem>> -> memref<64x128xf32, #tpu.memory_space<vmem>>
      %dma_start3A_136 = arith.constant 0 : i32
      %dma_start3A_137 = tpu.memref_slice %arg7[%add3A_8, %dma_start3A_136] : memref<10112x128xf32, #tpu.memory_space<vmem_shared>> -> memref<64x128xf32, #tpu.memory_space<vmem_shared>>
      %dma_start3A_138 = arith.constant 0 : i32
      %dma_start3A_139 = tpu.memref_slice %arg7[%add3A_8, %dma_start3A_138] : memref<10112x128xf32, #tpu.memory_space<vmem_shared>> -> memref<64x128xf32, #tpu.memory_space<vmem_shared>>
      %dma_start3A_140 = arith.constant 0 : i32
      %dma_start3A_141 = arith.constant 0 : i32
      %dma_start3A_142 = tpu.memref_slice %arg6[%run_scoped3A, %dma_start3A_140, %dma_start3A_141] : memref<2x64x128xf32, #tpu.memory_space<vmem>> -> memref<1x64x128xf32, #tpu.memory_space<vmem>>
      %dma_start3A_143 = tpu.memref_squeeze %dma_start3A_142 : memref<1x64x128xf32, #tpu.memory_space<vmem>> -> memref<64x128xf32, #tpu.memory_space<vmem>>
      tpu.enqueue_dma source(%dma_start3A_143 : memref<64x128xf32, #tpu.memory_space<vmem>>) target(%dma_start3A_139 : memref<64x128xf32, #tpu.memory_space<vmem_shared>>) target_semaphore(%run_scoped3A_131 : memref<!tpu.dma_semaphore, #tpu.memory_space<semaphore_mem>>)
      %dma_wait3A_144 = arith.constant 0 : i32
      %dma_wait3A_145 = arith.constant 0 : i32
      %dma_wait3A_146 = tpu.memref_slice %arg6[%run_scoped3A, %dma_wait3A_144, %dma_wait3A_145] : memref<2x64x128xf32, #tpu.memory_space<vmem>> -> memref<1x64x128xf32, #tpu.memory_space<vmem>>
      %dma_wait3A_147 = tpu.memref_squeeze %dma_wait3A_146 : memref<1x64x128xf32, #tpu.memory_space<vmem>> -> memref<64x128xf32, #tpu.memory_space<vmem>>
      %dma_wait3A_148 = arith.constant 0 : i32
      %dma_wait3A_149 = tpu.memref_slice %arg7[%add3A_8, %dma_wait3A_148] : memref<10112x128xf32, #tpu.memory_space<vmem_shared>> -> memref<64x128xf32, #tpu.memory_space<vmem_shared>>
      %dma_wait3A_150 = arith.constant 0 : i32
      %dma_wait3A_151 = tpu.memref_slice %arg7[%add3A_8, %dma_wait3A_150] : memref<10112x128xf32, #tpu.memory_space<vmem_shared>> -> memref<64x128xf32, #tpu.memory_space<vmem_shared>>
      %dma_wait3A_152 = arith.constant 0 : i32
      %dma_wait3A_153 = arith.constant 0 : i32
      %dma_wait3A_154 = tpu.memref_slice %arg6[%run_scoped3A, %dma_wait3A_152, %dma_wait3A_153] : memref<2x64x128xf32, #tpu.memory_space<vmem>> -> memref<1x64x128xf32, #tpu.memory_space<vmem>>
      %dma_wait3A_155 = tpu.memref_squeeze %dma_wait3A_154 : memref<1x64x128xf32, #tpu.memory_space<vmem>> -> memref<64x128xf32, #tpu.memory_space<vmem>>
      tpu.wait_dma2 semaphore(%run_scoped3A_131 : memref<!tpu.dma_semaphore, #tpu.memory_space<semaphore_mem>>) src(%dma_wait3A_155 : memref<64x128xf32, #tpu.memory_space<vmem>>) dst(%dma_wait3A_151 : memref<64x128xf32, #tpu.memory_space<vmem_shared>>)
      tpu.yield
    }) : () -> ()
    %mul3A_9 = arith.constant 632 : i32
    %mul3A_10 = arith.muli %arg1, %mul3A_9 : i32
    %add3A_11 = arith.constant 64 : i32
    %add3A_12 = arith.addi %mul3A_10, %add3A_11 : i32
    %run_scoped3A_13 = arith.constant 0 : i32
    "tpu.region"() ({
      %run_scoped3A_131 = tpu.sem_alloc : memref<!tpu.dma_semaphore, #tpu.memory_space<semaphore_mem>>
      %dma_start3A_132 = arith.constant 0 : i32
      %dma_start3A_133 = arith.constant 0 : i32
      %dma_start3A_134 = tpu.memref_slice %arg6[%run_scoped3A_13, %dma_start3A_132, %dma_start3A_133] : memref<2x64x128xf32, #tpu.memory_space<vmem>> -> memref<1x64x128xf32, #tpu.memory_space<vmem>>
      %dma_start3A_135 = tpu.memref_squeeze %dma_start3A_134 : memref<1x64x128xf32, #tpu.memory_space<vmem>> -> memref<64x128xf32, #tpu.memory_space<vmem>>
      %dma_start3A_136 = arith.constant 0 : i32
      %dma_start3A_137 = tpu.memref_slice %arg7[%add3A_12, %dma_start3A_136] : memref<10112x128xf32, #tpu.memory_space<vmem_shared>> -> memref<64x128xf32, #tpu.memory_space<vmem_shared>>
      %dma_start3A_138 = arith.constant 0 : i32
      %dma_start3A_139 = tpu.memref_slice %arg7[%add3A_12, %dma_start3A_138] : memref<10112x128xf32, #tpu.memory_space<vmem_shared>> -> memref<64x128xf32, #tpu.memory_space<vmem_shared>>
      %dma_start3A_140 = arith.constant 0 : i32
      %dma_start3A_141 = arith.constant 0 : i32
      %dma_start3A_142 = tpu.memref_slice %arg6[%run_scoped3A_13, %dma_start3A_140, %dma_start3A_141] : memref<2x64x128xf32, #tpu.memory_space<vmem>> -> memref<1x64x128xf32, #tpu.memory_space<vmem>>
      %dma_start3A_143 = tpu.memref_squeeze %dma_start3A_142 : memref<1x64x128xf32, #tpu.memory_space<vmem>> -> memref<64x128xf32, #tpu.memory_space<vmem>>
      tpu.enqueue_dma source(%dma_start3A_143 : memref<64x128xf32, #tpu.memory_space<vmem>>) target(%dma_start3A_139 : memref<64x128xf32, #tpu.memory_space<vmem_shared>>) target_semaphore(%run_scoped3A_131 : memref<!tpu.dma_semaphore, #tpu.memory_space<semaphore_mem>>)
      %dma_wait3A_144 = arith.constant 0 : i32
      %dma_wait3A_145 = arith.constant 0 : i32
      %dma_wait3A_146 = tpu.memref_slice %arg6[%run_scoped3A_13, %dma_wait3A_144, %dma_wait3A_145] : memref<2x64x128xf32, #tpu.memory_space<vmem>> -> memref<1x64x128xf32, #tpu.memory_space<vmem>>
      %dma_wait3A_147 = tpu.memref_squeeze %dma_wait3A_146 : memref<1x64x128xf32, #tpu.memory_space<vmem>> -> memref<64x128xf32, #tpu.memory_space<vmem>>
      %dma_wait3A_148 = arith.constant 0 : i32
      %dma_wait3A_149 = tpu.memref_slice %arg7[%add3A_12, %dma_wait3A_148] : memref<10112x128xf32, #tpu.memory_space<vmem_shared>> -> memref<64x128xf32, #tpu.memory_space<vmem_shared>>
      %dma_wait3A_150 = arith.constant 0 : i32
      %dma_wait3A_151 = tpu.memref_slice %arg7[%add3A_12, %dma_wait3A_150] : memref<10112x128xf32, #tpu.memory_space<vmem_shared>> -> memref<64x128xf32, #tpu.memory_space<vmem_shared>>
      %dma_wait3A_152 = arith.constant 0 : i32
      %dma_wait3A_153 = arith.constant 0 : i32
      %dma_wait3A_154 = tpu.memref_slice %arg6[%run_scoped3A_13, %dma_wait3A_152, %dma_wait3A_153] : memref<2x64x128xf32, #tpu.memory_space<vmem>> -> memref<1x64x128xf32, #tpu.memory_space<vmem>>
      %dma_wait3A_155 = tpu.memref_squeeze %dma_wait3A_154 : memref<1x64x128xf32, #tpu.memory_space<vmem>> -> memref<64x128xf32, #tpu.memory_space<vmem>>
      tpu.wait_dma2 semaphore(%run_scoped3A_131 : memref<!tpu.dma_semaphore, #tpu.memory_space<semaphore_mem>>) src(%dma_wait3A_155 : memref<64x128xf32, #tpu.memory_space<vmem>>) dst(%dma_wait3A_151 : memref<64x128xf32, #tpu.memory_space<vmem_shared>>)
      tpu.yield
    }) : () -> ()
    %mul3A_14 = arith.constant 632 : i32
    %mul3A_15 = arith.muli %arg1, %mul3A_14 : i32
    %add3A_16 = arith.constant 128 : i32
    %add3A_17 = arith.addi %mul3A_15, %add3A_16 : i32
    %run_scoped3A_18 = arith.constant 0 : i32
    "tpu.region"() ({
      %run_scoped3A_131 = tpu.sem_alloc : memref<!tpu.dma_semaphore, #tpu.memory_space<semaphore_mem>>
      %dma_start3A_132 = arith.constant 0 : i32
      %dma_start3A_133 = arith.constant 0 : i32
      %dma_start3A_134 = tpu.memref_slice %arg6[%run_scoped3A_18, %dma_start3A_132, %dma_start3A_133] : memref<2x64x128xf32, #tpu.memory_space<vmem>> -> memref<1x64x128xf32, #tpu.memory_space<vmem>>
      %dma_start3A_135 = tpu.memref_squeeze %dma_start3A_134 : memref<1x64x128xf32, #tpu.memory_space<vmem>> -> memref<64x128xf32, #tpu.memory_space<vmem>>
      %dma_start3A_136 = arith.constant 0 : i32
      %dma_start3A_137 = tpu.memref_slice %arg7[%add3A_17, %dma_start3A_136] : memref<10112x128xf32, #tpu.memory_space<vmem_shared>> -> memref<64x128xf32, #tpu.memory_space<vmem_shared>>
      %dma_start3A_138 = arith.constant 0 : i32
      %dma_start3A_139 = tpu.memref_slice %arg7[%add3A_17, %dma_start3A_138] : memref<10112x128xf32, #tpu.memory_space<vmem_shared>> -> memref<64x128xf32, #tpu.memory_space<vmem_shared>>
      %dma_start3A_140 = arith.constant 0 : i32
      %dma_start3A_141 = arith.constant 0 : i32
      %dma_start3A_142 = tpu.memref_slice %arg6[%run_scoped3A_18, %dma_start3A_140, %dma_start3A_141] : memref<2x64x128xf32, #tpu.memory_space<vmem>> -> memref<1x64x128xf32, #tpu.memory_space<vmem>>
      %dma_start3A_143 = tpu.memref_squeeze %dma_start3A_142 : memref<1x64x128xf32, #tpu.memory_space<vmem>> -> memref<64x128xf32, #tpu.memory_space<vmem>>
      tpu.enqueue_dma source(%dma_start3A_143 : memref<64x128xf32, #tpu.memory_space<vmem>>) target(%dma_start3A_139 : memref<64x128xf32, #tpu.memory_space<vmem_shared>>) target_semaphore(%run_scoped3A_131 : memref<!tpu.dma_semaphore, #tpu.memory_space<semaphore_mem>>)
      %dma_wait3A_144 = arith.constant 0 : i32
      %dma_wait3A_145 = arith.constant 0 : i32
      %dma_wait3A_146 = tpu.memref_slice %arg6[%run_scoped3A_18, %dma_wait3A_144, %dma_wait3A_145] : memref<2x64x128xf32, #tpu.memory_space<vmem>> -> memref<1x64x128xf32, #tpu.memory_space<vmem>>
      %dma_wait3A_147 = tpu.memref_squeeze %dma_wait3A_146 : memref<1x64x128xf32, #tpu.memory_space<vmem>> -> memref<64x128xf32, #tpu.memory_space<vmem>>
      %dma_wait3A_148 = arith.constant 0 : i32
      %dma_wait3A_149 = tpu.memref_slice %arg7[%add3A_17, %dma_wait3A_148] : memref<10112x128xf32, #tpu.memory_space<vmem_shared>> -> memref<64x128xf32, #tpu.memory_space<vmem_shared>>
      %dma_wait3A_150 = arith.constant 0 : i32
      %dma_wait3A_151 = tpu.memref_slice %arg7[%add3A_17, %dma_wait3A_150] : memref<10112x128xf32, #tpu.memory_space<vmem_shared>> -> memref<64x128xf32, #tpu.memory_space<vmem_shared>>
      %dma_wait3A_152 = arith.constant 0 : i32
      %dma_wait3A_153 = arith.constant 0 : i32
      %dma_wait3A_154 = tpu.memref_slice %arg6[%run_scoped3A_18, %dma_wait3A_152, %dma_wait3A_153] : memref<2x64x128xf32, #tpu.memory_space<vmem>> -> memref<1x64x128xf32, #tpu.memory_space<vmem>>
      %dma_wait3A_155 = tpu.memref_squeeze %dma_wait3A_154 : memref<1x64x128xf32, #tpu.memory_space<vmem>> -> memref<64x128xf32, #tpu.memory_space<vmem>>
      tpu.wait_dma2 semaphore(%run_scoped3A_131 : memref<!tpu.dma_semaphore, #tpu.memory_space<semaphore_mem>>) src(%dma_wait3A_155 : memref<64x128xf32, #tpu.memory_space<vmem>>) dst(%dma_wait3A_151 : memref<64x128xf32, #tpu.memory_space<vmem_shared>>)
      tpu.yield
    }) : () -> ()
    %mul3A_19 = arith.constant 632 : i32
    %mul3A_20 = arith.muli %arg1, %mul3A_19 : i32
    %add3A_21 = arith.constant 192 : i32
    %add3A_22 = arith.addi %mul3A_20, %add3A_21 : i32
    %run_scoped3A_23 = arith.constant 0 : i32
    "tpu.region"() ({
      %run_scoped3A_131 = tpu.sem_alloc : memref<!tpu.dma_semaphore, #tpu.memory_space<semaphore_mem>>
      %dma_start3A_132 = arith.constant 0 : i32
      %dma_start3A_133 = arith.constant 0 : i32
      %dma_start3A_134 = tpu.memref_slice %arg6[%run_scoped3A_23, %dma_start3A_132, %dma_start3A_133] : memref<2x64x128xf32, #tpu.memory_space<vmem>> -> memref<1x64x128xf32, #tpu.memory_space<vmem>>
      %dma_start3A_135 = tpu.memref_squeeze %dma_start3A_134 : memref<1x64x128xf32, #tpu.memory_space<vmem>> -> memref<64x128xf32, #tpu.memory_space<vmem>>
      %dma_start3A_136 = arith.constant 0 : i32
      %dma_start3A_137 = tpu.memref_slice %arg7[%add3A_22, %dma_start3A_136] : memref<10112x128xf32, #tpu.memory_space<vmem_shared>> -> memref<64x128xf32, #tpu.memory_space<vmem_shared>>
      %dma_start3A_138 = arith.constant 0 : i32
      %dma_start3A_139 = tpu.memref_slice %arg7[%add3A_22, %dma_start3A_138] : memref<10112x128xf32, #tpu.memory_space<vmem_shared>> -> memref<64x128xf32, #tpu.memory_space<vmem_shared>>
      %dma_start3A_140 = arith.constant 0 : i32
      %dma_start3A_141 = arith.constant 0 : i32
      %dma_start3A_142 = tpu.memref_slice %arg6[%run_scoped3A_23, %dma_start3A_140, %dma_start3A_141] : memref<2x64x128xf32, #tpu.memory_space<vmem>> -> memref<1x64x128xf32, #tpu.memory_space<vmem>>
      %dma_start3A_143 = tpu.memref_squeeze %dma_start3A_142 : memref<1x64x128xf32, #tpu.memory_space<vmem>> -> memref<64x128xf32, #tpu.memory_space<vmem>>
      tpu.enqueue_dma source(%dma_start3A_143 : memref<64x128xf32, #tpu.memory_space<vmem>>) target(%dma_start3A_139 : memref<64x128xf32, #tpu.memory_space<vmem_shared>>) target_semaphore(%run_scoped3A_131 : memref<!tpu.dma_semaphore, #tpu.memory_space<semaphore_mem>>)
      %dma_wait3A_144 = arith.constant 0 : i32
      %dma_wait3A_145 = arith.constant 0 : i32
      %dma_wait3A_146 = tpu.memref_slice %arg6[%run_scoped3A_23, %dma_wait3A_144, %dma_wait3A_145] : memref<2x64x128xf32, #tpu.memory_space<vmem>> -> memref<1x64x128xf32, #tpu.memory_space<vmem>>
      %dma_wait3A_147 = tpu.memref_squeeze %dma_wait3A_146 : memref<1x64x128xf32, #tpu.memory_space<vmem>> -> memref<64x128xf32, #tpu.memory_space<vmem>>
      %dma_wait3A_148 = arith.constant 0 : i32
      %dma_wait3A_149 = tpu.memref_slice %arg7[%add3A_22, %dma_wait3A_148] : memref<10112x128xf32, #tpu.memory_space<vmem_shared>> -> memref<64x128xf32, #tpu.memory_space<vmem_shared>>
      %dma_wait3A_150 = arith.constant 0 : i32
      %dma_wait3A_151 = tpu.memref_slice %arg7[%add3A_22, %dma_wait3A_150] : memref<10112x128xf32, #tpu.memory_space<vmem_shared>> -> memref<64x128xf32, #tpu.memory_space<vmem_shared>>
      %dma_wait3A_152 = arith.constant 0 : i32
      %dma_wait3A_153 = arith.constant 0 : i32
      %dma_wait3A_154 = tpu.memref_slice %arg6[%run_scoped3A_23, %dma_wait3A_152, %dma_wait3A_153] : memref<2x64x128xf32, #tpu.memory_space<vmem>> -> memref<1x64x128xf32, #tpu.memory_space<vmem>>
      %dma_wait3A_155 = tpu.memref_squeeze %dma_wait3A_154 : memref<1x64x128xf32, #tpu.memory_space<vmem>> -> memref<64x128xf32, #tpu.memory_space<vmem>>
      tpu.wait_dma2 semaphore(%run_scoped3A_131 : memref<!tpu.dma_semaphore, #tpu.memory_space<semaphore_mem>>) src(%dma_wait3A_155 : memref<64x128xf32, #tpu.memory_space<vmem>>) dst(%dma_wait3A_151 : memref<64x128xf32, #tpu.memory_space<vmem_shared>>)
      tpu.yield
    }) : () -> ()
    %mul3A_24 = arith.constant 632 : i32
    %mul3A_25 = arith.muli %arg1, %mul3A_24 : i32
    %add3A_26 = arith.constant 256 : i32
    %add3A_27 = arith.addi %mul3A_25, %add3A_26 : i32
    %run_scoped3A_28 = arith.constant 0 : i32
    "tpu.region"() ({
      %run_scoped3A_131 = tpu.sem_alloc : memref<!tpu.dma_semaphore, #tpu.memory_space<semaphore_mem>>
      %dma_start3A_132 = arith.constant 0 : i32
      %dma_start3A_133 = arith.constant 0 : i32
      %dma_start3A_134 = tpu.memref_slice %arg6[%run_scoped3A_28, %dma_start3A_132, %dma_start3A_133] : memref<2x64x128xf32, #tpu.memory_space<vmem>> -> memref<1x64x128xf32, #tpu.memory_space<vmem>>
      %dma_start3A_135 = tpu.memref_squeeze %dma_start3A_134 : memref<1x64x128xf32, #tpu.memory_space<vmem>> -> memref<64x128xf32, #tpu.memory_space<vmem>>
      %dma_start3A_136 = arith.constant 0 : i32
      %dma_start3A_137 = tpu.memref_slice %arg7[%add3A_27, %dma_start3A_136] : memref<10112x128xf32, #tpu.memory_space<vmem_shared>> -> memref<64x128xf32, #tpu.memory_space<vmem_shared>>
      %dma_start3A_138 = arith.constant 0 : i32
      %dma_start3A_139 = tpu.memref_slice %arg7[%add3A_27, %dma_start3A_138] : memref<10112x128xf32, #tpu.memory_space<vmem_shared>> -> memref<64x128xf32, #tpu.memory_space<vmem_shared>>
      %dma_start3A_140 = arith.constant 0 : i32
      %dma_start3A_141 = arith.constant 0 : i32
      %dma_start3A_142 = tpu.memref_slice %arg6[%run_scoped3A_28, %dma_start3A_140, %dma_start3A_141] : memref<2x64x128xf32, #tpu.memory_space<vmem>> -> memref<1x64x128xf32, #tpu.memory_space<vmem>>
      %dma_start3A_143 = tpu.memref_squeeze %dma_start3A_142 : memref<1x64x128xf32, #tpu.memory_space<vmem>> -> memref<64x128xf32, #tpu.memory_space<vmem>>
      tpu.enqueue_dma source(%dma_start3A_143 : memref<64x128xf32, #tpu.memory_space<vmem>>) target(%dma_start3A_139 : memref<64x128xf32, #tpu.memory_space<vmem_shared>>) target_semaphore(%run_scoped3A_131 : memref<!tpu.dma_semaphore, #tpu.memory_space<semaphore_mem>>)
      %dma_wait3A_144 = arith.constant 0 : i32
      %dma_wait3A_145 = arith.constant 0 : i32
      %dma_wait3A_146 = tpu.memref_slice %arg6[%run_scoped3A_28, %dma_wait3A_144, %dma_wait3A_145] : memref<2x64x128xf32, #tpu.memory_space<vmem>> -> memref<1x64x128xf32, #tpu.memory_space<vmem>>
      %dma_wait3A_147 = tpu.memref_squeeze %dma_wait3A_146 : memref<1x64x128xf32, #tpu.memory_space<vmem>> -> memref<64x128xf32, #tpu.memory_space<vmem>>
      %dma_wait3A_148 = arith.constant 0 : i32
      %dma_wait3A_149 = tpu.memref_slice %arg7[%add3A_27, %dma_wait3A_148] : memref<10112x128xf32, #tpu.memory_space<vmem_shared>> -> memref<64x128xf32, #tpu.memory_space<vmem_shared>>
      %dma_wait3A_150 = arith.constant 0 : i32
      %dma_wait3A_151 = tpu.memref_slice %arg7[%add3A_27, %dma_wait3A_150] : memref<10112x128xf32, #tpu.memory_space<vmem_shared>> -> memref<64x128xf32, #tpu.memory_space<vmem_shared>>
      %dma_wait3A_152 = arith.constant 0 : i32
      %dma_wait3A_153 = arith.constant 0 : i32
      %dma_wait3A_154 = tpu.memref_slice %arg6[%run_scoped3A_28, %dma_wait3A_152, %dma_wait3A_153] : memref<2x64x128xf32, #tpu.memory_space<vmem>> -> memref<1x64x128xf32, #tpu.memory_space<vmem>>
      %dma_wait3A_155 = tpu.memref_squeeze %dma_wait3A_154 : memref<1x64x128xf32, #tpu.memory_space<vmem>> -> memref<64x128xf32, #tpu.memory_space<vmem>>
      tpu.wait_dma2 semaphore(%run_scoped3A_131 : memref<!tpu.dma_semaphore, #tpu.memory_space<semaphore_mem>>) src(%dma_wait3A_155 : memref<64x128xf32, #tpu.memory_space<vmem>>) dst(%dma_wait3A_151 : memref<64x128xf32, #tpu.memory_space<vmem_shared>>)
      tpu.yield
    }) : () -> ()
    %mul3A_29 = arith.constant 632 : i32
    %mul3A_30 = arith.muli %arg1, %mul3A_29 : i32
    %add3A_31 = arith.constant 320 : i32
    %add3A_32 = arith.addi %mul3A_30, %add3A_31 : i32
    %run_scoped3A_33 = arith.constant 0 : i32
    "tpu.region"() ({
      %run_scoped3A_131 = tpu.sem_alloc : memref<!tpu.dma_semaphore, #tpu.memory_space<semaphore_mem>>
      %dma_start3A_132 = arith.constant 0 : i32
      %dma_start3A_133 = arith.constant 0 : i32
      %dma_start3A_134 = tpu.memref_slice %arg6[%run_scoped3A_33, %dma_start3A_132, %dma_start3A_133] : memref<2x64x128xf32, #tpu.memory_space<vmem>> -> memref<1x64x128xf32, #tpu.memory_space<vmem>>
      %dma_start3A_135 = tpu.memref_squeeze %dma_start3A_134 : memref<1x64x128xf32, #tpu.memory_space<vmem>> -> memref<64x128xf32, #tpu.memory_space<vmem>>
      %dma_start3A_136 = arith.constant 0 : i32
      %dma_start3A_137 = tpu.memref_slice %arg7[%add3A_32, %dma_start3A_136] : memref<10112x128xf32, #tpu.memory_space<vmem_shared>> -> memref<64x128xf32, #tpu.memory_space<vmem_shared>>
      %dma_start3A_138 = arith.constant 0 : i32
      %dma_start3A_139 = tpu.memref_slice %arg7[%add3A_32, %dma_start3A_138] : memref<10112x128xf32, #tpu.memory_space<vmem_shared>> -> memref<64x128xf32, #tpu.memory_space<vmem_shared>>
      %dma_start3A_140 = arith.constant 0 : i32
      %dma_start3A_141 = arith.constant 0 : i32
      %dma_start3A_142 = tpu.memref_slice %arg6[%run_scoped3A_33, %dma_start3A_140, %dma_start3A_141] : memref<2x64x128xf32, #tpu.memory_space<vmem>> -> memref<1x64x128xf32, #tpu.memory_space<vmem>>
      %dma_start3A_143 = tpu.memref_squeeze %dma_start3A_142 : memref<1x64x128xf32, #tpu.memory_space<vmem>> -> memref<64x128xf32, #tpu.memory_space<vmem>>
      tpu.enqueue_dma source(%dma_start3A_143 : memref<64x128xf32, #tpu.memory_space<vmem>>) target(%dma_start3A_139 : memref<64x128xf32, #tpu.memory_space<vmem_shared>>) target_semaphore(%run_scoped3A_131 : memref<!tpu.dma_semaphore, #tpu.memory_space<semaphore_mem>>)
      %dma_wait3A_144 = arith.constant 0 : i32
      %dma_wait3A_145 = arith.constant 0 : i32
      %dma_wait3A_146 = tpu.memref_slice %arg6[%run_scoped3A_33, %dma_wait3A_144, %dma_wait3A_145] : memref<2x64x128xf32, #tpu.memory_space<vmem>> -> memref<1x64x128xf32, #tpu.memory_space<vmem>>
      %dma_wait3A_147 = tpu.memref_squeeze %dma_wait3A_146 : memref<1x64x128xf32, #tpu.memory_space<vmem>> -> memref<64x128xf32, #tpu.memory_space<vmem>>
      %dma_wait3A_148 = arith.constant 0 : i32
      %dma_wait3A_149 = tpu.memref_slice %arg7[%add3A_32, %dma_wait3A_148] : memref<10112x128xf32, #tpu.memory_space<vmem_shared>> -> memref<64x128xf32, #tpu.memory_space<vmem_shared>>
      %dma_wait3A_150 = arith.constant 0 : i32
      %dma_wait3A_151 = tpu.memref_slice %arg7[%add3A_32, %dma_wait3A_150] : memref<10112x128xf32, #tpu.memory_space<vmem_shared>> -> memref<64x128xf32, #tpu.memory_space<vmem_shared>>
      %dma_wait3A_152 = arith.constant 0 : i32
      %dma_wait3A_153 = arith.constant 0 : i32
      %dma_wait3A_154 = tpu.memref_slice %arg6[%run_scoped3A_33, %dma_wait3A_152, %dma_wait3A_153] : memref<2x64x128xf32, #tpu.memory_space<vmem>> -> memref<1x64x128xf32, #tpu.memory_space<vmem>>
      %dma_wait3A_155 = tpu.memref_squeeze %dma_wait3A_154 : memref<1x64x128xf32, #tpu.memory_space<vmem>> -> memref<64x128xf32, #tpu.memory_space<vmem>>
      tpu.wait_dma2 semaphore(%run_scoped3A_131 : memref<!tpu.dma_semaphore, #tpu.memory_space<semaphore_mem>>) src(%dma_wait3A_155 : memref<64x128xf32, #tpu.memory_space<vmem>>) dst(%dma_wait3A_151 : memref<64x128xf32, #tpu.memory_space<vmem_shared>>)
      tpu.yield
    }) : () -> ()
    %mul3A_34 = arith.constant 632 : i32
    %mul3A_35 = arith.muli %arg1, %mul3A_34 : i32
    %add3A_36 = arith.constant 384 : i32
    %add3A_37 = arith.addi %mul3A_35, %add3A_36 : i32
    %run_scoped3A_38 = arith.constant 0 : i32
    "tpu.region"() ({
      %run_scoped3A_131 = tpu.sem_alloc : memref<!tpu.dma_semaphore, #tpu.memory_space<semaphore_mem>>
      %dma_start3A_132 = arith.constant 0 : i32
      %dma_start3A_133 = arith.constant 0 : i32
      %dma_start3A_134 = tpu.memref_slice %arg6[%run_scoped3A_38, %dma_start3A_132, %dma_start3A_133] : memref<2x64x128xf32, #tpu.memory_space<vmem>> -> memref<1x64x128xf32, #tpu.memory_space<vmem>>
      %dma_start3A_135 = tpu.memref_squeeze %dma_start3A_134 : memref<1x64x128xf32, #tpu.memory_space<vmem>> -> memref<64x128xf32, #tpu.memory_space<vmem>>
      %dma_start3A_136 = arith.constant 0 : i32
      %dma_start3A_137 = tpu.memref_slice %arg7[%add3A_37, %dma_start3A_136] : memref<10112x128xf32, #tpu.memory_space<vmem_shared>> -> memref<64x128xf32, #tpu.memory_space<vmem_shared>>
      %dma_start3A_138 = arith.constant 0 : i32
      %dma_start3A_139 = tpu.memref_slice %arg7[%add3A_37, %dma_start3A_138] : memref<10112x128xf32, #tpu.memory_space<vmem_shared>> -> memref<64x128xf32, #tpu.memory_space<vmem_shared>>
      %dma_start3A_140 = arith.constant 0 : i32
      %dma_start3A_141 = arith.constant 0 : i32
      %dma_start3A_142 = tpu.memref_slice %arg6[%run_scoped3A_38, %dma_start3A_140, %dma_start3A_141] : memref<2x64x128xf32, #tpu.memory_space<vmem>> -> memref<1x64x128xf32, #tpu.memory_space<vmem>>
      %dma_start3A_143 = tpu.memref_squeeze %dma_start3A_142 : memref<1x64x128xf32, #tpu.memory_space<vmem>> -> memref<64x128xf32, #tpu.memory_space<vmem>>
      tpu.enqueue_dma source(%dma_start3A_143 : memref<64x128xf32, #tpu.memory_space<vmem>>) target(%dma_start3A_139 : memref<64x128xf32, #tpu.memory_space<vmem_shared>>) target_semaphore(%run_scoped3A_131 : memref<!tpu.dma_semaphore, #tpu.memory_space<semaphore_mem>>)
      %dma_wait3A_144 = arith.constant 0 : i32
      %dma_wait3A_145 = arith.constant 0 : i32
      %dma_wait3A_146 = tpu.memref_slice %arg6[%run_scoped3A_38, %dma_wait3A_144, %dma_wait3A_145] : memref<2x64x128xf32, #tpu.memory_space<vmem>> -> memref<1x64x128xf32, #tpu.memory_space<vmem>>
      %dma_wait3A_147 = tpu.memref_squeeze %dma_wait3A_146 : memref<1x64x128xf32, #tpu.memory_space<vmem>> -> memref<64x128xf32, #tpu.memory_space<vmem>>
      %dma_wait3A_148 = arith.constant 0 : i32
      %dma_wait3A_149 = tpu.memref_slice %arg7[%add3A_37, %dma_wait3A_148] : memref<10112x128xf32, #tpu.memory_space<vmem_shared>> -> memref<64x128xf32, #tpu.memory_space<vmem_shared>>
      %dma_wait3A_150 = arith.constant 0 : i32
      %dma_wait3A_151 = tpu.memref_slice %arg7[%add3A_37, %dma_wait3A_150] : memref<10112x128xf32, #tpu.memory_space<vmem_shared>> -> memref<64x128xf32, #tpu.memory_space<vmem_shared>>
      %dma_wait3A_152 = arith.constant 0 : i32
      %dma_wait3A_153 = arith.constant 0 : i32
      %dma_wait3A_154 = tpu.memref_slice %arg6[%run_scoped3A_38, %dma_wait3A_152, %dma_wait3A_153] : memref<2x64x128xf32, #tpu.memory_space<vmem>> -> memref<1x64x128xf32, #tpu.memory_space<vmem>>
      %dma_wait3A_155 = tpu.memref_squeeze %dma_wait3A_154 : memref<1x64x128xf32, #tpu.memory_space<vmem>> -> memref<64x128xf32, #tpu.memory_space<vmem>>
      tpu.wait_dma2 semaphore(%run_scoped3A_131 : memref<!tpu.dma_semaphore, #tpu.memory_space<semaphore_mem>>) src(%dma_wait3A_155 : memref<64x128xf32, #tpu.memory_space<vmem>>) dst(%dma_wait3A_151 : memref<64x128xf32, #tpu.memory_space<vmem_shared>>)
      tpu.yield
    }) : () -> ()
    %mul3A_39 = arith.constant 632 : i32
    %mul3A_40 = arith.muli %arg1, %mul3A_39 : i32
    %add3A_41 = arith.constant 448 : i32
    %add3A_42 = arith.addi %mul3A_40, %add3A_41 : i32
    %run_scoped3A_43 = arith.constant 0 : i32
    "tpu.region"() ({
      %run_scoped3A_131 = tpu.sem_alloc : memref<!tpu.dma_semaphore, #tpu.memory_space<semaphore_mem>>
      %dma_start3A_132 = arith.constant 0 : i32
      %dma_start3A_133 = arith.constant 0 : i32
      %dma_start3A_134 = tpu.memref_slice %arg6[%run_scoped3A_43, %dma_start3A_132, %dma_start3A_133] : memref<2x64x128xf32, #tpu.memory_space<vmem>> -> memref<1x64x128xf32, #tpu.memory_space<vmem>>
      %dma_start3A_135 = tpu.memref_squeeze %dma_start3A_134 : memref<1x64x128xf32, #tpu.memory_space<vmem>> -> memref<64x128xf32, #tpu.memory_space<vmem>>
      %dma_start3A_136 = arith.constant 0 : i32
      %dma_start3A_137 = tpu.memref_slice %arg7[%add3A_42, %dma_start3A_136] : memref<10112x128xf32, #tpu.memory_space<vmem_shared>> -> memref<64x128xf32, #tpu.memory_space<vmem_shared>>
      %dma_start3A_138 = arith.constant 0 : i32
      %dma_start3A_139 = tpu.memref_slice %arg7[%add3A_42, %dma_start3A_138] : memref<10112x128xf32, #tpu.memory_space<vmem_shared>> -> memref<64x128xf32, #tpu.memory_space<vmem_shared>>
      %dma_start3A_140 = arith.constant 0 : i32
      %dma_start3A_141 = arith.constant 0 : i32
      %dma_start3A_142 = tpu.memref_slice %arg6[%run_scoped3A_43, %dma_start3A_140, %dma_start3A_141] : memref<2x64x128xf32, #tpu.memory_space<vmem>> -> memref<1x64x128xf32, #tpu.memory_space<vmem>>
      %dma_start3A_143 = tpu.memref_squeeze %dma_start3A_142 : memref<1x64x128xf32, #tpu.memory_space<vmem>> -> memref<64x128xf32, #tpu.memory_space<vmem>>
      tpu.enqueue_dma source(%dma_start3A_143 : memref<64x128xf32, #tpu.memory_space<vmem>>) target(%dma_start3A_139 : memref<64x128xf32, #tpu.memory_space<vmem_shared>>) target_semaphore(%run_scoped3A_131 : memref<!tpu.dma_semaphore, #tpu.memory_space<semaphore_mem>>)
      %dma_wait3A_144 = arith.constant 0 : i32
      %dma_wait3A_145 = arith.constant 0 : i32
      %dma_wait3A_146 = tpu.memref_slice %arg6[%run_scoped3A_43, %dma_wait3A_144, %dma_wait3A_145] : memref<2x64x128xf32, #tpu.memory_space<vmem>> -> memref<1x64x128xf32, #tpu.memory_space<vmem>>
      %dma_wait3A_147 = tpu.memref_squeeze %dma_wait3A_146 : memref<1x64x128xf32, #tpu.memory_space<vmem>> -> memref<64x128xf32, #tpu.memory_space<vmem>>
      %dma_wait3A_148 = arith.constant 0 : i32
      %dma_wait3A_149 = tpu.memref_slice %arg7[%add3A_42, %dma_wait3A_148] : memref<10112x128xf32, #tpu.memory_space<vmem_shared>> -> memref<64x128xf32, #tpu.memory_space<vmem_shared>>
      %dma_wait3A_150 = arith.constant 0 : i32
      %dma_wait3A_151 = tpu.memref_slice %arg7[%add3A_42, %dma_wait3A_150] : memref<10112x128xf32, #tpu.memory_space<vmem_shared>> -> memref<64x128xf32, #tpu.memory_space<vmem_shared>>
      %dma_wait3A_152 = arith.constant 0 : i32
      %dma_wait3A_153 = arith.constant 0 : i32
      %dma_wait3A_154 = tpu.memref_slice %arg6[%run_scoped3A_43, %dma_wait3A_152, %dma_wait3A_153] : memref<2x64x128xf32, #tpu.memory_space<vmem>> -> memref<1x64x128xf32, #tpu.memory_space<vmem>>
      %dma_wait3A_155 = tpu.memref_squeeze %dma_wait3A_154 : memref<1x64x128xf32, #tpu.memory_space<vmem>> -> memref<64x128xf32, #tpu.memory_space<vmem>>
      tpu.wait_dma2 semaphore(%run_scoped3A_131 : memref<!tpu.dma_semaphore, #tpu.memory_space<semaphore_mem>>) src(%dma_wait3A_155 : memref<64x128xf32, #tpu.memory_space<vmem>>) dst(%dma_wait3A_151 : memref<64x128xf32, #tpu.memory_space<vmem_shared>>)
      tpu.yield
    }) : () -> ()
    %mul3A_44 = arith.constant 632 : i32
    %mul3A_45 = arith.muli %arg1, %mul3A_44 : i32
    %add3A_46 = arith.constant 512 : i32
    %add3A_47 = arith.addi %mul3A_45, %add3A_46 : i32
    %run_scoped3A_48 = arith.constant 0 : i32
    "tpu.region"() ({
      %run_scoped3A_131 = tpu.sem_alloc : memref<!tpu.dma_semaphore, #tpu.memory_space<semaphore_mem>>
      %dma_start3A_132 = arith.constant 0 : i32
      %dma_start3A_133 = arith.constant 0 : i32
      %dma_start3A_134 = tpu.memref_slice %arg6[%run_scoped3A_48, %dma_start3A_132, %dma_start3A_133] : memref<2x64x128xf32, #tpu.memory_space<vmem>> -> memref<1x64x128xf32, #tpu.memory_space<vmem>>
      %dma_start3A_135 = tpu.memref_squeeze %dma_start3A_134 : memref<1x64x128xf32, #tpu.memory_space<vmem>> -> memref<64x128xf32, #tpu.memory_space<vmem>>
      %dma_start3A_136 = arith.constant 0 : i32
      %dma_start3A_137 = tpu.memref_slice %arg7[%add3A_47, %dma_start3A_136] : memref<10112x128xf32, #tpu.memory_space<vmem_shared>> -> memref<64x128xf32, #tpu.memory_space<vmem_shared>>
      %dma_start3A_138 = arith.constant 0 : i32
      %dma_start3A_139 = tpu.memref_slice %arg7[%add3A_47, %dma_start3A_138] : memref<10112x128xf32, #tpu.memory_space<vmem_shared>> -> memref<64x128xf32, #tpu.memory_space<vmem_shared>>
      %dma_start3A_140 = arith.constant 0 : i32
      %dma_start3A_141 = arith.constant 0 : i32
      %dma_start3A_142 = tpu.memref_slice %arg6[%run_scoped3A_48, %dma_start3A_140, %dma_start3A_141] : memref<2x64x128xf32, #tpu.memory_space<vmem>> -> memref<1x64x128xf32, #tpu.memory_space<vmem>>
      %dma_start3A_143 = tpu.memref_squeeze %dma_start3A_142 : memref<1x64x128xf32, #tpu.memory_space<vmem>> -> memref<64x128xf32, #tpu.memory_space<vmem>>
      tpu.enqueue_dma source(%dma_start3A_143 : memref<64x128xf32, #tpu.memory_space<vmem>>) target(%dma_start3A_139 : memref<64x128xf32, #tpu.memory_space<vmem_shared>>) target_semaphore(%run_scoped3A_131 : memref<!tpu.dma_semaphore, #tpu.memory_space<semaphore_mem>>)
      %dma_wait3A_144 = arith.constant 0 : i32
      %dma_wait3A_145 = arith.constant 0 : i32
      %dma_wait3A_146 = tpu.memref_slice %arg6[%run_scoped3A_48, %dma_wait3A_144, %dma_wait3A_145] : memref<2x64x128xf32, #tpu.memory_space<vmem>> -> memref<1x64x128xf32, #tpu.memory_space<vmem>>
      %dma_wait3A_147 = tpu.memref_squeeze %dma_wait3A_146 : memref<1x64x128xf32, #tpu.memory_space<vmem>> -> memref<64x128xf32, #tpu.memory_space<vmem>>
      %dma_wait3A_148 = arith.constant 0 : i32
      %dma_wait3A_149 = tpu.memref_slice %arg7[%add3A_47, %dma_wait3A_148] : memref<10112x128xf32, #tpu.memory_space<vmem_shared>> -> memref<64x128xf32, #tpu.memory_space<vmem_shared>>
      %dma_wait3A_150 = arith.constant 0 : i32
      %dma_wait3A_151 = tpu.memref_slice %arg7[%add3A_47, %dma_wait3A_150] : memref<10112x128xf32, #tpu.memory_space<vmem_shared>> -> memref<64x128xf32, #tpu.memory_space<vmem_shared>>
      %dma_wait3A_152 = arith.constant 0 : i32
      %dma_wait3A_153 = arith.constant 0 : i32
      %dma_wait3A_154 = tpu.memref_slice %arg6[%run_scoped3A_48, %dma_wait3A_152, %dma_wait3A_153] : memref<2x64x128xf32, #tpu.memory_space<vmem>> -> memref<1x64x128xf32, #tpu.memory_space<vmem>>
      %dma_wait3A_155 = tpu.memref_squeeze %dma_wait3A_154 : memref<1x64x128xf32, #tpu.memory_space<vmem>> -> memref<64x128xf32, #tpu.memory_space<vmem>>
      tpu.wait_dma2 semaphore(%run_scoped3A_131 : memref<!tpu.dma_semaphore, #tpu.memory_space<semaphore_mem>>) src(%dma_wait3A_155 : memref<64x128xf32, #tpu.memory_space<vmem>>) dst(%dma_wait3A_151 : memref<64x128xf32, #tpu.memory_space<vmem_shared>>)
      tpu.yield
    }) : () -> ()
    %mul3A_49 = arith.constant 632 : i32
    %mul3A_50 = arith.muli %arg1, %mul3A_49 : i32
    %add3A_51 = arith.constant 576 : i32
    %add3A_52 = arith.addi %mul3A_50, %add3A_51 : i32
    %run_scoped3A_53 = arith.constant 0 : i32
    "tpu.region"() ({
      %run_scoped3A_131 = tpu.sem_alloc : memref<!tpu.dma_semaphore, #tpu.memory_space<semaphore_mem>>
      %dma_start3A_132 = arith.constant 0 : i32
      %dma_start3A_133 = arith.constant 0 : i32
      %dma_start3A_134 = tpu.memref_slice %arg6[%run_scoped3A_53, %dma_start3A_132, %dma_start3A_133] : memref<2x64x128xf32, #tpu.memory_space<vmem>> -> memref<1x56x128xf32, #tpu.memory_space<vmem>>
      %dma_start3A_135 = tpu.memref_squeeze %dma_start3A_134 : memref<1x56x128xf32, #tpu.memory_space<vmem>> -> memref<56x128xf32, #tpu.memory_space<vmem>>
      %dma_start3A_136 = arith.constant 0 : i32
      %dma_start3A_137 = tpu.memref_slice %arg7[%add3A_52, %dma_start3A_136] : memref<10112x128xf32, #tpu.memory_space<vmem_shared>> -> memref<56x128xf32, #tpu.memory_space<vmem_shared>>
      %dma_start3A_138 = arith.constant 0 : i32
      %dma_start3A_139 = tpu.memref_slice %arg7[%add3A_52, %dma_start3A_138] : memref<10112x128xf32, #tpu.memory_space<vmem_shared>> -> memref<56x128xf32, #tpu.memory_space<vmem_shared>>
      %dma_start3A_140 = arith.constant 0 : i32
      %dma_start3A_141 = arith.constant 0 : i32
      %dma_start3A_142 = tpu.memref_slice %arg6[%run_scoped3A_53, %dma_start3A_140, %dma_start3A_141] : memref<2x64x128xf32, #tpu.memory_space<vmem>> -> memref<1x56x128xf32, #tpu.memory_space<vmem>>
      %dma_start3A_143 = tpu.memref_squeeze %dma_start3A_142 : memref<1x56x128xf32, #tpu.memory_space<vmem>> -> memref<56x128xf32, #tpu.memory_space<vmem>>
      tpu.enqueue_dma source(%dma_start3A_143 : memref<56x128xf32, #tpu.memory_space<vmem>>) target(%dma_start3A_139 : memref<56x128xf32, #tpu.memory_space<vmem_shared>>) target_semaphore(%run_scoped3A_131 : memref<!tpu.dma_semaphore, #tpu.memory_space<semaphore_mem>>)
      %dma_wait3A_144 = arith.constant 0 : i32
      %dma_wait3A_145 = arith.constant 0 : i32
      %dma_wait3A_146 = tpu.memref_slice %arg6[%run_scoped3A_53, %dma_wait3A_144, %dma_wait3A_145] : memref<2x64x128xf32, #tpu.memory_space<vmem>> -> memref<1x56x128xf32, #tpu.memory_space<vmem>>
      %dma_wait3A_147 = tpu.memref_squeeze %dma_wait3A_146 : memref<1x56x128xf32, #tpu.memory_space<vmem>> -> memref<56x128xf32, #tpu.memory_space<vmem>>
      %dma_wait3A_148 = arith.constant 0 : i32
      %dma_wait3A_149 = tpu.memref_slice %arg7[%add3A_52, %dma_wait3A_148] : memref<10112x128xf32, #tpu.memory_space<vmem_shared>> -> memref<56x128xf32, #tpu.memory_space<vmem_shared>>
      %dma_wait3A_150 = arith.constant 0 : i32
      %dma_wait3A_151 = tpu.memref_slice %arg7[%add3A_52, %dma_wait3A_150] : memref<10112x128xf32, #tpu.memory_space<vmem_shared>> -> memref<56x128xf32, #tpu.memory_space<vmem_shared>>
      %dma_wait3A_152 = arith.constant 0 : i32
      %dma_wait3A_153 = arith.constant 0 : i32
      %dma_wait3A_154 = tpu.memref_slice %arg6[%run_scoped3A_53, %dma_wait3A_152, %dma_wait3A_153] : memref<2x64x128xf32, #tpu.memory_space<vmem>> -> memref<1x56x128xf32, #tpu.memory_space<vmem>>
      %dma_wait3A_155 = tpu.memref_squeeze %dma_wait3A_154 : memref<1x56x128xf32, #tpu.memory_space<vmem>> -> memref<56x128xf32, #tpu.memory_space<vmem>>
      tpu.wait_dma2 semaphore(%run_scoped3A_131 : memref<!tpu.dma_semaphore, #tpu.memory_space<semaphore_mem>>) src(%dma_wait3A_155 : memref<56x128xf32, #tpu.memory_space<vmem>>) dst(%dma_wait3A_151 : memref<56x128xf32, #tpu.memory_space<vmem_shared>>)
      tpu.yield
    }) : () -> ()
    %barrier3A = arith.constant 0 : index
    tpu.barrier barrier_id(%barrier3A)
    %dma_start3A = arith.constant 0 : i32
    %dma_start3A_54 = arith.constant 0 : i32
    %dma_start3A_55 = arith.constant 0 : i32
    %dma_start3A_56 = arith.constant 0 : i32
    %dma_start3A_57 = tpu.memref_slice %arg5[%dma_start3A_54, %dma_start3A_55, %dma_start3A_56] : memref<2x2x64xi32, #tpu.memory_space<vmem>> -> memref<1x2x64xi32, #tpu.memory_space<vmem>>
    %dma_start3A_58 = tpu.memref_squeeze %dma_start3A_57 : memref<1x2x64xi32, #tpu.memory_space<vmem>> -> memref<2x64xi32, #tpu.memory_space<vmem>>
    %dma_start3A_59 = arith.constant 0 : i32
    %dma_start3A_60 = arith.constant 0 : i32
    %dma_start3A_61 = tpu.memref_slice %arg2[%add3A, %dma_start3A, %dma_start3A_59, %dma_start3A_60] : memref<32x160x2x64xi32, #tpu.memory_space<hbm>> -> memref<1x1x2x64xi32, #tpu.memory_space<hbm>>
    %dma_start3A_62 = tpu.memref_squeeze %dma_start3A_61 : memref<1x1x2x64xi32, #tpu.memory_space<hbm>> -> memref<2x64xi32, #tpu.memory_space<hbm>>
    %dma_start3A_63 = arith.constant 0 : i32
    %dma_start3A_64 = arith.constant 0 : i32
    %dma_start3A_65 = tpu.memref_slice %arg5[%dma_start3A_54, %dma_start3A_63, %dma_start3A_64] : memref<2x2x64xi32, #tpu.memory_space<vmem>> -> memref<1x2x64xi32, #tpu.memory_space<vmem>>
    %dma_start3A_66 = tpu.memref_squeeze %dma_start3A_65 : memref<1x2x64xi32, #tpu.memory_space<vmem>> -> memref<2x64xi32, #tpu.memory_space<vmem>>
    %dma_start3A_67 = arith.constant 0 : i32
    %dma_start3A_68 = arith.constant 0 : i32
    %dma_start3A_69 = tpu.memref_slice %arg2[%add3A, %dma_start3A, %dma_start3A_67, %dma_start3A_68] : memref<32x160x2x64xi32, #tpu.memory_space<hbm>> -> memref<1x1x2x64xi32, #tpu.memory_space<hbm>>
    %dma_start3A_70 = tpu.memref_squeeze %dma_start3A_69 : memref<1x1x2x64xi32, #tpu.memory_space<hbm>> -> memref<2x64xi32, #tpu.memory_space<hbm>>
    tpu.enqueue_dma source(%dma_start3A_70 : memref<2x64xi32, #tpu.memory_space<hbm>>) target(%dma_start3A_66 : memref<2x64xi32, #tpu.memory_space<vmem>>) target_semaphore(%arg8 : memref<!tpu.dma_semaphore, #tpu.memory_space<semaphore_mem>>)
    %dma_start3A_71 = arith.constant 1 : i32
    %dma_start3A_72 = arith.constant 1 : i32
    %dma_start3A_73 = arith.constant 0 : i32
    %dma_start3A_74 = arith.constant 0 : i32
    %dma_start3A_75 = tpu.memref_slice %arg5[%dma_start3A_72, %dma_start3A_73, %dma_start3A_74] : memref<2x2x64xi32, #tpu.memory_space<vmem>> -> memref<1x2x64xi32, #tpu.memory_space<vmem>>
    %dma_start3A_76 = tpu.memref_squeeze %dma_start3A_75 : memref<1x2x64xi32, #tpu.memory_space<vmem>> -> memref<2x64xi32, #tpu.memory_space<vmem>>
    %dma_start3A_77 = arith.constant 0 : i32
    %dma_start3A_78 = arith.constant 0 : i32
    %dma_start3A_79 = tpu.memref_slice %arg2[%add3A, %dma_start3A_71, %dma_start3A_77, %dma_start3A_78] : memref<32x160x2x64xi32, #tpu.memory_space<hbm>> -> memref<1x1x2x64xi32, #tpu.memory_space<hbm>>
    %dma_start3A_80 = tpu.memref_squeeze %dma_start3A_79 : memref<1x1x2x64xi32, #tpu.memory_space<hbm>> -> memref<2x64xi32, #tpu.memory_space<hbm>>
    %dma_start3A_81 = arith.constant 0 : i32
    %dma_start3A_82 = arith.constant 0 : i32
    %dma_start3A_83 = tpu.memref_slice %arg5[%dma_start3A_72, %dma_start3A_81, %dma_start3A_82] : memref<2x2x64xi32, #tpu.memory_space<vmem>> -> memref<1x2x64xi32, #tpu.memory_space<vmem>>
    %dma_start3A_84 = tpu.memref_squeeze %dma_start3A_83 : memref<1x2x64xi32, #tpu.memory_space<vmem>> -> memref<2x64xi32, #tpu.memory_space<vmem>>
    %dma_start3A_85 = arith.constant 0 : i32
    %dma_start3A_86 = arith.constant 0 : i32
    %dma_start3A_87 = tpu.memref_slice %arg2[%add3A, %dma_start3A_71, %dma_start3A_85, %dma_start3A_86] : memref<32x160x2x64xi32, #tpu.memory_space<hbm>> -> memref<1x1x2x64xi32, #tpu.memory_space<hbm>>
    %dma_start3A_88 = tpu.memref_squeeze %dma_start3A_87 : memref<1x1x2x64xi32, #tpu.memory_space<hbm>> -> memref<2x64xi32, #tpu.memory_space<hbm>>
    tpu.enqueue_dma source(%dma_start3A_88 : memref<2x64xi32, #tpu.memory_space<hbm>>) target(%dma_start3A_84 : memref<2x64xi32, #tpu.memory_space<vmem>>) target_semaphore(%arg9 : memref<!tpu.dma_semaphore, #tpu.memory_space<semaphore_mem>>)
    %dma_wait3A = arith.constant 0 : i32
    %dma_wait3A_89 = arith.constant 0 : i32
    %dma_wait3A_90 = arith.constant 0 : i32
    %dma_wait3A_91 = arith.constant 0 : i32
    %dma_wait3A_92 = tpu.memref_slice %arg5[%dma_wait3A_89, %dma_wait3A_90, %dma_wait3A_91] : memref<2x2x64xi32, #tpu.memory_space<vmem>> -> memref<1x2x64xi32, #tpu.memory_space<vmem>>
    %dma_wait3A_93 = tpu.memref_squeeze %dma_wait3A_92 : memref<1x2x64xi32, #tpu.memory_space<vmem>> -> memref<2x64xi32, #tpu.memory_space<vmem>>
    %dma_wait3A_94 = arith.constant 0 : i32
    %dma_wait3A_95 = arith.constant 0 : i32
    %dma_wait3A_96 = tpu.memref_slice %arg2[%add3A, %dma_wait3A, %dma_wait3A_94, %dma_wait3A_95] : memref<32x160x2x64xi32, #tpu.memory_space<hbm>> -> memref<1x1x2x64xi32, #tpu.memory_space<hbm>>
    %dma_wait3A_97 = tpu.memref_squeeze %dma_wait3A_96 : memref<1x1x2x64xi32, #tpu.memory_space<hbm>> -> memref<2x64xi32, #tpu.memory_space<hbm>>
    %dma_wait3A_98 = arith.constant 0 : i32
    %dma_wait3A_99 = arith.constant 0 : i32
    %dma_wait3A_100 = tpu.memref_slice %arg5[%dma_wait3A_89, %dma_wait3A_98, %dma_wait3A_99] : memref<2x2x64xi32, #tpu.memory_space<vmem>> -> memref<1x2x64xi32, #tpu.memory_space<vmem>>
    %dma_wait3A_101 = tpu.memref_squeeze %dma_wait3A_100 : memref<1x2x64xi32, #tpu.memory_space<vmem>> -> memref<2x64xi32, #tpu.memory_space<vmem>>
    %dma_wait3A_102 = arith.constant 0 : i32
    %dma_wait3A_103 = arith.constant 0 : i32
    %dma_wait3A_104 = tpu.memref_slice %arg2[%add3A, %dma_wait3A, %dma_wait3A_102, %dma_wait3A_103] : memref<32x160x2x64xi32, #tpu.memory_space<hbm>> -> memref<1x1x2x64xi32, #tpu.memory_space<hbm>>
    %dma_wait3A_105 = tpu.memref_squeeze %dma_wait3A_104 : memref<1x1x2x64xi32, #tpu.memory_space<hbm>> -> memref<2x64xi32, #tpu.memory_space<hbm>>
    tpu.wait_dma2 semaphore(%arg8 : memref<!tpu.dma_semaphore, #tpu.memory_space<semaphore_mem>>) src(%dma_wait3A_105 : memref<2x64xi32, #tpu.memory_space<hbm>>) dst(%dma_wait3A_101 : memref<2x64xi32, #tpu.memory_space<vmem>>)
    %dma_start3A_106 = arith.constant 0 : i32
    %dma_start3A_107 = arith.constant 0 : i32
    %dma_start3A_108 = arith.constant 0 : i32
    %dma_start3A_109 = arith.constant 0 : i32
    %dma_start3A_110 = arith.constant 0 : i32
    %dma_start3A_111 = tpu.memref_slice %arg6[%dma_start3A_108, %dma_start3A_109, %dma_start3A_110] : memref<2x64x128xf32, #tpu.memory_space<vmem>> -> memref<1x64x128xf32, #tpu.memory_space<vmem>>
    %dma_start3A_112 = tpu.memref_squeeze %dma_start3A_111 : memref<1x64x128xf32, #tpu.memory_space<vmem>> -> memref<64x128xf32, #tpu.memory_space<vmem>>
    %dma_start3A_113 = arith.constant 0 : i32
    %dma_start3A_114 = tpu.memref_slice %arg5[%dma_start3A_106, %dma_start3A_107, %dma_start3A_113] : memref<2x2x64xi32, #tpu.memory_space<vmem>> -> memref<1x1x64xi32, #tpu.memory_space<vmem>>
    %dma_start3A_115 = tpu.memref_squeeze %dma_start3A_114 : memref<1x1x64xi32, #tpu.memory_space<vmem>> -> memref<64xi32, #tpu.memory_space<vmem>>
    %dma_start3A_116 = arith.constant 0 : i32
    %dma_start3A_117 = arith.constant 0 : i32
    %dma_start3A_118 = tpu.memref_slice %arg3[%dma_start3A_116, %dma_start3A_117] : memref<10000x128xf32, #tpu.memory_space<hbm>> -> memref<10000x128xf32, #tpu.memory_space<hbm>>
    tpu.enqueue_indirect_dma source(%dma_start3A_118 : memref<10000x128xf32, #tpu.memory_space<hbm>>) target(%dma_start3A_112 : memref<64x128xf32, #tpu.memory_space<vmem>>) offsets(%dma_start3A_115 : memref<64xi32, #tpu.memory_space<vmem>>) semaphore(%arg10 : memref<!tpu.dma_semaphore, #tpu.memory_space<semaphore_mem>>)
    %scan3A_119 = arith.constant 0 : i32
    %scan3A_120 = arith.constant 80 : i32
    %scan3A_121 = arith.addi %scan3A_119, %scan3A_120 : i32
    %scan3A_122 = arith.constant 1 : i32
    scf.for %scan3A_131 = %scan3A_119 to %scan3A_121 step %scan3A_122  : i32 {
      %mul3A_132 = arith.constant 2 : i32
      %mul3A_133 = arith.muli %scan3A_131, %mul3A_132 : i32
      %add3A_134 = arith.constant 0 : i32
      %add3A_135 = arith.addi %mul3A_133, %add3A_134 : i32
      %add3A_136 = arith.constant 1 : i32
      %add3A_137 = arith.addi %add3A_135, %add3A_136 : i32
      %lt3A_138 = arith.constant 160 : i32
      %lt3A_139 = arith.cmpi slt, %add3A_137, %lt3A_138 : i32
      %convert_element_type3A_140 = arith.extui %lt3A_139 : i1 to i32
      %cond3A_141 = arith.constant 0 : i32
      %cond3A_142 = arith.cmpi ne, %convert_element_type3A_140, %cond3A_141 : i32
      scf.if %cond3A_142 {
        %add3A_200 = arith.constant 1 : i32
        %add3A_201 = arith.addi %add3A_135, %add3A_200 : i32
        %dma_wait3A_202 = arith.constant 1 : i32
        %dma_wait3A_203 = arith.constant 0 : i32
        %dma_wait3A_204 = arith.constant 0 : i32
        %dma_wait3A_205 = tpu.memref_slice %arg5[%dma_wait3A_202, %dma_wait3A_203, %dma_wait3A_204] : memref<2x2x64xi32, #tpu.memory_space<vmem>> -> memref<1x2x64xi32, #tpu.memory_space<vmem>>
        %dma_wait3A_206 = tpu.memref_squeeze %dma_wait3A_205 : memref<1x2x64xi32, #tpu.memory_space<vmem>> -> memref<2x64xi32, #tpu.memory_space<vmem>>
        %dma_wait3A_207 = arith.constant 0 : i32
        %dma_wait3A_208 = arith.constant 0 : i32
        %dma_wait3A_209 = tpu.memref_slice %arg2[%add3A, %add3A_201, %dma_wait3A_207, %dma_wait3A_208] : memref<32x160x2x64xi32, #tpu.memory_space<hbm>> -> memref<1x1x2x64xi32, #tpu.memory_space<hbm>>
        %dma_wait3A_210 = tpu.memref_squeeze %dma_wait3A_209 : memref<1x1x2x64xi32, #tpu.memory_space<hbm>> -> memref<2x64xi32, #tpu.memory_space<hbm>>
        %dma_wait3A_211 = arith.constant 0 : i32
        %dma_wait3A_212 = arith.constant 0 : i32
        %dma_wait3A_213 = tpu.memref_slice %arg5[%dma_wait3A_202, %dma_wait3A_211, %dma_wait3A_212] : memref<2x2x64xi32, #tpu.memory_space<vmem>> -> memref<1x2x64xi32, #tpu.memory_space<vmem>>
        %dma_wait3A_214 = tpu.memref_squeeze %dma_wait3A_213 : memref<1x2x64xi32, #tpu.memory_space<vmem>> -> memref<2x64xi32, #tpu.memory_space<vmem>>
        %dma_wait3A_215 = arith.constant 0 : i32
        %dma_wait3A_216 = arith.constant 0 : i32
        %dma_wait3A_217 = tpu.memref_slice %arg2[%add3A, %add3A_201, %dma_wait3A_215, %dma_wait3A_216] : memref<32x160x2x64xi32, #tpu.memory_space<hbm>> -> memref<1x1x2x64xi32, #tpu.memory_space<hbm>>
        %dma_wait3A_218 = tpu.memref_squeeze %dma_wait3A_217 : memref<1x1x2x64xi32, #tpu.memory_space<hbm>> -> memref<2x64xi32, #tpu.memory_space<hbm>>
        tpu.wait_dma2 semaphore(%arg9 : memref<!tpu.dma_semaphore, #tpu.memory_space<semaphore_mem>>) src(%dma_wait3A_218 : memref<2x64xi32, #tpu.memory_space<hbm>>) dst(%dma_wait3A_214 : memref<2x64xi32, #tpu.memory_space<vmem>>)
        %dma_start3A_219 = arith.constant 1 : i32
        %dma_start3A_220 = arith.constant 0 : i32
        %dma_start3A_221 = arith.constant 1 : i32
        %dma_start3A_222 = arith.constant 0 : i32
        %dma_start3A_223 = arith.constant 0 : i32
        %dma_start3A_224 = tpu.memref_slice %arg6[%dma_start3A_221, %dma_start3A_222, %dma_start3A_223] : memref<2x64x128xf32, #tpu.memory_space<vmem>> -> memref<1x64x128xf32, #tpu.memory_space<vmem>>
        %dma_start3A_225 = tpu.memref_squeeze %dma_start3A_224 : memref<1x64x128xf32, #tpu.memory_space<vmem>> -> memref<64x128xf32, #tpu.memory_space<vmem>>
        %dma_start3A_226 = arith.constant 0 : i32
        %dma_start3A_227 = tpu.memref_slice %arg5[%dma_start3A_219, %dma_start3A_220, %dma_start3A_226] : memref<2x2x64xi32, #tpu.memory_space<vmem>> -> memref<1x1x64xi32, #tpu.memory_space<vmem>>
        %dma_start3A_228 = tpu.memref_squeeze %dma_start3A_227 : memref<1x1x64xi32, #tpu.memory_space<vmem>> -> memref<64xi32, #tpu.memory_space<vmem>>
        %dma_start3A_229 = arith.constant 0 : i32
        %dma_start3A_230 = arith.constant 0 : i32
        %dma_start3A_231 = tpu.memref_slice %arg3[%dma_start3A_229, %dma_start3A_230] : memref<10000x128xf32, #tpu.memory_space<hbm>> -> memref<10000x128xf32, #tpu.memory_space<hbm>>
        tpu.enqueue_indirect_dma source(%dma_start3A_231 : memref<10000x128xf32, #tpu.memory_space<hbm>>) target(%dma_start3A_225 : memref<64x128xf32, #tpu.memory_space<vmem>>) offsets(%dma_start3A_228 : memref<64xi32, #tpu.memory_space<vmem>>) semaphore(%arg11 : memref<!tpu.dma_semaphore, #tpu.memory_space<semaphore_mem>>)
      } else {
      }
      %dma_wait3A_143 = arith.constant 0 : i32
      %dma_wait3A_144 = arith.constant 0 : i32
      %dma_wait3A_145 = arith.constant 0 : i32
      %dma_wait3A_146 = arith.constant 0 : i32
      %dma_wait3A_147 = arith.constant 0 : i32
      %dma_wait3A_148 = tpu.memref_slice %arg6[%dma_wait3A_145, %dma_wait3A_146, %dma_wait3A_147] : memref<2x64x128xf32, #tpu.memory_space<vmem>> -> memref<1x64x128xf32, #tpu.memory_space<vmem>>
      %dma_wait3A_149 = tpu.memref_squeeze %dma_wait3A_148 : memref<1x64x128xf32, #tpu.memory_space<vmem>> -> memref<64x128xf32, #tpu.memory_space<vmem>>
      %dma_wait3A_150 = arith.constant 0 : i32
      %dma_wait3A_151 = tpu.memref_slice %arg5[%dma_wait3A_143, %dma_wait3A_144, %dma_wait3A_150] : memref<2x2x64xi32, #tpu.memory_space<vmem>> -> memref<1x1x64xi32, #tpu.memory_space<vmem>>
      %dma_wait3A_152 = tpu.memref_squeeze %dma_wait3A_151 : memref<1x1x64xi32, #tpu.memory_space<vmem>> -> memref<64xi32, #tpu.memory_space<vmem>>
      %dma_wait3A_153 = arith.constant 0 : i32
      %dma_wait3A_154 = arith.constant 0 : i32
      %dma_wait3A_155 = tpu.memref_slice %arg3[%dma_wait3A_153, %dma_wait3A_154] : memref<10000x128xf32, #tpu.memory_space<hbm>> -> memref<10000x128xf32, #tpu.memory_space<hbm>>
      tpu.wait_indirect_dma semaphore(%arg10 : memref<!tpu.dma_semaphore, #tpu.memory_space<semaphore_mem>>) src(%dma_wait3A_155 : memref<10000x128xf32, #tpu.memory_space<hbm>>) dst(%dma_wait3A_149 : memref<64x128xf32, #tpu.memory_space<vmem>>)
      %run_scoped3A_156 = arith.constant 0 : i32
      %run_scoped3A_157 = arith.constant 0 : i32
      %run_scoped3A_158 = arith.constant 1 : i32
      "tpu.region"() ({
        %run_scoped3A_200 = tpu.sem_alloc : memref<!tpu.dma_semaphore, #tpu.memory_space<semaphore_mem>>
        %dma_start3A_201 = arith.constant 0 : i32
        %dma_start3A_202 = arith.constant 0 : i32
        %dma_start3A_203 = tpu.memref_slice %arg6[%run_scoped3A_156, %dma_start3A_201, %dma_start3A_202] : memref<2x64x128xf32, #tpu.memory_space<vmem>> -> memref<1x64x128xf32, #tpu.memory_space<vmem>>
        %dma_start3A_204 = tpu.memref_squeeze %dma_start3A_203 : memref<1x64x128xf32, #tpu.memory_space<vmem>> -> memref<64x128xf32, #tpu.memory_space<vmem>>
        %dma_start3A_205 = arith.constant 0 : i32
        %dma_start3A_206 = tpu.memref_slice %arg5[%run_scoped3A_157, %run_scoped3A_158, %dma_start3A_205] : memref<2x2x64xi32, #tpu.memory_space<vmem>> -> memref<1x1x64xi32, #tpu.memory_space<vmem>>
        %dma_start3A_207 = tpu.memref_squeeze %dma_start3A_206 : memref<1x1x64xi32, #tpu.memory_space<vmem>> -> memref<64xi32, #tpu.memory_space<vmem>>
        %dma_start3A_208 = arith.constant 0 : i32
        %dma_start3A_209 = arith.constant 0 : i32
        %dma_start3A_210 = tpu.memref_slice %arg7[%dma_start3A_208, %dma_start3A_209] : memref<10112x128xf32, #tpu.memory_space<vmem_shared>> -> memref<10112x128xf32, #tpu.memory_space<vmem_shared>>
        tpu.enqueue_indirect_dma source(%dma_start3A_204 : memref<64x128xf32, #tpu.memory_space<vmem>>) target(%dma_start3A_210 : memref<10112x128xf32, #tpu.memory_space<vmem_shared>>) offsets(%dma_start3A_207 : memref<64xi32, #tpu.memory_space<vmem>>) semaphore(%run_scoped3A_200 : memref<!tpu.dma_semaphore, #tpu.memory_space<semaphore_mem>>) {add = true}
        %dma_wait3A_211 = arith.constant 0 : i32
        %dma_wait3A_212 = arith.constant 0 : i32
        %dma_wait3A_213 = tpu.memref_slice %arg6[%run_scoped3A_156, %dma_wait3A_211, %dma_wait3A_212] : memref<2x64x128xf32, #tpu.memory_space<vmem>> -> memref<1x64x128xf32, #tpu.memory_space<vmem>>
        %dma_wait3A_214 = tpu.memref_squeeze %dma_wait3A_213 : memref<1x64x128xf32, #tpu.memory_space<vmem>> -> memref<64x128xf32, #tpu.memory_space<vmem>>
        %dma_wait3A_215 = arith.constant 0 : i32
        %dma_wait3A_216 = tpu.memref_slice %arg5[%run_scoped3A_157, %run_scoped3A_158, %dma_wait3A_215] : memref<2x2x64xi32, #tpu.memory_space<vmem>> -> memref<1x1x64xi32, #tpu.memory_space<vmem>>
        %dma_wait3A_217 = tpu.memref_squeeze %dma_wait3A_216 : memref<1x1x64xi32, #tpu.memory_space<vmem>> -> memref<64xi32, #tpu.memory_space<vmem>>
        %dma_wait3A_218 = arith.constant 0 : i32
        %dma_wait3A_219 = arith.constant 0 : i32
        %dma_wait3A_220 = tpu.memref_slice %arg7[%dma_wait3A_218, %dma_wait3A_219] : memref<10112x128xf32, #tpu.memory_space<vmem_shared>> -> memref<10112x128xf32, #tpu.memory_space<vmem_shared>>
        tpu.wait_indirect_dma semaphore(%run_scoped3A_200 : memref<!tpu.dma_semaphore, #tpu.memory_space<semaphore_mem>>) src(%dma_wait3A_214 : memref<64x128xf32, #tpu.memory_space<vmem>>) dst(%dma_wait3A_220 : memref<10112x128xf32, #tpu.memory_space<vmem_shared>>)
        tpu.yield
      }) : () -> ()
      %add3A_159 = arith.constant 2 : i32
      %add3A_160 = arith.addi %add3A_135, %add3A_159 : i32
      %lt3A_161 = arith.constant 160 : i32
      %lt3A_162 = arith.cmpi slt, %add3A_160, %lt3A_161 : i32
      %convert_element_type3A_163 = arith.extui %lt3A_162 : i1 to i32
      %cond3A_164 = arith.constant 0 : i32
      %cond3A_165 = arith.cmpi ne, %convert_element_type3A_163, %cond3A_164 : i32
      scf.if %cond3A_165 {
        %add3A_200 = arith.constant 2 : i32
        %add3A_201 = arith.addi %add3A_135, %add3A_200 : i32
        %dma_start3A_202 = arith.constant 0 : i32
        %dma_start3A_203 = arith.constant 0 : i32
        %dma_start3A_204 = arith.constant 0 : i32
        %dma_start3A_205 = tpu.memref_slice %arg5[%dma_start3A_202, %dma_start3A_203, %dma_start3A_204] : memref<2x2x64xi32, #tpu.memory_space<vmem>> -> memref<1x2x64xi32, #tpu.memory_space<vmem>>
        %dma_start3A_206 = tpu.memref_squeeze %dma_start3A_205 : memref<1x2x64xi32, #tpu.memory_space<vmem>> -> memref<2x64xi32, #tpu.memory_space<vmem>>
        %dma_start3A_207 = arith.constant 0 : i32
        %dma_start3A_208 = arith.constant 0 : i32
        %dma_start3A_209 = tpu.memref_slice %arg2[%add3A, %add3A_201, %dma_start3A_207, %dma_start3A_208] : memref<32x160x2x64xi32, #tpu.memory_space<hbm>> -> memref<1x1x2x64xi32, #tpu.memory_space<hbm>>
        %dma_start3A_210 = tpu.memref_squeeze %dma_start3A_209 : memref<1x1x2x64xi32, #tpu.memory_space<hbm>> -> memref<2x64xi32, #tpu.memory_space<hbm>>
        %dma_start3A_211 = arith.constant 0 : i32
        %dma_start3A_212 = arith.constant 0 : i32
        %dma_start3A_213 = tpu.memref_slice %arg5[%dma_start3A_202, %dma_start3A_211, %dma_start3A_212] : memref<2x2x64xi32, #tpu.memory_space<vmem>> -> memref<1x2x64xi32, #tpu.memory_space<vmem>>
        %dma_start3A_214 = tpu.memref_squeeze %dma_start3A_213 : memref<1x2x64xi32, #tpu.memory_space<vmem>> -> memref<2x64xi32, #tpu.memory_space<vmem>>
        %dma_start3A_215 = arith.constant 0 : i32
        %dma_start3A_216 = arith.constant 0 : i32
        %dma_start3A_217 = tpu.memref_slice %arg2[%add3A, %add3A_201, %dma_start3A_215, %dma_start3A_216] : memref<32x160x2x64xi32, #tpu.memory_space<hbm>> -> memref<1x1x2x64xi32, #tpu.memory_space<hbm>>
        %dma_start3A_218 = tpu.memref_squeeze %dma_start3A_217 : memref<1x1x2x64xi32, #tpu.memory_space<hbm>> -> memref<2x64xi32, #tpu.memory_space<hbm>>
        tpu.enqueue_dma source(%dma_start3A_218 : memref<2x64xi32, #tpu.memory_space<hbm>>) target(%dma_start3A_214 : memref<2x64xi32, #tpu.memory_space<vmem>>) target_semaphore(%arg8 : memref<!tpu.dma_semaphore, #tpu.memory_space<semaphore_mem>>)
      } else {
      }
      %mul3A_166 = arith.constant 2 : i32
      %mul3A_167 = arith.muli %scan3A_131, %mul3A_166 : i32
      %add3A_168 = arith.constant 1 : i32
      %add3A_169 = arith.addi %mul3A_167, %add3A_168 : i32
      %add3A_170 = arith.constant 1 : i32
      %add3A_171 = arith.addi %add3A_169, %add3A_170 : i32
      %lt3A_172 = arith.constant 160 : i32
      %lt3A_173 = arith.cmpi slt, %add3A_171, %lt3A_172 : i32
      %convert_element_type3A_174 = arith.extui %lt3A_173 : i1 to i32
      %cond3A_175 = arith.constant 0 : i32
      %cond3A_176 = arith.cmpi ne, %convert_element_type3A_174, %cond3A_175 : i32
      scf.if %cond3A_176 {
        %add3A_200 = arith.constant 1 : i32
        %add3A_201 = arith.addi %add3A_169, %add3A_200 : i32
        %dma_wait3A_202 = arith.constant 0 : i32
        %dma_wait3A_203 = arith.constant 0 : i32
        %dma_wait3A_204 = arith.constant 0 : i32
        %dma_wait3A_205 = tpu.memref_slice %arg5[%dma_wait3A_202, %dma_wait3A_203, %dma_wait3A_204] : memref<2x2x64xi32, #tpu.memory_space<vmem>> -> memref<1x2x64xi32, #tpu.memory_space<vmem>>
        %dma_wait3A_206 = tpu.memref_squeeze %dma_wait3A_205 : memref<1x2x64xi32, #tpu.memory_space<vmem>> -> memref<2x64xi32, #tpu.memory_space<vmem>>
        %dma_wait3A_207 = arith.constant 0 : i32
        %dma_wait3A_208 = arith.constant 0 : i32
        %dma_wait3A_209 = tpu.memref_slice %arg2[%add3A, %add3A_201, %dma_wait3A_207, %dma_wait3A_208] : memref<32x160x2x64xi32, #tpu.memory_space<hbm>> -> memref<1x1x2x64xi32, #tpu.memory_space<hbm>>
        %dma_wait3A_210 = tpu.memref_squeeze %dma_wait3A_209 : memref<1x1x2x64xi32, #tpu.memory_space<hbm>> -> memref<2x64xi32, #tpu.memory_space<hbm>>
        %dma_wait3A_211 = arith.constant 0 : i32
        %dma_wait3A_212 = arith.constant 0 : i32
        %dma_wait3A_213 = tpu.memref_slice %arg5[%dma_wait3A_202, %dma_wait3A_211, %dma_wait3A_212] : memref<2x2x64xi32, #tpu.memory_space<vmem>> -> memref<1x2x64xi32, #tpu.memory_space<vmem>>
        %dma_wait3A_214 = tpu.memref_squeeze %dma_wait3A_213 : memref<1x2x64xi32, #tpu.memory_space<vmem>> -> memref<2x64xi32, #tpu.memory_space<vmem>>
        %dma_wait3A_215 = arith.constant 0 : i32
        %dma_wait3A_216 = arith.constant 0 : i32
        %dma_wait3A_217 = tpu.memref_slice %arg2[%add3A, %add3A_201, %dma_wait3A_215, %dma_wait3A_216] : memref<32x160x2x64xi32, #tpu.memory_space<hbm>> -> memref<1x1x2x64xi32, #tpu.memory_space<hbm>>
        %dma_wait3A_218 = tpu.memref_squeeze %dma_wait3A_217 : memref<1x1x2x64xi32, #tpu.memory_space<hbm>> -> memref<2x64xi32, #tpu.memory_space<hbm>>
        tpu.wait_dma2 semaphore(%arg8 : memref<!tpu.dma_semaphore, #tpu.memory_space<semaphore_mem>>) src(%dma_wait3A_218 : memref<2x64xi32, #tpu.memory_space<hbm>>) dst(%dma_wait3A_214 : memref<2x64xi32, #tpu.memory_space<vmem>>)
        %dma_start3A_219 = arith.constant 0 : i32
        %dma_start3A_220 = arith.constant 0 : i32
        %dma_start3A_221 = arith.constant 0 : i32
        %dma_start3A_222 = arith.constant 0 : i32
        %dma_start3A_223 = arith.constant 0 : i32
        %dma_start3A_224 = tpu.memref_slice %arg6[%dma_start3A_221, %dma_start3A_222, %dma_start3A_223] : memref<2x64x128xf32, #tpu.memory_space<vmem>> -> memref<1x64x128xf32, #tpu.memory_space<vmem>>
        %dma_start3A_225 = tpu.memref_squeeze %dma_start3A_224 : memref<1x64x128xf32, #tpu.memory_space<vmem>> -> memref<64x128xf32, #tpu.memory_space<vmem>>
        %dma_start3A_226 = arith.constant 0 : i32
        %dma_start3A_227 = tpu.memref_slice %arg5[%dma_start3A_219, %dma_start3A_220, %dma_start3A_226] : memref<2x2x64xi32, #tpu.memory_space<vmem>> -> memref<1x1x64xi32, #tpu.memory_space<vmem>>
        %dma_start3A_228 = tpu.memref_squeeze %dma_start3A_227 : memref<1x1x64xi32, #tpu.memory_space<vmem>> -> memref<64xi32, #tpu.memory_space<vmem>>
        %dma_start3A_229 = arith.constant 0 : i32
        %dma_start3A_230 = arith.constant 0 : i32
        %dma_start3A_231 = tpu.memref_slice %arg3[%dma_start3A_229, %dma_start3A_230] : memref<10000x128xf32, #tpu.memory_space<hbm>> -> memref<10000x128xf32, #tpu.memory_space<hbm>>
        tpu.enqueue_indirect_dma source(%dma_start3A_231 : memref<10000x128xf32, #tpu.memory_space<hbm>>) target(%dma_start3A_225 : memref<64x128xf32, #tpu.memory_space<vmem>>) offsets(%dma_start3A_228 : memref<64xi32, #tpu.memory_space<vmem>>) semaphore(%arg10 : memref<!tpu.dma_semaphore, #tpu.memory_space<semaphore_mem>>)
      } else {
      }
      %dma_wait3A_177 = arith.constant 1 : i32
      %dma_wait3A_178 = arith.constant 0 : i32
      %dma_wait3A_179 = arith.constant 1 : i32
      %dma_wait3A_180 = arith.constant 0 : i32
      %dma_wait3A_181 = arith.constant 0 : i32
      %dma_wait3A_182 = tpu.memref_slice %arg6[%dma_wait3A_179, %dma_wait3A_180, %dma_wait3A_181] : memref<2x64x128xf32, #tpu.memory_space<vmem>> -> memref<1x64x128xf32, #tpu.memory_space<vmem>>
      %dma_wait3A_183 = tpu.memref_squeeze %dma_wait3A_182 : memref<1x64x128xf32, #tpu.memory_space<vmem>> -> memref<64x128xf32, #tpu.memory_space<vmem>>
      %dma_wait3A_184 = arith.constant 0 : i32
      %dma_wait3A_185 = tpu.memref_slice %arg5[%dma_wait3A_177, %dma_wait3A_178, %dma_wait3A_184] : memref<2x2x64xi32, #tpu.memory_space<vmem>> -> memref<1x1x64xi32, #tpu.memory_space<vmem>>
      %dma_wait3A_186 = tpu.memref_squeeze %dma_wait3A_185 : memref<1x1x64xi32, #tpu.memory_space<vmem>> -> memref<64xi32, #tpu.memory_space<vmem>>
      %dma_wait3A_187 = arith.constant 0 : i32
      %dma_wait3A_188 = arith.constant 0 : i32
      %dma_wait3A_189 = tpu.memref_slice %arg3[%dma_wait3A_187, %dma_wait3A_188] : memref<10000x128xf32, #tpu.memory_space<hbm>> -> memref<10000x128xf32, #tpu.memory_space<hbm>>
      tpu.wait_indirect_dma semaphore(%arg11 : memref<!tpu.dma_semaphore, #tpu.memory_space<semaphore_mem>>) src(%dma_wait3A_189 : memref<10000x128xf32, #tpu.memory_space<hbm>>) dst(%dma_wait3A_183 : memref<64x128xf32, #tpu.memory_space<vmem>>)
      %run_scoped3A_190 = arith.constant 1 : i32
      %run_scoped3A_191 = arith.constant 1 : i32
      %run_scoped3A_192 = arith.constant 1 : i32
      "tpu.region"() ({
        %run_scoped3A_200 = tpu.sem_alloc : memref<!tpu.dma_semaphore, #tpu.memory_space<semaphore_mem>>
        %dma_start3A_201 = arith.constant 0 : i32
        %dma_start3A_202 = arith.constant 0 : i32
        %dma_start3A_203 = tpu.memref_slice %arg6[%run_scoped3A_190, %dma_start3A_201, %dma_start3A_202] : memref<2x64x128xf32, #tpu.memory_space<vmem>> -> memref<1x64x128xf32, #tpu.memory_space<vmem>>
        %dma_start3A_204 = tpu.memref_squeeze %dma_start3A_203 : memref<1x64x128xf32, #tpu.memory_space<vmem>> -> memref<64x128xf32, #tpu.memory_space<vmem>>
        %dma_start3A_205 = arith.constant 0 : i32
        %dma_start3A_206 = tpu.memref_slice %arg5[%run_scoped3A_191, %run_scoped3A_192, %dma_start3A_205] : memref<2x2x64xi32, #tpu.memory_space<vmem>> -> memref<1x1x64xi32, #tpu.memory_space<vmem>>
        %dma_start3A_207 = tpu.memref_squeeze %dma_start3A_206 : memref<1x1x64xi32, #tpu.memory_space<vmem>> -> memref<64xi32, #tpu.memory_space<vmem>>
        %dma_start3A_208 = arith.constant 0 : i32
        %dma_start3A_209 = arith.constant 0 : i32
        %dma_start3A_210 = tpu.memref_slice %arg7[%dma_start3A_208, %dma_start3A_209] : memref<10112x128xf32, #tpu.memory_space<vmem_shared>> -> memref<10112x128xf32, #tpu.memory_space<vmem_shared>>
        tpu.enqueue_indirect_dma source(%dma_start3A_204 : memref<64x128xf32, #tpu.memory_space<vmem>>) target(%dma_start3A_210 : memref<10112x128xf32, #tpu.memory_space<vmem_shared>>) offsets(%dma_start3A_207 : memref<64xi32, #tpu.memory_space<vmem>>) semaphore(%run_scoped3A_200 : memref<!tpu.dma_semaphore, #tpu.memory_space<semaphore_mem>>) {add = true}
        %dma_wait3A_211 = arith.constant 0 : i32
        %dma_wait3A_212 = arith.constant 0 : i32
        %dma_wait3A_213 = tpu.memref_slice %arg6[%run_scoped3A_190, %dma_wait3A_211, %dma_wait3A_212] : memref<2x64x128xf32, #tpu.memory_space<vmem>> -> memref<1x64x128xf32, #tpu.memory_space<vmem>>
        %dma_wait3A_214 = tpu.memref_squeeze %dma_wait3A_213 : memref<1x64x128xf32, #tpu.memory_space<vmem>> -> memref<64x128xf32, #tpu.memory_space<vmem>>
        %dma_wait3A_215 = arith.constant 0 : i32
        %dma_wait3A_216 = tpu.memref_slice %arg5[%run_scoped3A_191, %run_scoped3A_192, %dma_wait3A_215] : memref<2x2x64xi32, #tpu.memory_space<vmem>> -> memref<1x1x64xi32, #tpu.memory_space<vmem>>
        %dma_wait3A_217 = tpu.memref_squeeze %dma_wait3A_216 : memref<1x1x64xi32, #tpu.memory_space<vmem>> -> memref<64xi32, #tpu.memory_space<vmem>>
        %dma_wait3A_218 = arith.constant 0 : i32
        %dma_wait3A_219 = arith.constant 0 : i32
        %dma_wait3A_220 = tpu.memref_slice %arg7[%dma_wait3A_218, %dma_wait3A_219] : memref<10112x128xf32, #tpu.memory_space<vmem_shared>> -> memref<10112x128xf32, #tpu.memory_space<vmem_shared>>
        tpu.wait_indirect_dma semaphore(%run_scoped3A_200 : memref<!tpu.dma_semaphore, #tpu.memory_space<semaphore_mem>>) src(%dma_wait3A_214 : memref<64x128xf32, #tpu.memory_space<vmem>>) dst(%dma_wait3A_220 : memref<10112x128xf32, #tpu.memory_space<vmem_shared>>)
        tpu.yield
      }) : () -> ()
      %add3A_193 = arith.constant 2 : i32
      %add3A_194 = arith.addi %add3A_169, %add3A_193 : i32
      %lt3A_195 = arith.constant 160 : i32
      %lt3A_196 = arith.cmpi slt, %add3A_194, %lt3A_195 : i32
      %convert_element_type3A_197 = arith.extui %lt3A_196 : i1 to i32
      %cond3A_198 = arith.constant 0 : i32
      %cond3A_199 = arith.cmpi ne, %convert_element_type3A_197, %cond3A_198 : i32
      scf.if %cond3A_199 {
        %add3A_200 = arith.constant 2 : i32
        %add3A_201 = arith.addi %add3A_169, %add3A_200 : i32
        %dma_start3A_202 = arith.constant 1 : i32
        %dma_start3A_203 = arith.constant 0 : i32
        %dma_start3A_204 = arith.constant 0 : i32
        %dma_start3A_205 = tpu.memref_slice %arg5[%dma_start3A_202, %dma_start3A_203, %dma_start3A_204] : memref<2x2x64xi32, #tpu.memory_space<vmem>> -> memref<1x2x64xi32, #tpu.memory_space<vmem>>
        %dma_start3A_206 = tpu.memref_squeeze %dma_start3A_205 : memref<1x2x64xi32, #tpu.memory_space<vmem>> -> memref<2x64xi32, #tpu.memory_space<vmem>>
        %dma_start3A_207 = arith.constant 0 : i32
        %dma_start3A_208 = arith.constant 0 : i32
        %dma_start3A_209 = tpu.memref_slice %arg2[%add3A, %add3A_201, %dma_start3A_207, %dma_start3A_208] : memref<32x160x2x64xi32, #tpu.memory_space<hbm>> -> memref<1x1x2x64xi32, #tpu.memory_space<hbm>>
        %dma_start3A_210 = tpu.memref_squeeze %dma_start3A_209 : memref<1x1x2x64xi32, #tpu.memory_space<hbm>> -> memref<2x64xi32, #tpu.memory_space<hbm>>
        %dma_start3A_211 = arith.constant 0 : i32
        %dma_start3A_212 = arith.constant 0 : i32
        %dma_start3A_213 = tpu.memref_slice %arg5[%dma_start3A_202, %dma_start3A_211, %dma_start3A_212] : memref<2x2x64xi32, #tpu.memory_space<vmem>> -> memref<1x2x64xi32, #tpu.memory_space<vmem>>
        %dma_start3A_214 = tpu.memref_squeeze %dma_start3A_213 : memref<1x2x64xi32, #tpu.memory_space<vmem>> -> memref<2x64xi32, #tpu.memory_space<vmem>>
        %dma_start3A_215 = arith.constant 0 : i32
        %dma_start3A_216 = arith.constant 0 : i32
        %dma_start3A_217 = tpu.memref_slice %arg2[%add3A, %add3A_201, %dma_start3A_215, %dma_start3A_216] : memref<32x160x2x64xi32, #tpu.memory_space<hbm>> -> memref<1x1x2x64xi32, #tpu.memory_space<hbm>>
        %dma_start3A_218 = tpu.memref_squeeze %dma_start3A_217 : memref<1x1x2x64xi32, #tpu.memory_space<hbm>> -> memref<2x64xi32, #tpu.memory_space<hbm>>
        tpu.enqueue_dma source(%dma_start3A_218 : memref<2x64xi32, #tpu.memory_space<hbm>>) target(%dma_start3A_214 : memref<2x64xi32, #tpu.memory_space<vmem>>) target_semaphore(%arg9 : memref<!tpu.dma_semaphore, #tpu.memory_space<semaphore_mem>>)
      } else {
      }
    }
    %scan3A_123 = arith.constant 80 : i32
    %barrier3A_124 = arith.constant 0 : index
    tpu.barrier barrier_id(%barrier3A_124)
    %lt3A = arith.constant 15 : i32
    %lt3A_125 = arith.cmpi slt, %arg1, %lt3A : i32
    %convert_element_type3A = arith.extui %lt3A_125 : i1 to i32
    %cond3A = arith.constant 0 : i32
    %cond3A_126 = arith.cmpi ne, %convert_element_type3A, %cond3A : i32
    scf.if %cond3A_126 {
      %mul3A_131 = arith.constant 624 : i32
      %mul3A_132 = arith.muli %arg1, %mul3A_131 : i32
      %add3A_133 = arith.constant 0 : i32
      %add3A_134 = arith.addi %mul3A_132, %add3A_133 : i32
      %run_scoped3A_135 = arith.constant 0 : i32
      "tpu.region"() ({
        %run_scoped3A_191 = tpu.sem_alloc : memref<!tpu.dma_semaphore, #tpu.memory_space<semaphore_mem>>
        %dma_start3A_192 = arith.constant 0 : i32
        %dma_start3A_193 = arith.constant 0 : i32
        %dma_start3A_194 = tpu.memref_slice %arg6[%run_scoped3A_135, %dma_start3A_192, %dma_start3A_193] : memref<2x64x128xf32, #tpu.memory_space<vmem>> -> memref<1x64x128xf32, #tpu.memory_space<vmem>>
        %dma_start3A_195 = tpu.memref_squeeze %dma_start3A_194 : memref<1x64x128xf32, #tpu.memory_space<vmem>> -> memref<64x128xf32, #tpu.memory_space<vmem>>
        %dma_start3A_196 = arith.constant 0 : i32
        %dma_start3A_197 = tpu.memref_slice %arg7[%add3A_134, %dma_start3A_196] : memref<10112x128xf32, #tpu.memory_space<vmem_shared>> -> memref<64x128xf32, #tpu.memory_space<vmem_shared>>
        %dma_start3A_198 = arith.constant 0 : i32
        %dma_start3A_199 = arith.constant 0 : i32
        %dma_start3A_200 = tpu.memref_slice %arg6[%run_scoped3A_135, %dma_start3A_198, %dma_start3A_199] : memref<2x64x128xf32, #tpu.memory_space<vmem>> -> memref<1x64x128xf32, #tpu.memory_space<vmem>>
        %dma_start3A_201 = tpu.memref_squeeze %dma_start3A_200 : memref<1x64x128xf32, #tpu.memory_space<vmem>> -> memref<64x128xf32, #tpu.memory_space<vmem>>
        %dma_start3A_202 = arith.constant 0 : i32
        %dma_start3A_203 = tpu.memref_slice %arg7[%add3A_134, %dma_start3A_202] : memref<10112x128xf32, #tpu.memory_space<vmem_shared>> -> memref<64x128xf32, #tpu.memory_space<vmem_shared>>
        tpu.enqueue_dma source(%dma_start3A_203 : memref<64x128xf32, #tpu.memory_space<vmem_shared>>) target(%dma_start3A_201 : memref<64x128xf32, #tpu.memory_space<vmem>>) target_semaphore(%run_scoped3A_191 : memref<!tpu.dma_semaphore, #tpu.memory_space<semaphore_mem>>)
        %dma_wait3A_204 = arith.constant 0 : i32
        %dma_wait3A_205 = arith.constant 0 : i32
        %dma_wait3A_206 = tpu.memref_slice %arg6[%run_scoped3A_135, %dma_wait3A_204, %dma_wait3A_205] : memref<2x64x128xf32, #tpu.memory_space<vmem>> -> memref<1x64x128xf32, #tpu.memory_space<vmem>>
        %dma_wait3A_207 = tpu.memref_squeeze %dma_wait3A_206 : memref<1x64x128xf32, #tpu.memory_space<vmem>> -> memref<64x128xf32, #tpu.memory_space<vmem>>
        %dma_wait3A_208 = arith.constant 0 : i32
        %dma_wait3A_209 = tpu.memref_slice %arg7[%add3A_134, %dma_wait3A_208] : memref<10112x128xf32, #tpu.memory_space<vmem_shared>> -> memref<64x128xf32, #tpu.memory_space<vmem_shared>>
        %dma_wait3A_210 = arith.constant 0 : i32
        %dma_wait3A_211 = arith.constant 0 : i32
        %dma_wait3A_212 = tpu.memref_slice %arg6[%run_scoped3A_135, %dma_wait3A_210, %dma_wait3A_211] : memref<2x64x128xf32, #tpu.memory_space<vmem>> -> memref<1x64x128xf32, #tpu.memory_space<vmem>>
        %dma_wait3A_213 = tpu.memref_squeeze %dma_wait3A_212 : memref<1x64x128xf32, #tpu.memory_space<vmem>> -> memref<64x128xf32, #tpu.memory_space<vmem>>
        %dma_wait3A_214 = arith.constant 0 : i32
        %dma_wait3A_215 = tpu.memref_slice %arg7[%add3A_134, %dma_wait3A_214] : memref<10112x128xf32, #tpu.memory_space<vmem_shared>> -> memref<64x128xf32, #tpu.memory_space<vmem_shared>>
        tpu.wait_dma2 semaphore(%run_scoped3A_191 : memref<!tpu.dma_semaphore, #tpu.memory_space<semaphore_mem>>) src(%dma_wait3A_215 : memref<64x128xf32, #tpu.memory_space<vmem_shared>>) dst(%dma_wait3A_213 : memref<64x128xf32, #tpu.memory_space<vmem>>)
        tpu.yield
      }) : () -> ()
      %run_scoped3A_136 = arith.constant 0 : i32
      "tpu.region"() ({
        %run_scoped3A_191 = tpu.sem_alloc : memref<!tpu.dma_semaphore, #tpu.memory_space<semaphore_mem>>
        %dma_start3A_192 = arith.constant 0 : i32
        %dma_start3A_193 = arith.constant 0 : i32
        %dma_start3A_194 = tpu.memref_slice %arg6[%run_scoped3A_136, %dma_start3A_192, %dma_start3A_193] : memref<2x64x128xf32, #tpu.memory_space<vmem>> -> memref<1x64x128xf32, #tpu.memory_space<vmem>>
        %dma_start3A_195 = tpu.memref_squeeze %dma_start3A_194 : memref<1x64x128xf32, #tpu.memory_space<vmem>> -> memref<64x128xf32, #tpu.memory_space<vmem>>
        %dma_start3A_196 = arith.constant 0 : i32
        %dma_start3A_197 = tpu.memref_slice %arg4[%arg0, %add3A_134, %dma_start3A_196] : memref<2x10000x128xf32, #tpu.memory_space<hbm>> -> memref<1x64x128xf32, #tpu.memory_space<hbm>>
        %dma_start3A_198 = tpu.memref_squeeze %dma_start3A_197 : memref<1x64x128xf32, #tpu.memory_space<hbm>> -> memref<64x128xf32, #tpu.memory_space<hbm>>
        %dma_start3A_199 = arith.constant 0 : i32
        %dma_start3A_200 = tpu.memref_slice %arg4[%arg0, %add3A_134, %dma_start3A_199] : memref<2x10000x128xf32, #tpu.memory_space<hbm>> -> memref<1x64x128xf32, #tpu.memory_space<hbm>>
        %dma_start3A_201 = tpu.memref_squeeze %dma_start3A_200 : memref<1x64x128xf32, #tpu.memory_space<hbm>> -> memref<64x128xf32, #tpu.memory_space<hbm>>
        %dma_start3A_202 = arith.constant 0 : i32
        %dma_start3A_203 = arith.constant 0 : i32
        %dma_start3A_204 = tpu.memref_slice %arg6[%run_scoped3A_136, %dma_start3A_202, %dma_start3A_203] : memref<2x64x128xf32, #tpu.memory_space<vmem>> -> memref<1x64x128xf32, #tpu.memory_space<vmem>>
        %dma_start3A_205 = tpu.memref_squeeze %dma_start3A_204 : memref<1x64x128xf32, #tpu.memory_space<vmem>> -> memref<64x128xf32, #tpu.memory_space<vmem>>
        tpu.enqueue_dma source(%dma_start3A_205 : memref<64x128xf32, #tpu.memory_space<vmem>>) target(%dma_start3A_201 : memref<64x128xf32, #tpu.memory_space<hbm>>) target_semaphore(%run_scoped3A_191 : memref<!tpu.dma_semaphore, #tpu.memory_space<semaphore_mem>>)
        %dma_wait3A_206 = arith.constant 0 : i32
        %dma_wait3A_207 = arith.constant 0 : i32
        %dma_wait3A_208 = tpu.memref_slice %arg6[%run_scoped3A_136, %dma_wait3A_206, %dma_wait3A_207] : memref<2x64x128xf32, #tpu.memory_space<vmem>> -> memref<1x64x128xf32, #tpu.memory_space<vmem>>
        %dma_wait3A_209 = tpu.memref_squeeze %dma_wait3A_208 : memref<1x64x128xf32, #tpu.memory_space<vmem>> -> memref<64x128xf32, #tpu.memory_space<vmem>>
        %dma_wait3A_210 = arith.constant 0 : i32
        %dma_wait3A_211 = tpu.memref_slice %arg4[%arg0, %add3A_134, %dma_wait3A_210] : memref<2x10000x128xf32, #tpu.memory_space<hbm>> -> memref<1x64x128xf32, #tpu.memory_space<hbm>>
        %dma_wait3A_212 = tpu.memref_squeeze %dma_wait3A_211 : memref<1x64x128xf32, #tpu.memory_space<hbm>> -> memref<64x128xf32, #tpu.memory_space<hbm>>
        %dma_wait3A_213 = arith.constant 0 : i32
        %dma_wait3A_214 = tpu.memref_slice %arg4[%arg0, %add3A_134, %dma_wait3A_213] : memref<2x10000x128xf32, #tpu.memory_space<hbm>> -> memref<1x64x128xf32, #tpu.memory_space<hbm>>
        %dma_wait3A_215 = tpu.memref_squeeze %dma_wait3A_214 : memref<1x64x128xf32, #tpu.memory_space<hbm>> -> memref<64x128xf32, #tpu.memory_space<hbm>>
        %dma_wait3A_216 = arith.constant 0 : i32
        %dma_wait3A_217 = arith.constant 0 : i32
        %dma_wait3A_218 = tpu.memref_slice %arg6[%run_scoped3A_136, %dma_wait3A_216, %dma_wait3A_217] : memref<2x64x128xf32, #tpu.memory_space<vmem>> -> memref<1x64x128xf32, #tpu.memory_space<vmem>>
        %dma_wait3A_219 = tpu.memref_squeeze %dma_wait3A_218 : memref<1x64x128xf32, #tpu.memory_space<vmem>> -> memref<64x128xf32, #tpu.memory_space<vmem>>
        tpu.wait_dma2 semaphore(%run_scoped3A_191 : memref<!tpu.dma_semaphore, #tpu.memory_space<semaphore_mem>>) src(%dma_wait3A_219 : memref<64x128xf32, #tpu.memory_space<vmem>>) dst(%dma_wait3A_215 : memref<64x128xf32, #tpu.memory_space<hbm>>)
        tpu.yield
      }) : () -> ()
      %mul3A_137 = arith.constant 624 : i32
      %mul3A_138 = arith.muli %arg1, %mul3A_137 : i32
      %add3A_139 = arith.constant 64 : i32
      %add3A_140 = arith.addi %mul3A_138, %add3A_139 : i32
      %run_scoped3A_141 = arith.constant 0 : i32
      "tpu.region"() ({
        %run_scoped3A_191 = tpu.sem_alloc : memref<!tpu.dma_semaphore, #tpu.memory_space<semaphore_mem>>
        %dma_start3A_192 = arith.constant 0 : i32
        %dma_start3A_193 = arith.constant 0 : i32
        %dma_start3A_194 = tpu.memref_slice %arg6[%run_scoped3A_141, %dma_start3A_192, %dma_start3A_193] : memref<2x64x128xf32, #tpu.memory_space<vmem>> -> memref<1x64x128xf32, #tpu.memory_space<vmem>>
        %dma_start3A_195 = tpu.memref_squeeze %dma_start3A_194 : memref<1x64x128xf32, #tpu.memory_space<vmem>> -> memref<64x128xf32, #tpu.memory_space<vmem>>
        %dma_start3A_196 = arith.constant 0 : i32
        %dma_start3A_197 = tpu.memref_slice %arg7[%add3A_140, %dma_start3A_196] : memref<10112x128xf32, #tpu.memory_space<vmem_shared>> -> memref<64x128xf32, #tpu.memory_space<vmem_shared>>
        %dma_start3A_198 = arith.constant 0 : i32
        %dma_start3A_199 = arith.constant 0 : i32
        %dma_start3A_200 = tpu.memref_slice %arg6[%run_scoped3A_141, %dma_start3A_198, %dma_start3A_199] : memref<2x64x128xf32, #tpu.memory_space<vmem>> -> memref<1x64x128xf32, #tpu.memory_space<vmem>>
        %dma_start3A_201 = tpu.memref_squeeze %dma_start3A_200 : memref<1x64x128xf32, #tpu.memory_space<vmem>> -> memref<64x128xf32, #tpu.memory_space<vmem>>
        %dma_start3A_202 = arith.constant 0 : i32
        %dma_start3A_203 = tpu.memref_slice %arg7[%add3A_140, %dma_start3A_202] : memref<10112x128xf32, #tpu.memory_space<vmem_shared>> -> memref<64x128xf32, #tpu.memory_space<vmem_shared>>
        tpu.enqueue_dma source(%dma_start3A_203 : memref<64x128xf32, #tpu.memory_space<vmem_shared>>) target(%dma_start3A_201 : memref<64x128xf32, #tpu.memory_space<vmem>>) target_semaphore(%run_scoped3A_191 : memref<!tpu.dma_semaphore, #tpu.memory_space<semaphore_mem>>)
        %dma_wait3A_204 = arith.constant 0 : i32
        %dma_wait3A_205 = arith.constant 0 : i32
        %dma_wait3A_206 = tpu.memref_slice %arg6[%run_scoped3A_141, %dma_wait3A_204, %dma_wait3A_205] : memref<2x64x128xf32, #tpu.memory_space<vmem>> -> memref<1x64x128xf32, #tpu.memory_space<vmem>>
        %dma_wait3A_207 = tpu.memref_squeeze %dma_wait3A_206 : memref<1x64x128xf32, #tpu.memory_space<vmem>> -> memref<64x128xf32, #tpu.memory_space<vmem>>
        %dma_wait3A_208 = arith.constant 0 : i32
        %dma_wait3A_209 = tpu.memref_slice %arg7[%add3A_140, %dma_wait3A_208] : memref<10112x128xf32, #tpu.memory_space<vmem_shared>> -> memref<64x128xf32, #tpu.memory_space<vmem_shared>>
        %dma_wait3A_210 = arith.constant 0 : i32
        %dma_wait3A_211 = arith.constant 0 : i32
        %dma_wait3A_212 = tpu.memref_slice %arg6[%run_scoped3A_141, %dma_wait3A_210, %dma_wait3A_211] : memref<2x64x128xf32, #tpu.memory_space<vmem>> -> memref<1x64x128xf32, #tpu.memory_space<vmem>>
        %dma_wait3A_213 = tpu.memref_squeeze %dma_wait3A_212 : memref<1x64x128xf32, #tpu.memory_space<vmem>> -> memref<64x128xf32, #tpu.memory_space<vmem>>
        %dma_wait3A_214 = arith.constant 0 : i32
        %dma_wait3A_215 = tpu.memref_slice %arg7[%add3A_140, %dma_wait3A_214] : memref<10112x128xf32, #tpu.memory_space<vmem_shared>> -> memref<64x128xf32, #tpu.memory_space<vmem_shared>>
        tpu.wait_dma2 semaphore(%run_scoped3A_191 : memref<!tpu.dma_semaphore, #tpu.memory_space<semaphore_mem>>) src(%dma_wait3A_215 : memref<64x128xf32, #tpu.memory_space<vmem_shared>>) dst(%dma_wait3A_213 : memref<64x128xf32, #tpu.memory_space<vmem>>)
        tpu.yield
      }) : () -> ()
      %run_scoped3A_142 = arith.constant 0 : i32
      "tpu.region"() ({
        %run_scoped3A_191 = tpu.sem_alloc : memref<!tpu.dma_semaphore, #tpu.memory_space<semaphore_mem>>
        %dma_start3A_192 = arith.constant 0 : i32
        %dma_start3A_193 = arith.constant 0 : i32
        %dma_start3A_194 = tpu.memref_slice %arg6[%run_scoped3A_142, %dma_start3A_192, %dma_start3A_193] : memref<2x64x128xf32, #tpu.memory_space<vmem>> -> memref<1x64x128xf32, #tpu.memory_space<vmem>>
        %dma_start3A_195 = tpu.memref_squeeze %dma_start3A_194 : memref<1x64x128xf32, #tpu.memory_space<vmem>> -> memref<64x128xf32, #tpu.memory_space<vmem>>
        %dma_start3A_196 = arith.constant 0 : i32
        %dma_start3A_197 = tpu.memref_slice %arg4[%arg0, %add3A_140, %dma_start3A_196] : memref<2x10000x128xf32, #tpu.memory_space<hbm>> -> memref<1x64x128xf32, #tpu.memory_space<hbm>>
        %dma_start3A_198 = tpu.memref_squeeze %dma_start3A_197 : memref<1x64x128xf32, #tpu.memory_space<hbm>> -> memref<64x128xf32, #tpu.memory_space<hbm>>
        %dma_start3A_199 = arith.constant 0 : i32
        %dma_start3A_200 = tpu.memref_slice %arg4[%arg0, %add3A_140, %dma_start3A_199] : memref<2x10000x128xf32, #tpu.memory_space<hbm>> -> memref<1x64x128xf32, #tpu.memory_space<hbm>>
        %dma_start3A_201 = tpu.memref_squeeze %dma_start3A_200 : memref<1x64x128xf32, #tpu.memory_space<hbm>> -> memref<64x128xf32, #tpu.memory_space<hbm>>
        %dma_start3A_202 = arith.constant 0 : i32
        %dma_start3A_203 = arith.constant 0 : i32
        %dma_start3A_204 = tpu.memref_slice %arg6[%run_scoped3A_142, %dma_start3A_202, %dma_start3A_203] : memref<2x64x128xf32, #tpu.memory_space<vmem>> -> memref<1x64x128xf32, #tpu.memory_space<vmem>>
        %dma_start3A_205 = tpu.memref_squeeze %dma_start3A_204 : memref<1x64x128xf32, #tpu.memory_space<vmem>> -> memref<64x128xf32, #tpu.memory_space<vmem>>
        tpu.enqueue_dma source(%dma_start3A_205 : memref<64x128xf32, #tpu.memory_space<vmem>>) target(%dma_start3A_201 : memref<64x128xf32, #tpu.memory_space<hbm>>) target_semaphore(%run_scoped3A_191 : memref<!tpu.dma_semaphore, #tpu.memory_space<semaphore_mem>>)
        %dma_wait3A_206 = arith.constant 0 : i32
        %dma_wait3A_207 = arith.constant 0 : i32
        %dma_wait3A_208 = tpu.memref_slice %arg6[%run_scoped3A_142, %dma_wait3A_206, %dma_wait3A_207] : memref<2x64x128xf32, #tpu.memory_space<vmem>> -> memref<1x64x128xf32, #tpu.memory_space<vmem>>
        %dma_wait3A_209 = tpu.memref_squeeze %dma_wait3A_208 : memref<1x64x128xf32, #tpu.memory_space<vmem>> -> memref<64x128xf32, #tpu.memory_space<vmem>>
        %dma_wait3A_210 = arith.constant 0 : i32
        %dma_wait3A_211 = tpu.memref_slice %arg4[%arg0, %add3A_140, %dma_wait3A_210] : memref<2x10000x128xf32, #tpu.memory_space<hbm>> -> memref<1x64x128xf32, #tpu.memory_space<hbm>>
        %dma_wait3A_212 = tpu.memref_squeeze %dma_wait3A_211 : memref<1x64x128xf32, #tpu.memory_space<hbm>> -> memref<64x128xf32, #tpu.memory_space<hbm>>
        %dma_wait3A_213 = arith.constant 0 : i32
        %dma_wait3A_214 = tpu.memref_slice %arg4[%arg0, %add3A_140, %dma_wait3A_213] : memref<2x10000x128xf32, #tpu.memory_space<hbm>> -> memref<1x64x128xf32, #tpu.memory_space<hbm>>
        %dma_wait3A_215 = tpu.memref_squeeze %dma_wait3A_214 : memref<1x64x128xf32, #tpu.memory_space<hbm>> -> memref<64x128xf32, #tpu.memory_space<hbm>>
        %dma_wait3A_216 = arith.constant 0 : i32
        %dma_wait3A_217 = arith.constant 0 : i32
        %dma_wait3A_218 = tpu.memref_slice %arg6[%run_scoped3A_142, %dma_wait3A_216, %dma_wait3A_217] : memref<2x64x128xf32, #tpu.memory_space<vmem>> -> memref<1x64x128xf32, #tpu.memory_space<vmem>>
        %dma_wait3A_219 = tpu.memref_squeeze %dma_wait3A_218 : memref<1x64x128xf32, #tpu.memory_space<vmem>> -> memref<64x128xf32, #tpu.memory_space<vmem>>
        tpu.wait_dma2 semaphore(%run_scoped3A_191 : memref<!tpu.dma_semaphore, #tpu.memory_space<semaphore_mem>>) src(%dma_wait3A_219 : memref<64x128xf32, #tpu.memory_space<vmem>>) dst(%dma_wait3A_215 : memref<64x128xf32, #tpu.memory_space<hbm>>)
        tpu.yield
      }) : () -> ()
      %mul3A_143 = arith.constant 624 : i32
      %mul3A_144 = arith.muli %arg1, %mul3A_143 : i32
      %add3A_145 = arith.constant 128 : i32
      %add3A_146 = arith.addi %mul3A_144, %add3A_145 : i32
      %run_scoped3A_147 = arith.constant 0 : i32
      "tpu.region"() ({
        %run_scoped3A_191 = tpu.sem_alloc : memref<!tpu.dma_semaphore, #tpu.memory_space<semaphore_mem>>
        %dma_start3A_192 = arith.constant 0 : i32
        %dma_start3A_193 = arith.constant 0 : i32
        %dma_start3A_194 = tpu.memref_slice %arg6[%run_scoped3A_147, %dma_start3A_192, %dma_start3A_193] : memref<2x64x128xf32, #tpu.memory_space<vmem>> -> memref<1x64x128xf32, #tpu.memory_space<vmem>>
        %dma_start3A_195 = tpu.memref_squeeze %dma_start3A_194 : memref<1x64x128xf32, #tpu.memory_space<vmem>> -> memref<64x128xf32, #tpu.memory_space<vmem>>
        %dma_start3A_196 = arith.constant 0 : i32
        %dma_start3A_197 = tpu.memref_slice %arg7[%add3A_146, %dma_start3A_196] : memref<10112x128xf32, #tpu.memory_space<vmem_shared>> -> memref<64x128xf32, #tpu.memory_space<vmem_shared>>
        %dma_start3A_198 = arith.constant 0 : i32
        %dma_start3A_199 = arith.constant 0 : i32
        %dma_start3A_200 = tpu.memref_slice %arg6[%run_scoped3A_147, %dma_start3A_198, %dma_start3A_199] : memref<2x64x128xf32, #tpu.memory_space<vmem>> -> memref<1x64x128xf32, #tpu.memory_space<vmem>>
        %dma_start3A_201 = tpu.memref_squeeze %dma_start3A_200 : memref<1x64x128xf32, #tpu.memory_space<vmem>> -> memref<64x128xf32, #tpu.memory_space<vmem>>
        %dma_start3A_202 = arith.constant 0 : i32
        %dma_start3A_203 = tpu.memref_slice %arg7[%add3A_146, %dma_start3A_202] : memref<10112x128xf32, #tpu.memory_space<vmem_shared>> -> memref<64x128xf32, #tpu.memory_space<vmem_shared>>
        tpu.enqueue_dma source(%dma_start3A_203 : memref<64x128xf32, #tpu.memory_space<vmem_shared>>) target(%dma_start3A_201 : memref<64x128xf32, #tpu.memory_space<vmem>>) target_semaphore(%run_scoped3A_191 : memref<!tpu.dma_semaphore, #tpu.memory_space<semaphore_mem>>)
        %dma_wait3A_204 = arith.constant 0 : i32
        %dma_wait3A_205 = arith.constant 0 : i32
        %dma_wait3A_206 = tpu.memref_slice %arg6[%run_scoped3A_147, %dma_wait3A_204, %dma_wait3A_205] : memref<2x64x128xf32, #tpu.memory_space<vmem>> -> memref<1x64x128xf32, #tpu.memory_space<vmem>>
        %dma_wait3A_207 = tpu.memref_squeeze %dma_wait3A_206 : memref<1x64x128xf32, #tpu.memory_space<vmem>> -> memref<64x128xf32, #tpu.memory_space<vmem>>
        %dma_wait3A_208 = arith.constant 0 : i32
        %dma_wait3A_209 = tpu.memref_slice %arg7[%add3A_146, %dma_wait3A_208] : memref<10112x128xf32, #tpu.memory_space<vmem_shared>> -> memref<64x128xf32, #tpu.memory_space<vmem_shared>>
        %dma_wait3A_210 = arith.constant 0 : i32
        %dma_wait3A_211 = arith.constant 0 : i32
        %dma_wait3A_212 = tpu.memref_slice %arg6[%run_scoped3A_147, %dma_wait3A_210, %dma_wait3A_211] : memref<2x64x128xf32, #tpu.memory_space<vmem>> -> memref<1x64x128xf32, #tpu.memory_space<vmem>>
        %dma_wait3A_213 = tpu.memref_squeeze %dma_wait3A_212 : memref<1x64x128xf32, #tpu.memory_space<vmem>> -> memref<64x128xf32, #tpu.memory_space<vmem>>
        %dma_wait3A_214 = arith.constant 0 : i32
        %dma_wait3A_215 = tpu.memref_slice %arg7[%add3A_146, %dma_wait3A_214] : memref<10112x128xf32, #tpu.memory_space<vmem_shared>> -> memref<64x128xf32, #tpu.memory_space<vmem_shared>>
        tpu.wait_dma2 semaphore(%run_scoped3A_191 : memref<!tpu.dma_semaphore, #tpu.memory_space<semaphore_mem>>) src(%dma_wait3A_215 : memref<64x128xf32, #tpu.memory_space<vmem_shared>>) dst(%dma_wait3A_213 : memref<64x128xf32, #tpu.memory_space<vmem>>)
        tpu.yield
      }) : () -> ()
      %run_scoped3A_148 = arith.constant 0 : i32
      "tpu.region"() ({
        %run_scoped3A_191 = tpu.sem_alloc : memref<!tpu.dma_semaphore, #tpu.memory_space<semaphore_mem>>
        %dma_start3A_192 = arith.constant 0 : i32
        %dma_start3A_193 = arith.constant 0 : i32
        %dma_start3A_194 = tpu.memref_slice %arg6[%run_scoped3A_148, %dma_start3A_192, %dma_start3A_193] : memref<2x64x128xf32, #tpu.memory_space<vmem>> -> memref<1x64x128xf32, #tpu.memory_space<vmem>>
        %dma_start3A_195 = tpu.memref_squeeze %dma_start3A_194 : memref<1x64x128xf32, #tpu.memory_space<vmem>> -> memref<64x128xf32, #tpu.memory_space<vmem>>
        %dma_start3A_196 = arith.constant 0 : i32
        %dma_start3A_197 = tpu.memref_slice %arg4[%arg0, %add3A_146, %dma_start3A_196] : memref<2x10000x128xf32, #tpu.memory_space<hbm>> -> memref<1x64x128xf32, #tpu.memory_space<hbm>>
        %dma_start3A_198 = tpu.memref_squeeze %dma_start3A_197 : memref<1x64x128xf32, #tpu.memory_space<hbm>> -> memref<64x128xf32, #tpu.memory_space<hbm>>
        %dma_start3A_199 = arith.constant 0 : i32
        %dma_start3A_200 = tpu.memref_slice %arg4[%arg0, %add3A_146, %dma_start3A_199] : memref<2x10000x128xf32, #tpu.memory_space<hbm>> -> memref<1x64x128xf32, #tpu.memory_space<hbm>>
        %dma_start3A_201 = tpu.memref_squeeze %dma_start3A_200 : memref<1x64x128xf32, #tpu.memory_space<hbm>> -> memref<64x128xf32, #tpu.memory_space<hbm>>
        %dma_start3A_202 = arith.constant 0 : i32
        %dma_start3A_203 = arith.constant 0 : i32
        %dma_start3A_204 = tpu.memref_slice %arg6[%run_scoped3A_148, %dma_start3A_202, %dma_start3A_203] : memref<2x64x128xf32, #tpu.memory_space<vmem>> -> memref<1x64x128xf32, #tpu.memory_space<vmem>>
        %dma_start3A_205 = tpu.memref_squeeze %dma_start3A_204 : memref<1x64x128xf32, #tpu.memory_space<vmem>> -> memref<64x128xf32, #tpu.memory_space<vmem>>
        tpu.enqueue_dma source(%dma_start3A_205 : memref<64x128xf32, #tpu.memory_space<vmem>>) target(%dma_start3A_201 : memref<64x128xf32, #tpu.memory_space<hbm>>) target_semaphore(%run_scoped3A_191 : memref<!tpu.dma_semaphore, #tpu.memory_space<semaphore_mem>>)
        %dma_wait3A_206 = arith.constant 0 : i32
        %dma_wait3A_207 = arith.constant 0 : i32
        %dma_wait3A_208 = tpu.memref_slice %arg6[%run_scoped3A_148, %dma_wait3A_206, %dma_wait3A_207] : memref<2x64x128xf32, #tpu.memory_space<vmem>> -> memref<1x64x128xf32, #tpu.memory_space<vmem>>
        %dma_wait3A_209 = tpu.memref_squeeze %dma_wait3A_208 : memref<1x64x128xf32, #tpu.memory_space<vmem>> -> memref<64x128xf32, #tpu.memory_space<vmem>>
        %dma_wait3A_210 = arith.constant 0 : i32
        %dma_wait3A_211 = tpu.memref_slice %arg4[%arg0, %add3A_146, %dma_wait3A_210] : memref<2x10000x128xf32, #tpu.memory_space<hbm>> -> memref<1x64x128xf32, #tpu.memory_space<hbm>>
        %dma_wait3A_212 = tpu.memref_squeeze %dma_wait3A_211 : memref<1x64x128xf32, #tpu.memory_space<hbm>> -> memref<64x128xf32, #tpu.memory_space<hbm>>
        %dma_wait3A_213 = arith.constant 0 : i32
        %dma_wait3A_214 = tpu.memref_slice %arg4[%arg0, %add3A_146, %dma_wait3A_213] : memref<2x10000x128xf32, #tpu.memory_space<hbm>> -> memref<1x64x128xf32, #tpu.memory_space<hbm>>
        %dma_wait3A_215 = tpu.memref_squeeze %dma_wait3A_214 : memref<1x64x128xf32, #tpu.memory_space<hbm>> -> memref<64x128xf32, #tpu.memory_space<hbm>>
        %dma_wait3A_216 = arith.constant 0 : i32
        %dma_wait3A_217 = arith.constant 0 : i32
        %dma_wait3A_218 = tpu.memref_slice %arg6[%run_scoped3A_148, %dma_wait3A_216, %dma_wait3A_217] : memref<2x64x128xf32, #tpu.memory_space<vmem>> -> memref<1x64x128xf32, #tpu.memory_space<vmem>>
        %dma_wait3A_219 = tpu.memref_squeeze %dma_wait3A_218 : memref<1x64x128xf32, #tpu.memory_space<vmem>> -> memref<64x128xf32, #tpu.memory_space<vmem>>
        tpu.wait_dma2 semaphore(%run_scoped3A_191 : memref<!tpu.dma_semaphore, #tpu.memory_space<semaphore_mem>>) src(%dma_wait3A_219 : memref<64x128xf32, #tpu.memory_space<vmem>>) dst(%dma_wait3A_215 : memref<64x128xf32, #tpu.memory_space<hbm>>)
        tpu.yield
      }) : () -> ()
      %mul3A_149 = arith.constant 624 : i32
      %mul3A_150 = arith.muli %arg1, %mul3A_149 : i32
      %add3A_151 = arith.constant 192 : i32
      %add3A_152 = arith.addi %mul3A_150, %add3A_151 : i32
      %run_scoped3A_153 = arith.constant 0 : i32
      "tpu.region"() ({
        %run_scoped3A_191 = tpu.sem_alloc : memref<!tpu.dma_semaphore, #tpu.memory_space<semaphore_mem>>
        %dma_start3A_192 = arith.constant 0 : i32
        %dma_start3A_193 = arith.constant 0 : i32
        %dma_start3A_194 = tpu.memref_slice %arg6[%run_scoped3A_153, %dma_start3A_192, %dma_start3A_193] : memref<2x64x128xf32, #tpu.memory_space<vmem>> -> memref<1x64x128xf32, #tpu.memory_space<vmem>>
        %dma_start3A_195 = tpu.memref_squeeze %dma_start3A_194 : memref<1x64x128xf32, #tpu.memory_space<vmem>> -> memref<64x128xf32, #tpu.memory_space<vmem>>
        %dma_start3A_196 = arith.constant 0 : i32
        %dma_start3A_197 = tpu.memref_slice %arg7[%add3A_152, %dma_start3A_196] : memref<10112x128xf32, #tpu.memory_space<vmem_shared>> -> memref<64x128xf32, #tpu.memory_space<vmem_shared>>
        %dma_start3A_198 = arith.constant 0 : i32
        %dma_start3A_199 = arith.constant 0 : i32
        %dma_start3A_200 = tpu.memref_slice %arg6[%run_scoped3A_153, %dma_start3A_198, %dma_start3A_199] : memref<2x64x128xf32, #tpu.memory_space<vmem>> -> memref<1x64x128xf32, #tpu.memory_space<vmem>>
        %dma_start3A_201 = tpu.memref_squeeze %dma_start3A_200 : memref<1x64x128xf32, #tpu.memory_space<vmem>> -> memref<64x128xf32, #tpu.memory_space<vmem>>
        %dma_start3A_202 = arith.constant 0 : i32
        %dma_start3A_203 = tpu.memref_slice %arg7[%add3A_152, %dma_start3A_202] : memref<10112x128xf32, #tpu.memory_space<vmem_shared>> -> memref<64x128xf32, #tpu.memory_space<vmem_shared>>
        tpu.enqueue_dma source(%dma_start3A_203 : memref<64x128xf32, #tpu.memory_space<vmem_shared>>) target(%dma_start3A_201 : memref<64x128xf32, #tpu.memory_space<vmem>>) target_semaphore(%run_scoped3A_191 : memref<!tpu.dma_semaphore, #tpu.memory_space<semaphore_mem>>)
        %dma_wait3A_204 = arith.constant 0 : i32
        %dma_wait3A_205 = arith.constant 0 : i32
        %dma_wait3A_206 = tpu.memref_slice %arg6[%run_scoped3A_153, %dma_wait3A_204, %dma_wait3A_205] : memref<2x64x128xf32, #tpu.memory_space<vmem>> -> memref<1x64x128xf32, #tpu.memory_space<vmem>>
        %dma_wait3A_207 = tpu.memref_squeeze %dma_wait3A_206 : memref<1x64x128xf32, #tpu.memory_space<vmem>> -> memref<64x128xf32, #tpu.memory_space<vmem>>
        %dma_wait3A_208 = arith.constant 0 : i32
        %dma_wait3A_209 = tpu.memref_slice %arg7[%add3A_152, %dma_wait3A_208] : memref<10112x128xf32, #tpu.memory_space<vmem_shared>> -> memref<64x128xf32, #tpu.memory_space<vmem_shared>>
        %dma_wait3A_210 = arith.constant 0 : i32
        %dma_wait3A_211 = arith.constant 0 : i32
        %dma_wait3A_212 = tpu.memref_slice %arg6[%run_scoped3A_153, %dma_wait3A_210, %dma_wait3A_211] : memref<2x64x128xf32, #tpu.memory_space<vmem>> -> memref<1x64x128xf32, #tpu.memory_space<vmem>>
        %dma_wait3A_213 = tpu.memref_squeeze %dma_wait3A_212 : memref<1x64x128xf32, #tpu.memory_space<vmem>> -> memref<64x128xf32, #tpu.memory_space<vmem>>
        %dma_wait3A_214 = arith.constant 0 : i32
        %dma_wait3A_215 = tpu.memref_slice %arg7[%add3A_152, %dma_wait3A_214] : memref<10112x128xf32, #tpu.memory_space<vmem_shared>> -> memref<64x128xf32, #tpu.memory_space<vmem_shared>>
        tpu.wait_dma2 semaphore(%run_scoped3A_191 : memref<!tpu.dma_semaphore, #tpu.memory_space<semaphore_mem>>) src(%dma_wait3A_215 : memref<64x128xf32, #tpu.memory_space<vmem_shared>>) dst(%dma_wait3A_213 : memref<64x128xf32, #tpu.memory_space<vmem>>)
        tpu.yield
      }) : () -> ()
      %run_scoped3A_154 = arith.constant 0 : i32
      "tpu.region"() ({
        %run_scoped3A_191 = tpu.sem_alloc : memref<!tpu.dma_semaphore, #tpu.memory_space<semaphore_mem>>
        %dma_start3A_192 = arith.constant 0 : i32
        %dma_start3A_193 = arith.constant 0 : i32
        %dma_start3A_194 = tpu.memref_slice %arg6[%run_scoped3A_154, %dma_start3A_192, %dma_start3A_193] : memref<2x64x128xf32, #tpu.memory_space<vmem>> -> memref<1x64x128xf32, #tpu.memory_space<vmem>>
        %dma_start3A_195 = tpu.memref_squeeze %dma_start3A_194 : memref<1x64x128xf32, #tpu.memory_space<vmem>> -> memref<64x128xf32, #tpu.memory_space<vmem>>
        %dma_start3A_196 = arith.constant 0 : i32
        %dma_start3A_197 = tpu.memref_slice %arg4[%arg0, %add3A_152, %dma_start3A_196] : memref<2x10000x128xf32, #tpu.memory_space<hbm>> -> memref<1x64x128xf32, #tpu.memory_space<hbm>>
        %dma_start3A_198 = tpu.memref_squeeze %dma_start3A_197 : memref<1x64x128xf32, #tpu.memory_space<hbm>> -> memref<64x128xf32, #tpu.memory_space<hbm>>
        %dma_start3A_199 = arith.constant 0 : i32
        %dma_start3A_200 = tpu.memref_slice %arg4[%arg0, %add3A_152, %dma_start3A_199] : memref<2x10000x128xf32, #tpu.memory_space<hbm>> -> memref<1x64x128xf32, #tpu.memory_space<hbm>>
        %dma_start3A_201 = tpu.memref_squeeze %dma_start3A_200 : memref<1x64x128xf32, #tpu.memory_space<hbm>> -> memref<64x128xf32, #tpu.memory_space<hbm>>
        %dma_start3A_202 = arith.constant 0 : i32
        %dma_start3A_203 = arith.constant 0 : i32
        %dma_start3A_204 = tpu.memref_slice %arg6[%run_scoped3A_154, %dma_start3A_202, %dma_start3A_203] : memref<2x64x128xf32, #tpu.memory_space<vmem>> -> memref<1x64x128xf32, #tpu.memory_space<vmem>>
        %dma_start3A_205 = tpu.memref_squeeze %dma_start3A_204 : memref<1x64x128xf32, #tpu.memory_space<vmem>> -> memref<64x128xf32, #tpu.memory_space<vmem>>
        tpu.enqueue_dma source(%dma_start3A_205 : memref<64x128xf32, #tpu.memory_space<vmem>>) target(%dma_start3A_201 : memref<64x128xf32, #tpu.memory_space<hbm>>) target_semaphore(%run_scoped3A_191 : memref<!tpu.dma_semaphore, #tpu.memory_space<semaphore_mem>>)
        %dma_wait3A_206 = arith.constant 0 : i32
        %dma_wait3A_207 = arith.constant 0 : i32
        %dma_wait3A_208 = tpu.memref_slice %arg6[%run_scoped3A_154, %dma_wait3A_206, %dma_wait3A_207] : memref<2x64x128xf32, #tpu.memory_space<vmem>> -> memref<1x64x128xf32, #tpu.memory_space<vmem>>
        %dma_wait3A_209 = tpu.memref_squeeze %dma_wait3A_208 : memref<1x64x128xf32, #tpu.memory_space<vmem>> -> memref<64x128xf32, #tpu.memory_space<vmem>>
        %dma_wait3A_210 = arith.constant 0 : i32
        %dma_wait3A_211 = tpu.memref_slice %arg4[%arg0, %add3A_152, %dma_wait3A_210] : memref<2x10000x128xf32, #tpu.memory_space<hbm>> -> memref<1x64x128xf32, #tpu.memory_space<hbm>>
        %dma_wait3A_212 = tpu.memref_squeeze %dma_wait3A_211 : memref<1x64x128xf32, #tpu.memory_space<hbm>> -> memref<64x128xf32, #tpu.memory_space<hbm>>
        %dma_wait3A_213 = arith.constant 0 : i32
        %dma_wait3A_214 = tpu.memref_slice %arg4[%arg0, %add3A_152, %dma_wait3A_213] : memref<2x10000x128xf32, #tpu.memory_space<hbm>> -> memref<1x64x128xf32, #tpu.memory_space<hbm>>
        %dma_wait3A_215 = tpu.memref_squeeze %dma_wait3A_214 : memref<1x64x128xf32, #tpu.memory_space<hbm>> -> memref<64x128xf32, #tpu.memory_space<hbm>>
        %dma_wait3A_216 = arith.constant 0 : i32
        %dma_wait3A_217 = arith.constant 0 : i32
        %dma_wait3A_218 = tpu.memref_slice %arg6[%run_scoped3A_154, %dma_wait3A_216, %dma_wait3A_217] : memref<2x64x128xf32, #tpu.memory_space<vmem>> -> memref<1x64x128xf32, #tpu.memory_space<vmem>>
        %dma_wait3A_219 = tpu.memref_squeeze %dma_wait3A_218 : memref<1x64x128xf32, #tpu.memory_space<vmem>> -> memref<64x128xf32, #tpu.memory_space<vmem>>
        tpu.wait_dma2 semaphore(%run_scoped3A_191 : memref<!tpu.dma_semaphore, #tpu.memory_space<semaphore_mem>>) src(%dma_wait3A_219 : memref<64x128xf32, #tpu.memory_space<vmem>>) dst(%dma_wait3A_215 : memref<64x128xf32, #tpu.memory_space<hbm>>)
        tpu.yield
      }) : () -> ()
      %mul3A_155 = arith.constant 624 : i32
      %mul3A_156 = arith.muli %arg1, %mul3A_155 : i32
      %add3A_157 = arith.constant 256 : i32
      %add3A_158 = arith.addi %mul3A_156, %add3A_157 : i32
      %run_scoped3A_159 = arith.constant 0 : i32
      "tpu.region"() ({
        %run_scoped3A_191 = tpu.sem_alloc : memref<!tpu.dma_semaphore, #tpu.memory_space<semaphore_mem>>
        %dma_start3A_192 = arith.constant 0 : i32
        %dma_start3A_193 = arith.constant 0 : i32
        %dma_start3A_194 = tpu.memref_slice %arg6[%run_scoped3A_159, %dma_start3A_192, %dma_start3A_193] : memref<2x64x128xf32, #tpu.memory_space<vmem>> -> memref<1x64x128xf32, #tpu.memory_space<vmem>>
        %dma_start3A_195 = tpu.memref_squeeze %dma_start3A_194 : memref<1x64x128xf32, #tpu.memory_space<vmem>> -> memref<64x128xf32, #tpu.memory_space<vmem>>
        %dma_start3A_196 = arith.constant 0 : i32
        %dma_start3A_197 = tpu.memref_slice %arg7[%add3A_158, %dma_start3A_196] : memref<10112x128xf32, #tpu.memory_space<vmem_shared>> -> memref<64x128xf32, #tpu.memory_space<vmem_shared>>
        %dma_start3A_198 = arith.constant 0 : i32
        %dma_start3A_199 = arith.constant 0 : i32
        %dma_start3A_200 = tpu.memref_slice %arg6[%run_scoped3A_159, %dma_start3A_198, %dma_start3A_199] : memref<2x64x128xf32, #tpu.memory_space<vmem>> -> memref<1x64x128xf32, #tpu.memory_space<vmem>>
        %dma_start3A_201 = tpu.memref_squeeze %dma_start3A_200 : memref<1x64x128xf32, #tpu.memory_space<vmem>> -> memref<64x128xf32, #tpu.memory_space<vmem>>
        %dma_start3A_202 = arith.constant 0 : i32
        %dma_start3A_203 = tpu.memref_slice %arg7[%add3A_158, %dma_start3A_202] : memref<10112x128xf32, #tpu.memory_space<vmem_shared>> -> memref<64x128xf32, #tpu.memory_space<vmem_shared>>
        tpu.enqueue_dma source(%dma_start3A_203 : memref<64x128xf32, #tpu.memory_space<vmem_shared>>) target(%dma_start3A_201 : memref<64x128xf32, #tpu.memory_space<vmem>>) target_semaphore(%run_scoped3A_191 : memref<!tpu.dma_semaphore, #tpu.memory_space<semaphore_mem>>)
        %dma_wait3A_204 = arith.constant 0 : i32
        %dma_wait3A_205 = arith.constant 0 : i32
        %dma_wait3A_206 = tpu.memref_slice %arg6[%run_scoped3A_159, %dma_wait3A_204, %dma_wait3A_205] : memref<2x64x128xf32, #tpu.memory_space<vmem>> -> memref<1x64x128xf32, #tpu.memory_space<vmem>>
        %dma_wait3A_207 = tpu.memref_squeeze %dma_wait3A_206 : memref<1x64x128xf32, #tpu.memory_space<vmem>> -> memref<64x128xf32, #tpu.memory_space<vmem>>
        %dma_wait3A_208 = arith.constant 0 : i32
        %dma_wait3A_209 = tpu.memref_slice %arg7[%add3A_158, %dma_wait3A_208] : memref<10112x128xf32, #tpu.memory_space<vmem_shared>> -> memref<64x128xf32, #tpu.memory_space<vmem_shared>>
        %dma_wait3A_210 = arith.constant 0 : i32
        %dma_wait3A_211 = arith.constant 0 : i32
        %dma_wait3A_212 = tpu.memref_slice %arg6[%run_scoped3A_159, %dma_wait3A_210, %dma_wait3A_211] : memref<2x64x128xf32, #tpu.memory_space<vmem>> -> memref<1x64x128xf32, #tpu.memory_space<vmem>>
        %dma_wait3A_213 = tpu.memref_squeeze %dma_wait3A_212 : memref<1x64x128xf32, #tpu.memory_space<vmem>> -> memref<64x128xf32, #tpu.memory_space<vmem>>
        %dma_wait3A_214 = arith.constant 0 : i32
        %dma_wait3A_215 = tpu.memref_slice %arg7[%add3A_158, %dma_wait3A_214] : memref<10112x128xf32, #tpu.memory_space<vmem_shared>> -> memref<64x128xf32, #tpu.memory_space<vmem_shared>>
        tpu.wait_dma2 semaphore(%run_scoped3A_191 : memref<!tpu.dma_semaphore, #tpu.memory_space<semaphore_mem>>) src(%dma_wait3A_215 : memref<64x128xf32, #tpu.memory_space<vmem_shared>>) dst(%dma_wait3A_213 : memref<64x128xf32, #tpu.memory_space<vmem>>)
        tpu.yield
      }) : () -> ()
      %run_scoped3A_160 = arith.constant 0 : i32
      "tpu.region"() ({
        %run_scoped3A_191 = tpu.sem_alloc : memref<!tpu.dma_semaphore, #tpu.memory_space<semaphore_mem>>
        %dma_start3A_192 = arith.constant 0 : i32
        %dma_start3A_193 = arith.constant 0 : i32
        %dma_start3A_194 = tpu.memref_slice %arg6[%run_scoped3A_160, %dma_start3A_192, %dma_start3A_193] : memref<2x64x128xf32, #tpu.memory_space<vmem>> -> memref<1x64x128xf32, #tpu.memory_space<vmem>>
        %dma_start3A_195 = tpu.memref_squeeze %dma_start3A_194 : memref<1x64x128xf32, #tpu.memory_space<vmem>> -> memref<64x128xf32, #tpu.memory_space<vmem>>
        %dma_start3A_196 = arith.constant 0 : i32
        %dma_start3A_197 = tpu.memref_slice %arg4[%arg0, %add3A_158, %dma_start3A_196] : memref<2x10000x128xf32, #tpu.memory_space<hbm>> -> memref<1x64x128xf32, #tpu.memory_space<hbm>>
        %dma_start3A_198 = tpu.memref_squeeze %dma_start3A_197 : memref<1x64x128xf32, #tpu.memory_space<hbm>> -> memref<64x128xf32, #tpu.memory_space<hbm>>
        %dma_start3A_199 = arith.constant 0 : i32
        %dma_start3A_200 = tpu.memref_slice %arg4[%arg0, %add3A_158, %dma_start3A_199] : memref<2x10000x128xf32, #tpu.memory_space<hbm>> -> memref<1x64x128xf32, #tpu.memory_space<hbm>>
        %dma_start3A_201 = tpu.memref_squeeze %dma_start3A_200 : memref<1x64x128xf32, #tpu.memory_space<hbm>> -> memref<64x128xf32, #tpu.memory_space<hbm>>
        %dma_start3A_202 = arith.constant 0 : i32
        %dma_start3A_203 = arith.constant 0 : i32
        %dma_start3A_204 = tpu.memref_slice %arg6[%run_scoped3A_160, %dma_start3A_202, %dma_start3A_203] : memref<2x64x128xf32, #tpu.memory_space<vmem>> -> memref<1x64x128xf32, #tpu.memory_space<vmem>>
        %dma_start3A_205 = tpu.memref_squeeze %dma_start3A_204 : memref<1x64x128xf32, #tpu.memory_space<vmem>> -> memref<64x128xf32, #tpu.memory_space<vmem>>
        tpu.enqueue_dma source(%dma_start3A_205 : memref<64x128xf32, #tpu.memory_space<vmem>>) target(%dma_start3A_201 : memref<64x128xf32, #tpu.memory_space<hbm>>) target_semaphore(%run_scoped3A_191 : memref<!tpu.dma_semaphore, #tpu.memory_space<semaphore_mem>>)
        %dma_wait3A_206 = arith.constant 0 : i32
        %dma_wait3A_207 = arith.constant 0 : i32
        %dma_wait3A_208 = tpu.memref_slice %arg6[%run_scoped3A_160, %dma_wait3A_206, %dma_wait3A_207] : memref<2x64x128xf32, #tpu.memory_space<vmem>> -> memref<1x64x128xf32, #tpu.memory_space<vmem>>
        %dma_wait3A_209 = tpu.memref_squeeze %dma_wait3A_208 : memref<1x64x128xf32, #tpu.memory_space<vmem>> -> memref<64x128xf32, #tpu.memory_space<vmem>>
        %dma_wait3A_210 = arith.constant 0 : i32
        %dma_wait3A_211 = tpu.memref_slice %arg4[%arg0, %add3A_158, %dma_wait3A_210] : memref<2x10000x128xf32, #tpu.memory_space<hbm>> -> memref<1x64x128xf32, #tpu.memory_space<hbm>>
        %dma_wait3A_212 = tpu.memref_squeeze %dma_wait3A_211 : memref<1x64x128xf32, #tpu.memory_space<hbm>> -> memref<64x128xf32, #tpu.memory_space<hbm>>
        %dma_wait3A_213 = arith.constant 0 : i32
        %dma_wait3A_214 = tpu.memref_slice %arg4[%arg0, %add3A_158, %dma_wait3A_213] : memref<2x10000x128xf32, #tpu.memory_space<hbm>> -> memref<1x64x128xf32, #tpu.memory_space<hbm>>
        %dma_wait3A_215 = tpu.memref_squeeze %dma_wait3A_214 : memref<1x64x128xf32, #tpu.memory_space<hbm>> -> memref<64x128xf32, #tpu.memory_space<hbm>>
        %dma_wait3A_216 = arith.constant 0 : i32
        %dma_wait3A_217 = arith.constant 0 : i32
        %dma_wait3A_218 = tpu.memref_slice %arg6[%run_scoped3A_160, %dma_wait3A_216, %dma_wait3A_217] : memref<2x64x128xf32, #tpu.memory_space<vmem>> -> memref<1x64x128xf32, #tpu.memory_space<vmem>>
        %dma_wait3A_219 = tpu.memref_squeeze %dma_wait3A_218 : memref<1x64x128xf32, #tpu.memory_space<vmem>> -> memref<64x128xf32, #tpu.memory_space<vmem>>
        tpu.wait_dma2 semaphore(%run_scoped3A_191 : memref<!tpu.dma_semaphore, #tpu.memory_space<semaphore_mem>>) src(%dma_wait3A_219 : memref<64x128xf32, #tpu.memory_space<vmem>>) dst(%dma_wait3A_215 : memref<64x128xf32, #tpu.memory_space<hbm>>)
        tpu.yield
      }) : () -> ()
      %mul3A_161 = arith.constant 624 : i32
      %mul3A_162 = arith.muli %arg1, %mul3A_161 : i32
      %add3A_163 = arith.constant 320 : i32
      %add3A_164 = arith.addi %mul3A_162, %add3A_163 : i32
      %run_scoped3A_165 = arith.constant 0 : i32
      "tpu.region"() ({
        %run_scoped3A_191 = tpu.sem_alloc : memref<!tpu.dma_semaphore, #tpu.memory_space<semaphore_mem>>
        %dma_start3A_192 = arith.constant 0 : i32
        %dma_start3A_193 = arith.constant 0 : i32
        %dma_start3A_194 = tpu.memref_slice %arg6[%run_scoped3A_165, %dma_start3A_192, %dma_start3A_193] : memref<2x64x128xf32, #tpu.memory_space<vmem>> -> memref<1x64x128xf32, #tpu.memory_space<vmem>>
        %dma_start3A_195 = tpu.memref_squeeze %dma_start3A_194 : memref<1x64x128xf32, #tpu.memory_space<vmem>> -> memref<64x128xf32, #tpu.memory_space<vmem>>
        %dma_start3A_196 = arith.constant 0 : i32
        %dma_start3A_197 = tpu.memref_slice %arg7[%add3A_164, %dma_start3A_196] : memref<10112x128xf32, #tpu.memory_space<vmem_shared>> -> memref<64x128xf32, #tpu.memory_space<vmem_shared>>
        %dma_start3A_198 = arith.constant 0 : i32
        %dma_start3A_199 = arith.constant 0 : i32
        %dma_start3A_200 = tpu.memref_slice %arg6[%run_scoped3A_165, %dma_start3A_198, %dma_start3A_199] : memref<2x64x128xf32, #tpu.memory_space<vmem>> -> memref<1x64x128xf32, #tpu.memory_space<vmem>>
        %dma_start3A_201 = tpu.memref_squeeze %dma_start3A_200 : memref<1x64x128xf32, #tpu.memory_space<vmem>> -> memref<64x128xf32, #tpu.memory_space<vmem>>
        %dma_start3A_202 = arith.constant 0 : i32
        %dma_start3A_203 = tpu.memref_slice %arg7[%add3A_164, %dma_start3A_202] : memref<10112x128xf32, #tpu.memory_space<vmem_shared>> -> memref<64x128xf32, #tpu.memory_space<vmem_shared>>
        tpu.enqueue_dma source(%dma_start3A_203 : memref<64x128xf32, #tpu.memory_space<vmem_shared>>) target(%dma_start3A_201 : memref<64x128xf32, #tpu.memory_space<vmem>>) target_semaphore(%run_scoped3A_191 : memref<!tpu.dma_semaphore, #tpu.memory_space<semaphore_mem>>)
        %dma_wait3A_204 = arith.constant 0 : i32
        %dma_wait3A_205 = arith.constant 0 : i32
        %dma_wait3A_206 = tpu.memref_slice %arg6[%run_scoped3A_165, %dma_wait3A_204, %dma_wait3A_205] : memref<2x64x128xf32, #tpu.memory_space<vmem>> -> memref<1x64x128xf32, #tpu.memory_space<vmem>>
        %dma_wait3A_207 = tpu.memref_squeeze %dma_wait3A_206 : memref<1x64x128xf32, #tpu.memory_space<vmem>> -> memref<64x128xf32, #tpu.memory_space<vmem>>
        %dma_wait3A_208 = arith.constant 0 : i32
        %dma_wait3A_209 = tpu.memref_slice %arg7[%add3A_164, %dma_wait3A_208] : memref<10112x128xf32, #tpu.memory_space<vmem_shared>> -> memref<64x128xf32, #tpu.memory_space<vmem_shared>>
        %dma_wait3A_210 = arith.constant 0 : i32
        %dma_wait3A_211 = arith.constant 0 : i32
        %dma_wait3A_212 = tpu.memref_slice %arg6[%run_scoped3A_165, %dma_wait3A_210, %dma_wait3A_211] : memref<2x64x128xf32, #tpu.memory_space<vmem>> -> memref<1x64x128xf32, #tpu.memory_space<vmem>>
        %dma_wait3A_213 = tpu.memref_squeeze %dma_wait3A_212 : memref<1x64x128xf32, #tpu.memory_space<vmem>> -> memref<64x128xf32, #tpu.memory_space<vmem>>
        %dma_wait3A_214 = arith.constant 0 : i32
        %dma_wait3A_215 = tpu.memref_slice %arg7[%add3A_164, %dma_wait3A_214] : memref<10112x128xf32, #tpu.memory_space<vmem_shared>> -> memref<64x128xf32, #tpu.memory_space<vmem_shared>>
        tpu.wait_dma2 semaphore(%run_scoped3A_191 : memref<!tpu.dma_semaphore, #tpu.memory_space<semaphore_mem>>) src(%dma_wait3A_215 : memref<64x128xf32, #tpu.memory_space<vmem_shared>>) dst(%dma_wait3A_213 : memref<64x128xf32, #tpu.memory_space<vmem>>)
        tpu.yield
      }) : () -> ()
      %run_scoped3A_166 = arith.constant 0 : i32
      "tpu.region"() ({
        %run_scoped3A_191 = tpu.sem_alloc : memref<!tpu.dma_semaphore, #tpu.memory_space<semaphore_mem>>
        %dma_start3A_192 = arith.constant 0 : i32
        %dma_start3A_193 = arith.constant 0 : i32
        %dma_start3A_194 = tpu.memref_slice %arg6[%run_scoped3A_166, %dma_start3A_192, %dma_start3A_193] : memref<2x64x128xf32, #tpu.memory_space<vmem>> -> memref<1x64x128xf32, #tpu.memory_space<vmem>>
        %dma_start3A_195 = tpu.memref_squeeze %dma_start3A_194 : memref<1x64x128xf32, #tpu.memory_space<vmem>> -> memref<64x128xf32, #tpu.memory_space<vmem>>
        %dma_start3A_196 = arith.constant 0 : i32
        %dma_start3A_197 = tpu.memref_slice %arg4[%arg0, %add3A_164, %dma_start3A_196] : memref<2x10000x128xf32, #tpu.memory_space<hbm>> -> memref<1x64x128xf32, #tpu.memory_space<hbm>>
        %dma_start3A_198 = tpu.memref_squeeze %dma_start3A_197 : memref<1x64x128xf32, #tpu.memory_space<hbm>> -> memref<64x128xf32, #tpu.memory_space<hbm>>
        %dma_start3A_199 = arith.constant 0 : i32
        %dma_start3A_200 = tpu.memref_slice %arg4[%arg0, %add3A_164, %dma_start3A_199] : memref<2x10000x128xf32, #tpu.memory_space<hbm>> -> memref<1x64x128xf32, #tpu.memory_space<hbm>>
        %dma_start3A_201 = tpu.memref_squeeze %dma_start3A_200 : memref<1x64x128xf32, #tpu.memory_space<hbm>> -> memref<64x128xf32, #tpu.memory_space<hbm>>
        %dma_start3A_202 = arith.constant 0 : i32
        %dma_start3A_203 = arith.constant 0 : i32
        %dma_start3A_204 = tpu.memref_slice %arg6[%run_scoped3A_166, %dma_start3A_202, %dma_start3A_203] : memref<2x64x128xf32, #tpu.memory_space<vmem>> -> memref<1x64x128xf32, #tpu.memory_space<vmem>>
        %dma_start3A_205 = tpu.memref_squeeze %dma_start3A_204 : memref<1x64x128xf32, #tpu.memory_space<vmem>> -> memref<64x128xf32, #tpu.memory_space<vmem>>
        tpu.enqueue_dma source(%dma_start3A_205 : memref<64x128xf32, #tpu.memory_space<vmem>>) target(%dma_start3A_201 : memref<64x128xf32, #tpu.memory_space<hbm>>) target_semaphore(%run_scoped3A_191 : memref<!tpu.dma_semaphore, #tpu.memory_space<semaphore_mem>>)
        %dma_wait3A_206 = arith.constant 0 : i32
        %dma_wait3A_207 = arith.constant 0 : i32
        %dma_wait3A_208 = tpu.memref_slice %arg6[%run_scoped3A_166, %dma_wait3A_206, %dma_wait3A_207] : memref<2x64x128xf32, #tpu.memory_space<vmem>> -> memref<1x64x128xf32, #tpu.memory_space<vmem>>
        %dma_wait3A_209 = tpu.memref_squeeze %dma_wait3A_208 : memref<1x64x128xf32, #tpu.memory_space<vmem>> -> memref<64x128xf32, #tpu.memory_space<vmem>>
        %dma_wait3A_210 = arith.constant 0 : i32
        %dma_wait3A_211 = tpu.memref_slice %arg4[%arg0, %add3A_164, %dma_wait3A_210] : memref<2x10000x128xf32, #tpu.memory_space<hbm>> -> memref<1x64x128xf32, #tpu.memory_space<hbm>>
        %dma_wait3A_212 = tpu.memref_squeeze %dma_wait3A_211 : memref<1x64x128xf32, #tpu.memory_space<hbm>> -> memref<64x128xf32, #tpu.memory_space<hbm>>
        %dma_wait3A_213 = arith.constant 0 : i32
        %dma_wait3A_214 = tpu.memref_slice %arg4[%arg0, %add3A_164, %dma_wait3A_213] : memref<2x10000x128xf32, #tpu.memory_space<hbm>> -> memref<1x64x128xf32, #tpu.memory_space<hbm>>
        %dma_wait3A_215 = tpu.memref_squeeze %dma_wait3A_214 : memref<1x64x128xf32, #tpu.memory_space<hbm>> -> memref<64x128xf32, #tpu.memory_space<hbm>>
        %dma_wait3A_216 = arith.constant 0 : i32
        %dma_wait3A_217 = arith.constant 0 : i32
        %dma_wait3A_218 = tpu.memref_slice %arg6[%run_scoped3A_166, %dma_wait3A_216, %dma_wait3A_217] : memref<2x64x128xf32, #tpu.memory_space<vmem>> -> memref<1x64x128xf32, #tpu.memory_space<vmem>>
        %dma_wait3A_219 = tpu.memref_squeeze %dma_wait3A_218 : memref<1x64x128xf32, #tpu.memory_space<vmem>> -> memref<64x128xf32, #tpu.memory_space<vmem>>
        tpu.wait_dma2 semaphore(%run_scoped3A_191 : memref<!tpu.dma_semaphore, #tpu.memory_space<semaphore_mem>>) src(%dma_wait3A_219 : memref<64x128xf32, #tpu.memory_space<vmem>>) dst(%dma_wait3A_215 : memref<64x128xf32, #tpu.memory_space<hbm>>)
        tpu.yield
      }) : () -> ()
      %mul3A_167 = arith.constant 624 : i32
      %mul3A_168 = arith.muli %arg1, %mul3A_167 : i32
      %add3A_169 = arith.constant 384 : i32
      %add3A_170 = arith.addi %mul3A_168, %add3A_169 : i32
      %run_scoped3A_171 = arith.constant 0 : i32
      "tpu.region"() ({
        %run_scoped3A_191 = tpu.sem_alloc : memref<!tpu.dma_semaphore, #tpu.memory_space<semaphore_mem>>
        %dma_start3A_192 = arith.constant 0 : i32
        %dma_start3A_193 = arith.constant 0 : i32
        %dma_start3A_194 = tpu.memref_slice %arg6[%run_scoped3A_171, %dma_start3A_192, %dma_start3A_193] : memref<2x64x128xf32, #tpu.memory_space<vmem>> -> memref<1x64x128xf32, #tpu.memory_space<vmem>>
        %dma_start3A_195 = tpu.memref_squeeze %dma_start3A_194 : memref<1x64x128xf32, #tpu.memory_space<vmem>> -> memref<64x128xf32, #tpu.memory_space<vmem>>
        %dma_start3A_196 = arith.constant 0 : i32
        %dma_start3A_197 = tpu.memref_slice %arg7[%add3A_170, %dma_start3A_196] : memref<10112x128xf32, #tpu.memory_space<vmem_shared>> -> memref<64x128xf32, #tpu.memory_space<vmem_shared>>
        %dma_start3A_198 = arith.constant 0 : i32
        %dma_start3A_199 = arith.constant 0 : i32
        %dma_start3A_200 = tpu.memref_slice %arg6[%run_scoped3A_171, %dma_start3A_198, %dma_start3A_199] : memref<2x64x128xf32, #tpu.memory_space<vmem>> -> memref<1x64x128xf32, #tpu.memory_space<vmem>>
        %dma_start3A_201 = tpu.memref_squeeze %dma_start3A_200 : memref<1x64x128xf32, #tpu.memory_space<vmem>> -> memref<64x128xf32, #tpu.memory_space<vmem>>
        %dma_start3A_202 = arith.constant 0 : i32
        %dma_start3A_203 = tpu.memref_slice %arg7[%add3A_170, %dma_start3A_202] : memref<10112x128xf32, #tpu.memory_space<vmem_shared>> -> memref<64x128xf32, #tpu.memory_space<vmem_shared>>
        tpu.enqueue_dma source(%dma_start3A_203 : memref<64x128xf32, #tpu.memory_space<vmem_shared>>) target(%dma_start3A_201 : memref<64x128xf32, #tpu.memory_space<vmem>>) target_semaphore(%run_scoped3A_191 : memref<!tpu.dma_semaphore, #tpu.memory_space<semaphore_mem>>)
        %dma_wait3A_204 = arith.constant 0 : i32
        %dma_wait3A_205 = arith.constant 0 : i32
        %dma_wait3A_206 = tpu.memref_slice %arg6[%run_scoped3A_171, %dma_wait3A_204, %dma_wait3A_205] : memref<2x64x128xf32, #tpu.memory_space<vmem>> -> memref<1x64x128xf32, #tpu.memory_space<vmem>>
        %dma_wait3A_207 = tpu.memref_squeeze %dma_wait3A_206 : memref<1x64x128xf32, #tpu.memory_space<vmem>> -> memref<64x128xf32, #tpu.memory_space<vmem>>
        %dma_wait3A_208 = arith.constant 0 : i32
        %dma_wait3A_209 = tpu.memref_slice %arg7[%add3A_170, %dma_wait3A_208] : memref<10112x128xf32, #tpu.memory_space<vmem_shared>> -> memref<64x128xf32, #tpu.memory_space<vmem_shared>>
        %dma_wait3A_210 = arith.constant 0 : i32
        %dma_wait3A_211 = arith.constant 0 : i32
        %dma_wait3A_212 = tpu.memref_slice %arg6[%run_scoped3A_171, %dma_wait3A_210, %dma_wait3A_211] : memref<2x64x128xf32, #tpu.memory_space<vmem>> -> memref<1x64x128xf32, #tpu.memory_space<vmem>>
        %dma_wait3A_213 = tpu.memref_squeeze %dma_wait3A_212 : memref<1x64x128xf32, #tpu.memory_space<vmem>> -> memref<64x128xf32, #tpu.memory_space<vmem>>
        %dma_wait3A_214 = arith.constant 0 : i32
        %dma_wait3A_215 = tpu.memref_slice %arg7[%add3A_170, %dma_wait3A_214] : memref<10112x128xf32, #tpu.memory_space<vmem_shared>> -> memref<64x128xf32, #tpu.memory_space<vmem_shared>>
        tpu.wait_dma2 semaphore(%run_scoped3A_191 : memref<!tpu.dma_semaphore, #tpu.memory_space<semaphore_mem>>) src(%dma_wait3A_215 : memref<64x128xf32, #tpu.memory_space<vmem_shared>>) dst(%dma_wait3A_213 : memref<64x128xf32, #tpu.memory_space<vmem>>)
        tpu.yield
      }) : () -> ()
      %run_scoped3A_172 = arith.constant 0 : i32
      "tpu.region"() ({
        %run_scoped3A_191 = tpu.sem_alloc : memref<!tpu.dma_semaphore, #tpu.memory_space<semaphore_mem>>
        %dma_start3A_192 = arith.constant 0 : i32
        %dma_start3A_193 = arith.constant 0 : i32
        %dma_start3A_194 = tpu.memref_slice %arg6[%run_scoped3A_172, %dma_start3A_192, %dma_start3A_193] : memref<2x64x128xf32, #tpu.memory_space<vmem>> -> memref<1x64x128xf32, #tpu.memory_space<vmem>>
        %dma_start3A_195 = tpu.memref_squeeze %dma_start3A_194 : memref<1x64x128xf32, #tpu.memory_space<vmem>> -> memref<64x128xf32, #tpu.memory_space<vmem>>
        %dma_start3A_196 = arith.constant 0 : i32
        %dma_start3A_197 = tpu.memref_slice %arg4[%arg0, %add3A_170, %dma_start3A_196] : memref<2x10000x128xf32, #tpu.memory_space<hbm>> -> memref<1x64x128xf32, #tpu.memory_space<hbm>>
        %dma_start3A_198 = tpu.memref_squeeze %dma_start3A_197 : memref<1x64x128xf32, #tpu.memory_space<hbm>> -> memref<64x128xf32, #tpu.memory_space<hbm>>
        %dma_start3A_199 = arith.constant 0 : i32
        %dma_start3A_200 = tpu.memref_slice %arg4[%arg0, %add3A_170, %dma_start3A_199] : memref<2x10000x128xf32, #tpu.memory_space<hbm>> -> memref<1x64x128xf32, #tpu.memory_space<hbm>>
        %dma_start3A_201 = tpu.memref_squeeze %dma_start3A_200 : memref<1x64x128xf32, #tpu.memory_space<hbm>> -> memref<64x128xf32, #tpu.memory_space<hbm>>
        %dma_start3A_202 = arith.constant 0 : i32
        %dma_start3A_203 = arith.constant 0 : i32
        %dma_start3A_204 = tpu.memref_slice %arg6[%run_scoped3A_172, %dma_start3A_202, %dma_start3A_203] : memref<2x64x128xf32, #tpu.memory_space<vmem>> -> memref<1x64x128xf32, #tpu.memory_space<vmem>>
        %dma_start3A_205 = tpu.memref_squeeze %dma_start3A_204 : memref<1x64x128xf32, #tpu.memory_space<vmem>> -> memref<64x128xf32, #tpu.memory_space<vmem>>
        tpu.enqueue_dma source(%dma_start3A_205 : memref<64x128xf32, #tpu.memory_space<vmem>>) target(%dma_start3A_201 : memref<64x128xf32, #tpu.memory_space<hbm>>) target_semaphore(%run_scoped3A_191 : memref<!tpu.dma_semaphore, #tpu.memory_space<semaphore_mem>>)
        %dma_wait3A_206 = arith.constant 0 : i32
        %dma_wait3A_207 = arith.constant 0 : i32
        %dma_wait3A_208 = tpu.memref_slice %arg6[%run_scoped3A_172, %dma_wait3A_206, %dma_wait3A_207] : memref<2x64x128xf32, #tpu.memory_space<vmem>> -> memref<1x64x128xf32, #tpu.memory_space<vmem>>
        %dma_wait3A_209 = tpu.memref_squeeze %dma_wait3A_208 : memref<1x64x128xf32, #tpu.memory_space<vmem>> -> memref<64x128xf32, #tpu.memory_space<vmem>>
        %dma_wait3A_210 = arith.constant 0 : i32
        %dma_wait3A_211 = tpu.memref_slice %arg4[%arg0, %add3A_170, %dma_wait3A_210] : memref<2x10000x128xf32, #tpu.memory_space<hbm>> -> memref<1x64x128xf32, #tpu.memory_space<hbm>>
        %dma_wait3A_212 = tpu.memref_squeeze %dma_wait3A_211 : memref<1x64x128xf32, #tpu.memory_space<hbm>> -> memref<64x128xf32, #tpu.memory_space<hbm>>
        %dma_wait3A_213 = arith.constant 0 : i32
        %dma_wait3A_214 = tpu.memref_slice %arg4[%arg0, %add3A_170, %dma_wait3A_213] : memref<2x10000x128xf32, #tpu.memory_space<hbm>> -> memref<1x64x128xf32, #tpu.memory_space<hbm>>
        %dma_wait3A_215 = tpu.memref_squeeze %dma_wait3A_214 : memref<1x64x128xf32, #tpu.memory_space<hbm>> -> memref<64x128xf32, #tpu.memory_space<hbm>>
        %dma_wait3A_216 = arith.constant 0 : i32
        %dma_wait3A_217 = arith.constant 0 : i32
        %dma_wait3A_218 = tpu.memref_slice %arg6[%run_scoped3A_172, %dma_wait3A_216, %dma_wait3A_217] : memref<2x64x128xf32, #tpu.memory_space<vmem>> -> memref<1x64x128xf32, #tpu.memory_space<vmem>>
        %dma_wait3A_219 = tpu.memref_squeeze %dma_wait3A_218 : memref<1x64x128xf32, #tpu.memory_space<vmem>> -> memref<64x128xf32, #tpu.memory_space<vmem>>
        tpu.wait_dma2 semaphore(%run_scoped3A_191 : memref<!tpu.dma_semaphore, #tpu.memory_space<semaphore_mem>>) src(%dma_wait3A_219 : memref<64x128xf32, #tpu.memory_space<vmem>>) dst(%dma_wait3A_215 : memref<64x128xf32, #tpu.memory_space<hbm>>)
        tpu.yield
      }) : () -> ()
      %mul3A_173 = arith.constant 624 : i32
      %mul3A_174 = arith.muli %arg1, %mul3A_173 : i32
      %add3A_175 = arith.constant 448 : i32
      %add3A_176 = arith.addi %mul3A_174, %add3A_175 : i32
      %run_scoped3A_177 = arith.constant 0 : i32
      "tpu.region"() ({
        %run_scoped3A_191 = tpu.sem_alloc : memref<!tpu.dma_semaphore, #tpu.memory_space<semaphore_mem>>
        %dma_start3A_192 = arith.constant 0 : i32
        %dma_start3A_193 = arith.constant 0 : i32
        %dma_start3A_194 = tpu.memref_slice %arg6[%run_scoped3A_177, %dma_start3A_192, %dma_start3A_193] : memref<2x64x128xf32, #tpu.memory_space<vmem>> -> memref<1x64x128xf32, #tpu.memory_space<vmem>>
        %dma_start3A_195 = tpu.memref_squeeze %dma_start3A_194 : memref<1x64x128xf32, #tpu.memory_space<vmem>> -> memref<64x128xf32, #tpu.memory_space<vmem>>
        %dma_start3A_196 = arith.constant 0 : i32
        %dma_start3A_197 = tpu.memref_slice %arg7[%add3A_176, %dma_start3A_196] : memref<10112x128xf32, #tpu.memory_space<vmem_shared>> -> memref<64x128xf32, #tpu.memory_space<vmem_shared>>
        %dma_start3A_198 = arith.constant 0 : i32
        %dma_start3A_199 = arith.constant 0 : i32
        %dma_start3A_200 = tpu.memref_slice %arg6[%run_scoped3A_177, %dma_start3A_198, %dma_start3A_199] : memref<2x64x128xf32, #tpu.memory_space<vmem>> -> memref<1x64x128xf32, #tpu.memory_space<vmem>>
        %dma_start3A_201 = tpu.memref_squeeze %dma_start3A_200 : memref<1x64x128xf32, #tpu.memory_space<vmem>> -> memref<64x128xf32, #tpu.memory_space<vmem>>
        %dma_start3A_202 = arith.constant 0 : i32
        %dma_start3A_203 = tpu.memref_slice %arg7[%add3A_176, %dma_start3A_202] : memref<10112x128xf32, #tpu.memory_space<vmem_shared>> -> memref<64x128xf32, #tpu.memory_space<vmem_shared>>
        tpu.enqueue_dma source(%dma_start3A_203 : memref<64x128xf32, #tpu.memory_space<vmem_shared>>) target(%dma_start3A_201 : memref<64x128xf32, #tpu.memory_space<vmem>>) target_semaphore(%run_scoped3A_191 : memref<!tpu.dma_semaphore, #tpu.memory_space<semaphore_mem>>)
        %dma_wait3A_204 = arith.constant 0 : i32
        %dma_wait3A_205 = arith.constant 0 : i32
        %dma_wait3A_206 = tpu.memref_slice %arg6[%run_scoped3A_177, %dma_wait3A_204, %dma_wait3A_205] : memref<2x64x128xf32, #tpu.memory_space<vmem>> -> memref<1x64x128xf32, #tpu.memory_space<vmem>>
        %dma_wait3A_207 = tpu.memref_squeeze %dma_wait3A_206 : memref<1x64x128xf32, #tpu.memory_space<vmem>> -> memref<64x128xf32, #tpu.memory_space<vmem>>
        %dma_wait3A_208 = arith.constant 0 : i32
        %dma_wait3A_209 = tpu.memref_slice %arg7[%add3A_176, %dma_wait3A_208] : memref<10112x128xf32, #tpu.memory_space<vmem_shared>> -> memref<64x128xf32, #tpu.memory_space<vmem_shared>>
        %dma_wait3A_210 = arith.constant 0 : i32
        %dma_wait3A_211 = arith.constant 0 : i32
        %dma_wait3A_212 = tpu.memref_slice %arg6[%run_scoped3A_177, %dma_wait3A_210, %dma_wait3A_211] : memref<2x64x128xf32, #tpu.memory_space<vmem>> -> memref<1x64x128xf32, #tpu.memory_space<vmem>>
        %dma_wait3A_213 = tpu.memref_squeeze %dma_wait3A_212 : memref<1x64x128xf32, #tpu.memory_space<vmem>> -> memref<64x128xf32, #tpu.memory_space<vmem>>
        %dma_wait3A_214 = arith.constant 0 : i32
        %dma_wait3A_215 = tpu.memref_slice %arg7[%add3A_176, %dma_wait3A_214] : memref<10112x128xf32, #tpu.memory_space<vmem_shared>> -> memref<64x128xf32, #tpu.memory_space<vmem_shared>>
        tpu.wait_dma2 semaphore(%run_scoped3A_191 : memref<!tpu.dma_semaphore, #tpu.memory_space<semaphore_mem>>) src(%dma_wait3A_215 : memref<64x128xf32, #tpu.memory_space<vmem_shared>>) dst(%dma_wait3A_213 : memref<64x128xf32, #tpu.memory_space<vmem>>)
        tpu.yield
      }) : () -> ()
      %run_scoped3A_178 = arith.constant 0 : i32
      "tpu.region"() ({
        %run_scoped3A_191 = tpu.sem_alloc : memref<!tpu.dma_semaphore, #tpu.memory_space<semaphore_mem>>
        %dma_start3A_192 = arith.constant 0 : i32
        %dma_start3A_193 = arith.constant 0 : i32
        %dma_start3A_194 = tpu.memref_slice %arg6[%run_scoped3A_178, %dma_start3A_192, %dma_start3A_193] : memref<2x64x128xf32, #tpu.memory_space<vmem>> -> memref<1x64x128xf32, #tpu.memory_space<vmem>>
        %dma_start3A_195 = tpu.memref_squeeze %dma_start3A_194 : memref<1x64x128xf32, #tpu.memory_space<vmem>> -> memref<64x128xf32, #tpu.memory_space<vmem>>
        %dma_start3A_196 = arith.constant 0 : i32
        %dma_start3A_197 = tpu.memref_slice %arg4[%arg0, %add3A_176, %dma_start3A_196] : memref<2x10000x128xf32, #tpu.memory_space<hbm>> -> memref<1x64x128xf32, #tpu.memory_space<hbm>>
        %dma_start3A_198 = tpu.memref_squeeze %dma_start3A_197 : memref<1x64x128xf32, #tpu.memory_space<hbm>> -> memref<64x128xf32, #tpu.memory_space<hbm>>
        %dma_start3A_199 = arith.constant 0 : i32
        %dma_start3A_200 = tpu.memref_slice %arg4[%arg0, %add3A_176, %dma_start3A_199] : memref<2x10000x128xf32, #tpu.memory_space<hbm>> -> memref<1x64x128xf32, #tpu.memory_space<hbm>>
        %dma_start3A_201 = tpu.memref_squeeze %dma_start3A_200 : memref<1x64x128xf32, #tpu.memory_space<hbm>> -> memref<64x128xf32, #tpu.memory_space<hbm>>
        %dma_start3A_202 = arith.constant 0 : i32
        %dma_start3A_203 = arith.constant 0 : i32
        %dma_start3A_204 = tpu.memref_slice %arg6[%run_scoped3A_178, %dma_start3A_202, %dma_start3A_203] : memref<2x64x128xf32, #tpu.memory_space<vmem>> -> memref<1x64x128xf32, #tpu.memory_space<vmem>>
        %dma_start3A_205 = tpu.memref_squeeze %dma_start3A_204 : memref<1x64x128xf32, #tpu.memory_space<vmem>> -> memref<64x128xf32, #tpu.memory_space<vmem>>
        tpu.enqueue_dma source(%dma_start3A_205 : memref<64x128xf32, #tpu.memory_space<vmem>>) target(%dma_start3A_201 : memref<64x128xf32, #tpu.memory_space<hbm>>) target_semaphore(%run_scoped3A_191 : memref<!tpu.dma_semaphore, #tpu.memory_space<semaphore_mem>>)
        %dma_wait3A_206 = arith.constant 0 : i32
        %dma_wait3A_207 = arith.constant 0 : i32
        %dma_wait3A_208 = tpu.memref_slice %arg6[%run_scoped3A_178, %dma_wait3A_206, %dma_wait3A_207] : memref<2x64x128xf32, #tpu.memory_space<vmem>> -> memref<1x64x128xf32, #tpu.memory_space<vmem>>
        %dma_wait3A_209 = tpu.memref_squeeze %dma_wait3A_208 : memref<1x64x128xf32, #tpu.memory_space<vmem>> -> memref<64x128xf32, #tpu.memory_space<vmem>>
        %dma_wait3A_210 = arith.constant 0 : i32
        %dma_wait3A_211 = tpu.memref_slice %arg4[%arg0, %add3A_176, %dma_wait3A_210] : memref<2x10000x128xf32, #tpu.memory_space<hbm>> -> memref<1x64x128xf32, #tpu.memory_space<hbm>>
        %dma_wait3A_212 = tpu.memref_squeeze %dma_wait3A_211 : memref<1x64x128xf32, #tpu.memory_space<hbm>> -> memref<64x128xf32, #tpu.memory_space<hbm>>
        %dma_wait3A_213 = arith.constant 0 : i32
        %dma_wait3A_214 = tpu.memref_slice %arg4[%arg0, %add3A_176, %dma_wait3A_213] : memref<2x10000x128xf32, #tpu.memory_space<hbm>> -> memref<1x64x128xf32, #tpu.memory_space<hbm>>
        %dma_wait3A_215 = tpu.memref_squeeze %dma_wait3A_214 : memref<1x64x128xf32, #tpu.memory_space<hbm>> -> memref<64x128xf32, #tpu.memory_space<hbm>>
        %dma_wait3A_216 = arith.constant 0 : i32
        %dma_wait3A_217 = arith.constant 0 : i32
        %dma_wait3A_218 = tpu.memref_slice %arg6[%run_scoped3A_178, %dma_wait3A_216, %dma_wait3A_217] : memref<2x64x128xf32, #tpu.memory_space<vmem>> -> memref<1x64x128xf32, #tpu.memory_space<vmem>>
        %dma_wait3A_219 = tpu.memref_squeeze %dma_wait3A_218 : memref<1x64x128xf32, #tpu.memory_space<vmem>> -> memref<64x128xf32, #tpu.memory_space<vmem>>
        tpu.wait_dma2 semaphore(%run_scoped3A_191 : memref<!tpu.dma_semaphore, #tpu.memory_space<semaphore_mem>>) src(%dma_wait3A_219 : memref<64x128xf32, #tpu.memory_space<vmem>>) dst(%dma_wait3A_215 : memref<64x128xf32, #tpu.memory_space<hbm>>)
        tpu.yield
      }) : () -> ()
      %mul3A_179 = arith.constant 624 : i32
      %mul3A_180 = arith.muli %arg1, %mul3A_179 : i32
      %add3A_181 = arith.constant 512 : i32
      %add3A_182 = arith.addi %mul3A_180, %add3A_181 : i32
      %run_scoped3A_183 = arith.constant 0 : i32
      "tpu.region"() ({
        %run_scoped3A_191 = tpu.sem_alloc : memref<!tpu.dma_semaphore, #tpu.memory_space<semaphore_mem>>
        %dma_start3A_192 = arith.constant 0 : i32
        %dma_start3A_193 = arith.constant 0 : i32
        %dma_start3A_194 = tpu.memref_slice %arg6[%run_scoped3A_183, %dma_start3A_192, %dma_start3A_193] : memref<2x64x128xf32, #tpu.memory_space<vmem>> -> memref<1x64x128xf32, #tpu.memory_space<vmem>>
        %dma_start3A_195 = tpu.memref_squeeze %dma_start3A_194 : memref<1x64x128xf32, #tpu.memory_space<vmem>> -> memref<64x128xf32, #tpu.memory_space<vmem>>
        %dma_start3A_196 = arith.constant 0 : i32
        %dma_start3A_197 = tpu.memref_slice %arg7[%add3A_182, %dma_start3A_196] : memref<10112x128xf32, #tpu.memory_space<vmem_shared>> -> memref<64x128xf32, #tpu.memory_space<vmem_shared>>
        %dma_start3A_198 = arith.constant 0 : i32
        %dma_start3A_199 = arith.constant 0 : i32
        %dma_start3A_200 = tpu.memref_slice %arg6[%run_scoped3A_183, %dma_start3A_198, %dma_start3A_199] : memref<2x64x128xf32, #tpu.memory_space<vmem>> -> memref<1x64x128xf32, #tpu.memory_space<vmem>>
        %dma_start3A_201 = tpu.memref_squeeze %dma_start3A_200 : memref<1x64x128xf32, #tpu.memory_space<vmem>> -> memref<64x128xf32, #tpu.memory_space<vmem>>
        %dma_start3A_202 = arith.constant 0 : i32
        %dma_start3A_203 = tpu.memref_slice %arg7[%add3A_182, %dma_start3A_202] : memref<10112x128xf32, #tpu.memory_space<vmem_shared>> -> memref<64x128xf32, #tpu.memory_space<vmem_shared>>
        tpu.enqueue_dma source(%dma_start3A_203 : memref<64x128xf32, #tpu.memory_space<vmem_shared>>) target(%dma_start3A_201 : memref<64x128xf32, #tpu.memory_space<vmem>>) target_semaphore(%run_scoped3A_191 : memref<!tpu.dma_semaphore, #tpu.memory_space<semaphore_mem>>)
        %dma_wait3A_204 = arith.constant 0 : i32
        %dma_wait3A_205 = arith.constant 0 : i32
        %dma_wait3A_206 = tpu.memref_slice %arg6[%run_scoped3A_183, %dma_wait3A_204, %dma_wait3A_205] : memref<2x64x128xf32, #tpu.memory_space<vmem>> -> memref<1x64x128xf32, #tpu.memory_space<vmem>>
        %dma_wait3A_207 = tpu.memref_squeeze %dma_wait3A_206 : memref<1x64x128xf32, #tpu.memory_space<vmem>> -> memref<64x128xf32, #tpu.memory_space<vmem>>
        %dma_wait3A_208 = arith.constant 0 : i32
        %dma_wait3A_209 = tpu.memref_slice %arg7[%add3A_182, %dma_wait3A_208] : memref<10112x128xf32, #tpu.memory_space<vmem_shared>> -> memref<64x128xf32, #tpu.memory_space<vmem_shared>>
        %dma_wait3A_210 = arith.constant 0 : i32
        %dma_wait3A_211 = arith.constant 0 : i32
        %dma_wait3A_212 = tpu.memref_slice %arg6[%run_scoped3A_183, %dma_wait3A_210, %dma_wait3A_211] : memref<2x64x128xf32, #tpu.memory_space<vmem>> -> memref<1x64x128xf32, #tpu.memory_space<vmem>>
        %dma_wait3A_213 = tpu.memref_squeeze %dma_wait3A_212 : memref<1x64x128xf32, #tpu.memory_space<vmem>> -> memref<64x128xf32, #tpu.memory_space<vmem>>
        %dma_wait3A_214 = arith.constant 0 : i32
        %dma_wait3A_215 = tpu.memref_slice %arg7[%add3A_182, %dma_wait3A_214] : memref<10112x128xf32, #tpu.memory_space<vmem_shared>> -> memref<64x128xf32, #tpu.memory_space<vmem_shared>>
        tpu.wait_dma2 semaphore(%run_scoped3A_191 : memref<!tpu.dma_semaphore, #tpu.memory_space<semaphore_mem>>) src(%dma_wait3A_215 : memref<64x128xf32, #tpu.memory_space<vmem_shared>>) dst(%dma_wait3A_213 : memref<64x128xf32, #tpu.memory_space<vmem>>)
        tpu.yield
      }) : () -> ()
      %run_scoped3A_184 = arith.constant 0 : i32
      "tpu.region"() ({
        %run_scoped3A_191 = tpu.sem_alloc : memref<!tpu.dma_semaphore, #tpu.memory_space<semaphore_mem>>
        %dma_start3A_192 = arith.constant 0 : i32
        %dma_start3A_193 = arith.constant 0 : i32
        %dma_start3A_194 = tpu.memref_slice %arg6[%run_scoped3A_184, %dma_start3A_192, %dma_start3A_193] : memref<2x64x128xf32, #tpu.memory_space<vmem>> -> memref<1x64x128xf32, #tpu.memory_space<vmem>>
        %dma_start3A_195 = tpu.memref_squeeze %dma_start3A_194 : memref<1x64x128xf32, #tpu.memory_space<vmem>> -> memref<64x128xf32, #tpu.memory_space<vmem>>
        %dma_start3A_196 = arith.constant 0 : i32
        %dma_start3A_197 = tpu.memref_slice %arg4[%arg0, %add3A_182, %dma_start3A_196] : memref<2x10000x128xf32, #tpu.memory_space<hbm>> -> memref<1x64x128xf32, #tpu.memory_space<hbm>>
        %dma_start3A_198 = tpu.memref_squeeze %dma_start3A_197 : memref<1x64x128xf32, #tpu.memory_space<hbm>> -> memref<64x128xf32, #tpu.memory_space<hbm>>
        %dma_start3A_199 = arith.constant 0 : i32
        %dma_start3A_200 = tpu.memref_slice %arg4[%arg0, %add3A_182, %dma_start3A_199] : memref<2x10000x128xf32, #tpu.memory_space<hbm>> -> memref<1x64x128xf32, #tpu.memory_space<hbm>>
        %dma_start3A_201 = tpu.memref_squeeze %dma_start3A_200 : memref<1x64x128xf32, #tpu.memory_space<hbm>> -> memref<64x128xf32, #tpu.memory_space<hbm>>
        %dma_start3A_202 = arith.constant 0 : i32
        %dma_start3A_203 = arith.constant 0 : i32
        %dma_start3A_204 = tpu.memref_slice %arg6[%run_scoped3A_184, %dma_start3A_202, %dma_start3A_203] : memref<2x64x128xf32, #tpu.memory_space<vmem>> -> memref<1x64x128xf32, #tpu.memory_space<vmem>>
        %dma_start3A_205 = tpu.memref_squeeze %dma_start3A_204 : memref<1x64x128xf32, #tpu.memory_space<vmem>> -> memref<64x128xf32, #tpu.memory_space<vmem>>
        tpu.enqueue_dma source(%dma_start3A_205 : memref<64x128xf32, #tpu.memory_space<vmem>>) target(%dma_start3A_201 : memref<64x128xf32, #tpu.memory_space<hbm>>) target_semaphore(%run_scoped3A_191 : memref<!tpu.dma_semaphore, #tpu.memory_space<semaphore_mem>>)
        %dma_wait3A_206 = arith.constant 0 : i32
        %dma_wait3A_207 = arith.constant 0 : i32
        %dma_wait3A_208 = tpu.memref_slice %arg6[%run_scoped3A_184, %dma_wait3A_206, %dma_wait3A_207] : memref<2x64x128xf32, #tpu.memory_space<vmem>> -> memref<1x64x128xf32, #tpu.memory_space<vmem>>
        %dma_wait3A_209 = tpu.memref_squeeze %dma_wait3A_208 : memref<1x64x128xf32, #tpu.memory_space<vmem>> -> memref<64x128xf32, #tpu.memory_space<vmem>>
        %dma_wait3A_210 = arith.constant 0 : i32
        %dma_wait3A_211 = tpu.memref_slice %arg4[%arg0, %add3A_182, %dma_wait3A_210] : memref<2x10000x128xf32, #tpu.memory_space<hbm>> -> memref<1x64x128xf32, #tpu.memory_space<hbm>>
        %dma_wait3A_212 = tpu.memref_squeeze %dma_wait3A_211 : memref<1x64x128xf32, #tpu.memory_space<hbm>> -> memref<64x128xf32, #tpu.memory_space<hbm>>
        %dma_wait3A_213 = arith.constant 0 : i32
        %dma_wait3A_214 = tpu.memref_slice %arg4[%arg0, %add3A_182, %dma_wait3A_213] : memref<2x10000x128xf32, #tpu.memory_space<hbm>> -> memref<1x64x128xf32, #tpu.memory_space<hbm>>
        %dma_wait3A_215 = tpu.memref_squeeze %dma_wait3A_214 : memref<1x64x128xf32, #tpu.memory_space<hbm>> -> memref<64x128xf32, #tpu.memory_space<hbm>>
        %dma_wait3A_216 = arith.constant 0 : i32
        %dma_wait3A_217 = arith.constant 0 : i32
        %dma_wait3A_218 = tpu.memref_slice %arg6[%run_scoped3A_184, %dma_wait3A_216, %dma_wait3A_217] : memref<2x64x128xf32, #tpu.memory_space<vmem>> -> memref<1x64x128xf32, #tpu.memory_space<vmem>>
        %dma_wait3A_219 = tpu.memref_squeeze %dma_wait3A_218 : memref<1x64x128xf32, #tpu.memory_space<vmem>> -> memref<64x128xf32, #tpu.memory_space<vmem>>
        tpu.wait_dma2 semaphore(%run_scoped3A_191 : memref<!tpu.dma_semaphore, #tpu.memory_space<semaphore_mem>>) src(%dma_wait3A_219 : memref<64x128xf32, #tpu.memory_space<vmem>>) dst(%dma_wait3A_215 : memref<64x128xf32, #tpu.memory_space<hbm>>)
        tpu.yield
      }) : () -> ()
      %mul3A_185 = arith.constant 624 : i32
      %mul3A_186 = arith.muli %arg1, %mul3A_185 : i32
      %add3A_187 = arith.constant 576 : i32
      %add3A_188 = arith.addi %mul3A_186, %add3A_187 : i32
      %run_scoped3A_189 = arith.constant 0 : i32
      "tpu.region"() ({
        %run_scoped3A_191 = tpu.sem_alloc : memref<!tpu.dma_semaphore, #tpu.memory_space<semaphore_mem>>
        %dma_start3A_192 = arith.constant 0 : i32
        %dma_start3A_193 = arith.constant 0 : i32
        %dma_start3A_194 = tpu.memref_slice %arg6[%run_scoped3A_189, %dma_start3A_192, %dma_start3A_193] : memref<2x64x128xf32, #tpu.memory_space<vmem>> -> memref<1x48x128xf32, #tpu.memory_space<vmem>>
        %dma_start3A_195 = tpu.memref_squeeze %dma_start3A_194 : memref<1x48x128xf32, #tpu.memory_space<vmem>> -> memref<48x128xf32, #tpu.memory_space<vmem>>
        %dma_start3A_196 = arith.constant 0 : i32
        %dma_start3A_197 = tpu.memref_slice %arg7[%add3A_188, %dma_start3A_196] : memref<10112x128xf32, #tpu.memory_space<vmem_shared>> -> memref<48x128xf32, #tpu.memory_space<vmem_shared>>
        %dma_start3A_198 = arith.constant 0 : i32
        %dma_start3A_199 = arith.constant 0 : i32
        %dma_start3A_200 = tpu.memref_slice %arg6[%run_scoped3A_189, %dma_start3A_198, %dma_start3A_199] : memref<2x64x128xf32, #tpu.memory_space<vmem>> -> memref<1x48x128xf32, #tpu.memory_space<vmem>>
        %dma_start3A_201 = tpu.memref_squeeze %dma_start3A_200 : memref<1x48x128xf32, #tpu.memory_space<vmem>> -> memref<48x128xf32, #tpu.memory_space<vmem>>
        %dma_start3A_202 = arith.constant 0 : i32
        %dma_start3A_203 = tpu.memref_slice %arg7[%add3A_188, %dma_start3A_202] : memref<10112x128xf32, #tpu.memory_space<vmem_shared>> -> memref<48x128xf32, #tpu.memory_space<vmem_shared>>
        tpu.enqueue_dma source(%dma_start3A_203 : memref<48x128xf32, #tpu.memory_space<vmem_shared>>) target(%dma_start3A_201 : memref<48x128xf32, #tpu.memory_space<vmem>>) target_semaphore(%run_scoped3A_191 : memref<!tpu.dma_semaphore, #tpu.memory_space<semaphore_mem>>)
        %dma_wait3A_204 = arith.constant 0 : i32
        %dma_wait3A_205 = arith.constant 0 : i32
        %dma_wait3A_206 = tpu.memref_slice %arg6[%run_scoped3A_189, %dma_wait3A_204, %dma_wait3A_205] : memref<2x64x128xf32, #tpu.memory_space<vmem>> -> memref<1x48x128xf32, #tpu.memory_space<vmem>>
        %dma_wait3A_207 = tpu.memref_squeeze %dma_wait3A_206 : memref<1x48x128xf32, #tpu.memory_space<vmem>> -> memref<48x128xf32, #tpu.memory_space<vmem>>
        %dma_wait3A_208 = arith.constant 0 : i32
        %dma_wait3A_209 = tpu.memref_slice %arg7[%add3A_188, %dma_wait3A_208] : memref<10112x128xf32, #tpu.memory_space<vmem_shared>> -> memref<48x128xf32, #tpu.memory_space<vmem_shared>>
        %dma_wait3A_210 = arith.constant 0 : i32
        %dma_wait3A_211 = arith.constant 0 : i32
        %dma_wait3A_212 = tpu.memref_slice %arg6[%run_scoped3A_189, %dma_wait3A_210, %dma_wait3A_211] : memref<2x64x128xf32, #tpu.memory_space<vmem>> -> memref<1x48x128xf32, #tpu.memory_space<vmem>>
        %dma_wait3A_213 = tpu.memref_squeeze %dma_wait3A_212 : memref<1x48x128xf32, #tpu.memory_space<vmem>> -> memref<48x128xf32, #tpu.memory_space<vmem>>
        %dma_wait3A_214 = arith.constant 0 : i32
        %dma_wait3A_215 = tpu.memref_slice %arg7[%add3A_188, %dma_wait3A_214] : memref<10112x128xf32, #tpu.memory_space<vmem_shared>> -> memref<48x128xf32, #tpu.memory_space<vmem_shared>>
        tpu.wait_dma2 semaphore(%run_scoped3A_191 : memref<!tpu.dma_semaphore, #tpu.memory_space<semaphore_mem>>) src(%dma_wait3A_215 : memref<48x128xf32, #tpu.memory_space<vmem_shared>>) dst(%dma_wait3A_213 : memref<48x128xf32, #tpu.memory_space<vmem>>)
        tpu.yield
      }) : () -> ()
      %run_scoped3A_190 = arith.constant 0 : i32
      "tpu.region"() ({
        %run_scoped3A_191 = tpu.sem_alloc : memref<!tpu.dma_semaphore, #tpu.memory_space<semaphore_mem>>
        %dma_start3A_192 = arith.constant 0 : i32
        %dma_start3A_193 = arith.constant 0 : i32
        %dma_start3A_194 = tpu.memref_slice %arg6[%run_scoped3A_190, %dma_start3A_192, %dma_start3A_193] : memref<2x64x128xf32, #tpu.memory_space<vmem>> -> memref<1x48x128xf32, #tpu.memory_space<vmem>>
        %dma_start3A_195 = tpu.memref_squeeze %dma_start3A_194 : memref<1x48x128xf32, #tpu.memory_space<vmem>> -> memref<48x128xf32, #tpu.memory_space<vmem>>
        %dma_start3A_196 = arith.constant 0 : i32
        %dma_start3A_197 = tpu.memref_slice %arg4[%arg0, %add3A_188, %dma_start3A_196] : memref<2x10000x128xf32, #tpu.memory_space<hbm>> -> memref<1x48x128xf32, #tpu.memory_space<hbm>>
        %dma_start3A_198 = tpu.memref_squeeze %dma_start3A_197 : memref<1x48x128xf32, #tpu.memory_space<hbm>> -> memref<48x128xf32, #tpu.memory_space<hbm>>
        %dma_start3A_199 = arith.constant 0 : i32
        %dma_start3A_200 = tpu.memref_slice %arg4[%arg0, %add3A_188, %dma_start3A_199] : memref<2x10000x128xf32, #tpu.memory_space<hbm>> -> memref<1x48x128xf32, #tpu.memory_space<hbm>>
        %dma_start3A_201 = tpu.memref_squeeze %dma_start3A_200 : memref<1x48x128xf32, #tpu.memory_space<hbm>> -> memref<48x128xf32, #tpu.memory_space<hbm>>
        %dma_start3A_202 = arith.constant 0 : i32
        %dma_start3A_203 = arith.constant 0 : i32
        %dma_start3A_204 = tpu.memref_slice %arg6[%run_scoped3A_190, %dma_start3A_202, %dma_start3A_203] : memref<2x64x128xf32, #tpu.memory_space<vmem>> -> memref<1x48x128xf32, #tpu.memory_space<vmem>>
        %dma_start3A_205 = tpu.memref_squeeze %dma_start3A_204 : memref<1x48x128xf32, #tpu.memory_space<vmem>> -> memref<48x128xf32, #tpu.memory_space<vmem>>
        tpu.enqueue_dma source(%dma_start3A_205 : memref<48x128xf32, #tpu.memory_space<vmem>>) target(%dma_start3A_201 : memref<48x128xf32, #tpu.memory_space<hbm>>) target_semaphore(%run_scoped3A_191 : memref<!tpu.dma_semaphore, #tpu.memory_space<semaphore_mem>>)
        %dma_wait3A_206 = arith.constant 0 : i32
        %dma_wait3A_207 = arith.constant 0 : i32
        %dma_wait3A_208 = tpu.memref_slice %arg6[%run_scoped3A_190, %dma_wait3A_206, %dma_wait3A_207] : memref<2x64x128xf32, #tpu.memory_space<vmem>> -> memref<1x48x128xf32, #tpu.memory_space<vmem>>
        %dma_wait3A_209 = tpu.memref_squeeze %dma_wait3A_208 : memref<1x48x128xf32, #tpu.memory_space<vmem>> -> memref<48x128xf32, #tpu.memory_space<vmem>>
        %dma_wait3A_210 = arith.constant 0 : i32
        %dma_wait3A_211 = tpu.memref_slice %arg4[%arg0, %add3A_188, %dma_wait3A_210] : memref<2x10000x128xf32, #tpu.memory_space<hbm>> -> memref<1x48x128xf32, #tpu.memory_space<hbm>>
        %dma_wait3A_212 = tpu.memref_squeeze %dma_wait3A_211 : memref<1x48x128xf32, #tpu.memory_space<hbm>> -> memref<48x128xf32, #tpu.memory_space<hbm>>
        %dma_wait3A_213 = arith.constant 0 : i32
        %dma_wait3A_214 = tpu.memref_slice %arg4[%arg0, %add3A_188, %dma_wait3A_213] : memref<2x10000x128xf32, #tpu.memory_space<hbm>> -> memref<1x48x128xf32, #tpu.memory_space<hbm>>
        %dma_wait3A_215 = tpu.memref_squeeze %dma_wait3A_214 : memref<1x48x128xf32, #tpu.memory_space<hbm>> -> memref<48x128xf32, #tpu.memory_space<hbm>>
        %dma_wait3A_216 = arith.constant 0 : i32
        %dma_wait3A_217 = arith.constant 0 : i32
        %dma_wait3A_218 = tpu.memref_slice %arg6[%run_scoped3A_190, %dma_wait3A_216, %dma_wait3A_217] : memref<2x64x128xf32, #tpu.memory_space<vmem>> -> memref<1x48x128xf32, #tpu.memory_space<vmem>>
        %dma_wait3A_219 = tpu.memref_squeeze %dma_wait3A_218 : memref<1x48x128xf32, #tpu.memory_space<vmem>> -> memref<48x128xf32, #tpu.memory_space<vmem>>
        tpu.wait_dma2 semaphore(%run_scoped3A_191 : memref<!tpu.dma_semaphore, #tpu.memory_space<semaphore_mem>>) src(%dma_wait3A_219 : memref<48x128xf32, #tpu.memory_space<vmem>>) dst(%dma_wait3A_215 : memref<48x128xf32, #tpu.memory_space<hbm>>)
        tpu.yield
      }) : () -> ()
    } else {
    }
    %eq3A = arith.constant 15 : i32
    %eq3A_127 = arith.cmpi eq, %arg1, %eq3A : i32
    %convert_element_type3A_128 = arith.extui %eq3A_127 : i1 to i32
    %cond3A_129 = arith.constant 0 : i32
    %cond3A_130 = arith.cmpi ne, %convert_element_type3A_128, %cond3A_129 : i32
    scf.if %cond3A_130 {
      %mul3A_131 = arith.constant 624 : i32
      %mul3A_132 = arith.muli %arg1, %mul3A_131 : i32
      %add3A_133 = arith.constant 0 : i32
      %add3A_134 = arith.addi %mul3A_132, %add3A_133 : i32
      %run_scoped3A_135 = arith.constant 0 : i32
      "tpu.region"() ({
        %run_scoped3A_191 = tpu.sem_alloc : memref<!tpu.dma_semaphore, #tpu.memory_space<semaphore_mem>>
        %dma_start3A_192 = arith.constant 0 : i32
        %dma_start3A_193 = arith.constant 0 : i32
        %dma_start3A_194 = tpu.memref_slice %arg6[%run_scoped3A_135, %dma_start3A_192, %dma_start3A_193] : memref<2x64x128xf32, #tpu.memory_space<vmem>> -> memref<1x64x128xf32, #tpu.memory_space<vmem>>
        %dma_start3A_195 = tpu.memref_squeeze %dma_start3A_194 : memref<1x64x128xf32, #tpu.memory_space<vmem>> -> memref<64x128xf32, #tpu.memory_space<vmem>>
        %dma_start3A_196 = arith.constant 0 : i32
        %dma_start3A_197 = tpu.memref_slice %arg7[%add3A_134, %dma_start3A_196] : memref<10112x128xf32, #tpu.memory_space<vmem_shared>> -> memref<64x128xf32, #tpu.memory_space<vmem_shared>>
        %dma_start3A_198 = arith.constant 0 : i32
        %dma_start3A_199 = arith.constant 0 : i32
        %dma_start3A_200 = tpu.memref_slice %arg6[%run_scoped3A_135, %dma_start3A_198, %dma_start3A_199] : memref<2x64x128xf32, #tpu.memory_space<vmem>> -> memref<1x64x128xf32, #tpu.memory_space<vmem>>
        %dma_start3A_201 = tpu.memref_squeeze %dma_start3A_200 : memref<1x64x128xf32, #tpu.memory_space<vmem>> -> memref<64x128xf32, #tpu.memory_space<vmem>>
        %dma_start3A_202 = arith.constant 0 : i32
        %dma_start3A_203 = tpu.memref_slice %arg7[%add3A_134, %dma_start3A_202] : memref<10112x128xf32, #tpu.memory_space<vmem_shared>> -> memref<64x128xf32, #tpu.memory_space<vmem_shared>>
        tpu.enqueue_dma source(%dma_start3A_203 : memref<64x128xf32, #tpu.memory_space<vmem_shared>>) target(%dma_start3A_201 : memref<64x128xf32, #tpu.memory_space<vmem>>) target_semaphore(%run_scoped3A_191 : memref<!tpu.dma_semaphore, #tpu.memory_space<semaphore_mem>>)
        %dma_wait3A_204 = arith.constant 0 : i32
        %dma_wait3A_205 = arith.constant 0 : i32
        %dma_wait3A_206 = tpu.memref_slice %arg6[%run_scoped3A_135, %dma_wait3A_204, %dma_wait3A_205] : memref<2x64x128xf32, #tpu.memory_space<vmem>> -> memref<1x64x128xf32, #tpu.memory_space<vmem>>
        %dma_wait3A_207 = tpu.memref_squeeze %dma_wait3A_206 : memref<1x64x128xf32, #tpu.memory_space<vmem>> -> memref<64x128xf32, #tpu.memory_space<vmem>>
        %dma_wait3A_208 = arith.constant 0 : i32
        %dma_wait3A_209 = tpu.memref_slice %arg7[%add3A_134, %dma_wait3A_208] : memref<10112x128xf32, #tpu.memory_space<vmem_shared>> -> memref<64x128xf32, #tpu.memory_space<vmem_shared>>
        %dma_wait3A_210 = arith.constant 0 : i32
        %dma_wait3A_211 = arith.constant 0 : i32
        %dma_wait3A_212 = tpu.memref_slice %arg6[%run_scoped3A_135, %dma_wait3A_210, %dma_wait3A_211] : memref<2x64x128xf32, #tpu.memory_space<vmem>> -> memref<1x64x128xf32, #tpu.memory_space<vmem>>
        %dma_wait3A_213 = tpu.memref_squeeze %dma_wait3A_212 : memref<1x64x128xf32, #tpu.memory_space<vmem>> -> memref<64x128xf32, #tpu.memory_space<vmem>>
        %dma_wait3A_214 = arith.constant 0 : i32
        %dma_wait3A_215 = tpu.memref_slice %arg7[%add3A_134, %dma_wait3A_214] : memref<10112x128xf32, #tpu.memory_space<vmem_shared>> -> memref<64x128xf32, #tpu.memory_space<vmem_shared>>
        tpu.wait_dma2 semaphore(%run_scoped3A_191 : memref<!tpu.dma_semaphore, #tpu.memory_space<semaphore_mem>>) src(%dma_wait3A_215 : memref<64x128xf32, #tpu.memory_space<vmem_shared>>) dst(%dma_wait3A_213 : memref<64x128xf32, #tpu.memory_space<vmem>>)
        tpu.yield
      }) : () -> ()
      %run_scoped3A_136 = arith.constant 0 : i32
      "tpu.region"() ({
        %run_scoped3A_191 = tpu.sem_alloc : memref<!tpu.dma_semaphore, #tpu.memory_space<semaphore_mem>>
        %dma_start3A_192 = arith.constant 0 : i32
        %dma_start3A_193 = arith.constant 0 : i32
        %dma_start3A_194 = tpu.memref_slice %arg6[%run_scoped3A_136, %dma_start3A_192, %dma_start3A_193] : memref<2x64x128xf32, #tpu.memory_space<vmem>> -> memref<1x64x128xf32, #tpu.memory_space<vmem>>
        %dma_start3A_195 = tpu.memref_squeeze %dma_start3A_194 : memref<1x64x128xf32, #tpu.memory_space<vmem>> -> memref<64x128xf32, #tpu.memory_space<vmem>>
        %dma_start3A_196 = arith.constant 0 : i32
        %dma_start3A_197 = tpu.memref_slice %arg4[%arg0, %add3A_134, %dma_start3A_196] : memref<2x10000x128xf32, #tpu.memory_space<hbm>> -> memref<1x64x128xf32, #tpu.memory_space<hbm>>
        %dma_start3A_198 = tpu.memref_squeeze %dma_start3A_197 : memref<1x64x128xf32, #tpu.memory_space<hbm>> -> memref<64x128xf32, #tpu.memory_space<hbm>>
        %dma_start3A_199 = arith.constant 0 : i32
        %dma_start3A_200 = tpu.memref_slice %arg4[%arg0, %add3A_134, %dma_start3A_199] : memref<2x10000x128xf32, #tpu.memory_space<hbm>> -> memref<1x64x128xf32, #tpu.memory_space<hbm>>
        %dma_start3A_201 = tpu.memref_squeeze %dma_start3A_200 : memref<1x64x128xf32, #tpu.memory_space<hbm>> -> memref<64x128xf32, #tpu.memory_space<hbm>>
        %dma_start3A_202 = arith.constant 0 : i32
        %dma_start3A_203 = arith.constant 0 : i32
        %dma_start3A_204 = tpu.memref_slice %arg6[%run_scoped3A_136, %dma_start3A_202, %dma_start3A_203] : memref<2x64x128xf32, #tpu.memory_space<vmem>> -> memref<1x64x128xf32, #tpu.memory_space<vmem>>
        %dma_start3A_205 = tpu.memref_squeeze %dma_start3A_204 : memref<1x64x128xf32, #tpu.memory_space<vmem>> -> memref<64x128xf32, #tpu.memory_space<vmem>>
        tpu.enqueue_dma source(%dma_start3A_205 : memref<64x128xf32, #tpu.memory_space<vmem>>) target(%dma_start3A_201 : memref<64x128xf32, #tpu.memory_space<hbm>>) target_semaphore(%run_scoped3A_191 : memref<!tpu.dma_semaphore, #tpu.memory_space<semaphore_mem>>)
        %dma_wait3A_206 = arith.constant 0 : i32
        %dma_wait3A_207 = arith.constant 0 : i32
        %dma_wait3A_208 = tpu.memref_slice %arg6[%run_scoped3A_136, %dma_wait3A_206, %dma_wait3A_207] : memref<2x64x128xf32, #tpu.memory_space<vmem>> -> memref<1x64x128xf32, #tpu.memory_space<vmem>>
        %dma_wait3A_209 = tpu.memref_squeeze %dma_wait3A_208 : memref<1x64x128xf32, #tpu.memory_space<vmem>> -> memref<64x128xf32, #tpu.memory_space<vmem>>
        %dma_wait3A_210 = arith.constant 0 : i32
        %dma_wait3A_211 = tpu.memref_slice %arg4[%arg0, %add3A_134, %dma_wait3A_210] : memref<2x10000x128xf32, #tpu.memory_space<hbm>> -> memref<1x64x128xf32, #tpu.memory_space<hbm>>
        %dma_wait3A_212 = tpu.memref_squeeze %dma_wait3A_211 : memref<1x64x128xf32, #tpu.memory_space<hbm>> -> memref<64x128xf32, #tpu.memory_space<hbm>>
        %dma_wait3A_213 = arith.constant 0 : i32
        %dma_wait3A_214 = tpu.memref_slice %arg4[%arg0, %add3A_134, %dma_wait3A_213] : memref<2x10000x128xf32, #tpu.memory_space<hbm>> -> memref<1x64x128xf32, #tpu.memory_space<hbm>>
        %dma_wait3A_215 = tpu.memref_squeeze %dma_wait3A_214 : memref<1x64x128xf32, #tpu.memory_space<hbm>> -> memref<64x128xf32, #tpu.memory_space<hbm>>
        %dma_wait3A_216 = arith.constant 0 : i32
        %dma_wait3A_217 = arith.constant 0 : i32
        %dma_wait3A_218 = tpu.memref_slice %arg6[%run_scoped3A_136, %dma_wait3A_216, %dma_wait3A_217] : memref<2x64x128xf32, #tpu.memory_space<vmem>> -> memref<1x64x128xf32, #tpu.memory_space<vmem>>
        %dma_wait3A_219 = tpu.memref_squeeze %dma_wait3A_218 : memref<1x64x128xf32, #tpu.memory_space<vmem>> -> memref<64x128xf32, #tpu.memory_space<vmem>>
        tpu.wait_dma2 semaphore(%run_scoped3A_191 : memref<!tpu.dma_semaphore, #tpu.memory_space<semaphore_mem>>) src(%dma_wait3A_219 : memref<64x128xf32, #tpu.memory_space<vmem>>) dst(%dma_wait3A_215 : memref<64x128xf32, #tpu.memory_space<hbm>>)
        tpu.yield
      }) : () -> ()
      %mul3A_137 = arith.constant 624 : i32
      %mul3A_138 = arith.muli %arg1, %mul3A_137 : i32
      %add3A_139 = arith.constant 64 : i32
      %add3A_140 = arith.addi %mul3A_138, %add3A_139 : i32
      %run_scoped3A_141 = arith.constant 0 : i32
      "tpu.region"() ({
        %run_scoped3A_191 = tpu.sem_alloc : memref<!tpu.dma_semaphore, #tpu.memory_space<semaphore_mem>>
        %dma_start3A_192 = arith.constant 0 : i32
        %dma_start3A_193 = arith.constant 0 : i32
        %dma_start3A_194 = tpu.memref_slice %arg6[%run_scoped3A_141, %dma_start3A_192, %dma_start3A_193] : memref<2x64x128xf32, #tpu.memory_space<vmem>> -> memref<1x64x128xf32, #tpu.memory_space<vmem>>
        %dma_start3A_195 = tpu.memref_squeeze %dma_start3A_194 : memref<1x64x128xf32, #tpu.memory_space<vmem>> -> memref<64x128xf32, #tpu.memory_space<vmem>>
        %dma_start3A_196 = arith.constant 0 : i32
        %dma_start3A_197 = tpu.memref_slice %arg7[%add3A_140, %dma_start3A_196] : memref<10112x128xf32, #tpu.memory_space<vmem_shared>> -> memref<64x128xf32, #tpu.memory_space<vmem_shared>>
        %dma_start3A_198 = arith.constant 0 : i32
        %dma_start3A_199 = arith.constant 0 : i32
        %dma_start3A_200 = tpu.memref_slice %arg6[%run_scoped3A_141, %dma_start3A_198, %dma_start3A_199] : memref<2x64x128xf32, #tpu.memory_space<vmem>> -> memref<1x64x128xf32, #tpu.memory_space<vmem>>
        %dma_start3A_201 = tpu.memref_squeeze %dma_start3A_200 : memref<1x64x128xf32, #tpu.memory_space<vmem>> -> memref<64x128xf32, #tpu.memory_space<vmem>>
        %dma_start3A_202 = arith.constant 0 : i32
        %dma_start3A_203 = tpu.memref_slice %arg7[%add3A_140, %dma_start3A_202] : memref<10112x128xf32, #tpu.memory_space<vmem_shared>> -> memref<64x128xf32, #tpu.memory_space<vmem_shared>>
        tpu.enqueue_dma source(%dma_start3A_203 : memref<64x128xf32, #tpu.memory_space<vmem_shared>>) target(%dma_start3A_201 : memref<64x128xf32, #tpu.memory_space<vmem>>) target_semaphore(%run_scoped3A_191 : memref<!tpu.dma_semaphore, #tpu.memory_space<semaphore_mem>>)
        %dma_wait3A_204 = arith.constant 0 : i32
        %dma_wait3A_205 = arith.constant 0 : i32
        %dma_wait3A_206 = tpu.memref_slice %arg6[%run_scoped3A_141, %dma_wait3A_204, %dma_wait3A_205] : memref<2x64x128xf32, #tpu.memory_space<vmem>> -> memref<1x64x128xf32, #tpu.memory_space<vmem>>
        %dma_wait3A_207 = tpu.memref_squeeze %dma_wait3A_206 : memref<1x64x128xf32, #tpu.memory_space<vmem>> -> memref<64x128xf32, #tpu.memory_space<vmem>>
        %dma_wait3A_208 = arith.constant 0 : i32
        %dma_wait3A_209 = tpu.memref_slice %arg7[%add3A_140, %dma_wait3A_208] : memref<10112x128xf32, #tpu.memory_space<vmem_shared>> -> memref<64x128xf32, #tpu.memory_space<vmem_shared>>
        %dma_wait3A_210 = arith.constant 0 : i32
        %dma_wait3A_211 = arith.constant 0 : i32
        %dma_wait3A_212 = tpu.memref_slice %arg6[%run_scoped3A_141, %dma_wait3A_210, %dma_wait3A_211] : memref<2x64x128xf32, #tpu.memory_space<vmem>> -> memref<1x64x128xf32, #tpu.memory_space<vmem>>
        %dma_wait3A_213 = tpu.memref_squeeze %dma_wait3A_212 : memref<1x64x128xf32, #tpu.memory_space<vmem>> -> memref<64x128xf32, #tpu.memory_space<vmem>>
        %dma_wait3A_214 = arith.constant 0 : i32
        %dma_wait3A_215 = tpu.memref_slice %arg7[%add3A_140, %dma_wait3A_214] : memref<10112x128xf32, #tpu.memory_space<vmem_shared>> -> memref<64x128xf32, #tpu.memory_space<vmem_shared>>
        tpu.wait_dma2 semaphore(%run_scoped3A_191 : memref<!tpu.dma_semaphore, #tpu.memory_space<semaphore_mem>>) src(%dma_wait3A_215 : memref<64x128xf32, #tpu.memory_space<vmem_shared>>) dst(%dma_wait3A_213 : memref<64x128xf32, #tpu.memory_space<vmem>>)
        tpu.yield
      }) : () -> ()
      %run_scoped3A_142 = arith.constant 0 : i32
      "tpu.region"() ({
        %run_scoped3A_191 = tpu.sem_alloc : memref<!tpu.dma_semaphore, #tpu.memory_space<semaphore_mem>>
        %dma_start3A_192 = arith.constant 0 : i32
        %dma_start3A_193 = arith.constant 0 : i32
        %dma_start3A_194 = tpu.memref_slice %arg6[%run_scoped3A_142, %dma_start3A_192, %dma_start3A_193] : memref<2x64x128xf32, #tpu.memory_space<vmem>> -> memref<1x64x128xf32, #tpu.memory_space<vmem>>
        %dma_start3A_195 = tpu.memref_squeeze %dma_start3A_194 : memref<1x64x128xf32, #tpu.memory_space<vmem>> -> memref<64x128xf32, #tpu.memory_space<vmem>>
        %dma_start3A_196 = arith.constant 0 : i32
        %dma_start3A_197 = tpu.memref_slice %arg4[%arg0, %add3A_140, %dma_start3A_196] : memref<2x10000x128xf32, #tpu.memory_space<hbm>> -> memref<1x64x128xf32, #tpu.memory_space<hbm>>
        %dma_start3A_198 = tpu.memref_squeeze %dma_start3A_197 : memref<1x64x128xf32, #tpu.memory_space<hbm>> -> memref<64x128xf32, #tpu.memory_space<hbm>>
        %dma_start3A_199 = arith.constant 0 : i32
        %dma_start3A_200 = tpu.memref_slice %arg4[%arg0, %add3A_140, %dma_start3A_199] : memref<2x10000x128xf32, #tpu.memory_space<hbm>> -> memref<1x64x128xf32, #tpu.memory_space<hbm>>
        %dma_start3A_201 = tpu.memref_squeeze %dma_start3A_200 : memref<1x64x128xf32, #tpu.memory_space<hbm>> -> memref<64x128xf32, #tpu.memory_space<hbm>>
        %dma_start3A_202 = arith.constant 0 : i32
        %dma_start3A_203 = arith.constant 0 : i32
        %dma_start3A_204 = tpu.memref_slice %arg6[%run_scoped3A_142, %dma_start3A_202, %dma_start3A_203] : memref<2x64x128xf32, #tpu.memory_space<vmem>> -> memref<1x64x128xf32, #tpu.memory_space<vmem>>
        %dma_start3A_205 = tpu.memref_squeeze %dma_start3A_204 : memref<1x64x128xf32, #tpu.memory_space<vmem>> -> memref<64x128xf32, #tpu.memory_space<vmem>>
        tpu.enqueue_dma source(%dma_start3A_205 : memref<64x128xf32, #tpu.memory_space<vmem>>) target(%dma_start3A_201 : memref<64x128xf32, #tpu.memory_space<hbm>>) target_semaphore(%run_scoped3A_191 : memref<!tpu.dma_semaphore, #tpu.memory_space<semaphore_mem>>)
        %dma_wait3A_206 = arith.constant 0 : i32
        %dma_wait3A_207 = arith.constant 0 : i32
        %dma_wait3A_208 = tpu.memref_slice %arg6[%run_scoped3A_142, %dma_wait3A_206, %dma_wait3A_207] : memref<2x64x128xf32, #tpu.memory_space<vmem>> -> memref<1x64x128xf32, #tpu.memory_space<vmem>>
        %dma_wait3A_209 = tpu.memref_squeeze %dma_wait3A_208 : memref<1x64x128xf32, #tpu.memory_space<vmem>> -> memref<64x128xf32, #tpu.memory_space<vmem>>
        %dma_wait3A_210 = arith.constant 0 : i32
        %dma_wait3A_211 = tpu.memref_slice %arg4[%arg0, %add3A_140, %dma_wait3A_210] : memref<2x10000x128xf32, #tpu.memory_space<hbm>> -> memref<1x64x128xf32, #tpu.memory_space<hbm>>
        %dma_wait3A_212 = tpu.memref_squeeze %dma_wait3A_211 : memref<1x64x128xf32, #tpu.memory_space<hbm>> -> memref<64x128xf32, #tpu.memory_space<hbm>>
        %dma_wait3A_213 = arith.constant 0 : i32
        %dma_wait3A_214 = tpu.memref_slice %arg4[%arg0, %add3A_140, %dma_wait3A_213] : memref<2x10000x128xf32, #tpu.memory_space<hbm>> -> memref<1x64x128xf32, #tpu.memory_space<hbm>>
        %dma_wait3A_215 = tpu.memref_squeeze %dma_wait3A_214 : memref<1x64x128xf32, #tpu.memory_space<hbm>> -> memref<64x128xf32, #tpu.memory_space<hbm>>
        %dma_wait3A_216 = arith.constant 0 : i32
        %dma_wait3A_217 = arith.constant 0 : i32
        %dma_wait3A_218 = tpu.memref_slice %arg6[%run_scoped3A_142, %dma_wait3A_216, %dma_wait3A_217] : memref<2x64x128xf32, #tpu.memory_space<vmem>> -> memref<1x64x128xf32, #tpu.memory_space<vmem>>
        %dma_wait3A_219 = tpu.memref_squeeze %dma_wait3A_218 : memref<1x64x128xf32, #tpu.memory_space<vmem>> -> memref<64x128xf32, #tpu.memory_space<vmem>>
        tpu.wait_dma2 semaphore(%run_scoped3A_191 : memref<!tpu.dma_semaphore, #tpu.memory_space<semaphore_mem>>) src(%dma_wait3A_219 : memref<64x128xf32, #tpu.memory_space<vmem>>) dst(%dma_wait3A_215 : memref<64x128xf32, #tpu.memory_space<hbm>>)
        tpu.yield
      }) : () -> ()
      %mul3A_143 = arith.constant 624 : i32
      %mul3A_144 = arith.muli %arg1, %mul3A_143 : i32
      %add3A_145 = arith.constant 128 : i32
      %add3A_146 = arith.addi %mul3A_144, %add3A_145 : i32
      %run_scoped3A_147 = arith.constant 0 : i32
      "tpu.region"() ({
        %run_scoped3A_191 = tpu.sem_alloc : memref<!tpu.dma_semaphore, #tpu.memory_space<semaphore_mem>>
        %dma_start3A_192 = arith.constant 0 : i32
        %dma_start3A_193 = arith.constant 0 : i32
        %dma_start3A_194 = tpu.memref_slice %arg6[%run_scoped3A_147, %dma_start3A_192, %dma_start3A_193] : memref<2x64x128xf32, #tpu.memory_space<vmem>> -> memref<1x64x128xf32, #tpu.memory_space<vmem>>
        %dma_start3A_195 = tpu.memref_squeeze %dma_start3A_194 : memref<1x64x128xf32, #tpu.memory_space<vmem>> -> memref<64x128xf32, #tpu.memory_space<vmem>>
        %dma_start3A_196 = arith.constant 0 : i32
        %dma_start3A_197 = tpu.memref_slice %arg7[%add3A_146, %dma_start3A_196] : memref<10112x128xf32, #tpu.memory_space<vmem_shared>> -> memref<64x128xf32, #tpu.memory_space<vmem_shared>>
        %dma_start3A_198 = arith.constant 0 : i32
        %dma_start3A_199 = arith.constant 0 : i32
        %dma_start3A_200 = tpu.memref_slice %arg6[%run_scoped3A_147, %dma_start3A_198, %dma_start3A_199] : memref<2x64x128xf32, #tpu.memory_space<vmem>> -> memref<1x64x128xf32, #tpu.memory_space<vmem>>
        %dma_start3A_201 = tpu.memref_squeeze %dma_start3A_200 : memref<1x64x128xf32, #tpu.memory_space<vmem>> -> memref<64x128xf32, #tpu.memory_space<vmem>>
        %dma_start3A_202 = arith.constant 0 : i32
        %dma_start3A_203 = tpu.memref_slice %arg7[%add3A_146, %dma_start3A_202] : memref<10112x128xf32, #tpu.memory_space<vmem_shared>> -> memref<64x128xf32, #tpu.memory_space<vmem_shared>>
        tpu.enqueue_dma source(%dma_start3A_203 : memref<64x128xf32, #tpu.memory_space<vmem_shared>>) target(%dma_start3A_201 : memref<64x128xf32, #tpu.memory_space<vmem>>) target_semaphore(%run_scoped3A_191 : memref<!tpu.dma_semaphore, #tpu.memory_space<semaphore_mem>>)
        %dma_wait3A_204 = arith.constant 0 : i32
        %dma_wait3A_205 = arith.constant 0 : i32
        %dma_wait3A_206 = tpu.memref_slice %arg6[%run_scoped3A_147, %dma_wait3A_204, %dma_wait3A_205] : memref<2x64x128xf32, #tpu.memory_space<vmem>> -> memref<1x64x128xf32, #tpu.memory_space<vmem>>
        %dma_wait3A_207 = tpu.memref_squeeze %dma_wait3A_206 : memref<1x64x128xf32, #tpu.memory_space<vmem>> -> memref<64x128xf32, #tpu.memory_space<vmem>>
        %dma_wait3A_208 = arith.constant 0 : i32
        %dma_wait3A_209 = tpu.memref_slice %arg7[%add3A_146, %dma_wait3A_208] : memref<10112x128xf32, #tpu.memory_space<vmem_shared>> -> memref<64x128xf32, #tpu.memory_space<vmem_shared>>
        %dma_wait3A_210 = arith.constant 0 : i32
        %dma_wait3A_211 = arith.constant 0 : i32
        %dma_wait3A_212 = tpu.memref_slice %arg6[%run_scoped3A_147, %dma_wait3A_210, %dma_wait3A_211] : memref<2x64x128xf32, #tpu.memory_space<vmem>> -> memref<1x64x128xf32, #tpu.memory_space<vmem>>
        %dma_wait3A_213 = tpu.memref_squeeze %dma_wait3A_212 : memref<1x64x128xf32, #tpu.memory_space<vmem>> -> memref<64x128xf32, #tpu.memory_space<vmem>>
        %dma_wait3A_214 = arith.constant 0 : i32
        %dma_wait3A_215 = tpu.memref_slice %arg7[%add3A_146, %dma_wait3A_214] : memref<10112x128xf32, #tpu.memory_space<vmem_shared>> -> memref<64x128xf32, #tpu.memory_space<vmem_shared>>
        tpu.wait_dma2 semaphore(%run_scoped3A_191 : memref<!tpu.dma_semaphore, #tpu.memory_space<semaphore_mem>>) src(%dma_wait3A_215 : memref<64x128xf32, #tpu.memory_space<vmem_shared>>) dst(%dma_wait3A_213 : memref<64x128xf32, #tpu.memory_space<vmem>>)
        tpu.yield
      }) : () -> ()
      %run_scoped3A_148 = arith.constant 0 : i32
      "tpu.region"() ({
        %run_scoped3A_191 = tpu.sem_alloc : memref<!tpu.dma_semaphore, #tpu.memory_space<semaphore_mem>>
        %dma_start3A_192 = arith.constant 0 : i32
        %dma_start3A_193 = arith.constant 0 : i32
        %dma_start3A_194 = tpu.memref_slice %arg6[%run_scoped3A_148, %dma_start3A_192, %dma_start3A_193] : memref<2x64x128xf32, #tpu.memory_space<vmem>> -> memref<1x64x128xf32, #tpu.memory_space<vmem>>
        %dma_start3A_195 = tpu.memref_squeeze %dma_start3A_194 : memref<1x64x128xf32, #tpu.memory_space<vmem>> -> memref<64x128xf32, #tpu.memory_space<vmem>>
        %dma_start3A_196 = arith.constant 0 : i32
        %dma_start3A_197 = tpu.memref_slice %arg4[%arg0, %add3A_146, %dma_start3A_196] : memref<2x10000x128xf32, #tpu.memory_space<hbm>> -> memref<1x64x128xf32, #tpu.memory_space<hbm>>
        %dma_start3A_198 = tpu.memref_squeeze %dma_start3A_197 : memref<1x64x128xf32, #tpu.memory_space<hbm>> -> memref<64x128xf32, #tpu.memory_space<hbm>>
        %dma_start3A_199 = arith.constant 0 : i32
        %dma_start3A_200 = tpu.memref_slice %arg4[%arg0, %add3A_146, %dma_start3A_199] : memref<2x10000x128xf32, #tpu.memory_space<hbm>> -> memref<1x64x128xf32, #tpu.memory_space<hbm>>
        %dma_start3A_201 = tpu.memref_squeeze %dma_start3A_200 : memref<1x64x128xf32, #tpu.memory_space<hbm>> -> memref<64x128xf32, #tpu.memory_space<hbm>>
        %dma_start3A_202 = arith.constant 0 : i32
        %dma_start3A_203 = arith.constant 0 : i32
        %dma_start3A_204 = tpu.memref_slice %arg6[%run_scoped3A_148, %dma_start3A_202, %dma_start3A_203] : memref<2x64x128xf32, #tpu.memory_space<vmem>> -> memref<1x64x128xf32, #tpu.memory_space<vmem>>
        %dma_start3A_205 = tpu.memref_squeeze %dma_start3A_204 : memref<1x64x128xf32, #tpu.memory_space<vmem>> -> memref<64x128xf32, #tpu.memory_space<vmem>>
        tpu.enqueue_dma source(%dma_start3A_205 : memref<64x128xf32, #tpu.memory_space<vmem>>) target(%dma_start3A_201 : memref<64x128xf32, #tpu.memory_space<hbm>>) target_semaphore(%run_scoped3A_191 : memref<!tpu.dma_semaphore, #tpu.memory_space<semaphore_mem>>)
        %dma_wait3A_206 = arith.constant 0 : i32
        %dma_wait3A_207 = arith.constant 0 : i32
        %dma_wait3A_208 = tpu.memref_slice %arg6[%run_scoped3A_148, %dma_wait3A_206, %dma_wait3A_207] : memref<2x64x128xf32, #tpu.memory_space<vmem>> -> memref<1x64x128xf32, #tpu.memory_space<vmem>>
        %dma_wait3A_209 = tpu.memref_squeeze %dma_wait3A_208 : memref<1x64x128xf32, #tpu.memory_space<vmem>> -> memref<64x128xf32, #tpu.memory_space<vmem>>
        %dma_wait3A_210 = arith.constant 0 : i32
        %dma_wait3A_211 = tpu.memref_slice %arg4[%arg0, %add3A_146, %dma_wait3A_210] : memref<2x10000x128xf32, #tpu.memory_space<hbm>> -> memref<1x64x128xf32, #tpu.memory_space<hbm>>
        %dma_wait3A_212 = tpu.memref_squeeze %dma_wait3A_211 : memref<1x64x128xf32, #tpu.memory_space<hbm>> -> memref<64x128xf32, #tpu.memory_space<hbm>>
        %dma_wait3A_213 = arith.constant 0 : i32
        %dma_wait3A_214 = tpu.memref_slice %arg4[%arg0, %add3A_146, %dma_wait3A_213] : memref<2x10000x128xf32, #tpu.memory_space<hbm>> -> memref<1x64x128xf32, #tpu.memory_space<hbm>>
        %dma_wait3A_215 = tpu.memref_squeeze %dma_wait3A_214 : memref<1x64x128xf32, #tpu.memory_space<hbm>> -> memref<64x128xf32, #tpu.memory_space<hbm>>
        %dma_wait3A_216 = arith.constant 0 : i32
        %dma_wait3A_217 = arith.constant 0 : i32
        %dma_wait3A_218 = tpu.memref_slice %arg6[%run_scoped3A_148, %dma_wait3A_216, %dma_wait3A_217] : memref<2x64x128xf32, #tpu.memory_space<vmem>> -> memref<1x64x128xf32, #tpu.memory_space<vmem>>
        %dma_wait3A_219 = tpu.memref_squeeze %dma_wait3A_218 : memref<1x64x128xf32, #tpu.memory_space<vmem>> -> memref<64x128xf32, #tpu.memory_space<vmem>>
        tpu.wait_dma2 semaphore(%run_scoped3A_191 : memref<!tpu.dma_semaphore, #tpu.memory_space<semaphore_mem>>) src(%dma_wait3A_219 : memref<64x128xf32, #tpu.memory_space<vmem>>) dst(%dma_wait3A_215 : memref<64x128xf32, #tpu.memory_space<hbm>>)
        tpu.yield
      }) : () -> ()
      %mul3A_149 = arith.constant 624 : i32
      %mul3A_150 = arith.muli %arg1, %mul3A_149 : i32
      %add3A_151 = arith.constant 192 : i32
      %add3A_152 = arith.addi %mul3A_150, %add3A_151 : i32
      %run_scoped3A_153 = arith.constant 0 : i32
      "tpu.region"() ({
        %run_scoped3A_191 = tpu.sem_alloc : memref<!tpu.dma_semaphore, #tpu.memory_space<semaphore_mem>>
        %dma_start3A_192 = arith.constant 0 : i32
        %dma_start3A_193 = arith.constant 0 : i32
        %dma_start3A_194 = tpu.memref_slice %arg6[%run_scoped3A_153, %dma_start3A_192, %dma_start3A_193] : memref<2x64x128xf32, #tpu.memory_space<vmem>> -> memref<1x64x128xf32, #tpu.memory_space<vmem>>
        %dma_start3A_195 = tpu.memref_squeeze %dma_start3A_194 : memref<1x64x128xf32, #tpu.memory_space<vmem>> -> memref<64x128xf32, #tpu.memory_space<vmem>>
        %dma_start3A_196 = arith.constant 0 : i32
        %dma_start3A_197 = tpu.memref_slice %arg7[%add3A_152, %dma_start3A_196] : memref<10112x128xf32, #tpu.memory_space<vmem_shared>> -> memref<64x128xf32, #tpu.memory_space<vmem_shared>>
        %dma_start3A_198 = arith.constant 0 : i32
        %dma_start3A_199 = arith.constant 0 : i32
        %dma_start3A_200 = tpu.memref_slice %arg6[%run_scoped3A_153, %dma_start3A_198, %dma_start3A_199] : memref<2x64x128xf32, #tpu.memory_space<vmem>> -> memref<1x64x128xf32, #tpu.memory_space<vmem>>
        %dma_start3A_201 = tpu.memref_squeeze %dma_start3A_200 : memref<1x64x128xf32, #tpu.memory_space<vmem>> -> memref<64x128xf32, #tpu.memory_space<vmem>>
        %dma_start3A_202 = arith.constant 0 : i32
        %dma_start3A_203 = tpu.memref_slice %arg7[%add3A_152, %dma_start3A_202] : memref<10112x128xf32, #tpu.memory_space<vmem_shared>> -> memref<64x128xf32, #tpu.memory_space<vmem_shared>>
        tpu.enqueue_dma source(%dma_start3A_203 : memref<64x128xf32, #tpu.memory_space<vmem_shared>>) target(%dma_start3A_201 : memref<64x128xf32, #tpu.memory_space<vmem>>) target_semaphore(%run_scoped3A_191 : memref<!tpu.dma_semaphore, #tpu.memory_space<semaphore_mem>>)
        %dma_wait3A_204 = arith.constant 0 : i32
        %dma_wait3A_205 = arith.constant 0 : i32
        %dma_wait3A_206 = tpu.memref_slice %arg6[%run_scoped3A_153, %dma_wait3A_204, %dma_wait3A_205] : memref<2x64x128xf32, #tpu.memory_space<vmem>> -> memref<1x64x128xf32, #tpu.memory_space<vmem>>
        %dma_wait3A_207 = tpu.memref_squeeze %dma_wait3A_206 : memref<1x64x128xf32, #tpu.memory_space<vmem>> -> memref<64x128xf32, #tpu.memory_space<vmem>>
        %dma_wait3A_208 = arith.constant 0 : i32
        %dma_wait3A_209 = tpu.memref_slice %arg7[%add3A_152, %dma_wait3A_208] : memref<10112x128xf32, #tpu.memory_space<vmem_shared>> -> memref<64x128xf32, #tpu.memory_space<vmem_shared>>
        %dma_wait3A_210 = arith.constant 0 : i32
        %dma_wait3A_211 = arith.constant 0 : i32
        %dma_wait3A_212 = tpu.memref_slice %arg6[%run_scoped3A_153, %dma_wait3A_210, %dma_wait3A_211] : memref<2x64x128xf32, #tpu.memory_space<vmem>> -> memref<1x64x128xf32, #tpu.memory_space<vmem>>
        %dma_wait3A_213 = tpu.memref_squeeze %dma_wait3A_212 : memref<1x64x128xf32, #tpu.memory_space<vmem>> -> memref<64x128xf32, #tpu.memory_space<vmem>>
        %dma_wait3A_214 = arith.constant 0 : i32
        %dma_wait3A_215 = tpu.memref_slice %arg7[%add3A_152, %dma_wait3A_214] : memref<10112x128xf32, #tpu.memory_space<vmem_shared>> -> memref<64x128xf32, #tpu.memory_space<vmem_shared>>
        tpu.wait_dma2 semaphore(%run_scoped3A_191 : memref<!tpu.dma_semaphore, #tpu.memory_space<semaphore_mem>>) src(%dma_wait3A_215 : memref<64x128xf32, #tpu.memory_space<vmem_shared>>) dst(%dma_wait3A_213 : memref<64x128xf32, #tpu.memory_space<vmem>>)
        tpu.yield
      }) : () -> ()
      %run_scoped3A_154 = arith.constant 0 : i32
      "tpu.region"() ({
        %run_scoped3A_191 = tpu.sem_alloc : memref<!tpu.dma_semaphore, #tpu.memory_space<semaphore_mem>>
        %dma_start3A_192 = arith.constant 0 : i32
        %dma_start3A_193 = arith.constant 0 : i32
        %dma_start3A_194 = tpu.memref_slice %arg6[%run_scoped3A_154, %dma_start3A_192, %dma_start3A_193] : memref<2x64x128xf32, #tpu.memory_space<vmem>> -> memref<1x64x128xf32, #tpu.memory_space<vmem>>
        %dma_start3A_195 = tpu.memref_squeeze %dma_start3A_194 : memref<1x64x128xf32, #tpu.memory_space<vmem>> -> memref<64x128xf32, #tpu.memory_space<vmem>>
        %dma_start3A_196 = arith.constant 0 : i32
        %dma_start3A_197 = tpu.memref_slice %arg4[%arg0, %add3A_152, %dma_start3A_196] : memref<2x10000x128xf32, #tpu.memory_space<hbm>> -> memref<1x64x128xf32, #tpu.memory_space<hbm>>
        %dma_start3A_198 = tpu.memref_squeeze %dma_start3A_197 : memref<1x64x128xf32, #tpu.memory_space<hbm>> -> memref<64x128xf32, #tpu.memory_space<hbm>>
        %dma_start3A_199 = arith.constant 0 : i32
        %dma_start3A_200 = tpu.memref_slice %arg4[%arg0, %add3A_152, %dma_start3A_199] : memref<2x10000x128xf32, #tpu.memory_space<hbm>> -> memref<1x64x128xf32, #tpu.memory_space<hbm>>
        %dma_start3A_201 = tpu.memref_squeeze %dma_start3A_200 : memref<1x64x128xf32, #tpu.memory_space<hbm>> -> memref<64x128xf32, #tpu.memory_space<hbm>>
        %dma_start3A_202 = arith.constant 0 : i32
        %dma_start3A_203 = arith.constant 0 : i32
        %dma_start3A_204 = tpu.memref_slice %arg6[%run_scoped3A_154, %dma_start3A_202, %dma_start3A_203] : memref<2x64x128xf32, #tpu.memory_space<vmem>> -> memref<1x64x128xf32, #tpu.memory_space<vmem>>
        %dma_start3A_205 = tpu.memref_squeeze %dma_start3A_204 : memref<1x64x128xf32, #tpu.memory_space<vmem>> -> memref<64x128xf32, #tpu.memory_space<vmem>>
        tpu.enqueue_dma source(%dma_start3A_205 : memref<64x128xf32, #tpu.memory_space<vmem>>) target(%dma_start3A_201 : memref<64x128xf32, #tpu.memory_space<hbm>>) target_semaphore(%run_scoped3A_191 : memref<!tpu.dma_semaphore, #tpu.memory_space<semaphore_mem>>)
        %dma_wait3A_206 = arith.constant 0 : i32
        %dma_wait3A_207 = arith.constant 0 : i32
        %dma_wait3A_208 = tpu.memref_slice %arg6[%run_scoped3A_154, %dma_wait3A_206, %dma_wait3A_207] : memref<2x64x128xf32, #tpu.memory_space<vmem>> -> memref<1x64x128xf32, #tpu.memory_space<vmem>>
        %dma_wait3A_209 = tpu.memref_squeeze %dma_wait3A_208 : memref<1x64x128xf32, #tpu.memory_space<vmem>> -> memref<64x128xf32, #tpu.memory_space<vmem>>
        %dma_wait3A_210 = arith.constant 0 : i32
        %dma_wait3A_211 = tpu.memref_slice %arg4[%arg0, %add3A_152, %dma_wait3A_210] : memref<2x10000x128xf32, #tpu.memory_space<hbm>> -> memref<1x64x128xf32, #tpu.memory_space<hbm>>
        %dma_wait3A_212 = tpu.memref_squeeze %dma_wait3A_211 : memref<1x64x128xf32, #tpu.memory_space<hbm>> -> memref<64x128xf32, #tpu.memory_space<hbm>>
        %dma_wait3A_213 = arith.constant 0 : i32
        %dma_wait3A_214 = tpu.memref_slice %arg4[%arg0, %add3A_152, %dma_wait3A_213] : memref<2x10000x128xf32, #tpu.memory_space<hbm>> -> memref<1x64x128xf32, #tpu.memory_space<hbm>>
        %dma_wait3A_215 = tpu.memref_squeeze %dma_wait3A_214 : memref<1x64x128xf32, #tpu.memory_space<hbm>> -> memref<64x128xf32, #tpu.memory_space<hbm>>
        %dma_wait3A_216 = arith.constant 0 : i32
        %dma_wait3A_217 = arith.constant 0 : i32
        %dma_wait3A_218 = tpu.memref_slice %arg6[%run_scoped3A_154, %dma_wait3A_216, %dma_wait3A_217] : memref<2x64x128xf32, #tpu.memory_space<vmem>> -> memref<1x64x128xf32, #tpu.memory_space<vmem>>
        %dma_wait3A_219 = tpu.memref_squeeze %dma_wait3A_218 : memref<1x64x128xf32, #tpu.memory_space<vmem>> -> memref<64x128xf32, #tpu.memory_space<vmem>>
        tpu.wait_dma2 semaphore(%run_scoped3A_191 : memref<!tpu.dma_semaphore, #tpu.memory_space<semaphore_mem>>) src(%dma_wait3A_219 : memref<64x128xf32, #tpu.memory_space<vmem>>) dst(%dma_wait3A_215 : memref<64x128xf32, #tpu.memory_space<hbm>>)
        tpu.yield
      }) : () -> ()
      %mul3A_155 = arith.constant 624 : i32
      %mul3A_156 = arith.muli %arg1, %mul3A_155 : i32
      %add3A_157 = arith.constant 256 : i32
      %add3A_158 = arith.addi %mul3A_156, %add3A_157 : i32
      %run_scoped3A_159 = arith.constant 0 : i32
      "tpu.region"() ({
        %run_scoped3A_191 = tpu.sem_alloc : memref<!tpu.dma_semaphore, #tpu.memory_space<semaphore_mem>>
        %dma_start3A_192 = arith.constant 0 : i32
        %dma_start3A_193 = arith.constant 0 : i32
        %dma_start3A_194 = tpu.memref_slice %arg6[%run_scoped3A_159, %dma_start3A_192, %dma_start3A_193] : memref<2x64x128xf32, #tpu.memory_space<vmem>> -> memref<1x64x128xf32, #tpu.memory_space<vmem>>
        %dma_start3A_195 = tpu.memref_squeeze %dma_start3A_194 : memref<1x64x128xf32, #tpu.memory_space<vmem>> -> memref<64x128xf32, #tpu.memory_space<vmem>>
        %dma_start3A_196 = arith.constant 0 : i32
        %dma_start3A_197 = tpu.memref_slice %arg7[%add3A_158, %dma_start3A_196] : memref<10112x128xf32, #tpu.memory_space<vmem_shared>> -> memref<64x128xf32, #tpu.memory_space<vmem_shared>>
        %dma_start3A_198 = arith.constant 0 : i32
        %dma_start3A_199 = arith.constant 0 : i32
        %dma_start3A_200 = tpu.memref_slice %arg6[%run_scoped3A_159, %dma_start3A_198, %dma_start3A_199] : memref<2x64x128xf32, #tpu.memory_space<vmem>> -> memref<1x64x128xf32, #tpu.memory_space<vmem>>
        %dma_start3A_201 = tpu.memref_squeeze %dma_start3A_200 : memref<1x64x128xf32, #tpu.memory_space<vmem>> -> memref<64x128xf32, #tpu.memory_space<vmem>>
        %dma_start3A_202 = arith.constant 0 : i32
        %dma_start3A_203 = tpu.memref_slice %arg7[%add3A_158, %dma_start3A_202] : memref<10112x128xf32, #tpu.memory_space<vmem_shared>> -> memref<64x128xf32, #tpu.memory_space<vmem_shared>>
        tpu.enqueue_dma source(%dma_start3A_203 : memref<64x128xf32, #tpu.memory_space<vmem_shared>>) target(%dma_start3A_201 : memref<64x128xf32, #tpu.memory_space<vmem>>) target_semaphore(%run_scoped3A_191 : memref<!tpu.dma_semaphore, #tpu.memory_space<semaphore_mem>>)
        %dma_wait3A_204 = arith.constant 0 : i32
        %dma_wait3A_205 = arith.constant 0 : i32
        %dma_wait3A_206 = tpu.memref_slice %arg6[%run_scoped3A_159, %dma_wait3A_204, %dma_wait3A_205] : memref<2x64x128xf32, #tpu.memory_space<vmem>> -> memref<1x64x128xf32, #tpu.memory_space<vmem>>
        %dma_wait3A_207 = tpu.memref_squeeze %dma_wait3A_206 : memref<1x64x128xf32, #tpu.memory_space<vmem>> -> memref<64x128xf32, #tpu.memory_space<vmem>>
        %dma_wait3A_208 = arith.constant 0 : i32
        %dma_wait3A_209 = tpu.memref_slice %arg7[%add3A_158, %dma_wait3A_208] : memref<10112x128xf32, #tpu.memory_space<vmem_shared>> -> memref<64x128xf32, #tpu.memory_space<vmem_shared>>
        %dma_wait3A_210 = arith.constant 0 : i32
        %dma_wait3A_211 = arith.constant 0 : i32
        %dma_wait3A_212 = tpu.memref_slice %arg6[%run_scoped3A_159, %dma_wait3A_210, %dma_wait3A_211] : memref<2x64x128xf32, #tpu.memory_space<vmem>> -> memref<1x64x128xf32, #tpu.memory_space<vmem>>
        %dma_wait3A_213 = tpu.memref_squeeze %dma_wait3A_212 : memref<1x64x128xf32, #tpu.memory_space<vmem>> -> memref<64x128xf32, #tpu.memory_space<vmem>>
        %dma_wait3A_214 = arith.constant 0 : i32
        %dma_wait3A_215 = tpu.memref_slice %arg7[%add3A_158, %dma_wait3A_214] : memref<10112x128xf32, #tpu.memory_space<vmem_shared>> -> memref<64x128xf32, #tpu.memory_space<vmem_shared>>
        tpu.wait_dma2 semaphore(%run_scoped3A_191 : memref<!tpu.dma_semaphore, #tpu.memory_space<semaphore_mem>>) src(%dma_wait3A_215 : memref<64x128xf32, #tpu.memory_space<vmem_shared>>) dst(%dma_wait3A_213 : memref<64x128xf32, #tpu.memory_space<vmem>>)
        tpu.yield
      }) : () -> ()
      %run_scoped3A_160 = arith.constant 0 : i32
      "tpu.region"() ({
        %run_scoped3A_191 = tpu.sem_alloc : memref<!tpu.dma_semaphore, #tpu.memory_space<semaphore_mem>>
        %dma_start3A_192 = arith.constant 0 : i32
        %dma_start3A_193 = arith.constant 0 : i32
        %dma_start3A_194 = tpu.memref_slice %arg6[%run_scoped3A_160, %dma_start3A_192, %dma_start3A_193] : memref<2x64x128xf32, #tpu.memory_space<vmem>> -> memref<1x64x128xf32, #tpu.memory_space<vmem>>
        %dma_start3A_195 = tpu.memref_squeeze %dma_start3A_194 : memref<1x64x128xf32, #tpu.memory_space<vmem>> -> memref<64x128xf32, #tpu.memory_space<vmem>>
        %dma_start3A_196 = arith.constant 0 : i32
        %dma_start3A_197 = tpu.memref_slice %arg4[%arg0, %add3A_158, %dma_start3A_196] : memref<2x10000x128xf32, #tpu.memory_space<hbm>> -> memref<1x64x128xf32, #tpu.memory_space<hbm>>
        %dma_start3A_198 = tpu.memref_squeeze %dma_start3A_197 : memref<1x64x128xf32, #tpu.memory_space<hbm>> -> memref<64x128xf32, #tpu.memory_space<hbm>>
        %dma_start3A_199 = arith.constant 0 : i32
        %dma_start3A_200 = tpu.memref_slice %arg4[%arg0, %add3A_158, %dma_start3A_199] : memref<2x10000x128xf32, #tpu.memory_space<hbm>> -> memref<1x64x128xf32, #tpu.memory_space<hbm>>
        %dma_start3A_201 = tpu.memref_squeeze %dma_start3A_200 : memref<1x64x128xf32, #tpu.memory_space<hbm>> -> memref<64x128xf32, #tpu.memory_space<hbm>>
        %dma_start3A_202 = arith.constant 0 : i32
        %dma_start3A_203 = arith.constant 0 : i32
        %dma_start3A_204 = tpu.memref_slice %arg6[%run_scoped3A_160, %dma_start3A_202, %dma_start3A_203] : memref<2x64x128xf32, #tpu.memory_space<vmem>> -> memref<1x64x128xf32, #tpu.memory_space<vmem>>
        %dma_start3A_205 = tpu.memref_squeeze %dma_start3A_204 : memref<1x64x128xf32, #tpu.memory_space<vmem>> -> memref<64x128xf32, #tpu.memory_space<vmem>>
        tpu.enqueue_dma source(%dma_start3A_205 : memref<64x128xf32, #tpu.memory_space<vmem>>) target(%dma_start3A_201 : memref<64x128xf32, #tpu.memory_space<hbm>>) target_semaphore(%run_scoped3A_191 : memref<!tpu.dma_semaphore, #tpu.memory_space<semaphore_mem>>)
        %dma_wait3A_206 = arith.constant 0 : i32
        %dma_wait3A_207 = arith.constant 0 : i32
        %dma_wait3A_208 = tpu.memref_slice %arg6[%run_scoped3A_160, %dma_wait3A_206, %dma_wait3A_207] : memref<2x64x128xf32, #tpu.memory_space<vmem>> -> memref<1x64x128xf32, #tpu.memory_space<vmem>>
        %dma_wait3A_209 = tpu.memref_squeeze %dma_wait3A_208 : memref<1x64x128xf32, #tpu.memory_space<vmem>> -> memref<64x128xf32, #tpu.memory_space<vmem>>
        %dma_wait3A_210 = arith.constant 0 : i32
        %dma_wait3A_211 = tpu.memref_slice %arg4[%arg0, %add3A_158, %dma_wait3A_210] : memref<2x10000x128xf32, #tpu.memory_space<hbm>> -> memref<1x64x128xf32, #tpu.memory_space<hbm>>
        %dma_wait3A_212 = tpu.memref_squeeze %dma_wait3A_211 : memref<1x64x128xf32, #tpu.memory_space<hbm>> -> memref<64x128xf32, #tpu.memory_space<hbm>>
        %dma_wait3A_213 = arith.constant 0 : i32
        %dma_wait3A_214 = tpu.memref_slice %arg4[%arg0, %add3A_158, %dma_wait3A_213] : memref<2x10000x128xf32, #tpu.memory_space<hbm>> -> memref<1x64x128xf32, #tpu.memory_space<hbm>>
        %dma_wait3A_215 = tpu.memref_squeeze %dma_wait3A_214 : memref<1x64x128xf32, #tpu.memory_space<hbm>> -> memref<64x128xf32, #tpu.memory_space<hbm>>
        %dma_wait3A_216 = arith.constant 0 : i32
        %dma_wait3A_217 = arith.constant 0 : i32
        %dma_wait3A_218 = tpu.memref_slice %arg6[%run_scoped3A_160, %dma_wait3A_216, %dma_wait3A_217] : memref<2x64x128xf32, #tpu.memory_space<vmem>> -> memref<1x64x128xf32, #tpu.memory_space<vmem>>
        %dma_wait3A_219 = tpu.memref_squeeze %dma_wait3A_218 : memref<1x64x128xf32, #tpu.memory_space<vmem>> -> memref<64x128xf32, #tpu.memory_space<vmem>>
        tpu.wait_dma2 semaphore(%run_scoped3A_191 : memref<!tpu.dma_semaphore, #tpu.memory_space<semaphore_mem>>) src(%dma_wait3A_219 : memref<64x128xf32, #tpu.memory_space<vmem>>) dst(%dma_wait3A_215 : memref<64x128xf32, #tpu.memory_space<hbm>>)
        tpu.yield
      }) : () -> ()
      %mul3A_161 = arith.constant 624 : i32
      %mul3A_162 = arith.muli %arg1, %mul3A_161 : i32
      %add3A_163 = arith.constant 320 : i32
      %add3A_164 = arith.addi %mul3A_162, %add3A_163 : i32
      %run_scoped3A_165 = arith.constant 0 : i32
      "tpu.region"() ({
        %run_scoped3A_191 = tpu.sem_alloc : memref<!tpu.dma_semaphore, #tpu.memory_space<semaphore_mem>>
        %dma_start3A_192 = arith.constant 0 : i32
        %dma_start3A_193 = arith.constant 0 : i32
        %dma_start3A_194 = tpu.memref_slice %arg6[%run_scoped3A_165, %dma_start3A_192, %dma_start3A_193] : memref<2x64x128xf32, #tpu.memory_space<vmem>> -> memref<1x64x128xf32, #tpu.memory_space<vmem>>
        %dma_start3A_195 = tpu.memref_squeeze %dma_start3A_194 : memref<1x64x128xf32, #tpu.memory_space<vmem>> -> memref<64x128xf32, #tpu.memory_space<vmem>>
        %dma_start3A_196 = arith.constant 0 : i32
        %dma_start3A_197 = tpu.memref_slice %arg7[%add3A_164, %dma_start3A_196] : memref<10112x128xf32, #tpu.memory_space<vmem_shared>> -> memref<64x128xf32, #tpu.memory_space<vmem_shared>>
        %dma_start3A_198 = arith.constant 0 : i32
        %dma_start3A_199 = arith.constant 0 : i32
        %dma_start3A_200 = tpu.memref_slice %arg6[%run_scoped3A_165, %dma_start3A_198, %dma_start3A_199] : memref<2x64x128xf32, #tpu.memory_space<vmem>> -> memref<1x64x128xf32, #tpu.memory_space<vmem>>
        %dma_start3A_201 = tpu.memref_squeeze %dma_start3A_200 : memref<1x64x128xf32, #tpu.memory_space<vmem>> -> memref<64x128xf32, #tpu.memory_space<vmem>>
        %dma_start3A_202 = arith.constant 0 : i32
        %dma_start3A_203 = tpu.memref_slice %arg7[%add3A_164, %dma_start3A_202] : memref<10112x128xf32, #tpu.memory_space<vmem_shared>> -> memref<64x128xf32, #tpu.memory_space<vmem_shared>>
        tpu.enqueue_dma source(%dma_start3A_203 : memref<64x128xf32, #tpu.memory_space<vmem_shared>>) target(%dma_start3A_201 : memref<64x128xf32, #tpu.memory_space<vmem>>) target_semaphore(%run_scoped3A_191 : memref<!tpu.dma_semaphore, #tpu.memory_space<semaphore_mem>>)
        %dma_wait3A_204 = arith.constant 0 : i32
        %dma_wait3A_205 = arith.constant 0 : i32
        %dma_wait3A_206 = tpu.memref_slice %arg6[%run_scoped3A_165, %dma_wait3A_204, %dma_wait3A_205] : memref<2x64x128xf32, #tpu.memory_space<vmem>> -> memref<1x64x128xf32, #tpu.memory_space<vmem>>
        %dma_wait3A_207 = tpu.memref_squeeze %dma_wait3A_206 : memref<1x64x128xf32, #tpu.memory_space<vmem>> -> memref<64x128xf32, #tpu.memory_space<vmem>>
        %dma_wait3A_208 = arith.constant 0 : i32
        %dma_wait3A_209 = tpu.memref_slice %arg7[%add3A_164, %dma_wait3A_208] : memref<10112x128xf32, #tpu.memory_space<vmem_shared>> -> memref<64x128xf32, #tpu.memory_space<vmem_shared>>
        %dma_wait3A_210 = arith.constant 0 : i32
        %dma_wait3A_211 = arith.constant 0 : i32
        %dma_wait3A_212 = tpu.memref_slice %arg6[%run_scoped3A_165, %dma_wait3A_210, %dma_wait3A_211] : memref<2x64x128xf32, #tpu.memory_space<vmem>> -> memref<1x64x128xf32, #tpu.memory_space<vmem>>
        %dma_wait3A_213 = tpu.memref_squeeze %dma_wait3A_212 : memref<1x64x128xf32, #tpu.memory_space<vmem>> -> memref<64x128xf32, #tpu.memory_space<vmem>>
        %dma_wait3A_214 = arith.constant 0 : i32
        %dma_wait3A_215 = tpu.memref_slice %arg7[%add3A_164, %dma_wait3A_214] : memref<10112x128xf32, #tpu.memory_space<vmem_shared>> -> memref<64x128xf32, #tpu.memory_space<vmem_shared>>
        tpu.wait_dma2 semaphore(%run_scoped3A_191 : memref<!tpu.dma_semaphore, #tpu.memory_space<semaphore_mem>>) src(%dma_wait3A_215 : memref<64x128xf32, #tpu.memory_space<vmem_shared>>) dst(%dma_wait3A_213 : memref<64x128xf32, #tpu.memory_space<vmem>>)
        tpu.yield
      }) : () -> ()
      %run_scoped3A_166 = arith.constant 0 : i32
      "tpu.region"() ({
        %run_scoped3A_191 = tpu.sem_alloc : memref<!tpu.dma_semaphore, #tpu.memory_space<semaphore_mem>>
        %dma_start3A_192 = arith.constant 0 : i32
        %dma_start3A_193 = arith.constant 0 : i32
        %dma_start3A_194 = tpu.memref_slice %arg6[%run_scoped3A_166, %dma_start3A_192, %dma_start3A_193] : memref<2x64x128xf32, #tpu.memory_space<vmem>> -> memref<1x64x128xf32, #tpu.memory_space<vmem>>
        %dma_start3A_195 = tpu.memref_squeeze %dma_start3A_194 : memref<1x64x128xf32, #tpu.memory_space<vmem>> -> memref<64x128xf32, #tpu.memory_space<vmem>>
        %dma_start3A_196 = arith.constant 0 : i32
        %dma_start3A_197 = tpu.memref_slice %arg4[%arg0, %add3A_164, %dma_start3A_196] : memref<2x10000x128xf32, #tpu.memory_space<hbm>> -> memref<1x64x128xf32, #tpu.memory_space<hbm>>
        %dma_start3A_198 = tpu.memref_squeeze %dma_start3A_197 : memref<1x64x128xf32, #tpu.memory_space<hbm>> -> memref<64x128xf32, #tpu.memory_space<hbm>>
        %dma_start3A_199 = arith.constant 0 : i32
        %dma_start3A_200 = tpu.memref_slice %arg4[%arg0, %add3A_164, %dma_start3A_199] : memref<2x10000x128xf32, #tpu.memory_space<hbm>> -> memref<1x64x128xf32, #tpu.memory_space<hbm>>
        %dma_start3A_201 = tpu.memref_squeeze %dma_start3A_200 : memref<1x64x128xf32, #tpu.memory_space<hbm>> -> memref<64x128xf32, #tpu.memory_space<hbm>>
        %dma_start3A_202 = arith.constant 0 : i32
        %dma_start3A_203 = arith.constant 0 : i32
        %dma_start3A_204 = tpu.memref_slice %arg6[%run_scoped3A_166, %dma_start3A_202, %dma_start3A_203] : memref<2x64x128xf32, #tpu.memory_space<vmem>> -> memref<1x64x128xf32, #tpu.memory_space<vmem>>
        %dma_start3A_205 = tpu.memref_squeeze %dma_start3A_204 : memref<1x64x128xf32, #tpu.memory_space<vmem>> -> memref<64x128xf32, #tpu.memory_space<vmem>>
        tpu.enqueue_dma source(%dma_start3A_205 : memref<64x128xf32, #tpu.memory_space<vmem>>) target(%dma_start3A_201 : memref<64x128xf32, #tpu.memory_space<hbm>>) target_semaphore(%run_scoped3A_191 : memref<!tpu.dma_semaphore, #tpu.memory_space<semaphore_mem>>)
        %dma_wait3A_206 = arith.constant 0 : i32
        %dma_wait3A_207 = arith.constant 0 : i32
        %dma_wait3A_208 = tpu.memref_slice %arg6[%run_scoped3A_166, %dma_wait3A_206, %dma_wait3A_207] : memref<2x64x128xf32, #tpu.memory_space<vmem>> -> memref<1x64x128xf32, #tpu.memory_space<vmem>>
        %dma_wait3A_209 = tpu.memref_squeeze %dma_wait3A_208 : memref<1x64x128xf32, #tpu.memory_space<vmem>> -> memref<64x128xf32, #tpu.memory_space<vmem>>
        %dma_wait3A_210 = arith.constant 0 : i32
        %dma_wait3A_211 = tpu.memref_slice %arg4[%arg0, %add3A_164, %dma_wait3A_210] : memref<2x10000x128xf32, #tpu.memory_space<hbm>> -> memref<1x64x128xf32, #tpu.memory_space<hbm>>
        %dma_wait3A_212 = tpu.memref_squeeze %dma_wait3A_211 : memref<1x64x128xf32, #tpu.memory_space<hbm>> -> memref<64x128xf32, #tpu.memory_space<hbm>>
        %dma_wait3A_213 = arith.constant 0 : i32
        %dma_wait3A_214 = tpu.memref_slice %arg4[%arg0, %add3A_164, %dma_wait3A_213] : memref<2x10000x128xf32, #tpu.memory_space<hbm>> -> memref<1x64x128xf32, #tpu.memory_space<hbm>>
        %dma_wait3A_215 = tpu.memref_squeeze %dma_wait3A_214 : memref<1x64x128xf32, #tpu.memory_space<hbm>> -> memref<64x128xf32, #tpu.memory_space<hbm>>
        %dma_wait3A_216 = arith.constant 0 : i32
        %dma_wait3A_217 = arith.constant 0 : i32
        %dma_wait3A_218 = tpu.memref_slice %arg6[%run_scoped3A_166, %dma_wait3A_216, %dma_wait3A_217] : memref<2x64x128xf32, #tpu.memory_space<vmem>> -> memref<1x64x128xf32, #tpu.memory_space<vmem>>
        %dma_wait3A_219 = tpu.memref_squeeze %dma_wait3A_218 : memref<1x64x128xf32, #tpu.memory_space<vmem>> -> memref<64x128xf32, #tpu.memory_space<vmem>>
        tpu.wait_dma2 semaphore(%run_scoped3A_191 : memref<!tpu.dma_semaphore, #tpu.memory_space<semaphore_mem>>) src(%dma_wait3A_219 : memref<64x128xf32, #tpu.memory_space<vmem>>) dst(%dma_wait3A_215 : memref<64x128xf32, #tpu.memory_space<hbm>>)
        tpu.yield
      }) : () -> ()
      %mul3A_167 = arith.constant 624 : i32
      %mul3A_168 = arith.muli %arg1, %mul3A_167 : i32
      %add3A_169 = arith.constant 384 : i32
      %add3A_170 = arith.addi %mul3A_168, %add3A_169 : i32
      %run_scoped3A_171 = arith.constant 0 : i32
      "tpu.region"() ({
        %run_scoped3A_191 = tpu.sem_alloc : memref<!tpu.dma_semaphore, #tpu.memory_space<semaphore_mem>>
        %dma_start3A_192 = arith.constant 0 : i32
        %dma_start3A_193 = arith.constant 0 : i32
        %dma_start3A_194 = tpu.memref_slice %arg6[%run_scoped3A_171, %dma_start3A_192, %dma_start3A_193] : memref<2x64x128xf32, #tpu.memory_space<vmem>> -> memref<1x64x128xf32, #tpu.memory_space<vmem>>
        %dma_start3A_195 = tpu.memref_squeeze %dma_start3A_194 : memref<1x64x128xf32, #tpu.memory_space<vmem>> -> memref<64x128xf32, #tpu.memory_space<vmem>>
        %dma_start3A_196 = arith.constant 0 : i32
        %dma_start3A_197 = tpu.memref_slice %arg7[%add3A_170, %dma_start3A_196] : memref<10112x128xf32, #tpu.memory_space<vmem_shared>> -> memref<64x128xf32, #tpu.memory_space<vmem_shared>>
        %dma_start3A_198 = arith.constant 0 : i32
        %dma_start3A_199 = arith.constant 0 : i32
        %dma_start3A_200 = tpu.memref_slice %arg6[%run_scoped3A_171, %dma_start3A_198, %dma_start3A_199] : memref<2x64x128xf32, #tpu.memory_space<vmem>> -> memref<1x64x128xf32, #tpu.memory_space<vmem>>
        %dma_start3A_201 = tpu.memref_squeeze %dma_start3A_200 : memref<1x64x128xf32, #tpu.memory_space<vmem>> -> memref<64x128xf32, #tpu.memory_space<vmem>>
        %dma_start3A_202 = arith.constant 0 : i32
        %dma_start3A_203 = tpu.memref_slice %arg7[%add3A_170, %dma_start3A_202] : memref<10112x128xf32, #tpu.memory_space<vmem_shared>> -> memref<64x128xf32, #tpu.memory_space<vmem_shared>>
        tpu.enqueue_dma source(%dma_start3A_203 : memref<64x128xf32, #tpu.memory_space<vmem_shared>>) target(%dma_start3A_201 : memref<64x128xf32, #tpu.memory_space<vmem>>) target_semaphore(%run_scoped3A_191 : memref<!tpu.dma_semaphore, #tpu.memory_space<semaphore_mem>>)
        %dma_wait3A_204 = arith.constant 0 : i32
        %dma_wait3A_205 = arith.constant 0 : i32
        %dma_wait3A_206 = tpu.memref_slice %arg6[%run_scoped3A_171, %dma_wait3A_204, %dma_wait3A_205] : memref<2x64x128xf32, #tpu.memory_space<vmem>> -> memref<1x64x128xf32, #tpu.memory_space<vmem>>
        %dma_wait3A_207 = tpu.memref_squeeze %dma_wait3A_206 : memref<1x64x128xf32, #tpu.memory_space<vmem>> -> memref<64x128xf32, #tpu.memory_space<vmem>>
        %dma_wait3A_208 = arith.constant 0 : i32
        %dma_wait3A_209 = tpu.memref_slice %arg7[%add3A_170, %dma_wait3A_208] : memref<10112x128xf32, #tpu.memory_space<vmem_shared>> -> memref<64x128xf32, #tpu.memory_space<vmem_shared>>
        %dma_wait3A_210 = arith.constant 0 : i32
        %dma_wait3A_211 = arith.constant 0 : i32
        %dma_wait3A_212 = tpu.memref_slice %arg6[%run_scoped3A_171, %dma_wait3A_210, %dma_wait3A_211] : memref<2x64x128xf32, #tpu.memory_space<vmem>> -> memref<1x64x128xf32, #tpu.memory_space<vmem>>
        %dma_wait3A_213 = tpu.memref_squeeze %dma_wait3A_212 : memref<1x64x128xf32, #tpu.memory_space<vmem>> -> memref<64x128xf32, #tpu.memory_space<vmem>>
        %dma_wait3A_214 = arith.constant 0 : i32
        %dma_wait3A_215 = tpu.memref_slice %arg7[%add3A_170, %dma_wait3A_214] : memref<10112x128xf32, #tpu.memory_space<vmem_shared>> -> memref<64x128xf32, #tpu.memory_space<vmem_shared>>
        tpu.wait_dma2 semaphore(%run_scoped3A_191 : memref<!tpu.dma_semaphore, #tpu.memory_space<semaphore_mem>>) src(%dma_wait3A_215 : memref<64x128xf32, #tpu.memory_space<vmem_shared>>) dst(%dma_wait3A_213 : memref<64x128xf32, #tpu.memory_space<vmem>>)
        tpu.yield
      }) : () -> ()
      %run_scoped3A_172 = arith.constant 0 : i32
      "tpu.region"() ({
        %run_scoped3A_191 = tpu.sem_alloc : memref<!tpu.dma_semaphore, #tpu.memory_space<semaphore_mem>>
        %dma_start3A_192 = arith.constant 0 : i32
        %dma_start3A_193 = arith.constant 0 : i32
        %dma_start3A_194 = tpu.memref_slice %arg6[%run_scoped3A_172, %dma_start3A_192, %dma_start3A_193] : memref<2x64x128xf32, #tpu.memory_space<vmem>> -> memref<1x64x128xf32, #tpu.memory_space<vmem>>
        %dma_start3A_195 = tpu.memref_squeeze %dma_start3A_194 : memref<1x64x128xf32, #tpu.memory_space<vmem>> -> memref<64x128xf32, #tpu.memory_space<vmem>>
        %dma_start3A_196 = arith.constant 0 : i32
        %dma_start3A_197 = tpu.memref_slice %arg4[%arg0, %add3A_170, %dma_start3A_196] : memref<2x10000x128xf32, #tpu.memory_space<hbm>> -> memref<1x64x128xf32, #tpu.memory_space<hbm>>
        %dma_start3A_198 = tpu.memref_squeeze %dma_start3A_197 : memref<1x64x128xf32, #tpu.memory_space<hbm>> -> memref<64x128xf32, #tpu.memory_space<hbm>>
        %dma_start3A_199 = arith.constant 0 : i32
        %dma_start3A_200 = tpu.memref_slice %arg4[%arg0, %add3A_170, %dma_start3A_199] : memref<2x10000x128xf32, #tpu.memory_space<hbm>> -> memref<1x64x128xf32, #tpu.memory_space<hbm>>
        %dma_start3A_201 = tpu.memref_squeeze %dma_start3A_200 : memref<1x64x128xf32, #tpu.memory_space<hbm>> -> memref<64x128xf32, #tpu.memory_space<hbm>>
        %dma_start3A_202 = arith.constant 0 : i32
        %dma_start3A_203 = arith.constant 0 : i32
        %dma_start3A_204 = tpu.memref_slice %arg6[%run_scoped3A_172, %dma_start3A_202, %dma_start3A_203] : memref<2x64x128xf32, #tpu.memory_space<vmem>> -> memref<1x64x128xf32, #tpu.memory_space<vmem>>
        %dma_start3A_205 = tpu.memref_squeeze %dma_start3A_204 : memref<1x64x128xf32, #tpu.memory_space<vmem>> -> memref<64x128xf32, #tpu.memory_space<vmem>>
        tpu.enqueue_dma source(%dma_start3A_205 : memref<64x128xf32, #tpu.memory_space<vmem>>) target(%dma_start3A_201 : memref<64x128xf32, #tpu.memory_space<hbm>>) target_semaphore(%run_scoped3A_191 : memref<!tpu.dma_semaphore, #tpu.memory_space<semaphore_mem>>)
        %dma_wait3A_206 = arith.constant 0 : i32
        %dma_wait3A_207 = arith.constant 0 : i32
        %dma_wait3A_208 = tpu.memref_slice %arg6[%run_scoped3A_172, %dma_wait3A_206, %dma_wait3A_207] : memref<2x64x128xf32, #tpu.memory_space<vmem>> -> memref<1x64x128xf32, #tpu.memory_space<vmem>>
        %dma_wait3A_209 = tpu.memref_squeeze %dma_wait3A_208 : memref<1x64x128xf32, #tpu.memory_space<vmem>> -> memref<64x128xf32, #tpu.memory_space<vmem>>
        %dma_wait3A_210 = arith.constant 0 : i32
        %dma_wait3A_211 = tpu.memref_slice %arg4[%arg0, %add3A_170, %dma_wait3A_210] : memref<2x10000x128xf32, #tpu.memory_space<hbm>> -> memref<1x64x128xf32, #tpu.memory_space<hbm>>
        %dma_wait3A_212 = tpu.memref_squeeze %dma_wait3A_211 : memref<1x64x128xf32, #tpu.memory_space<hbm>> -> memref<64x128xf32, #tpu.memory_space<hbm>>
        %dma_wait3A_213 = arith.constant 0 : i32
        %dma_wait3A_214 = tpu.memref_slice %arg4[%arg0, %add3A_170, %dma_wait3A_213] : memref<2x10000x128xf32, #tpu.memory_space<hbm>> -> memref<1x64x128xf32, #tpu.memory_space<hbm>>
        %dma_wait3A_215 = tpu.memref_squeeze %dma_wait3A_214 : memref<1x64x128xf32, #tpu.memory_space<hbm>> -> memref<64x128xf32, #tpu.memory_space<hbm>>
        %dma_wait3A_216 = arith.constant 0 : i32
        %dma_wait3A_217 = arith.constant 0 : i32
        %dma_wait3A_218 = tpu.memref_slice %arg6[%run_scoped3A_172, %dma_wait3A_216, %dma_wait3A_217] : memref<2x64x128xf32, #tpu.memory_space<vmem>> -> memref<1x64x128xf32, #tpu.memory_space<vmem>>
        %dma_wait3A_219 = tpu.memref_squeeze %dma_wait3A_218 : memref<1x64x128xf32, #tpu.memory_space<vmem>> -> memref<64x128xf32, #tpu.memory_space<vmem>>
        tpu.wait_dma2 semaphore(%run_scoped3A_191 : memref<!tpu.dma_semaphore, #tpu.memory_space<semaphore_mem>>) src(%dma_wait3A_219 : memref<64x128xf32, #tpu.memory_space<vmem>>) dst(%dma_wait3A_215 : memref<64x128xf32, #tpu.memory_space<hbm>>)
        tpu.yield
      }) : () -> ()
      %mul3A_173 = arith.constant 624 : i32
      %mul3A_174 = arith.muli %arg1, %mul3A_173 : i32
      %add3A_175 = arith.constant 448 : i32
      %add3A_176 = arith.addi %mul3A_174, %add3A_175 : i32
      %run_scoped3A_177 = arith.constant 0 : i32
      "tpu.region"() ({
        %run_scoped3A_191 = tpu.sem_alloc : memref<!tpu.dma_semaphore, #tpu.memory_space<semaphore_mem>>
        %dma_start3A_192 = arith.constant 0 : i32
        %dma_start3A_193 = arith.constant 0 : i32
        %dma_start3A_194 = tpu.memref_slice %arg6[%run_scoped3A_177, %dma_start3A_192, %dma_start3A_193] : memref<2x64x128xf32, #tpu.memory_space<vmem>> -> memref<1x64x128xf32, #tpu.memory_space<vmem>>
        %dma_start3A_195 = tpu.memref_squeeze %dma_start3A_194 : memref<1x64x128xf32, #tpu.memory_space<vmem>> -> memref<64x128xf32, #tpu.memory_space<vmem>>
        %dma_start3A_196 = arith.constant 0 : i32
        %dma_start3A_197 = tpu.memref_slice %arg7[%add3A_176, %dma_start3A_196] : memref<10112x128xf32, #tpu.memory_space<vmem_shared>> -> memref<64x128xf32, #tpu.memory_space<vmem_shared>>
        %dma_start3A_198 = arith.constant 0 : i32
        %dma_start3A_199 = arith.constant 0 : i32
        %dma_start3A_200 = tpu.memref_slice %arg6[%run_scoped3A_177, %dma_start3A_198, %dma_start3A_199] : memref<2x64x128xf32, #tpu.memory_space<vmem>> -> memref<1x64x128xf32, #tpu.memory_space<vmem>>
        %dma_start3A_201 = tpu.memref_squeeze %dma_start3A_200 : memref<1x64x128xf32, #tpu.memory_space<vmem>> -> memref<64x128xf32, #tpu.memory_space<vmem>>
        %dma_start3A_202 = arith.constant 0 : i32
        %dma_start3A_203 = tpu.memref_slice %arg7[%add3A_176, %dma_start3A_202] : memref<10112x128xf32, #tpu.memory_space<vmem_shared>> -> memref<64x128xf32, #tpu.memory_space<vmem_shared>>
        tpu.enqueue_dma source(%dma_start3A_203 : memref<64x128xf32, #tpu.memory_space<vmem_shared>>) target(%dma_start3A_201 : memref<64x128xf32, #tpu.memory_space<vmem>>) target_semaphore(%run_scoped3A_191 : memref<!tpu.dma_semaphore, #tpu.memory_space<semaphore_mem>>)
        %dma_wait3A_204 = arith.constant 0 : i32
        %dma_wait3A_205 = arith.constant 0 : i32
        %dma_wait3A_206 = tpu.memref_slice %arg6[%run_scoped3A_177, %dma_wait3A_204, %dma_wait3A_205] : memref<2x64x128xf32, #tpu.memory_space<vmem>> -> memref<1x64x128xf32, #tpu.memory_space<vmem>>
        %dma_wait3A_207 = tpu.memref_squeeze %dma_wait3A_206 : memref<1x64x128xf32, #tpu.memory_space<vmem>> -> memref<64x128xf32, #tpu.memory_space<vmem>>
        %dma_wait3A_208 = arith.constant 0 : i32
        %dma_wait3A_209 = tpu.memref_slice %arg7[%add3A_176, %dma_wait3A_208] : memref<10112x128xf32, #tpu.memory_space<vmem_shared>> -> memref<64x128xf32, #tpu.memory_space<vmem_shared>>
        %dma_wait3A_210 = arith.constant 0 : i32
        %dma_wait3A_211 = arith.constant 0 : i32
        %dma_wait3A_212 = tpu.memref_slice %arg6[%run_scoped3A_177, %dma_wait3A_210, %dma_wait3A_211] : memref<2x64x128xf32, #tpu.memory_space<vmem>> -> memref<1x64x128xf32, #tpu.memory_space<vmem>>
        %dma_wait3A_213 = tpu.memref_squeeze %dma_wait3A_212 : memref<1x64x128xf32, #tpu.memory_space<vmem>> -> memref<64x128xf32, #tpu.memory_space<vmem>>
        %dma_wait3A_214 = arith.constant 0 : i32
        %dma_wait3A_215 = tpu.memref_slice %arg7[%add3A_176, %dma_wait3A_214] : memref<10112x128xf32, #tpu.memory_space<vmem_shared>> -> memref<64x128xf32, #tpu.memory_space<vmem_shared>>
        tpu.wait_dma2 semaphore(%run_scoped3A_191 : memref<!tpu.dma_semaphore, #tpu.memory_space<semaphore_mem>>) src(%dma_wait3A_215 : memref<64x128xf32, #tpu.memory_space<vmem_shared>>) dst(%dma_wait3A_213 : memref<64x128xf32, #tpu.memory_space<vmem>>)
        tpu.yield
      }) : () -> ()
      %run_scoped3A_178 = arith.constant 0 : i32
      "tpu.region"() ({
        %run_scoped3A_191 = tpu.sem_alloc : memref<!tpu.dma_semaphore, #tpu.memory_space<semaphore_mem>>
        %dma_start3A_192 = arith.constant 0 : i32
        %dma_start3A_193 = arith.constant 0 : i32
        %dma_start3A_194 = tpu.memref_slice %arg6[%run_scoped3A_178, %dma_start3A_192, %dma_start3A_193] : memref<2x64x128xf32, #tpu.memory_space<vmem>> -> memref<1x64x128xf32, #tpu.memory_space<vmem>>
        %dma_start3A_195 = tpu.memref_squeeze %dma_start3A_194 : memref<1x64x128xf32, #tpu.memory_space<vmem>> -> memref<64x128xf32, #tpu.memory_space<vmem>>
        %dma_start3A_196 = arith.constant 0 : i32
        %dma_start3A_197 = tpu.memref_slice %arg4[%arg0, %add3A_176, %dma_start3A_196] : memref<2x10000x128xf32, #tpu.memory_space<hbm>> -> memref<1x64x128xf32, #tpu.memory_space<hbm>>
        %dma_start3A_198 = tpu.memref_squeeze %dma_start3A_197 : memref<1x64x128xf32, #tpu.memory_space<hbm>> -> memref<64x128xf32, #tpu.memory_space<hbm>>
        %dma_start3A_199 = arith.constant 0 : i32
        %dma_start3A_200 = tpu.memref_slice %arg4[%arg0, %add3A_176, %dma_start3A_199] : memref<2x10000x128xf32, #tpu.memory_space<hbm>> -> memref<1x64x128xf32, #tpu.memory_space<hbm>>
        %dma_start3A_201 = tpu.memref_squeeze %dma_start3A_200 : memref<1x64x128xf32, #tpu.memory_space<hbm>> -> memref<64x128xf32, #tpu.memory_space<hbm>>
        %dma_start3A_202 = arith.constant 0 : i32
        %dma_start3A_203 = arith.constant 0 : i32
        %dma_start3A_204 = tpu.memref_slice %arg6[%run_scoped3A_178, %dma_start3A_202, %dma_start3A_203] : memref<2x64x128xf32, #tpu.memory_space<vmem>> -> memref<1x64x128xf32, #tpu.memory_space<vmem>>
        %dma_start3A_205 = tpu.memref_squeeze %dma_start3A_204 : memref<1x64x128xf32, #tpu.memory_space<vmem>> -> memref<64x128xf32, #tpu.memory_space<vmem>>
        tpu.enqueue_dma source(%dma_start3A_205 : memref<64x128xf32, #tpu.memory_space<vmem>>) target(%dma_start3A_201 : memref<64x128xf32, #tpu.memory_space<hbm>>) target_semaphore(%run_scoped3A_191 : memref<!tpu.dma_semaphore, #tpu.memory_space<semaphore_mem>>)
        %dma_wait3A_206 = arith.constant 0 : i32
        %dma_wait3A_207 = arith.constant 0 : i32
        %dma_wait3A_208 = tpu.memref_slice %arg6[%run_scoped3A_178, %dma_wait3A_206, %dma_wait3A_207] : memref<2x64x128xf32, #tpu.memory_space<vmem>> -> memref<1x64x128xf32, #tpu.memory_space<vmem>>
        %dma_wait3A_209 = tpu.memref_squeeze %dma_wait3A_208 : memref<1x64x128xf32, #tpu.memory_space<vmem>> -> memref<64x128xf32, #tpu.memory_space<vmem>>
        %dma_wait3A_210 = arith.constant 0 : i32
        %dma_wait3A_211 = tpu.memref_slice %arg4[%arg0, %add3A_176, %dma_wait3A_210] : memref<2x10000x128xf32, #tpu.memory_space<hbm>> -> memref<1x64x128xf32, #tpu.memory_space<hbm>>
        %dma_wait3A_212 = tpu.memref_squeeze %dma_wait3A_211 : memref<1x64x128xf32, #tpu.memory_space<hbm>> -> memref<64x128xf32, #tpu.memory_space<hbm>>
        %dma_wait3A_213 = arith.constant 0 : i32
        %dma_wait3A_214 = tpu.memref_slice %arg4[%arg0, %add3A_176, %dma_wait3A_213] : memref<2x10000x128xf32, #tpu.memory_space<hbm>> -> memref<1x64x128xf32, #tpu.memory_space<hbm>>
        %dma_wait3A_215 = tpu.memref_squeeze %dma_wait3A_214 : memref<1x64x128xf32, #tpu.memory_space<hbm>> -> memref<64x128xf32, #tpu.memory_space<hbm>>
        %dma_wait3A_216 = arith.constant 0 : i32
        %dma_wait3A_217 = arith.constant 0 : i32
        %dma_wait3A_218 = tpu.memref_slice %arg6[%run_scoped3A_178, %dma_wait3A_216, %dma_wait3A_217] : memref<2x64x128xf32, #tpu.memory_space<vmem>> -> memref<1x64x128xf32, #tpu.memory_space<vmem>>
        %dma_wait3A_219 = tpu.memref_squeeze %dma_wait3A_218 : memref<1x64x128xf32, #tpu.memory_space<vmem>> -> memref<64x128xf32, #tpu.memory_space<vmem>>
        tpu.wait_dma2 semaphore(%run_scoped3A_191 : memref<!tpu.dma_semaphore, #tpu.memory_space<semaphore_mem>>) src(%dma_wait3A_219 : memref<64x128xf32, #tpu.memory_space<vmem>>) dst(%dma_wait3A_215 : memref<64x128xf32, #tpu.memory_space<hbm>>)
        tpu.yield
      }) : () -> ()
      %mul3A_179 = arith.constant 624 : i32
      %mul3A_180 = arith.muli %arg1, %mul3A_179 : i32
      %add3A_181 = arith.constant 512 : i32
      %add3A_182 = arith.addi %mul3A_180, %add3A_181 : i32
      %run_scoped3A_183 = arith.constant 0 : i32
      "tpu.region"() ({
        %run_scoped3A_191 = tpu.sem_alloc : memref<!tpu.dma_semaphore, #tpu.memory_space<semaphore_mem>>
        %dma_start3A_192 = arith.constant 0 : i32
        %dma_start3A_193 = arith.constant 0 : i32
        %dma_start3A_194 = tpu.memref_slice %arg6[%run_scoped3A_183, %dma_start3A_192, %dma_start3A_193] : memref<2x64x128xf32, #tpu.memory_space<vmem>> -> memref<1x64x128xf32, #tpu.memory_space<vmem>>
        %dma_start3A_195 = tpu.memref_squeeze %dma_start3A_194 : memref<1x64x128xf32, #tpu.memory_space<vmem>> -> memref<64x128xf32, #tpu.memory_space<vmem>>
        %dma_start3A_196 = arith.constant 0 : i32
        %dma_start3A_197 = tpu.memref_slice %arg7[%add3A_182, %dma_start3A_196] : memref<10112x128xf32, #tpu.memory_space<vmem_shared>> -> memref<64x128xf32, #tpu.memory_space<vmem_shared>>
        %dma_start3A_198 = arith.constant 0 : i32
        %dma_start3A_199 = arith.constant 0 : i32
        %dma_start3A_200 = tpu.memref_slice %arg6[%run_scoped3A_183, %dma_start3A_198, %dma_start3A_199] : memref<2x64x128xf32, #tpu.memory_space<vmem>> -> memref<1x64x128xf32, #tpu.memory_space<vmem>>
        %dma_start3A_201 = tpu.memref_squeeze %dma_start3A_200 : memref<1x64x128xf32, #tpu.memory_space<vmem>> -> memref<64x128xf32, #tpu.memory_space<vmem>>
        %dma_start3A_202 = arith.constant 0 : i32
        %dma_start3A_203 = tpu.memref_slice %arg7[%add3A_182, %dma_start3A_202] : memref<10112x128xf32, #tpu.memory_space<vmem_shared>> -> memref<64x128xf32, #tpu.memory_space<vmem_shared>>
        tpu.enqueue_dma source(%dma_start3A_203 : memref<64x128xf32, #tpu.memory_space<vmem_shared>>) target(%dma_start3A_201 : memref<64x128xf32, #tpu.memory_space<vmem>>) target_semaphore(%run_scoped3A_191 : memref<!tpu.dma_semaphore, #tpu.memory_space<semaphore_mem>>)
        %dma_wait3A_204 = arith.constant 0 : i32
        %dma_wait3A_205 = arith.constant 0 : i32
        %dma_wait3A_206 = tpu.memref_slice %arg6[%run_scoped3A_183, %dma_wait3A_204, %dma_wait3A_205] : memref<2x64x128xf32, #tpu.memory_space<vmem>> -> memref<1x64x128xf32, #tpu.memory_space<vmem>>
        %dma_wait3A_207 = tpu.memref_squeeze %dma_wait3A_206 : memref<1x64x128xf32, #tpu.memory_space<vmem>> -> memref<64x128xf32, #tpu.memory_space<vmem>>
        %dma_wait3A_208 = arith.constant 0 : i32
        %dma_wait3A_209 = tpu.memref_slice %arg7[%add3A_182, %dma_wait3A_208] : memref<10112x128xf32, #tpu.memory_space<vmem_shared>> -> memref<64x128xf32, #tpu.memory_space<vmem_shared>>
        %dma_wait3A_210 = arith.constant 0 : i32
        %dma_wait3A_211 = arith.constant 0 : i32
        %dma_wait3A_212 = tpu.memref_slice %arg6[%run_scoped3A_183, %dma_wait3A_210, %dma_wait3A_211] : memref<2x64x128xf32, #tpu.memory_space<vmem>> -> memref<1x64x128xf32, #tpu.memory_space<vmem>>
        %dma_wait3A_213 = tpu.memref_squeeze %dma_wait3A_212 : memref<1x64x128xf32, #tpu.memory_space<vmem>> -> memref<64x128xf32, #tpu.memory_space<vmem>>
        %dma_wait3A_214 = arith.constant 0 : i32
        %dma_wait3A_215 = tpu.memref_slice %arg7[%add3A_182, %dma_wait3A_214] : memref<10112x128xf32, #tpu.memory_space<vmem_shared>> -> memref<64x128xf32, #tpu.memory_space<vmem_shared>>
        tpu.wait_dma2 semaphore(%run_scoped3A_191 : memref<!tpu.dma_semaphore, #tpu.memory_space<semaphore_mem>>) src(%dma_wait3A_215 : memref<64x128xf32, #tpu.memory_space<vmem_shared>>) dst(%dma_wait3A_213 : memref<64x128xf32, #tpu.memory_space<vmem>>)
        tpu.yield
      }) : () -> ()
      %run_scoped3A_184 = arith.constant 0 : i32
      "tpu.region"() ({
        %run_scoped3A_191 = tpu.sem_alloc : memref<!tpu.dma_semaphore, #tpu.memory_space<semaphore_mem>>
        %dma_start3A_192 = arith.constant 0 : i32
        %dma_start3A_193 = arith.constant 0 : i32
        %dma_start3A_194 = tpu.memref_slice %arg6[%run_scoped3A_184, %dma_start3A_192, %dma_start3A_193] : memref<2x64x128xf32, #tpu.memory_space<vmem>> -> memref<1x64x128xf32, #tpu.memory_space<vmem>>
        %dma_start3A_195 = tpu.memref_squeeze %dma_start3A_194 : memref<1x64x128xf32, #tpu.memory_space<vmem>> -> memref<64x128xf32, #tpu.memory_space<vmem>>
        %dma_start3A_196 = arith.constant 0 : i32
        %dma_start3A_197 = tpu.memref_slice %arg4[%arg0, %add3A_182, %dma_start3A_196] : memref<2x10000x128xf32, #tpu.memory_space<hbm>> -> memref<1x64x128xf32, #tpu.memory_space<hbm>>
        %dma_start3A_198 = tpu.memref_squeeze %dma_start3A_197 : memref<1x64x128xf32, #tpu.memory_space<hbm>> -> memref<64x128xf32, #tpu.memory_space<hbm>>
        %dma_start3A_199 = arith.constant 0 : i32
        %dma_start3A_200 = tpu.memref_slice %arg4[%arg0, %add3A_182, %dma_start3A_199] : memref<2x10000x128xf32, #tpu.memory_space<hbm>> -> memref<1x64x128xf32, #tpu.memory_space<hbm>>
        %dma_start3A_201 = tpu.memref_squeeze %dma_start3A_200 : memref<1x64x128xf32, #tpu.memory_space<hbm>> -> memref<64x128xf32, #tpu.memory_space<hbm>>
        %dma_start3A_202 = arith.constant 0 : i32
        %dma_start3A_203 = arith.constant 0 : i32
        %dma_start3A_204 = tpu.memref_slice %arg6[%run_scoped3A_184, %dma_start3A_202, %dma_start3A_203] : memref<2x64x128xf32, #tpu.memory_space<vmem>> -> memref<1x64x128xf32, #tpu.memory_space<vmem>>
        %dma_start3A_205 = tpu.memref_squeeze %dma_start3A_204 : memref<1x64x128xf32, #tpu.memory_space<vmem>> -> memref<64x128xf32, #tpu.memory_space<vmem>>
        tpu.enqueue_dma source(%dma_start3A_205 : memref<64x128xf32, #tpu.memory_space<vmem>>) target(%dma_start3A_201 : memref<64x128xf32, #tpu.memory_space<hbm>>) target_semaphore(%run_scoped3A_191 : memref<!tpu.dma_semaphore, #tpu.memory_space<semaphore_mem>>)
        %dma_wait3A_206 = arith.constant 0 : i32
        %dma_wait3A_207 = arith.constant 0 : i32
        %dma_wait3A_208 = tpu.memref_slice %arg6[%run_scoped3A_184, %dma_wait3A_206, %dma_wait3A_207] : memref<2x64x128xf32, #tpu.memory_space<vmem>> -> memref<1x64x128xf32, #tpu.memory_space<vmem>>
        %dma_wait3A_209 = tpu.memref_squeeze %dma_wait3A_208 : memref<1x64x128xf32, #tpu.memory_space<vmem>> -> memref<64x128xf32, #tpu.memory_space<vmem>>
        %dma_wait3A_210 = arith.constant 0 : i32
        %dma_wait3A_211 = tpu.memref_slice %arg4[%arg0, %add3A_182, %dma_wait3A_210] : memref<2x10000x128xf32, #tpu.memory_space<hbm>> -> memref<1x64x128xf32, #tpu.memory_space<hbm>>
        %dma_wait3A_212 = tpu.memref_squeeze %dma_wait3A_211 : memref<1x64x128xf32, #tpu.memory_space<hbm>> -> memref<64x128xf32, #tpu.memory_space<hbm>>
        %dma_wait3A_213 = arith.constant 0 : i32
        %dma_wait3A_214 = tpu.memref_slice %arg4[%arg0, %add3A_182, %dma_wait3A_213] : memref<2x10000x128xf32, #tpu.memory_space<hbm>> -> memref<1x64x128xf32, #tpu.memory_space<hbm>>
        %dma_wait3A_215 = tpu.memref_squeeze %dma_wait3A_214 : memref<1x64x128xf32, #tpu.memory_space<hbm>> -> memref<64x128xf32, #tpu.memory_space<hbm>>
        %dma_wait3A_216 = arith.constant 0 : i32
        %dma_wait3A_217 = arith.constant 0 : i32
        %dma_wait3A_218 = tpu.memref_slice %arg6[%run_scoped3A_184, %dma_wait3A_216, %dma_wait3A_217] : memref<2x64x128xf32, #tpu.memory_space<vmem>> -> memref<1x64x128xf32, #tpu.memory_space<vmem>>
        %dma_wait3A_219 = tpu.memref_squeeze %dma_wait3A_218 : memref<1x64x128xf32, #tpu.memory_space<vmem>> -> memref<64x128xf32, #tpu.memory_space<vmem>>
        tpu.wait_dma2 semaphore(%run_scoped3A_191 : memref<!tpu.dma_semaphore, #tpu.memory_space<semaphore_mem>>) src(%dma_wait3A_219 : memref<64x128xf32, #tpu.memory_space<vmem>>) dst(%dma_wait3A_215 : memref<64x128xf32, #tpu.memory_space<hbm>>)
        tpu.yield
      }) : () -> ()
      %mul3A_185 = arith.constant 624 : i32
      %mul3A_186 = arith.muli %arg1, %mul3A_185 : i32
      %add3A_187 = arith.constant 576 : i32
      %add3A_188 = arith.addi %mul3A_186, %add3A_187 : i32
      %run_scoped3A_189 = arith.constant 0 : i32
      "tpu.region"() ({
        %run_scoped3A_191 = tpu.sem_alloc : memref<!tpu.dma_semaphore, #tpu.memory_space<semaphore_mem>>
        %dma_start3A_192 = arith.constant 0 : i32
        %dma_start3A_193 = arith.constant 0 : i32
        %dma_start3A_194 = tpu.memref_slice %arg6[%run_scoped3A_189, %dma_start3A_192, %dma_start3A_193] : memref<2x64x128xf32, #tpu.memory_space<vmem>> -> memref<1x64x128xf32, #tpu.memory_space<vmem>>
        %dma_start3A_195 = tpu.memref_squeeze %dma_start3A_194 : memref<1x64x128xf32, #tpu.memory_space<vmem>> -> memref<64x128xf32, #tpu.memory_space<vmem>>
        %dma_start3A_196 = arith.constant 0 : i32
        %dma_start3A_197 = tpu.memref_slice %arg7[%add3A_188, %dma_start3A_196] : memref<10112x128xf32, #tpu.memory_space<vmem_shared>> -> memref<64x128xf32, #tpu.memory_space<vmem_shared>>
        %dma_start3A_198 = arith.constant 0 : i32
        %dma_start3A_199 = arith.constant 0 : i32
        %dma_start3A_200 = tpu.memref_slice %arg6[%run_scoped3A_189, %dma_start3A_198, %dma_start3A_199] : memref<2x64x128xf32, #tpu.memory_space<vmem>> -> memref<1x64x128xf32, #tpu.memory_space<vmem>>
        %dma_start3A_201 = tpu.memref_squeeze %dma_start3A_200 : memref<1x64x128xf32, #tpu.memory_space<vmem>> -> memref<64x128xf32, #tpu.memory_space<vmem>>
        %dma_start3A_202 = arith.constant 0 : i32
        %dma_start3A_203 = tpu.memref_slice %arg7[%add3A_188, %dma_start3A_202] : memref<10112x128xf32, #tpu.memory_space<vmem_shared>> -> memref<64x128xf32, #tpu.memory_space<vmem_shared>>
        tpu.enqueue_dma source(%dma_start3A_203 : memref<64x128xf32, #tpu.memory_space<vmem_shared>>) target(%dma_start3A_201 : memref<64x128xf32, #tpu.memory_space<vmem>>) target_semaphore(%run_scoped3A_191 : memref<!tpu.dma_semaphore, #tpu.memory_space<semaphore_mem>>)
        %dma_wait3A_204 = arith.constant 0 : i32
        %dma_wait3A_205 = arith.constant 0 : i32
        %dma_wait3A_206 = tpu.memref_slice %arg6[%run_scoped3A_189, %dma_wait3A_204, %dma_wait3A_205] : memref<2x64x128xf32, #tpu.memory_space<vmem>> -> memref<1x64x128xf32, #tpu.memory_space<vmem>>
        %dma_wait3A_207 = tpu.memref_squeeze %dma_wait3A_206 : memref<1x64x128xf32, #tpu.memory_space<vmem>> -> memref<64x128xf32, #tpu.memory_space<vmem>>
        %dma_wait3A_208 = arith.constant 0 : i32
        %dma_wait3A_209 = tpu.memref_slice %arg7[%add3A_188, %dma_wait3A_208] : memref<10112x128xf32, #tpu.memory_space<vmem_shared>> -> memref<64x128xf32, #tpu.memory_space<vmem_shared>>
        %dma_wait3A_210 = arith.constant 0 : i32
        %dma_wait3A_211 = arith.constant 0 : i32
        %dma_wait3A_212 = tpu.memref_slice %arg6[%run_scoped3A_189, %dma_wait3A_210, %dma_wait3A_211] : memref<2x64x128xf32, #tpu.memory_space<vmem>> -> memref<1x64x128xf32, #tpu.memory_space<vmem>>
        %dma_wait3A_213 = tpu.memref_squeeze %dma_wait3A_212 : memref<1x64x128xf32, #tpu.memory_space<vmem>> -> memref<64x128xf32, #tpu.memory_space<vmem>>
        %dma_wait3A_214 = arith.constant 0 : i32
        %dma_wait3A_215 = tpu.memref_slice %arg7[%add3A_188, %dma_wait3A_214] : memref<10112x128xf32, #tpu.memory_space<vmem_shared>> -> memref<64x128xf32, #tpu.memory_space<vmem_shared>>
        tpu.wait_dma2 semaphore(%run_scoped3A_191 : memref<!tpu.dma_semaphore, #tpu.memory_space<semaphore_mem>>) src(%dma_wait3A_215 : memref<64x128xf32, #tpu.memory_space<vmem_shared>>) dst(%dma_wait3A_213 : memref<64x128xf32, #tpu.memory_space<vmem>>)
        tpu.yield
      }) : () -> ()
      %run_scoped3A_190 = arith.constant 0 : i32
      "tpu.region"() ({
        %run_scoped3A_191 = tpu.sem_alloc : memref<!tpu.dma_semaphore, #tpu.memory_space<semaphore_mem>>
        %dma_start3A_192 = arith.constant 0 : i32
        %dma_start3A_193 = arith.constant 0 : i32
        %dma_start3A_194 = tpu.memref_slice %arg6[%run_scoped3A_190, %dma_start3A_192, %dma_start3A_193] : memref<2x64x128xf32, #tpu.memory_space<vmem>> -> memref<1x64x128xf32, #tpu.memory_space<vmem>>
        %dma_start3A_195 = tpu.memref_squeeze %dma_start3A_194 : memref<1x64x128xf32, #tpu.memory_space<vmem>> -> memref<64x128xf32, #tpu.memory_space<vmem>>
        %dma_start3A_196 = arith.constant 0 : i32
        %dma_start3A_197 = tpu.memref_slice %arg4[%arg0, %add3A_188, %dma_start3A_196] : memref<2x10000x128xf32, #tpu.memory_space<hbm>> -> memref<1x64x128xf32, #tpu.memory_space<hbm>>
        %dma_start3A_198 = tpu.memref_squeeze %dma_start3A_197 : memref<1x64x128xf32, #tpu.memory_space<hbm>> -> memref<64x128xf32, #tpu.memory_space<hbm>>
        %dma_start3A_199 = arith.constant 0 : i32
        %dma_start3A_200 = tpu.memref_slice %arg4[%arg0, %add3A_188, %dma_start3A_199] : memref<2x10000x128xf32, #tpu.memory_space<hbm>> -> memref<1x64x128xf32, #tpu.memory_space<hbm>>
        %dma_start3A_201 = tpu.memref_squeeze %dma_start3A_200 : memref<1x64x128xf32, #tpu.memory_space<hbm>> -> memref<64x128xf32, #tpu.memory_space<hbm>>
        %dma_start3A_202 = arith.constant 0 : i32
        %dma_start3A_203 = arith.constant 0 : i32
        %dma_start3A_204 = tpu.memref_slice %arg6[%run_scoped3A_190, %dma_start3A_202, %dma_start3A_203] : memref<2x64x128xf32, #tpu.memory_space<vmem>> -> memref<1x64x128xf32, #tpu.memory_space<vmem>>
        %dma_start3A_205 = tpu.memref_squeeze %dma_start3A_204 : memref<1x64x128xf32, #tpu.memory_space<vmem>> -> memref<64x128xf32, #tpu.memory_space<vmem>>
        tpu.enqueue_dma source(%dma_start3A_205 : memref<64x128xf32, #tpu.memory_space<vmem>>) target(%dma_start3A_201 : memref<64x128xf32, #tpu.memory_space<hbm>>) target_semaphore(%run_scoped3A_191 : memref<!tpu.dma_semaphore, #tpu.memory_space<semaphore_mem>>)
        %dma_wait3A_206 = arith.constant 0 : i32
        %dma_wait3A_207 = arith.constant 0 : i32
        %dma_wait3A_208 = tpu.memref_slice %arg6[%run_scoped3A_190, %dma_wait3A_206, %dma_wait3A_207] : memref<2x64x128xf32, #tpu.memory_space<vmem>> -> memref<1x64x128xf32, #tpu.memory_space<vmem>>
        %dma_wait3A_209 = tpu.memref_squeeze %dma_wait3A_208 : memref<1x64x128xf32, #tpu.memory_space<vmem>> -> memref<64x128xf32, #tpu.memory_space<vmem>>
        %dma_wait3A_210 = arith.constant 0 : i32
        %dma_wait3A_211 = tpu.memref_slice %arg4[%arg0, %add3A_188, %dma_wait3A_210] : memref<2x10000x128xf32, #tpu.memory_space<hbm>> -> memref<1x64x128xf32, #tpu.memory_space<hbm>>
        %dma_wait3A_212 = tpu.memref_squeeze %dma_wait3A_211 : memref<1x64x128xf32, #tpu.memory_space<hbm>> -> memref<64x128xf32, #tpu.memory_space<hbm>>
        %dma_wait3A_213 = arith.constant 0 : i32
        %dma_wait3A_214 = tpu.memref_slice %arg4[%arg0, %add3A_188, %dma_wait3A_213] : memref<2x10000x128xf32, #tpu.memory_space<hbm>> -> memref<1x64x128xf32, #tpu.memory_space<hbm>>
        %dma_wait3A_215 = tpu.memref_squeeze %dma_wait3A_214 : memref<1x64x128xf32, #tpu.memory_space<hbm>> -> memref<64x128xf32, #tpu.memory_space<hbm>>
        %dma_wait3A_216 = arith.constant 0 : i32
        %dma_wait3A_217 = arith.constant 0 : i32
        %dma_wait3A_218 = tpu.memref_slice %arg6[%run_scoped3A_190, %dma_wait3A_216, %dma_wait3A_217] : memref<2x64x128xf32, #tpu.memory_space<vmem>> -> memref<1x64x128xf32, #tpu.memory_space<vmem>>
        %dma_wait3A_219 = tpu.memref_squeeze %dma_wait3A_218 : memref<1x64x128xf32, #tpu.memory_space<vmem>> -> memref<64x128xf32, #tpu.memory_space<vmem>>
        tpu.wait_dma2 semaphore(%run_scoped3A_191 : memref<!tpu.dma_semaphore, #tpu.memory_space<semaphore_mem>>) src(%dma_wait3A_219 : memref<64x128xf32, #tpu.memory_space<vmem>>) dst(%dma_wait3A_215 : memref<64x128xf32, #tpu.memory_space<hbm>>)
        tpu.yield
      }) : () -> ()
    } else {
    }
    return
  }
}

#map = affine_map<(d0, d1) -> (0, 0, 0)>
module attributes {stable_mosaic.version = 14 : i64} {
  func.func @_sc_degree(%arg0: i32, %arg1: i32, %arg2: memref<32x160x64xi32, #tpu.memory_space<hbm>>, %arg3: memref<32x1x10112xf32, #tpu.memory_space<hbm>>, %arg4: memref<16x64xi32, #tpu.memory_space<vmem>>, %arg5: memref<1x10112xf32, #tpu.memory_space<vmem>>) attributes {dimension_semantics = [#tpu.dimension_semantics<core_parallel>, #tpu.dimension_semantics<subcore_parallel>], iteration_bounds = array<i64: 2, 16>, scalar_prefetch = 0 : i64, scratch_operands = 2 : i64, tpu.core_type = #tpu.core_type<sc_vector_subcore>, window_params = [{transform_indices = #map}, {transform_indices = #map}]} {
    %mul3A = arith.constant 2 : i32
    %mul3A_0 = arith.muli %arg1, %mul3A : i32
    %add3A = arith.addi %mul3A_0, %arg0 : i32
    %scan3A = arith.constant 0 : i32
    %scan3A_1 = arith.constant 632 : i32
    %scan3A_2 = arith.addi %scan3A, %scan3A_1 : i32
    %scan3A_3 = arith.constant 1 : i32
    scf.for %scan3A_58 = %scan3A to %scan3A_2 step %scan3A_3  : i32 {
      %broadcast_in_dim3A_59 = arith.constant 0.000000e+00 : f32
      %broadcast_in_dim3A_60 = vector.broadcast %broadcast_in_dim3A_59 : f32 to vector<16xf32>
      %mul3A_61 = arith.constant 16 : i32
      %mul3A_62 = arith.muli %scan3A_58, %mul3A_61 : i32
      %swap3A = arith.constant 0 : i32
      %swap3A_63 = arith.index_cast %swap3A : i32 to index
      %swap3A_64 = arith.index_cast %mul3A_62 : i32 to index
      %swap3A_65 = tpu.vector_load %arg5[%swap3A_63, %swap3A_64] {strides = array<i32>} : memref<1x10112xf32, #tpu.memory_space<vmem>>, vector<16xf32>,
      tpu.vector_store %arg5[%swap3A_63, %swap3A_64], %broadcast_in_dim3A_60 {strides = array<i32>} : memref<1x10112xf32, #tpu.memory_space<vmem>>, vector<16xf32>,
    }
    %scan3A_4 = arith.constant 632 : i32
    %broadcast_in_dim3A = arith.constant 1.000000e+00 : f32
    %broadcast_in_dim3A_5 = vector.broadcast %broadcast_in_dim3A : f32 to vector<16xf32>
    %broadcast_in_dim3A_6 = arith.constant 0 : i32
    %broadcast_in_dim3A_7 = vector.broadcast %broadcast_in_dim3A_6 : i32 to vector<16xi32>
    "tpu.region"() ({
      %run_scoped3A = tpu.sem_alloc : memref<!tpu.dma_semaphore, #tpu.memory_space<semaphore_mem>>
      %dma_start3A = arith.constant 0 : i32
      %dma_start3A_58 = arith.constant 0 : i32
      %dma_start3A_59 = tpu.memref_slice %arg2[%add3A, %dma_start3A, %dma_start3A_58] : memref<32x160x64xi32, #tpu.memory_space<hbm>> -> memref<1x16x64xi32, #tpu.memory_space<hbm>>
      %dma_start3A_60 = tpu.memref_squeeze %dma_start3A_59 : memref<1x16x64xi32, #tpu.memory_space<hbm>> -> memref<16x64xi32, #tpu.memory_space<hbm>>
      %dma_start3A_61 = arith.constant 0 : i32
      %dma_start3A_62 = arith.constant 0 : i32
      %dma_start3A_63 = tpu.memref_slice %arg2[%add3A, %dma_start3A_61, %dma_start3A_62] : memref<32x160x64xi32, #tpu.memory_space<hbm>> -> memref<1x16x64xi32, #tpu.memory_space<hbm>>
      %dma_start3A_64 = tpu.memref_squeeze %dma_start3A_63 : memref<1x16x64xi32, #tpu.memory_space<hbm>> -> memref<16x64xi32, #tpu.memory_space<hbm>>
      tpu.enqueue_dma source(%dma_start3A_64 : memref<16x64xi32, #tpu.memory_space<hbm>>) target(%arg4 : memref<16x64xi32, #tpu.memory_space<vmem>>) target_semaphore(%run_scoped3A : memref<!tpu.dma_semaphore, #tpu.memory_space<semaphore_mem>>)
      %dma_wait3A = arith.constant 0 : i32
      %dma_wait3A_65 = arith.constant 0 : i32
      %dma_wait3A_66 = tpu.memref_slice %arg2[%add3A, %dma_wait3A, %dma_wait3A_65] : memref<32x160x64xi32, #tpu.memory_space<hbm>> -> memref<1x16x64xi32, #tpu.memory_space<hbm>>
      %dma_wait3A_67 = tpu.memref_squeeze %dma_wait3A_66 : memref<1x16x64xi32, #tpu.memory_space<hbm>> -> memref<16x64xi32, #tpu.memory_space<hbm>>
      %dma_wait3A_68 = arith.constant 0 : i32
      %dma_wait3A_69 = arith.constant 0 : i32
      %dma_wait3A_70 = tpu.memref_slice %arg2[%add3A, %dma_wait3A_68, %dma_wait3A_69] : memref<32x160x64xi32, #tpu.memory_space<hbm>> -> memref<1x16x64xi32, #tpu.memory_space<hbm>>
      %dma_wait3A_71 = tpu.memref_squeeze %dma_wait3A_70 : memref<1x16x64xi32, #tpu.memory_space<hbm>> -> memref<16x64xi32, #tpu.memory_space<hbm>>
      tpu.wait_dma2 semaphore(%run_scoped3A : memref<!tpu.dma_semaphore, #tpu.memory_space<semaphore_mem>>) src(%dma_wait3A_71 : memref<16x64xi32, #tpu.memory_space<hbm>>) dst(%arg4 : memref<16x64xi32, #tpu.memory_space<vmem>>)
      tpu.yield
    }) : () -> ()
    %scan3A_8 = arith.constant 0 : i32
    %scan3A_9 = arith.constant 64 : i32
    %scan3A_10 = arith.addi %scan3A_8, %scan3A_9 : i32
    %scan3A_11 = arith.constant 1 : i32
    scf.for %scan3A_58 = %scan3A_8 to %scan3A_10 step %scan3A_11  : i32 {
      %jit3A = arith.constant 4 : i32
      %div3A = arith.divsi %scan3A_58, %jit3A : i32
      %sign3A = arith.constant 0 : i32
      %sign3A_59 = arith.cmpi sgt, %scan3A_58, %sign3A : i32
      %sign3A_60 = arith.extui %sign3A_59 : i1 to i32
      %sign3A_61 = arith.constant 0 : i32
      %sign3A_62 = arith.cmpi slt, %scan3A_58, %sign3A_61 : i32
      %sign3A_63 = arith.extui %sign3A_62 : i1 to i32
      %sign3A_64 = arith.subi %sign3A_60, %sign3A_63 : i32
      %sign3A_65 = arith.constant 0 : i32
      %sign3A_66 = arith.cmpi sgt, %jit3A, %sign3A_65 : i32
      %sign3A_67 = arith.extui %sign3A_66 : i1 to i32
      %sign3A_68 = arith.constant 0 : i32
      %sign3A_69 = arith.cmpi slt, %jit3A, %sign3A_68 : i32
      %sign3A_70 = arith.extui %sign3A_69 : i1 to i32
      %sign3A_71 = arith.subi %sign3A_67, %sign3A_70 : i32
      %ne3A = arith.cmpi ne, %sign3A_64, %sign3A_71 : i32
      %rem3A = arith.remsi %scan3A_58, %jit3A : i32
      %ne3A_72 = arith.constant 0 : i32
      %ne3A_73 = arith.cmpi ne, %rem3A, %ne3A_72 : i32
      %and3A = arith.andi %ne3A, %ne3A_73 : i1
      %sub3A = arith.constant 1 : i32
      %sub3A_74 = arith.subi %div3A, %sub3A : i32
      %select_n3A = arith.select %and3A, %sub3A_74, %div3A : i32
      %jit3A_75 = arith.constant 4 : i32
      %eq3A = arith.constant 0 : i32
      %eq3A_76 = arith.cmpi eq, %jit3A_75, %eq3A : i32
      %jit3A_77 = arith.constant 1 : i32
      %select_n3A_78 = arith.select %eq3A_76, %jit3A_77, %jit3A_75 : i32
      %rem3A_79 = arith.remsi %scan3A_58, %select_n3A_78 : i32
      %ne3A_80 = arith.constant 0 : i32
      %ne3A_81 = arith.cmpi ne, %rem3A_79, %ne3A_80 : i32
      %lt3A = arith.constant 0 : i32
      %lt3A_82 = arith.cmpi slt, %rem3A_79, %lt3A : i32
      %lt3A_83 = arith.constant 0 : i32
      %lt3A_84 = arith.cmpi slt, %select_n3A_78, %lt3A_83 : i32
      %ne3A_85 = arith.xori %lt3A_82, %lt3A_84 : i1
      %and3A_86 = arith.andi %ne3A_85, %ne3A_81 : i1
      %add3A_87 = arith.addi %rem3A_79, %select_n3A_78 : i32
      %select_n3A_88 = arith.select %and3A_86, %add3A_87, %rem3A_79 : i32
      %mul3A_89 = arith.constant 16 : i32
      %mul3A_90 = arith.muli %select_n3A_88, %mul3A_89 : i32
      %get3A = arith.index_cast %select_n3A : i32 to index
      %get3A_91 = arith.index_cast %mul3A_90 : i32 to index
      %get3A_92 = tpu.vector_load %arg4[%get3A, %get3A_91] {strides = array<i32>} : memref<16x64xi32, #tpu.memory_space<vmem>>, vector<16xi32>,
      tpu.vector_store_idx %arg5[%broadcast_in_dim3A_7, %get3A_92], %broadcast_in_dim3A_5 {add = true} : memref<1x10112xf32, #tpu.memory_space<vmem>>[vector<16xi32>, vector<16xi32>], vector<16xf32>,
    }
    %scan3A_12 = arith.constant 64 : i32
    "tpu.region"() ({
      %run_scoped3A = tpu.sem_alloc : memref<!tpu.dma_semaphore, #tpu.memory_space<semaphore_mem>>
      %dma_start3A = arith.constant 16 : i32
      %dma_start3A_58 = arith.constant 0 : i32
      %dma_start3A_59 = tpu.memref_slice %arg2[%add3A, %dma_start3A, %dma_start3A_58] : memref<32x160x64xi32, #tpu.memory_space<hbm>> -> memref<1x16x64xi32, #tpu.memory_space<hbm>>
      %dma_start3A_60 = tpu.memref_squeeze %dma_start3A_59 : memref<1x16x64xi32, #tpu.memory_space<hbm>> -> memref<16x64xi32, #tpu.memory_space<hbm>>
      %dma_start3A_61 = arith.constant 16 : i32
      %dma_start3A_62 = arith.constant 0 : i32
      %dma_start3A_63 = tpu.memref_slice %arg2[%add3A, %dma_start3A_61, %dma_start3A_62] : memref<32x160x64xi32, #tpu.memory_space<hbm>> -> memref<1x16x64xi32, #tpu.memory_space<hbm>>
      %dma_start3A_64 = tpu.memref_squeeze %dma_start3A_63 : memref<1x16x64xi32, #tpu.memory_space<hbm>> -> memref<16x64xi32, #tpu.memory_space<hbm>>
      tpu.enqueue_dma source(%dma_start3A_64 : memref<16x64xi32, #tpu.memory_space<hbm>>) target(%arg4 : memref<16x64xi32, #tpu.memory_space<vmem>>) target_semaphore(%run_scoped3A : memref<!tpu.dma_semaphore, #tpu.memory_space<semaphore_mem>>)
      %dma_wait3A = arith.constant 16 : i32
      %dma_wait3A_65 = arith.constant 0 : i32
      %dma_wait3A_66 = tpu.memref_slice %arg2[%add3A, %dma_wait3A, %dma_wait3A_65] : memref<32x160x64xi32, #tpu.memory_space<hbm>> -> memref<1x16x64xi32, #tpu.memory_space<hbm>>
      %dma_wait3A_67 = tpu.memref_squeeze %dma_wait3A_66 : memref<1x16x64xi32, #tpu.memory_space<hbm>> -> memref<16x64xi32, #tpu.memory_space<hbm>>
      %dma_wait3A_68 = arith.constant 16 : i32
      %dma_wait3A_69 = arith.constant 0 : i32
      %dma_wait3A_70 = tpu.memref_slice %arg2[%add3A, %dma_wait3A_68, %dma_wait3A_69] : memref<32x160x64xi32, #tpu.memory_space<hbm>> -> memref<1x16x64xi32, #tpu.memory_space<hbm>>
      %dma_wait3A_71 = tpu.memref_squeeze %dma_wait3A_70 : memref<1x16x64xi32, #tpu.memory_space<hbm>> -> memref<16x64xi32, #tpu.memory_space<hbm>>
      tpu.wait_dma2 semaphore(%run_scoped3A : memref<!tpu.dma_semaphore, #tpu.memory_space<semaphore_mem>>) src(%dma_wait3A_71 : memref<16x64xi32, #tpu.memory_space<hbm>>) dst(%arg4 : memref<16x64xi32, #tpu.memory_space<vmem>>)
      tpu.yield
    }) : () -> ()
    %scan3A_13 = arith.constant 0 : i32
    %scan3A_14 = arith.constant 64 : i32
    %scan3A_15 = arith.addi %scan3A_13, %scan3A_14 : i32
    %scan3A_16 = arith.constant 1 : i32
    scf.for %scan3A_58 = %scan3A_13 to %scan3A_15 step %scan3A_16  : i32 {
      %jit3A = arith.constant 4 : i32
      %div3A = arith.divsi %scan3A_58, %jit3A : i32
      %sign3A = arith.constant 0 : i32
      %sign3A_59 = arith.cmpi sgt, %scan3A_58, %sign3A : i32
      %sign3A_60 = arith.extui %sign3A_59 : i1 to i32
      %sign3A_61 = arith.constant 0 : i32
      %sign3A_62 = arith.cmpi slt, %scan3A_58, %sign3A_61 : i32
      %sign3A_63 = arith.extui %sign3A_62 : i1 to i32
      %sign3A_64 = arith.subi %sign3A_60, %sign3A_63 : i32
      %sign3A_65 = arith.constant 0 : i32
      %sign3A_66 = arith.cmpi sgt, %jit3A, %sign3A_65 : i32
      %sign3A_67 = arith.extui %sign3A_66 : i1 to i32
      %sign3A_68 = arith.constant 0 : i32
      %sign3A_69 = arith.cmpi slt, %jit3A, %sign3A_68 : i32
      %sign3A_70 = arith.extui %sign3A_69 : i1 to i32
      %sign3A_71 = arith.subi %sign3A_67, %sign3A_70 : i32
      %ne3A = arith.cmpi ne, %sign3A_64, %sign3A_71 : i32
      %rem3A = arith.remsi %scan3A_58, %jit3A : i32
      %ne3A_72 = arith.constant 0 : i32
      %ne3A_73 = arith.cmpi ne, %rem3A, %ne3A_72 : i32
      %and3A = arith.andi %ne3A, %ne3A_73 : i1
      %sub3A = arith.constant 1 : i32
      %sub3A_74 = arith.subi %div3A, %sub3A : i32
      %select_n3A = arith.select %and3A, %sub3A_74, %div3A : i32
      %jit3A_75 = arith.constant 4 : i32
      %eq3A = arith.constant 0 : i32
      %eq3A_76 = arith.cmpi eq, %jit3A_75, %eq3A : i32
      %jit3A_77 = arith.constant 1 : i32
      %select_n3A_78 = arith.select %eq3A_76, %jit3A_77, %jit3A_75 : i32
      %rem3A_79 = arith.remsi %scan3A_58, %select_n3A_78 : i32
      %ne3A_80 = arith.constant 0 : i32
      %ne3A_81 = arith.cmpi ne, %rem3A_79, %ne3A_80 : i32
      %lt3A = arith.constant 0 : i32
      %lt3A_82 = arith.cmpi slt, %rem3A_79, %lt3A : i32
      %lt3A_83 = arith.constant 0 : i32
      %lt3A_84 = arith.cmpi slt, %select_n3A_78, %lt3A_83 : i32
      %ne3A_85 = arith.xori %lt3A_82, %lt3A_84 : i1
      %and3A_86 = arith.andi %ne3A_85, %ne3A_81 : i1
      %add3A_87 = arith.addi %rem3A_79, %select_n3A_78 : i32
      %select_n3A_88 = arith.select %and3A_86, %add3A_87, %rem3A_79 : i32
      %mul3A_89 = arith.constant 16 : i32
      %mul3A_90 = arith.muli %select_n3A_88, %mul3A_89 : i32
      %get3A = arith.index_cast %select_n3A : i32 to index
      %get3A_91 = arith.index_cast %mul3A_90 : i32 to index
      %get3A_92 = tpu.vector_load %arg4[%get3A, %get3A_91] {strides = array<i32>} : memref<16x64xi32, #tpu.memory_space<vmem>>, vector<16xi32>,
      tpu.vector_store_idx %arg5[%broadcast_in_dim3A_7, %get3A_92], %broadcast_in_dim3A_5 {add = true} : memref<1x10112xf32, #tpu.memory_space<vmem>>[vector<16xi32>, vector<16xi32>], vector<16xf32>,
    }
    %scan3A_17 = arith.constant 64 : i32
    "tpu.region"() ({
      %run_scoped3A = tpu.sem_alloc : memref<!tpu.dma_semaphore, #tpu.memory_space<semaphore_mem>>
      %dma_start3A = arith.constant 32 : i32
      %dma_start3A_58 = arith.constant 0 : i32
      %dma_start3A_59 = tpu.memref_slice %arg2[%add3A, %dma_start3A, %dma_start3A_58] : memref<32x160x64xi32, #tpu.memory_space<hbm>> -> memref<1x16x64xi32, #tpu.memory_space<hbm>>
      %dma_start3A_60 = tpu.memref_squeeze %dma_start3A_59 : memref<1x16x64xi32, #tpu.memory_space<hbm>> -> memref<16x64xi32, #tpu.memory_space<hbm>>
      %dma_start3A_61 = arith.constant 32 : i32
      %dma_start3A_62 = arith.constant 0 : i32
      %dma_start3A_63 = tpu.memref_slice %arg2[%add3A, %dma_start3A_61, %dma_start3A_62] : memref<32x160x64xi32, #tpu.memory_space<hbm>> -> memref<1x16x64xi32, #tpu.memory_space<hbm>>
      %dma_start3A_64 = tpu.memref_squeeze %dma_start3A_63 : memref<1x16x64xi32, #tpu.memory_space<hbm>> -> memref<16x64xi32, #tpu.memory_space<hbm>>
      tpu.enqueue_dma source(%dma_start3A_64 : memref<16x64xi32, #tpu.memory_space<hbm>>) target(%arg4 : memref<16x64xi32, #tpu.memory_space<vmem>>) target_semaphore(%run_scoped3A : memref<!tpu.dma_semaphore, #tpu.memory_space<semaphore_mem>>)
      %dma_wait3A = arith.constant 32 : i32
      %dma_wait3A_65 = arith.constant 0 : i32
      %dma_wait3A_66 = tpu.memref_slice %arg2[%add3A, %dma_wait3A, %dma_wait3A_65] : memref<32x160x64xi32, #tpu.memory_space<hbm>> -> memref<1x16x64xi32, #tpu.memory_space<hbm>>
      %dma_wait3A_67 = tpu.memref_squeeze %dma_wait3A_66 : memref<1x16x64xi32, #tpu.memory_space<hbm>> -> memref<16x64xi32, #tpu.memory_space<hbm>>
      %dma_wait3A_68 = arith.constant 32 : i32
      %dma_wait3A_69 = arith.constant 0 : i32
      %dma_wait3A_70 = tpu.memref_slice %arg2[%add3A, %dma_wait3A_68, %dma_wait3A_69] : memref<32x160x64xi32, #tpu.memory_space<hbm>> -> memref<1x16x64xi32, #tpu.memory_space<hbm>>
      %dma_wait3A_71 = tpu.memref_squeeze %dma_wait3A_70 : memref<1x16x64xi32, #tpu.memory_space<hbm>> -> memref<16x64xi32, #tpu.memory_space<hbm>>
      tpu.wait_dma2 semaphore(%run_scoped3A : memref<!tpu.dma_semaphore, #tpu.memory_space<semaphore_mem>>) src(%dma_wait3A_71 : memref<16x64xi32, #tpu.memory_space<hbm>>) dst(%arg4 : memref<16x64xi32, #tpu.memory_space<vmem>>)
      tpu.yield
    }) : () -> ()
    %scan3A_18 = arith.constant 0 : i32
    %scan3A_19 = arith.constant 64 : i32
    %scan3A_20 = arith.addi %scan3A_18, %scan3A_19 : i32
    %scan3A_21 = arith.constant 1 : i32
    scf.for %scan3A_58 = %scan3A_18 to %scan3A_20 step %scan3A_21  : i32 {
      %jit3A = arith.constant 4 : i32
      %div3A = arith.divsi %scan3A_58, %jit3A : i32
      %sign3A = arith.constant 0 : i32
      %sign3A_59 = arith.cmpi sgt, %scan3A_58, %sign3A : i32
      %sign3A_60 = arith.extui %sign3A_59 : i1 to i32
      %sign3A_61 = arith.constant 0 : i32
      %sign3A_62 = arith.cmpi slt, %scan3A_58, %sign3A_61 : i32
      %sign3A_63 = arith.extui %sign3A_62 : i1 to i32
      %sign3A_64 = arith.subi %sign3A_60, %sign3A_63 : i32
      %sign3A_65 = arith.constant 0 : i32
      %sign3A_66 = arith.cmpi sgt, %jit3A, %sign3A_65 : i32
      %sign3A_67 = arith.extui %sign3A_66 : i1 to i32
      %sign3A_68 = arith.constant 0 : i32
      %sign3A_69 = arith.cmpi slt, %jit3A, %sign3A_68 : i32
      %sign3A_70 = arith.extui %sign3A_69 : i1 to i32
      %sign3A_71 = arith.subi %sign3A_67, %sign3A_70 : i32
      %ne3A = arith.cmpi ne, %sign3A_64, %sign3A_71 : i32
      %rem3A = arith.remsi %scan3A_58, %jit3A : i32
      %ne3A_72 = arith.constant 0 : i32
      %ne3A_73 = arith.cmpi ne, %rem3A, %ne3A_72 : i32
      %and3A = arith.andi %ne3A, %ne3A_73 : i1
      %sub3A = arith.constant 1 : i32
      %sub3A_74 = arith.subi %div3A, %sub3A : i32
      %select_n3A = arith.select %and3A, %sub3A_74, %div3A : i32
      %jit3A_75 = arith.constant 4 : i32
      %eq3A = arith.constant 0 : i32
      %eq3A_76 = arith.cmpi eq, %jit3A_75, %eq3A : i32
      %jit3A_77 = arith.constant 1 : i32
      %select_n3A_78 = arith.select %eq3A_76, %jit3A_77, %jit3A_75 : i32
      %rem3A_79 = arith.remsi %scan3A_58, %select_n3A_78 : i32
      %ne3A_80 = arith.constant 0 : i32
      %ne3A_81 = arith.cmpi ne, %rem3A_79, %ne3A_80 : i32
      %lt3A = arith.constant 0 : i32
      %lt3A_82 = arith.cmpi slt, %rem3A_79, %lt3A : i32
      %lt3A_83 = arith.constant 0 : i32
      %lt3A_84 = arith.cmpi slt, %select_n3A_78, %lt3A_83 : i32
      %ne3A_85 = arith.xori %lt3A_82, %lt3A_84 : i1
      %and3A_86 = arith.andi %ne3A_85, %ne3A_81 : i1
      %add3A_87 = arith.addi %rem3A_79, %select_n3A_78 : i32
      %select_n3A_88 = arith.select %and3A_86, %add3A_87, %rem3A_79 : i32
      %mul3A_89 = arith.constant 16 : i32
      %mul3A_90 = arith.muli %select_n3A_88, %mul3A_89 : i32
      %get3A = arith.index_cast %select_n3A : i32 to index
      %get3A_91 = arith.index_cast %mul3A_90 : i32 to index
      %get3A_92 = tpu.vector_load %arg4[%get3A, %get3A_91] {strides = array<i32>} : memref<16x64xi32, #tpu.memory_space<vmem>>, vector<16xi32>,
      tpu.vector_store_idx %arg5[%broadcast_in_dim3A_7, %get3A_92], %broadcast_in_dim3A_5 {add = true} : memref<1x10112xf32, #tpu.memory_space<vmem>>[vector<16xi32>, vector<16xi32>], vector<16xf32>,
    }
    %scan3A_22 = arith.constant 64 : i32
    "tpu.region"() ({
      %run_scoped3A = tpu.sem_alloc : memref<!tpu.dma_semaphore, #tpu.memory_space<semaphore_mem>>
      %dma_start3A = arith.constant 48 : i32
      %dma_start3A_58 = arith.constant 0 : i32
      %dma_start3A_59 = tpu.memref_slice %arg2[%add3A, %dma_start3A, %dma_start3A_58] : memref<32x160x64xi32, #tpu.memory_space<hbm>> -> memref<1x16x64xi32, #tpu.memory_space<hbm>>
      %dma_start3A_60 = tpu.memref_squeeze %dma_start3A_59 : memref<1x16x64xi32, #tpu.memory_space<hbm>> -> memref<16x64xi32, #tpu.memory_space<hbm>>
      %dma_start3A_61 = arith.constant 48 : i32
      %dma_start3A_62 = arith.constant 0 : i32
      %dma_start3A_63 = tpu.memref_slice %arg2[%add3A, %dma_start3A_61, %dma_start3A_62] : memref<32x160x64xi32, #tpu.memory_space<hbm>> -> memref<1x16x64xi32, #tpu.memory_space<hbm>>
      %dma_start3A_64 = tpu.memref_squeeze %dma_start3A_63 : memref<1x16x64xi32, #tpu.memory_space<hbm>> -> memref<16x64xi32, #tpu.memory_space<hbm>>
      tpu.enqueue_dma source(%dma_start3A_64 : memref<16x64xi32, #tpu.memory_space<hbm>>) target(%arg4 : memref<16x64xi32, #tpu.memory_space<vmem>>) target_semaphore(%run_scoped3A : memref<!tpu.dma_semaphore, #tpu.memory_space<semaphore_mem>>)
      %dma_wait3A = arith.constant 48 : i32
      %dma_wait3A_65 = arith.constant 0 : i32
      %dma_wait3A_66 = tpu.memref_slice %arg2[%add3A, %dma_wait3A, %dma_wait3A_65] : memref<32x160x64xi32, #tpu.memory_space<hbm>> -> memref<1x16x64xi32, #tpu.memory_space<hbm>>
      %dma_wait3A_67 = tpu.memref_squeeze %dma_wait3A_66 : memref<1x16x64xi32, #tpu.memory_space<hbm>> -> memref<16x64xi32, #tpu.memory_space<hbm>>
      %dma_wait3A_68 = arith.constant 48 : i32
      %dma_wait3A_69 = arith.constant 0 : i32
      %dma_wait3A_70 = tpu.memref_slice %arg2[%add3A, %dma_wait3A_68, %dma_wait3A_69] : memref<32x160x64xi32, #tpu.memory_space<hbm>> -> memref<1x16x64xi32, #tpu.memory_space<hbm>>
      %dma_wait3A_71 = tpu.memref_squeeze %dma_wait3A_70 : memref<1x16x64xi32, #tpu.memory_space<hbm>> -> memref<16x64xi32, #tpu.memory_space<hbm>>
      tpu.wait_dma2 semaphore(%run_scoped3A : memref<!tpu.dma_semaphore, #tpu.memory_space<semaphore_mem>>) src(%dma_wait3A_71 : memref<16x64xi32, #tpu.memory_space<hbm>>) dst(%arg4 : memref<16x64xi32, #tpu.memory_space<vmem>>)
      tpu.yield
    }) : () -> ()
    %scan3A_23 = arith.constant 0 : i32
    %scan3A_24 = arith.constant 64 : i32
    %scan3A_25 = arith.addi %scan3A_23, %scan3A_24 : i32
    %scan3A_26 = arith.constant 1 : i32
    scf.for %scan3A_58 = %scan3A_23 to %scan3A_25 step %scan3A_26  : i32 {
      %jit3A = arith.constant 4 : i32
      %div3A = arith.divsi %scan3A_58, %jit3A : i32
      %sign3A = arith.constant 0 : i32
      %sign3A_59 = arith.cmpi sgt, %scan3A_58, %sign3A : i32
      %sign3A_60 = arith.extui %sign3A_59 : i1 to i32
      %sign3A_61 = arith.constant 0 : i32
      %sign3A_62 = arith.cmpi slt, %scan3A_58, %sign3A_61 : i32
      %sign3A_63 = arith.extui %sign3A_62 : i1 to i32
      %sign3A_64 = arith.subi %sign3A_60, %sign3A_63 : i32
      %sign3A_65 = arith.constant 0 : i32
      %sign3A_66 = arith.cmpi sgt, %jit3A, %sign3A_65 : i32
      %sign3A_67 = arith.extui %sign3A_66 : i1 to i32
      %sign3A_68 = arith.constant 0 : i32
      %sign3A_69 = arith.cmpi slt, %jit3A, %sign3A_68 : i32
      %sign3A_70 = arith.extui %sign3A_69 : i1 to i32
      %sign3A_71 = arith.subi %sign3A_67, %sign3A_70 : i32
      %ne3A = arith.cmpi ne, %sign3A_64, %sign3A_71 : i32
      %rem3A = arith.remsi %scan3A_58, %jit3A : i32
      %ne3A_72 = arith.constant 0 : i32
      %ne3A_73 = arith.cmpi ne, %rem3A, %ne3A_72 : i32
      %and3A = arith.andi %ne3A, %ne3A_73 : i1
      %sub3A = arith.constant 1 : i32
      %sub3A_74 = arith.subi %div3A, %sub3A : i32
      %select_n3A = arith.select %and3A, %sub3A_74, %div3A : i32
      %jit3A_75 = arith.constant 4 : i32
      %eq3A = arith.constant 0 : i32
      %eq3A_76 = arith.cmpi eq, %jit3A_75, %eq3A : i32
      %jit3A_77 = arith.constant 1 : i32
      %select_n3A_78 = arith.select %eq3A_76, %jit3A_77, %jit3A_75 : i32
      %rem3A_79 = arith.remsi %scan3A_58, %select_n3A_78 : i32
      %ne3A_80 = arith.constant 0 : i32
      %ne3A_81 = arith.cmpi ne, %rem3A_79, %ne3A_80 : i32
      %lt3A = arith.constant 0 : i32
      %lt3A_82 = arith.cmpi slt, %rem3A_79, %lt3A : i32
      %lt3A_83 = arith.constant 0 : i32
      %lt3A_84 = arith.cmpi slt, %select_n3A_78, %lt3A_83 : i32
      %ne3A_85 = arith.xori %lt3A_82, %lt3A_84 : i1
      %and3A_86 = arith.andi %ne3A_85, %ne3A_81 : i1
      %add3A_87 = arith.addi %rem3A_79, %select_n3A_78 : i32
      %select_n3A_88 = arith.select %and3A_86, %add3A_87, %rem3A_79 : i32
      %mul3A_89 = arith.constant 16 : i32
      %mul3A_90 = arith.muli %select_n3A_88, %mul3A_89 : i32
      %get3A = arith.index_cast %select_n3A : i32 to index
      %get3A_91 = arith.index_cast %mul3A_90 : i32 to index
      %get3A_92 = tpu.vector_load %arg4[%get3A, %get3A_91] {strides = array<i32>} : memref<16x64xi32, #tpu.memory_space<vmem>>, vector<16xi32>,
      tpu.vector_store_idx %arg5[%broadcast_in_dim3A_7, %get3A_92], %broadcast_in_dim3A_5 {add = true} : memref<1x10112xf32, #tpu.memory_space<vmem>>[vector<16xi32>, vector<16xi32>], vector<16xf32>,
    }
    %scan3A_27 = arith.constant 64 : i32
    "tpu.region"() ({
      %run_scoped3A = tpu.sem_alloc : memref<!tpu.dma_semaphore, #tpu.memory_space<semaphore_mem>>
      %dma_start3A = arith.constant 64 : i32
      %dma_start3A_58 = arith.constant 0 : i32
      %dma_start3A_59 = tpu.memref_slice %arg2[%add3A, %dma_start3A, %dma_start3A_58] : memref<32x160x64xi32, #tpu.memory_space<hbm>> -> memref<1x16x64xi32, #tpu.memory_space<hbm>>
      %dma_start3A_60 = tpu.memref_squeeze %dma_start3A_59 : memref<1x16x64xi32, #tpu.memory_space<hbm>> -> memref<16x64xi32, #tpu.memory_space<hbm>>
      %dma_start3A_61 = arith.constant 64 : i32
      %dma_start3A_62 = arith.constant 0 : i32
      %dma_start3A_63 = tpu.memref_slice %arg2[%add3A, %dma_start3A_61, %dma_start3A_62] : memref<32x160x64xi32, #tpu.memory_space<hbm>> -> memref<1x16x64xi32, #tpu.memory_space<hbm>>
      %dma_start3A_64 = tpu.memref_squeeze %dma_start3A_63 : memref<1x16x64xi32, #tpu.memory_space<hbm>> -> memref<16x64xi32, #tpu.memory_space<hbm>>
      tpu.enqueue_dma source(%dma_start3A_64 : memref<16x64xi32, #tpu.memory_space<hbm>>) target(%arg4 : memref<16x64xi32, #tpu.memory_space<vmem>>) target_semaphore(%run_scoped3A : memref<!tpu.dma_semaphore, #tpu.memory_space<semaphore_mem>>)
      %dma_wait3A = arith.constant 64 : i32
      %dma_wait3A_65 = arith.constant 0 : i32
      %dma_wait3A_66 = tpu.memref_slice %arg2[%add3A, %dma_wait3A, %dma_wait3A_65] : memref<32x160x64xi32, #tpu.memory_space<hbm>> -> memref<1x16x64xi32, #tpu.memory_space<hbm>>
      %dma_wait3A_67 = tpu.memref_squeeze %dma_wait3A_66 : memref<1x16x64xi32, #tpu.memory_space<hbm>> -> memref<16x64xi32, #tpu.memory_space<hbm>>
      %dma_wait3A_68 = arith.constant 64 : i32
      %dma_wait3A_69 = arith.constant 0 : i32
      %dma_wait3A_70 = tpu.memref_slice %arg2[%add3A, %dma_wait3A_68, %dma_wait3A_69] : memref<32x160x64xi32, #tpu.memory_space<hbm>> -> memref<1x16x64xi32, #tpu.memory_space<hbm>>
      %dma_wait3A_71 = tpu.memref_squeeze %dma_wait3A_70 : memref<1x16x64xi32, #tpu.memory_space<hbm>> -> memref<16x64xi32, #tpu.memory_space<hbm>>
      tpu.wait_dma2 semaphore(%run_scoped3A : memref<!tpu.dma_semaphore, #tpu.memory_space<semaphore_mem>>) src(%dma_wait3A_71 : memref<16x64xi32, #tpu.memory_space<hbm>>) dst(%arg4 : memref<16x64xi32, #tpu.memory_space<vmem>>)
      tpu.yield
    }) : () -> ()
    %scan3A_28 = arith.constant 0 : i32
    %scan3A_29 = arith.constant 64 : i32
    %scan3A_30 = arith.addi %scan3A_28, %scan3A_29 : i32
    %scan3A_31 = arith.constant 1 : i32
    scf.for %scan3A_58 = %scan3A_28 to %scan3A_30 step %scan3A_31  : i32 {
      %jit3A = arith.constant 4 : i32
      %div3A = arith.divsi %scan3A_58, %jit3A : i32
      %sign3A = arith.constant 0 : i32
      %sign3A_59 = arith.cmpi sgt, %scan3A_58, %sign3A : i32
      %sign3A_60 = arith.extui %sign3A_59 : i1 to i32
      %sign3A_61 = arith.constant 0 : i32
      %sign3A_62 = arith.cmpi slt, %scan3A_58, %sign3A_61 : i32
      %sign3A_63 = arith.extui %sign3A_62 : i1 to i32
      %sign3A_64 = arith.subi %sign3A_60, %sign3A_63 : i32
      %sign3A_65 = arith.constant 0 : i32
      %sign3A_66 = arith.cmpi sgt, %jit3A, %sign3A_65 : i32
      %sign3A_67 = arith.extui %sign3A_66 : i1 to i32
      %sign3A_68 = arith.constant 0 : i32
      %sign3A_69 = arith.cmpi slt, %jit3A, %sign3A_68 : i32
      %sign3A_70 = arith.extui %sign3A_69 : i1 to i32
      %sign3A_71 = arith.subi %sign3A_67, %sign3A_70 : i32
      %ne3A = arith.cmpi ne, %sign3A_64, %sign3A_71 : i32
      %rem3A = arith.remsi %scan3A_58, %jit3A : i32
      %ne3A_72 = arith.constant 0 : i32
      %ne3A_73 = arith.cmpi ne, %rem3A, %ne3A_72 : i32
      %and3A = arith.andi %ne3A, %ne3A_73 : i1
      %sub3A = arith.constant 1 : i32
      %sub3A_74 = arith.subi %div3A, %sub3A : i32
      %select_n3A = arith.select %and3A, %sub3A_74, %div3A : i32
      %jit3A_75 = arith.constant 4 : i32
      %eq3A = arith.constant 0 : i32
      %eq3A_76 = arith.cmpi eq, %jit3A_75, %eq3A : i32
      %jit3A_77 = arith.constant 1 : i32
      %select_n3A_78 = arith.select %eq3A_76, %jit3A_77, %jit3A_75 : i32
      %rem3A_79 = arith.remsi %scan3A_58, %select_n3A_78 : i32
      %ne3A_80 = arith.constant 0 : i32
      %ne3A_81 = arith.cmpi ne, %rem3A_79, %ne3A_80 : i32
      %lt3A = arith.constant 0 : i32
      %lt3A_82 = arith.cmpi slt, %rem3A_79, %lt3A : i32
      %lt3A_83 = arith.constant 0 : i32
      %lt3A_84 = arith.cmpi slt, %select_n3A_78, %lt3A_83 : i32
      %ne3A_85 = arith.xori %lt3A_82, %lt3A_84 : i1
      %and3A_86 = arith.andi %ne3A_85, %ne3A_81 : i1
      %add3A_87 = arith.addi %rem3A_79, %select_n3A_78 : i32
      %select_n3A_88 = arith.select %and3A_86, %add3A_87, %rem3A_79 : i32
      %mul3A_89 = arith.constant 16 : i32
      %mul3A_90 = arith.muli %select_n3A_88, %mul3A_89 : i32
      %get3A = arith.index_cast %select_n3A : i32 to index
      %get3A_91 = arith.index_cast %mul3A_90 : i32 to index
      %get3A_92 = tpu.vector_load %arg4[%get3A, %get3A_91] {strides = array<i32>} : memref<16x64xi32, #tpu.memory_space<vmem>>, vector<16xi32>,
      tpu.vector_store_idx %arg5[%broadcast_in_dim3A_7, %get3A_92], %broadcast_in_dim3A_5 {add = true} : memref<1x10112xf32, #tpu.memory_space<vmem>>[vector<16xi32>, vector<16xi32>], vector<16xf32>,
    }
    %scan3A_32 = arith.constant 64 : i32
    "tpu.region"() ({
      %run_scoped3A = tpu.sem_alloc : memref<!tpu.dma_semaphore, #tpu.memory_space<semaphore_mem>>
      %dma_start3A = arith.constant 80 : i32
      %dma_start3A_58 = arith.constant 0 : i32
      %dma_start3A_59 = tpu.memref_slice %arg2[%add3A, %dma_start3A, %dma_start3A_58] : memref<32x160x64xi32, #tpu.memory_space<hbm>> -> memref<1x16x64xi32, #tpu.memory_space<hbm>>
      %dma_start3A_60 = tpu.memref_squeeze %dma_start3A_59 : memref<1x16x64xi32, #tpu.memory_space<hbm>> -> memref<16x64xi32, #tpu.memory_space<hbm>>
      %dma_start3A_61 = arith.constant 80 : i32
      %dma_start3A_62 = arith.constant 0 : i32
      %dma_start3A_63 = tpu.memref_slice %arg2[%add3A, %dma_start3A_61, %dma_start3A_62] : memref<32x160x64xi32, #tpu.memory_space<hbm>> -> memref<1x16x64xi32, #tpu.memory_space<hbm>>
      %dma_start3A_64 = tpu.memref_squeeze %dma_start3A_63 : memref<1x16x64xi32, #tpu.memory_space<hbm>> -> memref<16x64xi32, #tpu.memory_space<hbm>>
      tpu.enqueue_dma source(%dma_start3A_64 : memref<16x64xi32, #tpu.memory_space<hbm>>) target(%arg4 : memref<16x64xi32, #tpu.memory_space<vmem>>) target_semaphore(%run_scoped3A : memref<!tpu.dma_semaphore, #tpu.memory_space<semaphore_mem>>)
      %dma_wait3A = arith.constant 80 : i32
      %dma_wait3A_65 = arith.constant 0 : i32
      %dma_wait3A_66 = tpu.memref_slice %arg2[%add3A, %dma_wait3A, %dma_wait3A_65] : memref<32x160x64xi32, #tpu.memory_space<hbm>> -> memref<1x16x64xi32, #tpu.memory_space<hbm>>
      %dma_wait3A_67 = tpu.memref_squeeze %dma_wait3A_66 : memref<1x16x64xi32, #tpu.memory_space<hbm>> -> memref<16x64xi32, #tpu.memory_space<hbm>>
      %dma_wait3A_68 = arith.constant 80 : i32
      %dma_wait3A_69 = arith.constant 0 : i32
      %dma_wait3A_70 = tpu.memref_slice %arg2[%add3A, %dma_wait3A_68, %dma_wait3A_69] : memref<32x160x64xi32, #tpu.memory_space<hbm>> -> memref<1x16x64xi32, #tpu.memory_space<hbm>>
      %dma_wait3A_71 = tpu.memref_squeeze %dma_wait3A_70 : memref<1x16x64xi32, #tpu.memory_space<hbm>> -> memref<16x64xi32, #tpu.memory_space<hbm>>
      tpu.wait_dma2 semaphore(%run_scoped3A : memref<!tpu.dma_semaphore, #tpu.memory_space<semaphore_mem>>) src(%dma_wait3A_71 : memref<16x64xi32, #tpu.memory_space<hbm>>) dst(%arg4 : memref<16x64xi32, #tpu.memory_space<vmem>>)
      tpu.yield
    }) : () -> ()
    %scan3A_33 = arith.constant 0 : i32
    %scan3A_34 = arith.constant 64 : i32
    %scan3A_35 = arith.addi %scan3A_33, %scan3A_34 : i32
    %scan3A_36 = arith.constant 1 : i32
    scf.for %scan3A_58 = %scan3A_33 to %scan3A_35 step %scan3A_36  : i32 {
      %jit3A = arith.constant 4 : i32
      %div3A = arith.divsi %scan3A_58, %jit3A : i32
      %sign3A = arith.constant 0 : i32
      %sign3A_59 = arith.cmpi sgt, %scan3A_58, %sign3A : i32
      %sign3A_60 = arith.extui %sign3A_59 : i1 to i32
      %sign3A_61 = arith.constant 0 : i32
      %sign3A_62 = arith.cmpi slt, %scan3A_58, %sign3A_61 : i32
      %sign3A_63 = arith.extui %sign3A_62 : i1 to i32
      %sign3A_64 = arith.subi %sign3A_60, %sign3A_63 : i32
      %sign3A_65 = arith.constant 0 : i32
      %sign3A_66 = arith.cmpi sgt, %jit3A, %sign3A_65 : i32
      %sign3A_67 = arith.extui %sign3A_66 : i1 to i32
      %sign3A_68 = arith.constant 0 : i32
      %sign3A_69 = arith.cmpi slt, %jit3A, %sign3A_68 : i32
      %sign3A_70 = arith.extui %sign3A_69 : i1 to i32
      %sign3A_71 = arith.subi %sign3A_67, %sign3A_70 : i32
      %ne3A = arith.cmpi ne, %sign3A_64, %sign3A_71 : i32
      %rem3A = arith.remsi %scan3A_58, %jit3A : i32
      %ne3A_72 = arith.constant 0 : i32
      %ne3A_73 = arith.cmpi ne, %rem3A, %ne3A_72 : i32
      %and3A = arith.andi %ne3A, %ne3A_73 : i1
      %sub3A = arith.constant 1 : i32
      %sub3A_74 = arith.subi %div3A, %sub3A : i32
      %select_n3A = arith.select %and3A, %sub3A_74, %div3A : i32
      %jit3A_75 = arith.constant 4 : i32
      %eq3A = arith.constant 0 : i32
      %eq3A_76 = arith.cmpi eq, %jit3A_75, %eq3A : i32
      %jit3A_77 = arith.constant 1 : i32
      %select_n3A_78 = arith.select %eq3A_76, %jit3A_77, %jit3A_75 : i32
      %rem3A_79 = arith.remsi %scan3A_58, %select_n3A_78 : i32
      %ne3A_80 = arith.constant 0 : i32
      %ne3A_81 = arith.cmpi ne, %rem3A_79, %ne3A_80 : i32
      %lt3A = arith.constant 0 : i32
      %lt3A_82 = arith.cmpi slt, %rem3A_79, %lt3A : i32
      %lt3A_83 = arith.constant 0 : i32
      %lt3A_84 = arith.cmpi slt, %select_n3A_78, %lt3A_83 : i32
      %ne3A_85 = arith.xori %lt3A_82, %lt3A_84 : i1
      %and3A_86 = arith.andi %ne3A_85, %ne3A_81 : i1
      %add3A_87 = arith.addi %rem3A_79, %select_n3A_78 : i32
      %select_n3A_88 = arith.select %and3A_86, %add3A_87, %rem3A_79 : i32
      %mul3A_89 = arith.constant 16 : i32
      %mul3A_90 = arith.muli %select_n3A_88, %mul3A_89 : i32
      %get3A = arith.index_cast %select_n3A : i32 to index
      %get3A_91 = arith.index_cast %mul3A_90 : i32 to index
      %get3A_92 = tpu.vector_load %arg4[%get3A, %get3A_91] {strides = array<i32>} : memref<16x64xi32, #tpu.memory_space<vmem>>, vector<16xi32>,
      tpu.vector_store_idx %arg5[%broadcast_in_dim3A_7, %get3A_92], %broadcast_in_dim3A_5 {add = true} : memref<1x10112xf32, #tpu.memory_space<vmem>>[vector<16xi32>, vector<16xi32>], vector<16xf32>,
    }
    %scan3A_37 = arith.constant 64 : i32
    "tpu.region"() ({
      %run_scoped3A = tpu.sem_alloc : memref<!tpu.dma_semaphore, #tpu.memory_space<semaphore_mem>>
      %dma_start3A = arith.constant 96 : i32
      %dma_start3A_58 = arith.constant 0 : i32
      %dma_start3A_59 = tpu.memref_slice %arg2[%add3A, %dma_start3A, %dma_start3A_58] : memref<32x160x64xi32, #tpu.memory_space<hbm>> -> memref<1x16x64xi32, #tpu.memory_space<hbm>>
      %dma_start3A_60 = tpu.memref_squeeze %dma_start3A_59 : memref<1x16x64xi32, #tpu.memory_space<hbm>> -> memref<16x64xi32, #tpu.memory_space<hbm>>
      %dma_start3A_61 = arith.constant 96 : i32
      %dma_start3A_62 = arith.constant 0 : i32
      %dma_start3A_63 = tpu.memref_slice %arg2[%add3A, %dma_start3A_61, %dma_start3A_62] : memref<32x160x64xi32, #tpu.memory_space<hbm>> -> memref<1x16x64xi32, #tpu.memory_space<hbm>>
      %dma_start3A_64 = tpu.memref_squeeze %dma_start3A_63 : memref<1x16x64xi32, #tpu.memory_space<hbm>> -> memref<16x64xi32, #tpu.memory_space<hbm>>
      tpu.enqueue_dma source(%dma_start3A_64 : memref<16x64xi32, #tpu.memory_space<hbm>>) target(%arg4 : memref<16x64xi32, #tpu.memory_space<vmem>>) target_semaphore(%run_scoped3A : memref<!tpu.dma_semaphore, #tpu.memory_space<semaphore_mem>>)
      %dma_wait3A = arith.constant 96 : i32
      %dma_wait3A_65 = arith.constant 0 : i32
      %dma_wait3A_66 = tpu.memref_slice %arg2[%add3A, %dma_wait3A, %dma_wait3A_65] : memref<32x160x64xi32, #tpu.memory_space<hbm>> -> memref<1x16x64xi32, #tpu.memory_space<hbm>>
      %dma_wait3A_67 = tpu.memref_squeeze %dma_wait3A_66 : memref<1x16x64xi32, #tpu.memory_space<hbm>> -> memref<16x64xi32, #tpu.memory_space<hbm>>
      %dma_wait3A_68 = arith.constant 96 : i32
      %dma_wait3A_69 = arith.constant 0 : i32
      %dma_wait3A_70 = tpu.memref_slice %arg2[%add3A, %dma_wait3A_68, %dma_wait3A_69] : memref<32x160x64xi32, #tpu.memory_space<hbm>> -> memref<1x16x64xi32, #tpu.memory_space<hbm>>
      %dma_wait3A_71 = tpu.memref_squeeze %dma_wait3A_70 : memref<1x16x64xi32, #tpu.memory_space<hbm>> -> memref<16x64xi32, #tpu.memory_space<hbm>>
      tpu.wait_dma2 semaphore(%run_scoped3A : memref<!tpu.dma_semaphore, #tpu.memory_space<semaphore_mem>>) src(%dma_wait3A_71 : memref<16x64xi32, #tpu.memory_space<hbm>>) dst(%arg4 : memref<16x64xi32, #tpu.memory_space<vmem>>)
      tpu.yield
    }) : () -> ()
    %scan3A_38 = arith.constant 0 : i32
    %scan3A_39 = arith.constant 64 : i32
    %scan3A_40 = arith.addi %scan3A_38, %scan3A_39 : i32
    %scan3A_41 = arith.constant 1 : i32
    scf.for %scan3A_58 = %scan3A_38 to %scan3A_40 step %scan3A_41  : i32 {
      %jit3A = arith.constant 4 : i32
      %div3A = arith.divsi %scan3A_58, %jit3A : i32
      %sign3A = arith.constant 0 : i32
      %sign3A_59 = arith.cmpi sgt, %scan3A_58, %sign3A : i32
      %sign3A_60 = arith.extui %sign3A_59 : i1 to i32
      %sign3A_61 = arith.constant 0 : i32
      %sign3A_62 = arith.cmpi slt, %scan3A_58, %sign3A_61 : i32
      %sign3A_63 = arith.extui %sign3A_62 : i1 to i32
      %sign3A_64 = arith.subi %sign3A_60, %sign3A_63 : i32
      %sign3A_65 = arith.constant 0 : i32
      %sign3A_66 = arith.cmpi sgt, %jit3A, %sign3A_65 : i32
      %sign3A_67 = arith.extui %sign3A_66 : i1 to i32
      %sign3A_68 = arith.constant 0 : i32
      %sign3A_69 = arith.cmpi slt, %jit3A, %sign3A_68 : i32
      %sign3A_70 = arith.extui %sign3A_69 : i1 to i32
      %sign3A_71 = arith.subi %sign3A_67, %sign3A_70 : i32
      %ne3A = arith.cmpi ne, %sign3A_64, %sign3A_71 : i32
      %rem3A = arith.remsi %scan3A_58, %jit3A : i32
      %ne3A_72 = arith.constant 0 : i32
      %ne3A_73 = arith.cmpi ne, %rem3A, %ne3A_72 : i32
      %and3A = arith.andi %ne3A, %ne3A_73 : i1
      %sub3A = arith.constant 1 : i32
      %sub3A_74 = arith.subi %div3A, %sub3A : i32
      %select_n3A = arith.select %and3A, %sub3A_74, %div3A : i32
      %jit3A_75 = arith.constant 4 : i32
      %eq3A = arith.constant 0 : i32
      %eq3A_76 = arith.cmpi eq, %jit3A_75, %eq3A : i32
      %jit3A_77 = arith.constant 1 : i32
      %select_n3A_78 = arith.select %eq3A_76, %jit3A_77, %jit3A_75 : i32
      %rem3A_79 = arith.remsi %scan3A_58, %select_n3A_78 : i32
      %ne3A_80 = arith.constant 0 : i32
      %ne3A_81 = arith.cmpi ne, %rem3A_79, %ne3A_80 : i32
      %lt3A = arith.constant 0 : i32
      %lt3A_82 = arith.cmpi slt, %rem3A_79, %lt3A : i32
      %lt3A_83 = arith.constant 0 : i32
      %lt3A_84 = arith.cmpi slt, %select_n3A_78, %lt3A_83 : i32
      %ne3A_85 = arith.xori %lt3A_82, %lt3A_84 : i1
      %and3A_86 = arith.andi %ne3A_85, %ne3A_81 : i1
      %add3A_87 = arith.addi %rem3A_79, %select_n3A_78 : i32
      %select_n3A_88 = arith.select %and3A_86, %add3A_87, %rem3A_79 : i32
      %mul3A_89 = arith.constant 16 : i32
      %mul3A_90 = arith.muli %select_n3A_88, %mul3A_89 : i32
      %get3A = arith.index_cast %select_n3A : i32 to index
      %get3A_91 = arith.index_cast %mul3A_90 : i32 to index
      %get3A_92 = tpu.vector_load %arg4[%get3A, %get3A_91] {strides = array<i32>} : memref<16x64xi32, #tpu.memory_space<vmem>>, vector<16xi32>,
      tpu.vector_store_idx %arg5[%broadcast_in_dim3A_7, %get3A_92], %broadcast_in_dim3A_5 {add = true} : memref<1x10112xf32, #tpu.memory_space<vmem>>[vector<16xi32>, vector<16xi32>], vector<16xf32>,
    }
    %scan3A_42 = arith.constant 64 : i32
    "tpu.region"() ({
      %run_scoped3A = tpu.sem_alloc : memref<!tpu.dma_semaphore, #tpu.memory_space<semaphore_mem>>
      %dma_start3A = arith.constant 112 : i32
      %dma_start3A_58 = arith.constant 0 : i32
      %dma_start3A_59 = tpu.memref_slice %arg2[%add3A, %dma_start3A, %dma_start3A_58] : memref<32x160x64xi32, #tpu.memory_space<hbm>> -> memref<1x16x64xi32, #tpu.memory_space<hbm>>
      %dma_start3A_60 = tpu.memref_squeeze %dma_start3A_59 : memref<1x16x64xi32, #tpu.memory_space<hbm>> -> memref<16x64xi32, #tpu.memory_space<hbm>>
      %dma_start3A_61 = arith.constant 112 : i32
      %dma_start3A_62 = arith.constant 0 : i32
      %dma_start3A_63 = tpu.memref_slice %arg2[%add3A, %dma_start3A_61, %dma_start3A_62] : memref<32x160x64xi32, #tpu.memory_space<hbm>> -> memref<1x16x64xi32, #tpu.memory_space<hbm>>
      %dma_start3A_64 = tpu.memref_squeeze %dma_start3A_63 : memref<1x16x64xi32, #tpu.memory_space<hbm>> -> memref<16x64xi32, #tpu.memory_space<hbm>>
      tpu.enqueue_dma source(%dma_start3A_64 : memref<16x64xi32, #tpu.memory_space<hbm>>) target(%arg4 : memref<16x64xi32, #tpu.memory_space<vmem>>) target_semaphore(%run_scoped3A : memref<!tpu.dma_semaphore, #tpu.memory_space<semaphore_mem>>)
      %dma_wait3A = arith.constant 112 : i32
      %dma_wait3A_65 = arith.constant 0 : i32
      %dma_wait3A_66 = tpu.memref_slice %arg2[%add3A, %dma_wait3A, %dma_wait3A_65] : memref<32x160x64xi32, #tpu.memory_space<hbm>> -> memref<1x16x64xi32, #tpu.memory_space<hbm>>
      %dma_wait3A_67 = tpu.memref_squeeze %dma_wait3A_66 : memref<1x16x64xi32, #tpu.memory_space<hbm>> -> memref<16x64xi32, #tpu.memory_space<hbm>>
      %dma_wait3A_68 = arith.constant 112 : i32
      %dma_wait3A_69 = arith.constant 0 : i32
      %dma_wait3A_70 = tpu.memref_slice %arg2[%add3A, %dma_wait3A_68, %dma_wait3A_69] : memref<32x160x64xi32, #tpu.memory_space<hbm>> -> memref<1x16x64xi32, #tpu.memory_space<hbm>>
      %dma_wait3A_71 = tpu.memref_squeeze %dma_wait3A_70 : memref<1x16x64xi32, #tpu.memory_space<hbm>> -> memref<16x64xi32, #tpu.memory_space<hbm>>
      tpu.wait_dma2 semaphore(%run_scoped3A : memref<!tpu.dma_semaphore, #tpu.memory_space<semaphore_mem>>) src(%dma_wait3A_71 : memref<16x64xi32, #tpu.memory_space<hbm>>) dst(%arg4 : memref<16x64xi32, #tpu.memory_space<vmem>>)
      tpu.yield
    }) : () -> ()
    %scan3A_43 = arith.constant 0 : i32
    %scan3A_44 = arith.constant 64 : i32
    %scan3A_45 = arith.addi %scan3A_43, %scan3A_44 : i32
    %scan3A_46 = arith.constant 1 : i32
    scf.for %scan3A_58 = %scan3A_43 to %scan3A_45 step %scan3A_46  : i32 {
      %jit3A = arith.constant 4 : i32
      %div3A = arith.divsi %scan3A_58, %jit3A : i32
      %sign3A = arith.constant 0 : i32
      %sign3A_59 = arith.cmpi sgt, %scan3A_58, %sign3A : i32
      %sign3A_60 = arith.extui %sign3A_59 : i1 to i32
      %sign3A_61 = arith.constant 0 : i32
      %sign3A_62 = arith.cmpi slt, %scan3A_58, %sign3A_61 : i32
      %sign3A_63 = arith.extui %sign3A_62 : i1 to i32
      %sign3A_64 = arith.subi %sign3A_60, %sign3A_63 : i32
      %sign3A_65 = arith.constant 0 : i32
      %sign3A_66 = arith.cmpi sgt, %jit3A, %sign3A_65 : i32
      %sign3A_67 = arith.extui %sign3A_66 : i1 to i32
      %sign3A_68 = arith.constant 0 : i32
      %sign3A_69 = arith.cmpi slt, %jit3A, %sign3A_68 : i32
      %sign3A_70 = arith.extui %sign3A_69 : i1 to i32
      %sign3A_71 = arith.subi %sign3A_67, %sign3A_70 : i32
      %ne3A = arith.cmpi ne, %sign3A_64, %sign3A_71 : i32
      %rem3A = arith.remsi %scan3A_58, %jit3A : i32
      %ne3A_72 = arith.constant 0 : i32
      %ne3A_73 = arith.cmpi ne, %rem3A, %ne3A_72 : i32
      %and3A = arith.andi %ne3A, %ne3A_73 : i1
      %sub3A = arith.constant 1 : i32
      %sub3A_74 = arith.subi %div3A, %sub3A : i32
      %select_n3A = arith.select %and3A, %sub3A_74, %div3A : i32
      %jit3A_75 = arith.constant 4 : i32
      %eq3A = arith.constant 0 : i32
      %eq3A_76 = arith.cmpi eq, %jit3A_75, %eq3A : i32
      %jit3A_77 = arith.constant 1 : i32
      %select_n3A_78 = arith.select %eq3A_76, %jit3A_77, %jit3A_75 : i32
      %rem3A_79 = arith.remsi %scan3A_58, %select_n3A_78 : i32
      %ne3A_80 = arith.constant 0 : i32
      %ne3A_81 = arith.cmpi ne, %rem3A_79, %ne3A_80 : i32
      %lt3A = arith.constant 0 : i32
      %lt3A_82 = arith.cmpi slt, %rem3A_79, %lt3A : i32
      %lt3A_83 = arith.constant 0 : i32
      %lt3A_84 = arith.cmpi slt, %select_n3A_78, %lt3A_83 : i32
      %ne3A_85 = arith.xori %lt3A_82, %lt3A_84 : i1
      %and3A_86 = arith.andi %ne3A_85, %ne3A_81 : i1
      %add3A_87 = arith.addi %rem3A_79, %select_n3A_78 : i32
      %select_n3A_88 = arith.select %and3A_86, %add3A_87, %rem3A_79 : i32
      %mul3A_89 = arith.constant 16 : i32
      %mul3A_90 = arith.muli %select_n3A_88, %mul3A_89 : i32
      %get3A = arith.index_cast %select_n3A : i32 to index
      %get3A_91 = arith.index_cast %mul3A_90 : i32 to index
      %get3A_92 = tpu.vector_load %arg4[%get3A, %get3A_91] {strides = array<i32>} : memref<16x64xi32, #tpu.memory_space<vmem>>, vector<16xi32>,
      tpu.vector_store_idx %arg5[%broadcast_in_dim3A_7, %get3A_92], %broadcast_in_dim3A_5 {add = true} : memref<1x10112xf32, #tpu.memory_space<vmem>>[vector<16xi32>, vector<16xi32>], vector<16xf32>,
    }
    %scan3A_47 = arith.constant 64 : i32
    "tpu.region"() ({
      %run_scoped3A = tpu.sem_alloc : memref<!tpu.dma_semaphore, #tpu.memory_space<semaphore_mem>>
      %dma_start3A = arith.constant 128 : i32
      %dma_start3A_58 = arith.constant 0 : i32
      %dma_start3A_59 = tpu.memref_slice %arg2[%add3A, %dma_start3A, %dma_start3A_58] : memref<32x160x64xi32, #tpu.memory_space<hbm>> -> memref<1x16x64xi32, #tpu.memory_space<hbm>>
      %dma_start3A_60 = tpu.memref_squeeze %dma_start3A_59 : memref<1x16x64xi32, #tpu.memory_space<hbm>> -> memref<16x64xi32, #tpu.memory_space<hbm>>
      %dma_start3A_61 = arith.constant 128 : i32
      %dma_start3A_62 = arith.constant 0 : i32
      %dma_start3A_63 = tpu.memref_slice %arg2[%add3A, %dma_start3A_61, %dma_start3A_62] : memref<32x160x64xi32, #tpu.memory_space<hbm>> -> memref<1x16x64xi32, #tpu.memory_space<hbm>>
      %dma_start3A_64 = tpu.memref_squeeze %dma_start3A_63 : memref<1x16x64xi32, #tpu.memory_space<hbm>> -> memref<16x64xi32, #tpu.memory_space<hbm>>
      tpu.enqueue_dma source(%dma_start3A_64 : memref<16x64xi32, #tpu.memory_space<hbm>>) target(%arg4 : memref<16x64xi32, #tpu.memory_space<vmem>>) target_semaphore(%run_scoped3A : memref<!tpu.dma_semaphore, #tpu.memory_space<semaphore_mem>>)
      %dma_wait3A = arith.constant 128 : i32
      %dma_wait3A_65 = arith.constant 0 : i32
      %dma_wait3A_66 = tpu.memref_slice %arg2[%add3A, %dma_wait3A, %dma_wait3A_65] : memref<32x160x64xi32, #tpu.memory_space<hbm>> -> memref<1x16x64xi32, #tpu.memory_space<hbm>>
      %dma_wait3A_67 = tpu.memref_squeeze %dma_wait3A_66 : memref<1x16x64xi32, #tpu.memory_space<hbm>> -> memref<16x64xi32, #tpu.memory_space<hbm>>
      %dma_wait3A_68 = arith.constant 128 : i32
      %dma_wait3A_69 = arith.constant 0 : i32
      %dma_wait3A_70 = tpu.memref_slice %arg2[%add3A, %dma_wait3A_68, %dma_wait3A_69] : memref<32x160x64xi32, #tpu.memory_space<hbm>> -> memref<1x16x64xi32, #tpu.memory_space<hbm>>
      %dma_wait3A_71 = tpu.memref_squeeze %dma_wait3A_70 : memref<1x16x64xi32, #tpu.memory_space<hbm>> -> memref<16x64xi32, #tpu.memory_space<hbm>>
      tpu.wait_dma2 semaphore(%run_scoped3A : memref<!tpu.dma_semaphore, #tpu.memory_space<semaphore_mem>>) src(%dma_wait3A_71 : memref<16x64xi32, #tpu.memory_space<hbm>>) dst(%arg4 : memref<16x64xi32, #tpu.memory_space<vmem>>)
      tpu.yield
    }) : () -> ()
    %scan3A_48 = arith.constant 0 : i32
    %scan3A_49 = arith.constant 64 : i32
    %scan3A_50 = arith.addi %scan3A_48, %scan3A_49 : i32
    %scan3A_51 = arith.constant 1 : i32
    scf.for %scan3A_58 = %scan3A_48 to %scan3A_50 step %scan3A_51  : i32 {
      %jit3A = arith.constant 4 : i32
      %div3A = arith.divsi %scan3A_58, %jit3A : i32
      %sign3A = arith.constant 0 : i32
      %sign3A_59 = arith.cmpi sgt, %scan3A_58, %sign3A : i32
      %sign3A_60 = arith.extui %sign3A_59 : i1 to i32
      %sign3A_61 = arith.constant 0 : i32
      %sign3A_62 = arith.cmpi slt, %scan3A_58, %sign3A_61 : i32
      %sign3A_63 = arith.extui %sign3A_62 : i1 to i32
      %sign3A_64 = arith.subi %sign3A_60, %sign3A_63 : i32
      %sign3A_65 = arith.constant 0 : i32
      %sign3A_66 = arith.cmpi sgt, %jit3A, %sign3A_65 : i32
      %sign3A_67 = arith.extui %sign3A_66 : i1 to i32
      %sign3A_68 = arith.constant 0 : i32
      %sign3A_69 = arith.cmpi slt, %jit3A, %sign3A_68 : i32
      %sign3A_70 = arith.extui %sign3A_69 : i1 to i32
      %sign3A_71 = arith.subi %sign3A_67, %sign3A_70 : i32
      %ne3A = arith.cmpi ne, %sign3A_64, %sign3A_71 : i32
      %rem3A = arith.remsi %scan3A_58, %jit3A : i32
      %ne3A_72 = arith.constant 0 : i32
      %ne3A_73 = arith.cmpi ne, %rem3A, %ne3A_72 : i32
      %and3A = arith.andi %ne3A, %ne3A_73 : i1
      %sub3A = arith.constant 1 : i32
      %sub3A_74 = arith.subi %div3A, %sub3A : i32
      %select_n3A = arith.select %and3A, %sub3A_74, %div3A : i32
      %jit3A_75 = arith.constant 4 : i32
      %eq3A = arith.constant 0 : i32
      %eq3A_76 = arith.cmpi eq, %jit3A_75, %eq3A : i32
      %jit3A_77 = arith.constant 1 : i32
      %select_n3A_78 = arith.select %eq3A_76, %jit3A_77, %jit3A_75 : i32
      %rem3A_79 = arith.remsi %scan3A_58, %select_n3A_78 : i32
      %ne3A_80 = arith.constant 0 : i32
      %ne3A_81 = arith.cmpi ne, %rem3A_79, %ne3A_80 : i32
      %lt3A = arith.constant 0 : i32
      %lt3A_82 = arith.cmpi slt, %rem3A_79, %lt3A : i32
      %lt3A_83 = arith.constant 0 : i32
      %lt3A_84 = arith.cmpi slt, %select_n3A_78, %lt3A_83 : i32
      %ne3A_85 = arith.xori %lt3A_82, %lt3A_84 : i1
      %and3A_86 = arith.andi %ne3A_85, %ne3A_81 : i1
      %add3A_87 = arith.addi %rem3A_79, %select_n3A_78 : i32
      %select_n3A_88 = arith.select %and3A_86, %add3A_87, %rem3A_79 : i32
      %mul3A_89 = arith.constant 16 : i32
      %mul3A_90 = arith.muli %select_n3A_88, %mul3A_89 : i32
      %get3A = arith.index_cast %select_n3A : i32 to index
      %get3A_91 = arith.index_cast %mul3A_90 : i32 to index
      %get3A_92 = tpu.vector_load %arg4[%get3A, %get3A_91] {strides = array<i32>} : memref<16x64xi32, #tpu.memory_space<vmem>>, vector<16xi32>,
      tpu.vector_store_idx %arg5[%broadcast_in_dim3A_7, %get3A_92], %broadcast_in_dim3A_5 {add = true} : memref<1x10112xf32, #tpu.memory_space<vmem>>[vector<16xi32>, vector<16xi32>], vector<16xf32>,
    }
    %scan3A_52 = arith.constant 64 : i32
    "tpu.region"() ({
      %run_scoped3A = tpu.sem_alloc : memref<!tpu.dma_semaphore, #tpu.memory_space<semaphore_mem>>
      %dma_start3A = arith.constant 144 : i32
      %dma_start3A_58 = arith.constant 0 : i32
      %dma_start3A_59 = tpu.memref_slice %arg2[%add3A, %dma_start3A, %dma_start3A_58] : memref<32x160x64xi32, #tpu.memory_space<hbm>> -> memref<1x16x64xi32, #tpu.memory_space<hbm>>
      %dma_start3A_60 = tpu.memref_squeeze %dma_start3A_59 : memref<1x16x64xi32, #tpu.memory_space<hbm>> -> memref<16x64xi32, #tpu.memory_space<hbm>>
      %dma_start3A_61 = arith.constant 144 : i32
      %dma_start3A_62 = arith.constant 0 : i32
      %dma_start3A_63 = tpu.memref_slice %arg2[%add3A, %dma_start3A_61, %dma_start3A_62] : memref<32x160x64xi32, #tpu.memory_space<hbm>> -> memref<1x16x64xi32, #tpu.memory_space<hbm>>
      %dma_start3A_64 = tpu.memref_squeeze %dma_start3A_63 : memref<1x16x64xi32, #tpu.memory_space<hbm>> -> memref<16x64xi32, #tpu.memory_space<hbm>>
      tpu.enqueue_dma source(%dma_start3A_64 : memref<16x64xi32, #tpu.memory_space<hbm>>) target(%arg4 : memref<16x64xi32, #tpu.memory_space<vmem>>) target_semaphore(%run_scoped3A : memref<!tpu.dma_semaphore, #tpu.memory_space<semaphore_mem>>)
      %dma_wait3A = arith.constant 144 : i32
      %dma_wait3A_65 = arith.constant 0 : i32
      %dma_wait3A_66 = tpu.memref_slice %arg2[%add3A, %dma_wait3A, %dma_wait3A_65] : memref<32x160x64xi32, #tpu.memory_space<hbm>> -> memref<1x16x64xi32, #tpu.memory_space<hbm>>
      %dma_wait3A_67 = tpu.memref_squeeze %dma_wait3A_66 : memref<1x16x64xi32, #tpu.memory_space<hbm>> -> memref<16x64xi32, #tpu.memory_space<hbm>>
      %dma_wait3A_68 = arith.constant 144 : i32
      %dma_wait3A_69 = arith.constant 0 : i32
      %dma_wait3A_70 = tpu.memref_slice %arg2[%add3A, %dma_wait3A_68, %dma_wait3A_69] : memref<32x160x64xi32, #tpu.memory_space<hbm>> -> memref<1x16x64xi32, #tpu.memory_space<hbm>>
      %dma_wait3A_71 = tpu.memref_squeeze %dma_wait3A_70 : memref<1x16x64xi32, #tpu.memory_space<hbm>> -> memref<16x64xi32, #tpu.memory_space<hbm>>
      tpu.wait_dma2 semaphore(%run_scoped3A : memref<!tpu.dma_semaphore, #tpu.memory_space<semaphore_mem>>) src(%dma_wait3A_71 : memref<16x64xi32, #tpu.memory_space<hbm>>) dst(%arg4 : memref<16x64xi32, #tpu.memory_space<vmem>>)
      tpu.yield
    }) : () -> ()
    %scan3A_53 = arith.constant 0 : i32
    %scan3A_54 = arith.constant 64 : i32
    %scan3A_55 = arith.addi %scan3A_53, %scan3A_54 : i32
    %scan3A_56 = arith.constant 1 : i32
    scf.for %scan3A_58 = %scan3A_53 to %scan3A_55 step %scan3A_56  : i32 {
      %jit3A = arith.constant 4 : i32
      %div3A = arith.divsi %scan3A_58, %jit3A : i32
      %sign3A = arith.constant 0 : i32
      %sign3A_59 = arith.cmpi sgt, %scan3A_58, %sign3A : i32
      %sign3A_60 = arith.extui %sign3A_59 : i1 to i32
      %sign3A_61 = arith.constant 0 : i32
      %sign3A_62 = arith.cmpi slt, %scan3A_58, %sign3A_61 : i32
      %sign3A_63 = arith.extui %sign3A_62 : i1 to i32
      %sign3A_64 = arith.subi %sign3A_60, %sign3A_63 : i32
      %sign3A_65 = arith.constant 0 : i32
      %sign3A_66 = arith.cmpi sgt, %jit3A, %sign3A_65 : i32
      %sign3A_67 = arith.extui %sign3A_66 : i1 to i32
      %sign3A_68 = arith.constant 0 : i32
      %sign3A_69 = arith.cmpi slt, %jit3A, %sign3A_68 : i32
      %sign3A_70 = arith.extui %sign3A_69 : i1 to i32
      %sign3A_71 = arith.subi %sign3A_67, %sign3A_70 : i32
      %ne3A = arith.cmpi ne, %sign3A_64, %sign3A_71 : i32
      %rem3A = arith.remsi %scan3A_58, %jit3A : i32
      %ne3A_72 = arith.constant 0 : i32
      %ne3A_73 = arith.cmpi ne, %rem3A, %ne3A_72 : i32
      %and3A = arith.andi %ne3A, %ne3A_73 : i1
      %sub3A = arith.constant 1 : i32
      %sub3A_74 = arith.subi %div3A, %sub3A : i32
      %select_n3A = arith.select %and3A, %sub3A_74, %div3A : i32
      %jit3A_75 = arith.constant 4 : i32
      %eq3A = arith.constant 0 : i32
      %eq3A_76 = arith.cmpi eq, %jit3A_75, %eq3A : i32
      %jit3A_77 = arith.constant 1 : i32
      %select_n3A_78 = arith.select %eq3A_76, %jit3A_77, %jit3A_75 : i32
      %rem3A_79 = arith.remsi %scan3A_58, %select_n3A_78 : i32
      %ne3A_80 = arith.constant 0 : i32
      %ne3A_81 = arith.cmpi ne, %rem3A_79, %ne3A_80 : i32
      %lt3A = arith.constant 0 : i32
      %lt3A_82 = arith.cmpi slt, %rem3A_79, %lt3A : i32
      %lt3A_83 = arith.constant 0 : i32
      %lt3A_84 = arith.cmpi slt, %select_n3A_78, %lt3A_83 : i32
      %ne3A_85 = arith.xori %lt3A_82, %lt3A_84 : i1
      %and3A_86 = arith.andi %ne3A_85, %ne3A_81 : i1
      %add3A_87 = arith.addi %rem3A_79, %select_n3A_78 : i32
      %select_n3A_88 = arith.select %and3A_86, %add3A_87, %rem3A_79 : i32
      %mul3A_89 = arith.constant 16 : i32
      %mul3A_90 = arith.muli %select_n3A_88, %mul3A_89 : i32
      %get3A = arith.index_cast %select_n3A : i32 to index
      %get3A_91 = arith.index_cast %mul3A_90 : i32 to index
      %get3A_92 = tpu.vector_load %arg4[%get3A, %get3A_91] {strides = array<i32>} : memref<16x64xi32, #tpu.memory_space<vmem>>, vector<16xi32>,
      tpu.vector_store_idx %arg5[%broadcast_in_dim3A_7, %get3A_92], %broadcast_in_dim3A_5 {add = true} : memref<1x10112xf32, #tpu.memory_space<vmem>>[vector<16xi32>, vector<16xi32>], vector<16xf32>,
    }
    %scan3A_57 = arith.constant 64 : i32
    "tpu.region"() ({
      %run_scoped3A = tpu.sem_alloc : memref<!tpu.dma_semaphore, #tpu.memory_space<semaphore_mem>>
      %dma_start3A = arith.constant 0 : i32
      %dma_start3A_58 = arith.constant 0 : i32
      %dma_start3A_59 = tpu.memref_slice %arg3[%add3A, %dma_start3A, %dma_start3A_58] : memref<32x1x10112xf32, #tpu.memory_space<hbm>> -> memref<1x1x10112xf32, #tpu.memory_space<hbm>>
      %dma_start3A_60 = tpu.memref_squeeze %dma_start3A_59 : memref<1x1x10112xf32, #tpu.memory_space<hbm>> -> memref<1x10112xf32, #tpu.memory_space<hbm>>
      %dma_start3A_61 = arith.constant 0 : i32
      %dma_start3A_62 = arith.constant 0 : i32
      %dma_start3A_63 = tpu.memref_slice %arg3[%add3A, %dma_start3A_61, %dma_start3A_62] : memref<32x1x10112xf32, #tpu.memory_space<hbm>> -> memref<1x1x10112xf32, #tpu.memory_space<hbm>>
      %dma_start3A_64 = tpu.memref_squeeze %dma_start3A_63 : memref<1x1x10112xf32, #tpu.memory_space<hbm>> -> memref<1x10112xf32, #tpu.memory_space<hbm>>
      tpu.enqueue_dma source(%arg5 : memref<1x10112xf32, #tpu.memory_space<vmem>>) target(%dma_start3A_64 : memref<1x10112xf32, #tpu.memory_space<hbm>>) target_semaphore(%run_scoped3A : memref<!tpu.dma_semaphore, #tpu.memory_space<semaphore_mem>>)
      %dma_wait3A = arith.constant 0 : i32
      %dma_wait3A_65 = arith.constant 0 : i32
      %dma_wait3A_66 = tpu.memref_slice %arg3[%add3A, %dma_wait3A, %dma_wait3A_65] : memref<32x1x10112xf32, #tpu.memory_space<hbm>> -> memref<1x1x10112xf32, #tpu.memory_space<hbm>>
      %dma_wait3A_67 = tpu.memref_squeeze %dma_wait3A_66 : memref<1x1x10112xf32, #tpu.memory_space<hbm>> -> memref<1x10112xf32, #tpu.memory_space<hbm>>
      %dma_wait3A_68 = arith.constant 0 : i32
      %dma_wait3A_69 = arith.constant 0 : i32
      %dma_wait3A_70 = tpu.memref_slice %arg3[%add3A, %dma_wait3A_68, %dma_wait3A_69] : memref<32x1x10112xf32, #tpu.memory_space<hbm>> -> memref<1x1x10112xf32, #tpu.memory_space<hbm>>
      %dma_wait3A_71 = tpu.memref_squeeze %dma_wait3A_70 : memref<1x1x10112xf32, #tpu.memory_space<hbm>> -> memref<1x10112xf32, #tpu.memory_space<hbm>>
      tpu.wait_dma2 semaphore(%run_scoped3A : memref<!tpu.dma_semaphore, #tpu.memory_space<semaphore_mem>>) src(%arg5 : memref<1x10112xf32, #tpu.memory_space<vmem>>) dst(%dma_wait3A_71 : memref<1x10112xf32, #tpu.memory_space<hbm>>)
      tpu.yield
    }) : () -> ()
    return
  }
}

module attributes {stable_mosaic.version = 14 : i64} {
  func.func @_tc_scale_body(%arg0: i32, %arg1: memref<1x32x1000xf32, #tpu.memory_space<vmem>>, %arg2: memref<1000x128xf32, #tpu.memory_space<vmem>>, %arg3: memref<1000x128xf32, #tpu.memory_space<vmem>>, %arg4: memref<1000x1xf32, #tpu.memory_space<vmem>>) attributes {dimension_semantics = [#tpu.dimension_semantics<arbitrary>], iteration_bounds = array<i64: 10>, scalar_prefetch = 0 : i64, scratch_operands = 0 : i64, tpu.core_type = #tpu.core_type<tc>, window_params = [{transform_indices = @transform_0, window_bounds = array<i64: 1, 32, 1000>}, {transform_indices = @transform_1, window_bounds = array<i64: 1000, 128>}, {transform_indices = @transform_2, window_bounds = array<i64: 1000, 128>}, {transform_indices = @transform_3, window_bounds = array<i64: 1000, 1>}]} {
    %get3A = arith.constant 0 : index
    %get3A_0 = arith.constant 0 : index
    %get3A_1 = arith.constant 0 : index
    %get3A_2 = vector.load %arg1[%get3A, %get3A_0, %get3A_1] : memref<1x32x1000xf32, #tpu.memory_space<vmem>>, vector<1x32x1000xf32>
    %get3A_3 = vector.shape_cast %get3A_2 : vector<1x32x1000xf32> to vector<32x1000xf32>
    %broadcast_in_dim3A = arith.constant 1.000000e+00 : f32
    %broadcast_in_dim3A_4 = vector.broadcast %broadcast_in_dim3A : f32 to vector<32x1xf32>
    %dot_general3A = arith.constant dense<0.000000e+00> : vector<1000x1xf32>
    %dot_general3A_5 = tpu.matmul %get3A_3, %broadcast_in_dim3A_4, %dot_general3A {dimension_numbers = #tpu.dot_dimension_numbers<[0], [0], [1], [1], [0, 1, 1, 1], [], []>, transpose_lhs_hint = false} : vector<32x1000xf32>, vector<32x1xf32>, vector<1000x1xf32> -> vector<1000x1xf32>
    %gt3A = arith.constant 0.000000e+00 : f32
    %gt3A_6 = vector.broadcast %gt3A : f32 to vector<1000x1xf32>
    %gt3A_7 = arith.cmpf ogt, %dot_general3A_5, %gt3A_6 : vector<1000x1xf32>
    %rsqrt3A = math.rsqrt %dot_general3A_5 : vector<1000x1xf32>
    %jit3A = arith.constant 0.000000e+00 : f32
    %broadcast_in_dim3A_8 = vector.broadcast %jit3A : f32 to vector<1000x1xf32>
    %select_n3A = arith.select %gt3A_7, %rsqrt3A, %broadcast_in_dim3A_8 : vector<1000x1xi1>, vector<1000x1xf32>
    %swap3A = arith.constant 0 : index
    %swap3A_9 = arith.constant 0 : index
    %swap3A_10 = vector.load %arg4[%swap3A, %swap3A_9] : memref<1000x1xf32, #tpu.memory_space<vmem>>, vector<1000x1xf32>
    tpu.vector_store %arg4[%swap3A, %swap3A_9], %select_n3A {strides = array<i32>} : memref<1000x1xf32, #tpu.memory_space<vmem>>, vector<1000x1xf32>,
    %get3A_11 = arith.constant 0 : index
    %get3A_12 = arith.constant 0 : index
    %get3A_13 = vector.load %arg2[%get3A_11, %get3A_12] : memref<1000x128xf32, #tpu.memory_space<vmem>>, vector<1000x128xf32>
    %mul3A = vector.broadcast %select_n3A : vector<1000x1xf32> to vector<1000x128xf32>
    %mul3A_14 = arith.mulf %get3A_13, %mul3A : vector<1000x128xf32>
    %swap3A_15 = arith.constant 0 : index
    %swap3A_16 = arith.constant 0 : index
    %swap3A_17 = vector.load %arg3[%swap3A_15, %swap3A_16] : memref<1000x128xf32, #tpu.memory_space<vmem>>, vector<1000x128xf32>
    tpu.vector_store %arg3[%swap3A_15, %swap3A_16], %mul3A_14 {strides = array<i32>} : memref<1000x128xf32, #tpu.memory_space<vmem>>, vector<1000x128xf32>,
    return
  }
  func.func @transform_0(%arg0: i32) -> (i32, i32, i32) {
    %c0_i32 = arith.constant 0 : i32
    %c0_i32_0 = arith.constant 0 : i32
    %c0_i32_1 = arith.constant 0 : i32
    return %arg0, %c0_i32, %c0_i32_0 : i32, i32, i32
  }
  func.func @transform_1(%arg0: i32) -> (i32, i32) {
    %c0_i32 = arith.constant 0 : i32
    %c0_i32_0 = arith.constant 0 : i32
    return %arg0, %c0_i32 : i32, i32
  }
  func.func @transform_2(%arg0: i32) -> (i32, i32) {
    %c0_i32 = arith.constant 0 : i32
    %c0_i32_0 = arith.constant 0 : i32
    return %arg0, %c0_i32 : i32, i32
  }
  func.func @transform_3(%arg0: i32) -> (i32, i32) {
    %c0_i32 = arith.constant 0 : i32
    %c0_i32_0 = arith.constant 0 : i32
    return %arg0, %c0_i32 : i32, i32
  }
}

module attributes {stable_mosaic.version = 14 : i64} {
  func.func @_tc_dense_body(%arg0: i32, %arg1: memref<2x1000x128xf32, #tpu.memory_space<vmem>>, %arg2: memref<1000x1xf32, #tpu.memory_space<vmem>>, %arg3: memref<1000x128xf32, #tpu.memory_space<vmem>>, %arg4: memref<1000x4xf32, #tpu.memory_space<vmem>>, %arg5: memref<4x256x128xf32, #tpu.memory_space<vmem>>, %arg6: memref<1000x128xf32, #tpu.memory_space<vmem>>) attributes {dimension_semantics = [#tpu.dimension_semantics<arbitrary>], iteration_bounds = array<i64: 10>, scalar_prefetch = 0 : i64, scratch_operands = 0 : i64, tpu.core_type = #tpu.core_type<tc>, window_params = [{transform_indices = @transform_0, window_bounds = array<i64: 2, 1000, 128>}, {transform_indices = @transform_1, window_bounds = array<i64: 1000, 1>}, {transform_indices = @transform_2, window_bounds = array<i64: 1000, 128>}, {transform_indices = @transform_3, window_bounds = array<i64: 1000, 4>}, {pipeline_mode = #tpu.pipeline_mode<synchronous>, transform_indices = @transform_4, window_bounds = array<i64: 4, 256, 128>}, {transform_indices = @transform_5, window_bounds = array<i64: 1000, 128>}]} {
    %get3A = arith.constant 0 : index
    %get3A_0 = arith.constant 0 : index
    %get3A_1 = arith.constant 0 : index
    %get3A_2 = vector.load %arg1[%get3A, %get3A_0, %get3A_1] : memref<2x1000x128xf32, #tpu.memory_space<vmem>>, vector<1x1000x128xf32>
    %get3A_3 = vector.shape_cast %get3A_2 : vector<1x1000x128xf32> to vector<1000x128xf32>
    %get3A_4 = arith.constant 1 : index
    %get3A_5 = arith.constant 0 : index
    %get3A_6 = arith.constant 0 : index
    %get3A_7 = vector.load %arg1[%get3A_4, %get3A_5, %get3A_6] : memref<2x1000x128xf32, #tpu.memory_space<vmem>>, vector<1x1000x128xf32>
    %get3A_8 = vector.shape_cast %get3A_7 : vector<1x1000x128xf32> to vector<1000x128xf32>
    %add3A = arith.addf %get3A_3, %get3A_8 : vector<1000x128xf32>
    %get3A_9 = arith.constant 0 : index
    %get3A_10 = arith.constant 0 : index
    %get3A_11 = vector.load %arg2[%get3A_9, %get3A_10] : memref<1000x1xf32, #tpu.memory_space<vmem>>, vector<1000x1xf32>
    %mul3A = vector.broadcast %get3A_11 : vector<1000x1xf32> to vector<1000x128xf32>
    %mul3A_12 = arith.mulf %add3A, %mul3A : vector<1000x128xf32>
    %get3A_13 = arith.constant 0 : index
    %get3A_14 = arith.constant 0 : index
    %get3A_15 = vector.load %arg3[%get3A_13, %get3A_14] : memref<1000x128xf32, #tpu.memory_space<vmem>>, vector<1000x128xf32>
    %get3A_16 = arith.constant 0 : index
    %get3A_17 = arith.constant 0 : index
    %get3A_18 = arith.constant 0 : index
    %get3A_19 = vector.load %arg5[%get3A_16, %get3A_17, %get3A_18] : memref<4x256x128xf32, #tpu.memory_space<vmem>>, vector<1x128x128xf32>
    %get3A_20 = vector.shape_cast %get3A_19 : vector<1x128x128xf32> to vector<128x128xf32>
    %dot_general3A = arith.constant dense<0.000000e+00> : vector<1000x128xf32>
    %dot_general3A_21 = tpu.matmul %mul3A_12, %get3A_20, %dot_general3A {dimension_numbers = #tpu.dot_dimension_numbers<[1], [0], [0], [1], [0, 0, 1, 1], [], []>, transpose_lhs_hint = false} : vector<1000x128xf32>, vector<128x128xf32>, vector<1000x128xf32> -> vector<1000x128xf32>
    %get3A_22 = arith.constant 0 : index
    %get3A_23 = arith.constant 128 : index
    %get3A_24 = arith.constant 0 : index
    %get3A_25 = vector.load %arg5[%get3A_22, %get3A_23, %get3A_24] : memref<4x256x128xf32, #tpu.memory_space<vmem>>, vector<1x128x128xf32>
    %get3A_26 = vector.shape_cast %get3A_25 : vector<1x128x128xf32> to vector<128x128xf32>
    %dot_general3A_27 = arith.constant dense<0.000000e+00> : vector<1000x128xf32>
    %dot_general3A_28 = tpu.matmul %get3A_15, %get3A_26, %dot_general3A_27 {dimension_numbers = #tpu.dot_dimension_numbers<[1], [0], [0], [1], [0, 0, 1, 1], [], []>, transpose_lhs_hint = false} : vector<1000x128xf32>, vector<128x128xf32>, vector<1000x128xf32> -> vector<1000x128xf32>
    %add3A_29 = arith.addf %dot_general3A_21, %dot_general3A_28 : vector<1000x128xf32>
    %get3A_30 = arith.constant 0 : index
    %get3A_31 = arith.constant 0 : index
    %get3A_32 = vector.load %arg4[%get3A_30, %get3A_31] : memref<1000x4xf32, #tpu.memory_space<vmem>>, vector<1000x1xf32>
    %mul3A_33 = vector.broadcast %get3A_32 : vector<1000x1xf32> to vector<1000x128xf32>
    %mul3A_34 = arith.mulf %mul3A_33, %add3A_29 : vector<1000x128xf32>
    %add3A_35 = arith.addf %get3A_15, %mul3A_34 : vector<1000x128xf32>
    %get3A_36 = arith.constant 1 : index
    %get3A_37 = arith.constant 0 : index
    %get3A_38 = arith.constant 0 : index
    %get3A_39 = vector.load %arg5[%get3A_36, %get3A_37, %get3A_38] : memref<4x256x128xf32, #tpu.memory_space<vmem>>, vector<1x128x128xf32>
    %get3A_40 = vector.shape_cast %get3A_39 : vector<1x128x128xf32> to vector<128x128xf32>
    %dot_general3A_41 = arith.constant dense<0.000000e+00> : vector<1000x128xf32>
    %dot_general3A_42 = tpu.matmul %mul3A_12, %get3A_40, %dot_general3A_41 {dimension_numbers = #tpu.dot_dimension_numbers<[1], [0], [0], [1], [0, 0, 1, 1], [], []>, transpose_lhs_hint = false} : vector<1000x128xf32>, vector<128x128xf32>, vector<1000x128xf32> -> vector<1000x128xf32>
    %get3A_43 = arith.constant 1 : index
    %get3A_44 = arith.constant 128 : index
    %get3A_45 = arith.constant 0 : index
    %get3A_46 = vector.load %arg5[%get3A_43, %get3A_44, %get3A_45] : memref<4x256x128xf32, #tpu.memory_space<vmem>>, vector<1x128x128xf32>
    %get3A_47 = vector.shape_cast %get3A_46 : vector<1x128x128xf32> to vector<128x128xf32>
    %dot_general3A_48 = arith.constant dense<0.000000e+00> : vector<1000x128xf32>
    %dot_general3A_49 = tpu.matmul %get3A_15, %get3A_47, %dot_general3A_48 {dimension_numbers = #tpu.dot_dimension_numbers<[1], [0], [0], [1], [0, 0, 1, 1], [], []>, transpose_lhs_hint = false} : vector<1000x128xf32>, vector<128x128xf32>, vector<1000x128xf32> -> vector<1000x128xf32>
    %add3A_50 = arith.addf %dot_general3A_42, %dot_general3A_49 : vector<1000x128xf32>
    %get3A_51 = arith.constant 0 : index
    %get3A_52 = arith.constant 1 : index
    %get3A_53 = vector.load %arg4[%get3A_51, %get3A_52] : memref<1000x4xf32, #tpu.memory_space<vmem>>, vector<1000x1xf32>
    %mul3A_54 = vector.broadcast %get3A_53 : vector<1000x1xf32> to vector<1000x128xf32>
    %mul3A_55 = arith.mulf %mul3A_54, %add3A_50 : vector<1000x128xf32>
    %add3A_56 = arith.addf %add3A_35, %mul3A_55 : vector<1000x128xf32>
    %get3A_57 = arith.constant 2 : index
    %get3A_58 = arith.constant 0 : index
    %get3A_59 = arith.constant 0 : index
    %get3A_60 = vector.load %arg5[%get3A_57, %get3A_58, %get3A_59] : memref<4x256x128xf32, #tpu.memory_space<vmem>>, vector<1x128x128xf32>
    %get3A_61 = vector.shape_cast %get3A_60 : vector<1x128x128xf32> to vector<128x128xf32>
    %dot_general3A_62 = arith.constant dense<0.000000e+00> : vector<1000x128xf32>
    %dot_general3A_63 = tpu.matmul %mul3A_12, %get3A_61, %dot_general3A_62 {dimension_numbers = #tpu.dot_dimension_numbers<[1], [0], [0], [1], [0, 0, 1, 1], [], []>, transpose_lhs_hint = false} : vector<1000x128xf32>, vector<128x128xf32>, vector<1000x128xf32> -> vector<1000x128xf32>
    %get3A_64 = arith.constant 2 : index
    %get3A_65 = arith.constant 128 : index
    %get3A_66 = arith.constant 0 : index
    %get3A_67 = vector.load %arg5[%get3A_64, %get3A_65, %get3A_66] : memref<4x256x128xf32, #tpu.memory_space<vmem>>, vector<1x128x128xf32>
    %get3A_68 = vector.shape_cast %get3A_67 : vector<1x128x128xf32> to vector<128x128xf32>
    %dot_general3A_69 = arith.constant dense<0.000000e+00> : vector<1000x128xf32>
    %dot_general3A_70 = tpu.matmul %get3A_15, %get3A_68, %dot_general3A_69 {dimension_numbers = #tpu.dot_dimension_numbers<[1], [0], [0], [1], [0, 0, 1, 1], [], []>, transpose_lhs_hint = false} : vector<1000x128xf32>, vector<128x128xf32>, vector<1000x128xf32> -> vector<1000x128xf32>
    %add3A_71 = arith.addf %dot_general3A_63, %dot_general3A_70 : vector<1000x128xf32>
    %get3A_72 = arith.constant 0 : index
    %get3A_73 = arith.constant 2 : index
    %get3A_74 = vector.load %arg4[%get3A_72, %get3A_73] : memref<1000x4xf32, #tpu.memory_space<vmem>>, vector<1000x1xf32>
    %mul3A_75 = vector.broadcast %get3A_74 : vector<1000x1xf32> to vector<1000x128xf32>
    %mul3A_76 = arith.mulf %mul3A_75, %add3A_71 : vector<1000x128xf32>
    %add3A_77 = arith.addf %add3A_56, %mul3A_76 : vector<1000x128xf32>
    %get3A_78 = arith.constant 3 : index
    %get3A_79 = arith.constant 0 : index
    %get3A_80 = arith.constant 0 : index
    %get3A_81 = vector.load %arg5[%get3A_78, %get3A_79, %get3A_80] : memref<4x256x128xf32, #tpu.memory_space<vmem>>, vector<1x128x128xf32>
    %get3A_82 = vector.shape_cast %get3A_81 : vector<1x128x128xf32> to vector<128x128xf32>
    %dot_general3A_83 = arith.constant dense<0.000000e+00> : vector<1000x128xf32>
    %dot_general3A_84 = tpu.matmul %mul3A_12, %get3A_82, %dot_general3A_83 {dimension_numbers = #tpu.dot_dimension_numbers<[1], [0], [0], [1], [0, 0, 1, 1], [], []>, transpose_lhs_hint = false} : vector<1000x128xf32>, vector<128x128xf32>, vector<1000x128xf32> -> vector<1000x128xf32>
    %get3A_85 = arith.constant 3 : index
    %get3A_86 = arith.constant 128 : index
    %get3A_87 = arith.constant 0 : index
    %get3A_88 = vector.load %arg5[%get3A_85, %get3A_86, %get3A_87] : memref<4x256x128xf32, #tpu.memory_space<vmem>>, vector<1x128x128xf32>
    %get3A_89 = vector.shape_cast %get3A_88 : vector<1x128x128xf32> to vector<128x128xf32>
    %dot_general3A_90 = arith.constant dense<0.000000e+00> : vector<1000x128xf32>
    %dot_general3A_91 = tpu.matmul %get3A_15, %get3A_89, %dot_general3A_90 {dimension_numbers = #tpu.dot_dimension_numbers<[1], [0], [0], [1], [0, 0, 1, 1], [], []>, transpose_lhs_hint = false} : vector<1000x128xf32>, vector<128x128xf32>, vector<1000x128xf32> -> vector<1000x128xf32>
    %add3A_92 = arith.addf %dot_general3A_84, %dot_general3A_91 : vector<1000x128xf32>
    %get3A_93 = arith.constant 0 : index
    %get3A_94 = arith.constant 3 : index
    %get3A_95 = vector.load %arg4[%get3A_93, %get3A_94] : memref<1000x4xf32, #tpu.memory_space<vmem>>, vector<1000x1xf32>
    %mul3A_96 = vector.broadcast %get3A_95 : vector<1000x1xf32> to vector<1000x128xf32>
    %mul3A_97 = arith.mulf %mul3A_96, %add3A_92 : vector<1000x128xf32>
    %add3A_98 = arith.addf %add3A_77, %mul3A_97 : vector<1000x128xf32>
    %swap3A = arith.constant 0 : index
    %swap3A_99 = arith.constant 0 : index
    %swap3A_100 = vector.load %arg6[%swap3A, %swap3A_99] : memref<1000x128xf32, #tpu.memory_space<vmem>>, vector<1000x128xf32>
    tpu.vector_store %arg6[%swap3A, %swap3A_99], %add3A_98 {strides = array<i32>} : memref<1000x128xf32, #tpu.memory_space<vmem>>, vector<1000x128xf32>,
    return
  }
  func.func @transform_0(%arg0: i32) -> (i32, i32, i32) {
    %c0_i32 = arith.constant 0 : i32
    %c0_i32_0 = arith.constant 0 : i32
    %c0_i32_1 = arith.constant 0 : i32
    return %c0_i32, %arg0, %c0_i32_0 : i32, i32, i32
  }
  func.func @transform_1(%arg0: i32) -> (i32, i32) {
    %c0_i32 = arith.constant 0 : i32
    %c0_i32_0 = arith.constant 0 : i32
    return %arg0, %c0_i32 : i32, i32
  }
  func.func @transform_2(%arg0: i32) -> (i32, i32) {
    %c0_i32 = arith.constant 0 : i32
    %c0_i32_0 = arith.constant 0 : i32
    return %arg0, %c0_i32 : i32, i32
  }
  func.func @transform_3(%arg0: i32) -> (i32, i32) {
    %c0_i32 = arith.constant 0 : i32
    %c0_i32_0 = arith.constant 0 : i32
    return %arg0, %c0_i32 : i32, i32
  }
  func.func @transform_4(%arg0: i32) -> (i32, i32, i32) {
    %c0_i32 = arith.constant 0 : i32
    %c0_i32_0 = arith.constant 0 : i32
    %c0_i32_1 = arith.constant 0 : i32
    %c0_i32_2 = arith.constant 0 : i32
    return %c0_i32, %c0_i32_0, %c0_i32_1 : i32, i32, i32
  }
  func.func @transform_5(%arg0: i32) -> (i32, i32) {
    %c0_i32 = arith.constant 0 : i32
    %c0_i32_0 = arith.constant 0 : i32
    return %arg0, %c0_i32 : i32, i32
  }
}

</mosaic_0001>

<sc_bundles>
// kernel: kernel.6.cloned.1.call-start
scs
__scs_entry_jumppad:
0x0: {  	(pc) =	sbr.rel $0x88, $3  }
0x1: {  	(tag) =	ssettag $0x0;
	lr =	simm.s32 $0x1  }
0x2: {  	[smem:$0x3F9D] =	sst lr;
	_ =	strace $0xD0000000  }
0x3: {  	_ = 	snop  }
0x4: {  	_ = 	snop  }
0x5: {  	_ = 	snop  }
0x6: {  	_ = 	snop  }
0x7: {  	_ = 	snop  }
__scs_overlays_trampoline_lowered:
0x8: {  	[smem:$0x3FAC] =	sst s0  }
0x9: {  	[smem:$0x3FAD] =	sst s1  }
0xa: {  	[smem:$0x3FAE] =	sst s2  }
0xb: {  	[smem:$0x3FAF] =	sst s3  }
0xc: {  	[smem:$0x3FB0] =	sst s4  }
0xd: {  	[smem:$0x3FB1] =	sst s5  }
0xe: {  	[smem:$0x3FB2] =	sst s6  }
0xf: {  	[smem:$0x3FB3] =	sst s7  }
0x10: {  	[smem:$0x3FB4] =	sst s8  }
0x11: {  	[smem:$0x3FB5] =	sst s9;
	s0 =	simm.s32 @!p0 $0x0  }
0x12: {  	s1 =	sld [smem:$0x3F9B];
	s0 =	simm.s32 @p0 $0x1  }
0x13: {  	[smem:$0x3FB6] =	sst s0;
	s0 =	simm.s32 @!p1 $0x0  }
0x14: {  	s2 =	sld [smem:$0x3F9A];
	s0 =	simm.s32 @p1 $0x1  }
0x15: {  	[smem:$0x3FB7] =	sst s0;
	s0 =	simm.s32 @!p2 $0x0  }
0x16: {  	s3 =	sld [smem:$0x3FDB];
	s0 =	simm.s32 @p2 $0x1  }
0x17: {  	s4 =	simm.s32 $0x1BF5;
	[smem:$0x3FB9] =	sst s0  }
0x18: {  	s0 =	sld [smem:$0x3F9C];
	_ =	swait.ge [sflag:s4], $0x0  }
0x19: {  	s7 =	sld [smem:$0x3F9D]  }
0x1a: {  	s8 =	sadd.s32 $0xFFFFE003, lr  }
0x1b: {  	s9 =	sadd.s32 $0xFFFFFEF7, lr;
	s5 =	simm.s32 $0xFFFFFFFF;
	p2 =	slt.u32 s8, $0xFFFFF086  }
0x1c: {  	p1 =	slt.u32 s9, $0xF7A;
	s5 =	simm.s32 @!p2 $0x0  }
0x1d: {  	s5 =	simm.s32 @p1 $0x1;
	p0 =	seq.s32 s7, s2  }
0x1e: {  	s7 =	smul.u32 @!p0 $0xF7A, s2;
	p2 =	seq.s32 @!p0 s5, $0x0  }
0x1f: {  	s9 =	smul.u32 $0xF7A, s1;
	s8 =	simm.s32 @!p0 $0x1BF5;
	p2 =	por !p2, p0  }
0x20: {  	[sflag:s8] =	ssyncset.s32 @!p0 $0xFFFFF086;
	s6 =	sadd.s32 @!p0 s3, s7;
	s7 =	simm.s32 @!p0 $0x108  }
0x21: {  	s3 =	sadd.s32 s3, s9;
	s6 =	sadd.s32 @!p0 $0x88, s6;
	s7 =	simm.s32 @p2 $0x1082  }
0x22: {  	[simem:s7], [sflag:s8] =	dma.local @!p0 [hbm:s6], $0xF7A  }
0x23: {  	s9 =	sor.u32 $0xD0000000, s2;
	s6 =	simm.s32 $0x108;
	_ =	swait.ge @!p0 [sflag:s8], $0x0  }
0x24: {  	s3 =	sadd.s32 $0x88, s3;
	s6 =	simm.s32 @!p1 $0x1082;
	[sflag:s4] =	ssyncset.s32 $0xFFFFF086  }
0x25: {  	[simem:s6], [sflag:s4] =	dma.local [hbm:s3], $0xF7A  }
0x26: {  	[smem:$0x3F9D] =	sst s1;
	(tag) =	ssettag s2;
	_ =	strace s9  }
0x27: {  	s1 =	sld [smem:$0x3FAD]  }
0x28: {  	s2 =	sld [smem:$0x3FAE]  }
0x29: {  	s4 =	sld [smem:$0x3FB0]  }
0x2a: {  	p0 =	seq.s32 s5, $0x0;
	s5 =	sld [smem:$0x3FB1]  }
0x2b: {  	s6 =	sld [smem:$0x3FB2]  }
0x2c: {  	s7 =	sld [smem:$0x3FB3]  }
0x2d: {  	s3 =	simm.s32 $0x108;
	s8 =	sld [smem:$0x3FB4]  }
0x2e: {  	s3 =	simm.s32 @!p0 $0x1082;
	s9 =	sld [smem:$0x3FB5]  }
0x2f: {  	lr =	sadd.s32 s0, s3;
	s0 =	sld [smem:$0x3FAC]  }
0x30: {  	s3 =	sld [smem:$0x3FAF]  }
0x31: {  	[smem:$0x3FB8] =	sst s10  }
0x32: {  	s10 =	sld [smem:$0x3FB6];
	_ =	sdelay $0x3  }
0x33: {  	p0 =	seq.s32 s10, $0x1;
	s10 =	sld [smem:$0x3FB8];
	_ =	sdelay $0x3  }
0x34: {  	[smem:$0x3FB8] =	sst s10  }
0x35: {  	s10 =	sld [smem:$0x3FB7];
	_ =	sdelay $0x3  }
0x36: {  	p1 =	seq.s32 s10, $0x1;
	s10 =	sld [smem:$0x3FB8];
	_ =	sdelay $0x3  }
0x37: {  	[smem:$0x3FB8] =	sst s10  }
0x38: {  	s10 =	sld [smem:$0x3FB9]  }
0x39: {  	_ = 	snop;
	(pc) =	sbr.ind lr, $3  }
0x3a: {  	_ = 	snop  }
0x3b: {  	_ = 	snop  }
0x3c: {  	p2 =	seq.s32 s10, $0x1;
	s10 =	sld [smem:$0x3FB8]  }
0x3d: {  	_ =	shalt  }
0x3e: {  	_ =	shalt  }
0x3f: {  	_ =	shalt  }
0x40: {  	_ =	shalt  }
0x41: {  	_ =	shalt  }
0x42: {  	_ =	shalt  }
0x43: {  	_ =	shalt  }
0x44: {  	_ =	shalt  }
0x45: {  	_ =	shalt  }
0x46: {  	_ =	shalt  }
0x47: {  	_ =	shalt  }
0x48: {  	_ =	shalt  }
0x49: {  	_ =	shalt  }
0x4a: {  	_ =	shalt  }
0x4b: {  	_ =	shalt  }
0x4c: {  	_ =	shalt  }
0x4d: {  	_ =	shalt  }
0x4e: {  	_ =	shalt  }
0x4f: {  	_ =	shalt  }
0x50: {  	_ =	shalt  }
0x51: {  	_ =	shalt  }
0x52: {  	_ =	shalt  }
0x53: {  	_ =	shalt  }
0x54: {  	_ =	shalt  }
0x55: {  	_ =	shalt  }
0x56: {  	_ =	shalt  }
0x57: {  	_ =	shalt  }
0x58: {  	_ =	shalt  }
0x59: {  	_ =	shalt  }
0x5a: {  	_ =	shalt  }
0x5b: {  	_ =	shalt  }
0x5c: {  	_ =	shalt  }
0x5d: {  	_ =	shalt  }
0x5e: {  	_ =	shalt  }
0x5f: {  	_ =	shalt  }
0x60: {  	_ =	shalt  }
0x61: {  	_ =	shalt  }
0x62: {  	_ =	shalt  }
0x63: {  	_ =	shalt  }
0x64: {  	_ =	shalt  }
0x65: {  	_ =	shalt  }
0x66: {  	_ =	shalt  }
0x67: {  	_ =	shalt  }
0x68: {  	_ =	shalt  }
0x69: {  	_ =	shalt  }
0x6a: {  	_ =	shalt  }
0x6b: {  	_ =	shalt  }
0x6c: {  	_ =	shalt  }
0x6d: {  	_ =	shalt  }
0x6e: {  	_ =	shalt  }
0x6f: {  	_ =	shalt  }
0x70: {  	_ =	shalt  }
0x71: {  	_ =	shalt  }
0x72: {  	_ =	shalt  }
0x73: {  	_ =	shalt  }
0x74: {  	_ =	shalt  }
0x75: {  	_ =	shalt  }
0x76: {  	_ =	shalt  }
0x77: {  	_ =	shalt  }
0x78: {  	_ =	shalt  }
0x79: {  	_ =	shalt  }
0x7a: {  	_ =	shalt  }
0x7b: {  	_ =	shalt  }
0x7c: {  	_ =	shalt  }
0x7d: {  	_ =	shalt  }
0x7e: {  	_ =	shalt  }
0x7f: {  	_ =	shalt  }
0x80: {  	_ =	shalt  }
0x81: {  	_ =	shalt  }
0x82: {  	_ =	shalt  }
0x83: {  	_ =	shalt  }
0x84: {  	_ =	shalt  }
0x85: {  	_ =	shalt  }
0x86: {  	_ =	shalt  }
0x87: {  	_ =	shalt  }
.Lfunc_end0:
.L_simem_size_0:
called_computation_lowered:
.L_overlay_start_0:
0x88: {  	s2 =	sld [smem:$0x3FD9]  }
0x89: {  	s3 =	sld [smem:$0x3FFE];
	_ =	sdelay $0x1  }
0x8a: {  	s1 =	srdreg.scid  }
0x8b: {  	s0 =	sand.u32 $0x1, s1  }
0x8c: {  	s17 =	sshll.u32 s0, $0xA;
	s2 =	sadd.s32 s3, s2  }
0x8d: {  	s2 =	sadd.s32 s2, s17  }
0x8e: {  	[smem:$0x3FC4] =	sst s2  }
0x8f: {  	_ = 	snop  }
0x90: {  	s2 =	sld [smem:$0x3FD0];
	(tm) =	ssettm $0x1  }
0x91: {  	s18 =	sld [smem:$0x3FFB];
	_ =	sdelay $0x3  }
0x92: {  	_ =	strace s18  }
0x93: {  	s3 =	sld [smem:$0x3FFC];
	_ =	sdelay $0x3  }
0x94: {  	_ =	strace s3  }
0x95: {  	s3 =	sld [smem:$0x3FFD];
	_ =	sdelay $0x3  }
0x96: {  	_ =	strace s3  }
0x97: {  	_ =	strace $0x8FFFFFFF  }
0x98: {  	s19 =	sld [smem:$0x3FDB];
	_ =	sdelay $0x1  }
0x99: {  	s4 =	simm.s32 $_scs_section_size  }
0x9a: {  	s5 =	simm.s32 $_size__tile_overlayer_lowered;
	s6 =	simm.s32 $_tile_overlayer_lowered  }
0x9b: {  	s22 =	simm.s32 $0x1BFF;
	s21 =	sshll.u32 s6, $0x1;
	s3 =	sadd.s32 s4, s19  }
0x9c: {  	s7 =	simm.s32 $0x0;
	s20 =	sshll.u32 s5, $0x1;
	s5 =	sadd.s32 s21, s3  }
0x9d: {  	[timem:s7], [sflag:s22] =	dma.local [hbm:s5], s20  }
0x9e: {  	_ =	swait.ge [sflag:s22], s20  }
0x9f: {  	s4 =	ssub.s32 $0x0, s20;
	[sflag:s22] =	ssyncset.done $0x0  }
0xa0: {  	[sflag:s22] =	ssyncadd.s32 s4;
	_ =	sdelay $0x1  }
0xa1: {  	s23 =	simm.s32 $0x1B8B  }
0xa2: {  	_ =	swait.ge [sflag:s23], $0x1  }
0xa3: {  	[sflag:s23] =	ssyncset.done $0x0  }
0xa4: {  	s25 =	simm.s32 $0x1B8E;
	s24 =	sld [smem:$0x3FFE];
	[sflag:s23] =	ssyncadd.s32 $0xFFFFFFFF  }
0xa5: {  	s26 =	simm.s32 $execute0_lowered;
	[smem:$0x3FD2] =	sst s25  }
0xa6: {  	s5 =	sshll.u32 s26, $0x1;
	_ =	strace $0x80000046;
	[dreg:$0x1] =	wrdreg $0xFFFFFFFF  }
0xa7: {  	s28 =	simm.s32 $_size_execute0_lowered;
	s3 =	sadd.s32 s3, s5;
	[dreg:$0x0] =	wrdreg $0x0  }
0xa8: {  	s5 =	sshll.u32 s28, $0x1;
	[dreg:$0x2] =	wrdreg s3  }
0xa9: {  	[dreg:$0x3] =	wrdreg s5  }
0xaa: {  	[dreg:$0x4] =	wrdreg $0xC0  }
0xab: {  	_ =	task [dreg:s7], $0x5FFFF  }
0xac: {  	[dreg:$0x1] =	wrdreg $0xFFFFFFFF  }
0xad: {  	[dreg:$0x0] =	wrdreg $0x60  }
0xae: {  	[dreg:$0x2] =	wrdreg s2  }
0xaf: {  	[dreg:$0x3] =	wrdreg s24  }
0xb0: {  	[dreg:$0x4] =	wrdreg $0x9  }
0xb1: {  	_ =	task.clear_ibuf [dreg:s7], $0x5FFFF;
	_ =	strace $0x90000046  }
0xb2: {  	s29 =	simm.s32 $0x9;
	_ =	strace $0x80000048  }
0xb3: {  	_ =	swait.ge [sflag:s29], $0x1  }
0xb4: {  	[sflag:s29] =	ssyncadd.s32 $0xFFFFFFFF  }
0xb5: {  	_ =	strace $0x90000048  }
0xb6: {  	_ =	sfence  }
0xb7: {  	s30 =	sld [smem:$0x0];
	_ =	sdelay $0x2  }
0xb8: {  	s31 =	sshll.u32 s1, $0xD;
	s1 =	sshrl.u32 s1, $0x2  }
0xb9: {  	s3 =	sand.u32 $0x4000, s31;
	s1 =	sadd.s32 s1, s30  }
0xba: {  	s0 =	sor.u32 s3, s0;
	s1 =	sshll.u32 s1, $0x11  }
0xbb: {  	s0 =	sor.u32 s1, s0  }
0xbc: {  	s0 =	sadd.s32 $0x8F2B, s0  }
0xbd: {  	[sflag:s0] =	ssyncadd.remote.s32 $0x1  }
0xbe: {  	_ =	sfence.sel $0xFFFF  }
0xbf: {  	[dreg:$0x0] =	wrdreg $0xFFFFFFFF;
	(pc) =	sbr.abs _section_cstart, $3  }
0xc0: {  	[dreg:$0x1] =	wrdreg $0xFFFFFFFF  }
0xc1: {  	_ =	task.clear_ibuf [dreg:s7], $0x2FFFF;
	_ =	strace $0x9FFFFFFF  }
0xc2: {  	(tm) =	ssettm $0x7FFFFFFF  }
0xc3: {  	_ =	shalt  }
tec
execute0_lowered:
.L_overlay_start_1:
0x0: {  	(tag) =	ssettag $0x1  }
0x1: {  	s1 =	srdreg.scid  }
0x2: {  	s0 =	stileid.u32;
	s3 =	rddreg [dreg:$0x0]  }
0x3: {  	s5 =	rddreg [dreg:$0x1];
	s4 =	sand.u32 $0x1, s1;
	s30 =	sshll.u32 s0, $0x1  }
0x4: {  	s2 =	simm.s32 $0x0;
	s15 =	simm.s32 $0x1;
	s6 =	sor.u32 s4, s30  }
0x5: {  	s16 =	simm.s32 $0x800;
	s17 =	simm.s32 $0x0;
	s7 =	smul.u32 $0x5000, s6  }
0x6: {  	[smem:$0x7FF] =	sst s2;
	s4 =	ssub.s32 $0x2, s4;
	s6 =	smul.u32 $0x4F0, s6  }
0x7: {  	s1 =	rddreg [dreg:$0x2];
	_ =	strace $0x80000047;
	s31 =	sshrl.u32 s4, $0x1  }
0x8: {  	s14 =	ssub.s32 s4, s31;
	s7 =	sshrl.u32 s7, $0x3;
	s13 =	sadd.s32 s6, s5  }
0x9: {  	s14 =	smax.u32 s14, $0x1;
	s3 =	sadd.s32 s3, s7;
	s13 =	sadd.s32 $0x1000, s13  }
0xa: {  	s4 =	sadd.s32 $0x100, s3;
	s5 =	sadd.s32 $0x200, s3;
	s6 =	sadd.s32 $0x300, s3  }
0xb: {  	s7 =	sadd.s32 $0x400, s3;
	s8 =	sadd.s32 $0x500, s3;
	s9 =	sadd.s32 $0x600, s3  }
0xc: {  	v0 =	vimm.f32 $0.0e+00;
	v1 =	vimm.f32 $1.000000000e+00;
	s10 =	sadd.s32 $0x700, s3;
	s11 =	sadd.s32 $0x800, s3;
	s12 =	sadd.s32 $0x900, s3  }
.LBB2_1:
0xd: {  	s18 =	simm.s32 $0x40;
	s19 =	simm.s32 $0x0  }
.LBB2_2:
0xe: {  	p0 =	sne.s32 s18, $0x9DC0;
	[tilespmem:s19+$0x800] =	vst v0;
	s19 =	smov.u32 s18;
	s18 =	sadd.s32 $0x40, s18  }
.Ltmp0:
0xf: {  	(pc) =	sbr.rel @p0 .LBB2_2-.Ltmp0, $2  }
0x10: {  	_ =	sdelay $0x2  }
0x11: {  	s19 =	sshra.s32 s19, $0x2  }
0x12: {  	[tilespmem:s19+$0x800] =	vst v0;
	s18 =	simm.s32 $0x0  }
0x13: {  	[tilespmem:s18], [sflag:$0x1] =	stream.linear.gather [hbm4b:s3+s18], $0x800, $0x38;
	[tilespmem:$0x2F80] =	vst v63  }
0x14: {  	s31 =	sand.u32 $0x1E00, s18;
	_ =	swait.ge [sflag:s15], $0x800  }
0x15: {  	s18 =	sand.u32 $0x30, s18;
	s19 =	sshrl.u32 s31, $0x2;
	[sflag:s15] =	ssyncset.done $0x0  }
0x16: {  	s18 =	sor.u32 s18, s19;
	[sflag:s15] =	ssyncadd.s32 $0xFFFFF800  }
0x17: {  	v2 =	vld [tilespmem:s18+$0x0];
	_ =	sdelay $0x4  }
0x18: {  	s20 =	simm.s32 $0x80  }
0x19: {  	s20 =	sand.u32 $0x1E00, s20;
	s19 =	simm.s32 $0x100;
	s18 =	simm.s32 $0x10  }
.LBB2_4:
0x1a: {  	p0 =	sne.s32 s19, $0x1F80;
	s21 =	sand.u32 $0x30, s18;
	s20 =	sshrl.u32 s20, $0x2  }
0x1b: {  	s20 =	sor.u32 s21, s20;
	[tilespmem:v2+s16+$0x0] =	vst.idx.add.f32.msk $0xffff, v1  }
0x1c: {  	v2 =	vld [tilespmem:s20+$0x0];
	_ =	sdelay $0x1  }
.Ltmp1:
0x1d: {  	(pc) =	sbr.rel @p0 .LBB2_4-.Ltmp1, $2  }
0x1e: {  	_ =	sdelay $0x2  }
0x1f: {  	s18 =	sadd.s32 $0x10, s18;
	s20 =	sand.u32 $0x1E00, s19;
	s19 =	sadd.s32 $0x80, s19  }
0x20: {  	_ =	sdelay $0x2  }
0x21: {  	s18 =	sand.u32 $0x30, s18;
	s19 =	sshrl.u32 s20, $0x2  }
0x22: {  	[tilespmem:v2+s16+$0x0] =	vst.idx.add.f32.msk $0xffff, v1;
	s18 =	sor.u32 s18, s19  }
0x23: {  	v2 =	vld [tilespmem:s18+$0x0];
	_ =	sdelay $0x7  }
0x24: {  	s29 =	simm.s32 $0x0;
	[tilespmem:v2+s16+$0x0] =	vst.idx.add.f32.msk $0xffff, v1  }
0x25: {  	[tilespmem:s29], [sflag:$0x1] =	stream.linear.gather [hbm4b:s4+s29], $0x800, $0x38;
	[tilespmem:$0x2F80] =	vst v63  }
0x26: {  	s30 =	sand.u32 $0x1E00, s29;
	_ =	swait.ge [sflag:s15], $0x800  }
0x27: {  	s18 =	sand.u32 $0x30, s29;
	s19 =	sshrl.u32 s30, $0x2;
	[sflag:s15] =	ssyncset.done $0x0  }
0x28: {  	s18 =	sor.u32 s18, s19;
	[sflag:s15] =	ssyncadd.s32 $0xFFFFF800  }
0x29: {  	v2 =	vld [tilespmem:s18+$0x0];
	_ =	sdelay $0x4  }
0x2a: {  	s31 =	simm.s32 $0x80  }
0x2b: {  	s20 =	sand.u32 $0x1E00, s31;
	s19 =	simm.s32 $0x100;
	s18 =	simm.s32 $0x10  }
.LBB2_6:
0x2c: {  	p0 =	sne.s32 s19, $0x1F80;
	s21 =	sand.u32 $0x30, s18;
	s20 =	sshrl.u32 s20, $0x2  }
0x2d: {  	s20 =	sor.u32 s21, s20;
	[tilespmem:v2+s16+$0x0] =	vst.idx.add.f32.msk $0xffff, v1  }
0x2e: {  	v2 =	vld [tilespmem:s20+$0x0];
	_ =	sdelay $0x1  }
.Ltmp2:
0x2f: {  	(pc) =	sbr.rel @p0 .LBB2_6-.Ltmp2, $2  }
0x30: {  	_ =	sdelay $0x2  }
0x31: {  	s18 =	sadd.s32 $0x10, s18;
	s20 =	sand.u32 $0x1E00, s19;
	s19 =	sadd.s32 $0x80, s19  }
0x32: {  	_ =	sdelay $0x2  }
0x33: {  	s18 =	sand.u32 $0x30, s18;
	s19 =	sshrl.u32 s20, $0x2  }
0x34: {  	[tilespmem:v2+s16+$0x0] =	vst.idx.add.f32.msk $0xffff, v1;
	s18 =	sor.u32 s18, s19  }
0x35: {  	v2 =	vld [tilespmem:s18+$0x0];
	_ =	sdelay $0x7  }
0x36: {  	s29 =	simm.s32 $0x0;
	[tilespmem:v2+s16+$0x0] =	vst.idx.add.f32.msk $0xffff, v1  }
0x37: {  	[tilespmem:s29], [sflag:$0x1] =	stream.linear.gather [hbm4b:s5+s29], $0x800, $0x38;
	[tilespmem:$0x2F80] =	vst v63  }
0x38: {  	s30 =	sand.u32 $0x1E00, s29;
	_ =	swait.ge [sflag:s15], $0x800  }
0x39: {  	s18 =	sand.u32 $0x30, s29;
	s19 =	sshrl.u32 s30, $0x2;
	[sflag:s15] =	ssyncset.done $0x0  }
0x3a: {  	s18 =	sor.u32 s18, s19;
	[sflag:s15] =	ssyncadd.s32 $0xFFFFF800  }
0x3b: {  	v2 =	vld [tilespmem:s18+$0x0];
	_ =	sdelay $0x4  }
0x3c: {  	s31 =	simm.s32 $0x80  }
0x3d: {  	s20 =	sand.u32 $0x1E00, s31;
	s19 =	simm.s32 $0x100;
	s18 =	simm.s32 $0x10  }
.LBB2_8:
0x3e: {  	p0 =	sne.s32 s19, $0x1F80;
	s21 =	sand.u32 $0x30, s18;
	s20 =	sshrl.u32 s20, $0x2  }
0x3f: {  	s20 =	sor.u32 s21, s20;
	[tilespmem:v2+s16+$0x0] =	vst.idx.add.f32.msk $0xffff, v1  }
0x40: {  	v2 =	vld [tilespmem:s20+$0x0];
	_ =	sdelay $0x1  }
.Ltmp3:
0x41: {  	(pc) =	sbr.rel @p0 .LBB2_8-.Ltmp3, $2  }
0x42: {  	_ =	sdelay $0x2  }
0x43: {  	s18 =	sadd.s32 $0x10, s18;
	s20 =	sand.u32 $0x1E00, s19;
	s19 =	sadd.s32 $0x80, s19  }
0x44: {  	_ =	sdelay $0x2  }
0x45: {  	s18 =	sand.u32 $0x30, s18;
	s19 =	sshrl.u32 s20, $0x2  }
0x46: {  	[tilespmem:v2+s16+$0x0] =	vst.idx.add.f32.msk $0xffff, v1;
	s18 =	sor.u32 s18, s19  }
0x47: {  	v2 =	vld [tilespmem:s18+$0x0];
	_ =	sdelay $0x7  }
0x48: {  	s29 =	simm.s32 $0x0;
	[tilespmem:v2+s16+$0x0] =	vst.idx.add.f32.msk $0xffff, v1  }
0x49: {  	[tilespmem:s29], [sflag:$0x1] =	stream.linear.gather [hbm4b:s6+s29], $0x800, $0x38;
	[tilespmem:$0x2F80] =	vst v63  }
0x4a: {  	s30 =	sand.u32 $0x1E00, s29;
	_ =	swait.ge [sflag:s15], $0x800  }
0x4b: {  	s18 =	sand.u32 $0x30, s29;
	s19 =	sshrl.u32 s30, $0x2;
	[sflag:s15] =	ssyncset.done $0x0  }
0x4c: {  	s18 =	sor.u32 s18, s19;
	[sflag:s15] =	ssyncadd.s32 $0xFFFFF800  }
0x4d: {  	v2 =	vld [tilespmem:s18+$0x0];
	_ =	sdelay $0x4  }
0x4e: {  	s31 =	simm.s32 $0x80  }
0x4f: {  	s20 =	sand.u32 $0x1E00, s31;
	s19 =	simm.s32 $0x100;
	s18 =	simm.s32 $0x10  }
.LBB2_10:
0x50: {  	p0 =	sne.s32 s19, $0x1F80;
	s21 =	sand.u32 $0x30, s18;
	s20 =	sshrl.u32 s20, $0x2  }
0x51: {  	s20 =	sor.u32 s21, s20;
	[tilespmem:v2+s16+$0x0] =	vst.idx.add.f32.msk $0xffff, v1  }
0x52: {  	v2 =	vld [tilespmem:s20+$0x0];
	_ =	sdelay $0x1  }
.Ltmp4:
0x53: {  	(pc) =	sbr.rel @p0 .LBB2_10-.Ltmp4, $2  }
0x54: {  	_ =	sdelay $0x2  }
0x55: {  	s18 =	sadd.s32 $0x10, s18;
	s20 =	sand.u32 $0x1E00, s19;
	s19 =	sadd.s32 $0x80, s19  }
0x56: {  	_ =	sdelay $0x2  }
0x57: {  	s18 =	sand.u32 $0x30, s18;
	s19 =	sshrl.u32 s20, $0x2  }
0x58: {  	[tilespmem:v2+s16+$0x0] =	vst.idx.add.f32.msk $0xffff, v1;
	s18 =	sor.u32 s18, s19  }
0x59: {  	v2 =	vld [tilespmem:s18+$0x0];
	_ =	sdelay $0x7  }
0x5a: {  	s29 =	simm.s32 $0x0;
	[tilespmem:v2+s16+$0x0] =	vst.idx.add.f32.msk $0xffff, v1  }
0x5b: {  	[tilespmem:s29], [sflag:$0x1] =	stream.linear.gather [hbm4b:s7+s29], $0x800, $0x38;
	[tilespmem:$0x2F80] =	vst v63  }
0x5c: {  	s30 =	sand.u32 $0x1E00, s29;
	_ =	swait.ge [sflag:s15], $0x800  }
0x5d: {  	s18 =	sand.u32 $0x30, s29;
	s19 =	sshrl.u32 s30, $0x2;
	[sflag:s15] =	ssyncset.done $0x0  }
0x5e: {  	s18 =	sor.u32 s18, s19;
	[sflag:s15] =	ssyncadd.s32 $0xFFFFF800  }
0x5f: {  	v2 =	vld [tilespmem:s18+$0x0];
	_ =	sdelay $0x4  }
0x60: {  	s31 =	simm.s32 $0x80  }
0x61: {  	s20 =	sand.u32 $0x1E00, s31;
	s19 =	simm.s32 $0x100;
	s18 =	simm.s32 $0x10  }
.LBB2_12:
0x62: {  	p0 =	sne.s32 s19, $0x1F80;
	s21 =	sand.u32 $0x30, s18;
	s20 =	sshrl.u32 s20, $0x2  }
0x63: {  	s20 =	sor.u32 s21, s20;
	[tilespmem:v2+s16+$0x0] =	vst.idx.add.f32.msk $0xffff, v1  }
0x64: {  	v2 =	vld [tilespmem:s20+$0x0];
	_ =	sdelay $0x1  }
.Ltmp5:
0x65: {  	(pc) =	sbr.rel @p0 .LBB2_12-.Ltmp5, $2  }
0x66: {  	_ =	sdelay $0x2  }
0x67: {  	s18 =	sadd.s32 $0x10, s18;
	s20 =	sand.u32 $0x1E00, s19;
	s19 =	sadd.s32 $0x80, s19  }
0x68: {  	_ =	sdelay $0x2  }
0x69: {  	s18 =	sand.u32 $0x30, s18;
	s19 =	sshrl.u32 s20, $0x2  }
0x6a: {  	[tilespmem:v2+s16+$0x0] =	vst.idx.add.f32.msk $0xffff, v1;
	s18 =	sor.u32 s18, s19  }
0x6b: {  	v2 =	vld [tilespmem:s18+$0x0];
	_ =	sdelay $0x7  }
0x6c: {  	s29 =	simm.s32 $0x0;
	[tilespmem:v2+s16+$0x0] =	vst.idx.add.f32.msk $0xffff, v1  }
0x6d: {  	[tilespmem:s29], [sflag:$0x1] =	stream.linear.gather [hbm4b:s8+s29], $0x800, $0x38;
	[tilespmem:$0x2F80] =	vst v63  }
0x6e: {  	s30 =	sand.u32 $0x1E00, s29;
	_ =	swait.ge [sflag:s15], $0x800  }
0x6f: {  	s18 =	sand.u32 $0x30, s29;
	s19 =	sshrl.u32 s30, $0x2;
	[sflag:s15] =	ssyncset.done $0x0  }
0x70: {  	s18 =	sor.u32 s18, s19;
	[sflag:s15] =	ssyncadd.s32 $0xFFFFF800  }
0x71: {  	v2 =	vld [tilespmem:s18+$0x0];
	_ =	sdelay $0x4  }
0x72: {  	s31 =	simm.s32 $0x80  }
0x73: {  	s20 =	sand.u32 $0x1E00, s31;
	s19 =	simm.s32 $0x100;
	s18 =	simm.s32 $0x10  }
.LBB2_14:
0x74: {  	p0 =	sne.s32 s19, $0x1F80;
	s21 =	sand.u32 $0x30, s18;
	s20 =	sshrl.u32 s20, $0x2  }
0x75: {  	s20 =	sor.u32 s21, s20;
	[tilespmem:v2+s16+$0x0] =	vst.idx.add.f32.msk $0xffff, v1  }
0x76: {  	v2 =	vld [tilespmem:s20+$0x0];
	_ =	sdelay $0x1  }
.Ltmp6:
0x77: {  	(pc) =	sbr.rel @p0 .LBB2_14-.Ltmp6, $2  }
0x78: {  	_ =	sdelay $0x2  }
0x79: {  	s18 =	sadd.s32 $0x10, s18;
	s20 =	sand.u32 $0x1E00, s19;
	s19 =	sadd.s32 $0x80, s19  }
0x7a: {  	_ =	sdelay $0x2  }
0x7b: {  	s18 =	sand.u32 $0x30, s18;
	s19 =	sshrl.u32 s20, $0x2  }
0x7c: {  	[tilespmem:v2+s16+$0x0] =	vst.idx.add.f32.msk $0xffff, v1;
	s18 =	sor.u32 s18, s19  }
0x7d: {  	v2 =	vld [tilespmem:s18+$0x0];
	_ =	sdelay $0x7  }
0x7e: {  	s29 =	simm.s32 $0x0;
	[tilespmem:v2+s16+$0x0] =	vst.idx.add.f32.msk $0xffff, v1  }
0x7f: {  	[tilespmem:s29], [sflag:$0x1] =	stream.linear.gather [hbm4b:s9+s29], $0x800, $0x38;
	[tilespmem:$0x2F80] =	vst v63  }
0x80: {  	s30 =	sand.u32 $0x1E00, s29;
	_ =	swait.ge [sflag:s15], $0x800  }
0x81: {  	s18 =	sand.u32 $0x30, s29;
	s19 =	sshrl.u32 s30, $0x2;
	[sflag:s15] =	ssyncset.done $0x0  }
0x82: {  	s18 =	sor.u32 s18, s19;
	[sflag:s15] =	ssyncadd.s32 $0xFFFFF800  }
0x83: {  	v2 =	vld [tilespmem:s18+$0x0];
	_ =	sdelay $0x4  }
0x84: {  	s31 =	simm.s32 $0x80  }
0x85: {  	s20 =	sand.u32 $0x1E00, s31;
	s19 =	simm.s32 $0x100;
	s18 =	simm.s32 $0x10  }
.LBB2_16:
0x86: {  	p0 =	sne.s32 s19, $0x1F80;
	s21 =	sand.u32 $0x30, s18;
	s20 =	sshrl.u32 s20, $0x2  }
0x87: {  	s20 =	sor.u32 s21, s20;
	[tilespmem:v2+s16+$0x0] =	vst.idx.add.f32.msk $0xffff, v1  }
0x88: {  	v2 =	vld [tilespmem:s20+$0x0];
	_ =	sdelay $0x1  }
.Ltmp7:
0x89: {  	(pc) =	sbr.rel @p0 .LBB2_16-.Ltmp7, $2  }
0x8a: {  	_ =	sdelay $0x2  }
0x8b: {  	s18 =	sadd.s32 $0x10, s18;
	s20 =	sand.u32 $0x1E00, s19;
	s19 =	sadd.s32 $0x80, s19  }
0x8c: {  	_ =	sdelay $0x2  }
0x8d: {  	s18 =	sand.u32 $0x30, s18;
	s19 =	sshrl.u32 s20, $0x2  }
0x8e: {  	[tilespmem:v2+s16+$0x0] =	vst.idx.add.f32.msk $0xffff, v1;
	s18 =	sor.u32 s18, s19  }
0x8f: {  	v2 =	vld [tilespmem:s18+$0x0];
	_ =	sdelay $0x7  }
0x90: {  	s29 =	simm.s32 $0x0;
	[tilespmem:v2+s16+$0x0] =	vst.idx.add.f32.msk $0xffff, v1  }
0x91: {  	[tilespmem:s29], [sflag:$0x1] =	stream.linear.gather [hbm4b:s10+s29], $0x800, $0x38;
	[tilespmem:$0x2F80] =	vst v63  }
0x92: {  	s30 =	sand.u32 $0x1E00, s29;
	_ =	swait.ge [sflag:s15], $0x800  }
0x93: {  	s18 =	sand.u32 $0x30, s29;
	s19 =	sshrl.u32 s30, $0x2;
	[sflag:s15] =	ssyncset.done $0x0  }
0x94: {  	s18 =	sor.u32 s18, s19;
	[sflag:s15] =	ssyncadd.s32 $0xFFFFF800  }
0x95: {  	v2 =	vld [tilespmem:s18+$0x0];
	_ =	sdelay $0x4  }
0x96: {  	s31 =	simm.s32 $0x80  }
0x97: {  	s20 =	sand.u32 $0x1E00, s31;
	s19 =	simm.s32 $0x100;
	s18 =	simm.s32 $0x10  }
.LBB2_18:
0x98: {  	p0 =	sne.s32 s19, $0x1F80;
	s21 =	sand.u32 $0x30, s18;
	s20 =	sshrl.u32 s20, $0x2  }
0x99: {  	s20 =	sor.u32 s21, s20;
	[tilespmem:v2+s16+$0x0] =	vst.idx.add.f32.msk $0xffff, v1  }
0x9a: {  	v2 =	vld [tilespmem:s20+$0x0];
	_ =	sdelay $0x1  }
.Ltmp8:
0x9b: {  	(pc) =	sbr.rel @p0 .LBB2_18-.Ltmp8, $2  }
0x9c: {  	_ =	sdelay $0x2  }
0x9d: {  	s18 =	sadd.s32 $0x10, s18;
	s20 =	sand.u32 $0x1E00, s19;
	s19 =	sadd.s32 $0x80, s19  }
0x9e: {  	_ =	sdelay $0x2  }
0x9f: {  	s18 =	sand.u32 $0x30, s18;
	s19 =	sshrl.u32 s20, $0x2  }
0xa0: {  	[tilespmem:v2+s16+$0x0] =	vst.idx.add.f32.msk $0xffff, v1;
	s18 =	sor.u32 s18, s19  }
0xa1: {  	v2 =	vld [tilespmem:s18+$0x0];
	_ =	sdelay $0x7  }
0xa2: {  	s29 =	simm.s32 $0x0;
	[tilespmem:v2+s16+$0x0] =	vst.idx.add.f32.msk $0xffff, v1  }
0xa3: {  	[tilespmem:s29], [sflag:$0x1] =	stream.linear.gather [hbm4b:s11+s29], $0x800, $0x38;
	[tilespmem:$0x2F80] =	vst v63  }
0xa4: {  	s30 =	sand.u32 $0x1E00, s29;
	_ =	swait.ge [sflag:s15], $0x800  }
0xa5: {  	s18 =	sand.u32 $0x30, s29;
	s19 =	sshrl.u32 s30, $0x2;
	[sflag:s15] =	ssyncset.done $0x0  }
0xa6: {  	s18 =	sor.u32 s18, s19;
	[sflag:s15] =	ssyncadd.s32 $0xFFFFF800  }
0xa7: {  	v2 =	vld [tilespmem:s18+$0x0];
	_ =	sdelay $0x4  }
0xa8: {  	s31 =	simm.s32 $0x80  }
0xa9: {  	s20 =	sand.u32 $0x1E00, s31;
	s19 =	simm.s32 $0x100;
	s18 =	simm.s32 $0x10  }
.LBB2_20:
0xaa: {  	p0 =	sne.s32 s19, $0x1F80;
	s21 =	sand.u32 $0x30, s18;
	s20 =	sshrl.u32 s20, $0x2  }
0xab: {  	s20 =	sor.u32 s21, s20;
	[tilespmem:v2+s16+$0x0] =	vst.idx.add.f32.msk $0xffff, v1  }
0xac: {  	v2 =	vld [tilespmem:s20+$0x0];
	_ =	sdelay $0x1  }
.Ltmp9:
0xad: {  	(pc) =	sbr.rel @p0 .LBB2_20-.Ltmp9, $2  }
0xae: {  	_ =	sdelay $0x2  }
0xaf: {  	s18 =	sadd.s32 $0x10, s18;
	s20 =	sand.u32 $0x1E00, s19;
	s19 =	sadd.s32 $0x80, s19  }
0xb0: {  	_ =	sdelay $0x2  }
0xb1: {  	s18 =	sand.u32 $0x30, s18;
	s19 =	sshrl.u32 s20, $0x2  }
0xb2: {  	[tilespmem:v2+s16+$0x0] =	vst.idx.add.f32.msk $0xffff, v1;
	s18 =	sor.u32 s18, s19  }
0xb3: {  	v2 =	vld [tilespmem:s18+$0x0];
	_ =	sdelay $0x7  }
0xb4: {  	s29 =	simm.s32 $0x0;
	[tilespmem:v2+s16+$0x0] =	vst.idx.add.f32.msk $0xffff, v1  }
0xb5: {  	[tilespmem:s29], [sflag:$0x1] =	stream.linear.gather [hbm4b:s12+s29], $0x800, $0x38;
	[tilespmem:$0x2F80] =	vst v63  }
0xb6: {  	s30 =	sand.u32 $0x1E00, s29;
	_ =	swait.ge [sflag:s15], $0x800  }
0xb7: {  	s18 =	sand.u32 $0x30, s29;
	s19 =	sshrl.u32 s30, $0x2;
	[sflag:s15] =	ssyncset.done $0x0  }
0xb8: {  	s18 =	sor.u32 s18, s19;
	[sflag:s15] =	ssyncadd.s32 $0xFFFFF800  }
0xb9: {  	v2 =	vld [tilespmem:s18+$0x0];
	_ =	sdelay $0x4  }
0xba: {  	s31 =	simm.s32 $0x80  }
0xbb: {  	s20 =	sand.u32 $0x1E00, s31;
	s19 =	simm.s32 $0x100;
	s18 =	simm.s32 $0x10  }
.LBB2_22:
0xbc: {  	p0 =	sne.s32 s19, $0x1F80;
	s21 =	sand.u32 $0x30, s18;
	s20 =	sshrl.u32 s20, $0x2  }
0xbd: {  	s20 =	sor.u32 s21, s20;
	[tilespmem:v2+s16+$0x0] =	vst.idx.add.f32.msk $0xffff, v1  }
0xbe: {  	v2 =	vld [tilespmem:s20+$0x0];
	_ =	sdelay $0x1  }
.Ltmp10:
0xbf: {  	(pc) =	sbr.rel @p0 .LBB2_22-.Ltmp10, $2  }
0xc0: {  	_ =	sdelay $0x2  }
0xc1: {  	s18 =	sadd.s32 $0x10, s18;
	s20 =	sand.u32 $0x1E00, s19;
	s19 =	sadd.s32 $0x80, s19  }
0xc2: {  	_ =	sdelay $0x2  }
0xc3: {  	s18 =	sand.u32 $0x30, s18;
	s19 =	sshrl.u32 s20, $0x2  }
0xc4: {  	[tilespmem:v2+s16+$0x0] =	vst.idx.add.f32.msk $0xffff, v1;
	s18 =	sor.u32 s18, s19  }
0xc5: {  	v2 =	vld [tilespmem:s18+$0x0];
	_ =	sdelay $0x5  }
0xc6: {  	s17 =	sadd.s32 $0x1, s17  }
0xc7: {  	p0 =	sne.s32 s17, s14  }
.Ltmp11:
0xc8: {  	[tilespmem:v2+s16+$0x0] =	vst.idx.add.f32.msk $0xffff, v1;
	(pc) =	sbr.rel @p0 .LBB2_1-.Ltmp11, $4  }
0xc9: {  	[hbm4b:s13+s2] =	stream.linear.scatter [tilespmem:s16], [sflag:$0x1], $0x2780, $0x38;
	[tilespmem:$0x2F80] =	vst v63  }
0xca: {  	_ =	swait.ge [sflag:s15], $0x2780  }
0xcb: {  	[sflag:s15] =	ssyncset.done $0x0  }
0xcc: {  	[sflag:s15] =	ssyncadd.s32 $0xFFFFD880  }
0xcd: {  	_ =	sfence.sel $0x180000  }
0xce: {  	[bflag:$0x0] =	sbarrier.arrive $0xFFFF  }
0xcf: {  	p0 =	sne.s32 s0, $0x0;
	_ =	strace $0x90000047  }
0xd0: {  	s0 =	sadd.s32 @!p0 $0x100000, s1;
	[bflag:$0x2] =	sbarrier.arrive $0xFFFF  }
0xd1: {  	[sflag:s0] =	ssyncadd.tile.s32 @!p0 $0x1;
	_ =	shalt  }
.Lfunc_end2:
_tile_overlayer_lowered:
.L_overlay_start_2:
0xd2: {  	(tag) =	ssettag $0x2  }
0xd3: {  	s0 =	rddreg [dreg:$0x0];
	s2 =	stileid.u32  }
0xd4: {  	s1 =	rddreg [dreg:$0x1];
	p0 =	sne.s32 s2, $0x0  }
0xd5: {  	s3 =	rddreg [dreg:$0x2];
	[bflag:$0x3] =	sbarrier.arrive $0xFFFF;
	s2 =	simm.s32 @!p0 $0x1C01  }
0xd6: {  	[timem:s3], [sflag:s2] =	dma.local @!p0 [hbm:s0], s1  }
0xd7: {  	s0 =	simm.s32 @!p0 $0x1  }
0xd8: {  	_ =	swait.ge @!p0 [sflag:s0], s1  }
0xd9: {  	s1 =	ssub.s32 @!p0 $0x0, s1;
	[sflag:s0] =	ssyncset.done @!p0 $0x0  }
0xda: {  	[sflag:s0] =	ssyncadd.s32 @!p0 s1  }
0xdb: {  	[bflag:$0x3] =	sbarrier.arrive $0xFFFF  }
0xdc: {  	_ =	shalt  }

// kernel: kernel.9.cloned.1.call-start
scs
__scs_entry_jumppad:
0x0: {  	(pc) =	sbr.rel $0x88, $3  }
0x1: {  	(tag) =	ssettag $0x0;
	lr =	simm.s32 $0x1  }
0x2: {  	[smem:$0x3F9D] =	sst lr;
	_ =	strace $0xD0000000  }
0x3: {  	_ = 	snop  }
0x4: {  	_ = 	snop  }
0x5: {  	_ = 	snop  }
0x6: {  	_ = 	snop  }
0x7: {  	_ = 	snop  }
__scs_overlays_trampoline_lowered:
0x8: {  	[smem:$0x3FAC] =	sst s0  }
0x9: {  	[smem:$0x3FAD] =	sst s1  }
0xa: {  	[smem:$0x3FAE] =	sst s2  }
0xb: {  	[smem:$0x3FAF] =	sst s3  }
0xc: {  	[smem:$0x3FB0] =	sst s4  }
0xd: {  	[smem:$0x3FB1] =	sst s5  }
0xe: {  	[smem:$0x3FB2] =	sst s6  }
0xf: {  	[smem:$0x3FB3] =	sst s7  }
0x10: {  	[smem:$0x3FB4] =	sst s8  }
0x11: {  	[smem:$0x3FB5] =	sst s9;
	s0 =	simm.s32 @!p0 $0x0  }
0x12: {  	s1 =	sld [smem:$0x3F9B];
	s0 =	simm.s32 @p0 $0x1  }
0x13: {  	[smem:$0x3FB6] =	sst s0;
	s0 =	simm.s32 @!p1 $0x0  }
0x14: {  	s2 =	sld [smem:$0x3F9A];
	s0 =	simm.s32 @p1 $0x1  }
0x15: {  	[smem:$0x3FB7] =	sst s0;
	s0 =	simm.s32 @!p2 $0x0  }
0x16: {  	s3 =	sld [smem:$0x3FDB];
	s0 =	simm.s32 @p2 $0x1  }
0x17: {  	s4 =	simm.s32 $0x1BF5;
	[smem:$0x3FB9] =	sst s0  }
0x18: {  	s0 =	sld [smem:$0x3F9C];
	_ =	swait.ge [sflag:s4], $0x0  }
0x19: {  	s7 =	sld [smem:$0x3F9D]  }
0x1a: {  	s8 =	sadd.s32 $0xFFFFE003, lr  }
0x1b: {  	s9 =	sadd.s32 $0xFFFFFEF7, lr;
	s5 =	simm.s32 $0xFFFFFFFF;
	p2 =	slt.u32 s8, $0xFFFFF086  }
0x1c: {  	p1 =	slt.u32 s9, $0xF7A;
	s5 =	simm.s32 @!p2 $0x0  }
0x1d: {  	s5 =	simm.s32 @p1 $0x1;
	p0 =	seq.s32 s7, s2  }
0x1e: {  	s7 =	smul.u32 @!p0 $0xF7A, s2;
	p2 =	seq.s32 @!p0 s5, $0x0  }
0x1f: {  	s9 =	smul.u32 $0xF7A, s1;
	s8 =	simm.s32 @!p0 $0x1BF5;
	p2 =	por !p2, p0  }
0x20: {  	[sflag:s8] =	ssyncset.s32 @!p0 $0xFFFFF086;
	s6 =	sadd.s32 @!p0 s3, s7;
	s7 =	simm.s32 @!p0 $0x108  }
0x21: {  	s3 =	sadd.s32 s3, s9;
	s6 =	sadd.s32 @!p0 $0x88, s6;
	s7 =	simm.s32 @p2 $0x1082  }
0x22: {  	[simem:s7], [sflag:s8] =	dma.local @!p0 [hbm:s6], $0xF7A  }
0x23: {  	s9 =	sor.u32 $0xD0000000, s2;
	s6 =	simm.s32 $0x108;
	_ =	swait.ge @!p0 [sflag:s8], $0x0  }
0x24: {  	s3 =	sadd.s32 $0x88, s3;
	s6 =	simm.s32 @!p1 $0x1082;
	[sflag:s4] =	ssyncset.s32 $0xFFFFF086  }
0x25: {  	[simem:s6], [sflag:s4] =	dma.local [hbm:s3], $0xF7A  }
0x26: {  	[smem:$0x3F9D] =	sst s1;
	(tag) =	ssettag s2;
	_ =	strace s9  }
0x27: {  	s1 =	sld [smem:$0x3FAD]  }
0x28: {  	s2 =	sld [smem:$0x3FAE]  }
0x29: {  	s4 =	sld [smem:$0x3FB0]  }
0x2a: {  	p0 =	seq.s32 s5, $0x0;
	s5 =	sld [smem:$0x3FB1]  }
0x2b: {  	s6 =	sld [smem:$0x3FB2]  }
0x2c: {  	s7 =	sld [smem:$0x3FB3]  }
0x2d: {  	s3 =	simm.s32 $0x108;
	s8 =	sld [smem:$0x3FB4]  }
0x2e: {  	s3 =	simm.s32 @!p0 $0x1082;
	s9 =	sld [smem:$0x3FB5]  }
0x2f: {  	lr =	sadd.s32 s0, s3;
	s0 =	sld [smem:$0x3FAC]  }
0x30: {  	s3 =	sld [smem:$0x3FAF]  }
0x31: {  	[smem:$0x3FB8] =	sst s10  }
0x32: {  	s10 =	sld [smem:$0x3FB6];
	_ =	sdelay $0x3  }
0x33: {  	p0 =	seq.s32 s10, $0x1;
	s10 =	sld [smem:$0x3FB8];
	_ =	sdelay $0x3  }
0x34: {  	[smem:$0x3FB8] =	sst s10  }
0x35: {  	s10 =	sld [smem:$0x3FB7];
	_ =	sdelay $0x3  }
0x36: {  	p1 =	seq.s32 s10, $0x1;
	s10 =	sld [smem:$0x3FB8];
	_ =	sdelay $0x3  }
0x37: {  	[smem:$0x3FB8] =	sst s10  }
0x38: {  	s10 =	sld [smem:$0x3FB9]  }
0x39: {  	_ = 	snop;
	(pc) =	sbr.ind lr, $3  }
0x3a: {  	_ = 	snop  }
0x3b: {  	_ = 	snop  }
0x3c: {  	p2 =	seq.s32 s10, $0x1;
	s10 =	sld [smem:$0x3FB8]  }
0x3d: {  	_ =	shalt  }
0x3e: {  	_ =	shalt  }
0x3f: {  	_ =	shalt  }
0x40: {  	_ =	shalt  }
0x41: {  	_ =	shalt  }
0x42: {  	_ =	shalt  }
0x43: {  	_ =	shalt  }
0x44: {  	_ =	shalt  }
0x45: {  	_ =	shalt  }
0x46: {  	_ =	shalt  }
0x47: {  	_ =	shalt  }
0x48: {  	_ =	shalt  }
0x49: {  	_ =	shalt  }
0x4a: {  	_ =	shalt  }
0x4b: {  	_ =	shalt  }
0x4c: {  	_ =	shalt  }
0x4d: {  	_ =	shalt  }
0x4e: {  	_ =	shalt  }
0x4f: {  	_ =	shalt  }
0x50: {  	_ =	shalt  }
0x51: {  	_ =	shalt  }
0x52: {  	_ =	shalt  }
0x53: {  	_ =	shalt  }
0x54: {  	_ =	shalt  }
0x55: {  	_ =	shalt  }
0x56: {  	_ =	shalt  }
0x57: {  	_ =	shalt  }
0x58: {  	_ =	shalt  }
0x59: {  	_ =	shalt  }
0x5a: {  	_ =	shalt  }
0x5b: {  	_ =	shalt  }
0x5c: {  	_ =	shalt  }
0x5d: {  	_ =	shalt  }
0x5e: {  	_ =	shalt  }
0x5f: {  	_ =	shalt  }
0x60: {  	_ =	shalt  }
0x61: {  	_ =	shalt  }
0x62: {  	_ =	shalt  }
0x63: {  	_ =	shalt  }
0x64: {  	_ =	shalt  }
0x65: {  	_ =	shalt  }
0x66: {  	_ =	shalt  }
0x67: {  	_ =	shalt  }
0x68: {  	_ =	shalt  }
0x69: {  	_ =	shalt  }
0x6a: {  	_ =	shalt  }
0x6b: {  	_ =	shalt  }
0x6c: {  	_ =	shalt  }
0x6d: {  	_ =	shalt  }
0x6e: {  	_ =	shalt  }
0x6f: {  	_ =	shalt  }
0x70: {  	_ =	shalt  }
0x71: {  	_ =	shalt  }
0x72: {  	_ =	shalt  }
0x73: {  	_ =	shalt  }
0x74: {  	_ =	shalt  }
0x75: {  	_ =	shalt  }
0x76: {  	_ =	shalt  }
0x77: {  	_ =	shalt  }
0x78: {  	_ =	shalt  }
0x79: {  	_ =	shalt  }
0x7a: {  	_ =	shalt  }
0x7b: {  	_ =	shalt  }
0x7c: {  	_ =	shalt  }
0x7d: {  	_ =	shalt  }
0x7e: {  	_ =	shalt  }
0x7f: {  	_ =	shalt  }
0x80: {  	_ =	shalt  }
0x81: {  	_ =	shalt  }
0x82: {  	_ =	shalt  }
0x83: {  	_ =	shalt  }
0x84: {  	_ =	shalt  }
0x85: {  	_ =	shalt  }
0x86: {  	_ =	shalt  }
0x87: {  	_ =	shalt  }
.Lfunc_end0:
.L_simem_size_0:
called_computation.1_lowered:
.L_overlay_start_0:
0x88: {  	s2 =	sld [smem:$0x3FD9]  }
0x89: {  	s3 =	sld [smem:$0x3FFE];
	_ =	sdelay $0x1  }
0x8a: {  	s1 =	srdreg.scid  }
0x8b: {  	s0 =	sand.u32 $0x1, s1  }
0x8c: {  	s17 =	sshll.u32 s0, $0xA;
	s2 =	sadd.s32 s3, s2  }
0x8d: {  	s2 =	sadd.s32 s2, s17  }
0x8e: {  	[smem:$0x3FC4] =	sst s2  }
0x8f: {  	_ = 	snop  }
0x90: {  	s2 =	sld [smem:$0x3FD0];
	(tm) =	ssettm $0x1  }
0x91: {  	s18 =	sld [smem:$0x3FFB];
	_ =	sdelay $0x3  }
0x92: {  	_ =	strace s18  }
0x93: {  	s3 =	sld [smem:$0x3FFC];
	_ =	sdelay $0x3  }
0x94: {  	_ =	strace s3  }
0x95: {  	s3 =	sld [smem:$0x3FFD];
	_ =	sdelay $0x3  }
0x96: {  	_ =	strace s3  }
0x97: {  	_ =	strace $0x8FFFFFFF  }
0x98: {  	s19 =	sld [smem:$0x3FDB];
	_ =	sdelay $0x1  }
0x99: {  	s4 =	simm.s32 $_scs_section_size  }
0x9a: {  	s5 =	simm.s32 $_size__tile_overlayer_lowered;
	s6 =	simm.s32 $_tile_overlayer_lowered  }
0x9b: {  	s22 =	simm.s32 $0x1BFF;
	s21 =	sshll.u32 s6, $0x1;
	s3 =	sadd.s32 s4, s19  }
0x9c: {  	s7 =	simm.s32 $0x0;
	s20 =	sshll.u32 s5, $0x1;
	s5 =	sadd.s32 s21, s3  }
0x9d: {  	[timem:s7], [sflag:s22] =	dma.local [hbm:s5], s20  }
0x9e: {  	_ =	swait.ge [sflag:s22], s20  }
0x9f: {  	s4 =	ssub.s32 $0x0, s20;
	[sflag:s22] =	ssyncset.done $0x0  }
0xa0: {  	[sflag:s22] =	ssyncadd.s32 s4;
	_ =	sdelay $0x1  }
0xa1: {  	s23 =	simm.s32 $0x1B8B  }
0xa2: {  	_ =	swait.ge [sflag:s23], $0x1  }
0xa3: {  	[sflag:s23] =	ssyncset.done $0x0  }
0xa4: {  	s25 =	simm.s32 $0x1B8E;
	s24 =	sld [smem:$0x3FFE];
	[sflag:s23] =	ssyncadd.s32 $0xFFFFFFFF  }
0xa5: {  	s26 =	simm.s32 $execute0_lowered;
	[smem:$0x3FD2] =	sst s25  }
0xa6: {  	s5 =	sshll.u32 s26, $0x1;
	_ =	strace $0x80000049;
	[dreg:$0x1] =	wrdreg $0xFFFFFFFF  }
0xa7: {  	s28 =	simm.s32 $_size_execute0_lowered;
	s3 =	sadd.s32 s3, s5;
	[dreg:$0x0] =	wrdreg $0x0  }
0xa8: {  	s5 =	sshll.u32 s28, $0x1;
	[dreg:$0x2] =	wrdreg s3  }
0xa9: {  	[dreg:$0x3] =	wrdreg s5  }
0xaa: {  	[dreg:$0x4] =	wrdreg $0xC0  }
0xab: {  	_ =	task [dreg:s7], $0x5FFFF  }
0xac: {  	[dreg:$0x1] =	wrdreg $0xFFFFFFFF  }
0xad: {  	[dreg:$0x0] =	wrdreg $0x60  }
0xae: {  	[dreg:$0x2] =	wrdreg s24  }
0xaf: {  	[dreg:$0x3] =	wrdreg s2  }
0xb0: {  	[dreg:$0x4] =	wrdreg $0x42000  }
0xb1: {  	[dreg:$0x5] =	wrdreg $0x9  }
0xb2: {  	_ =	task.clear_ibuf [dreg:s7], $0x6FFFF;
	_ =	strace $0x90000049  }
0xb3: {  	s29 =	simm.s32 $0x9;
	_ =	strace $0x8000004B  }
0xb4: {  	_ =	swait.ge [sflag:s29], $0x1  }
0xb5: {  	[sflag:s29] =	ssyncadd.s32 $0xFFFFFFFF  }
0xb6: {  	_ =	strace $0x9000004B  }
0xb7: {  	_ =	sfence  }
0xb8: {  	s30 =	sld [smem:$0x0];
	_ =	sdelay $0x2  }
0xb9: {  	s31 =	sshll.u32 s1, $0xD;
	s1 =	sshrl.u32 s1, $0x2  }
0xba: {  	s3 =	sand.u32 $0x4000, s31;
	s1 =	sadd.s32 s1, s30  }
0xbb: {  	s0 =	sor.u32 s3, s0;
	s1 =	sshll.u32 s1, $0x11  }
0xbc: {  	s0 =	sor.u32 s1, s0  }
0xbd: {  	s0 =	sadd.s32 $0x8F2B, s0  }
0xbe: {  	[sflag:s0] =	ssyncadd.remote.s32 $0x1  }
0xbf: {  	_ =	sfence.sel $0xFFFF  }
0xc0: {  	[dreg:$0x0] =	wrdreg $0xFFFFFFFF;
	(pc) =	sbr.abs _section_cstart, $3  }
0xc1: {  	[dreg:$0x1] =	wrdreg $0xFFFFFFFF  }
0xc2: {  	_ =	task.clear_ibuf [dreg:s7], $0x2FFFF;
	_ =	strace $0x9FFFFFFF  }
0xc3: {  	(tm) =	ssettm $0x7FFFFFFF  }
tec
execute0_lowered:
.L_overlay_start_1:
0x0: {  	(tag) =	ssettag $0x1  }
0x1: {  	s0 =	srdreg.scid;
	s20 =	stileid.u32  }
0x2: {  	s2 =	rddreg [dreg:$0x0];
	s3 =	sand.u32 $0x1, s0;
	s5 =	smul.u32 $0x13800, s20  }
0x3: {  	s1 =	sadd.s32 $0xAE00, s2;
	s6 =	sadd.s32 $0x32E00, s2;
	s13 =	smul.u32 $0x14000, s20  }
0x4: {  	s7 =	sshll.u32 s20, $0x1;
	s4 =	smul.u32 $0x138800, s3;
	s0 =	ssub.s32 $0x2, s3  }
0x5: {  	s15 =	sor.u32 s3, s7;
	s3 =	smul.u32 $0xA000, s3;
	s14 =	sshrl.u32 s0, $0x1  }
0x6: {  	s8 =	smul.u32 $0xA000, s15;
	s7 =	sadd.s32 $0x2000, s5;
	s9 =	sadd.s32 $0x4000, s5  }
0x7: {  	s12 =	sadd.s32 $0x6000, s5;
	s15 =	sadd.s32 $0xA000, s5;
	s0 =	ssub.s32 s0, s14  }
0x8: {  	s16 =	sadd.s32 s5, s4;
	s18 =	sadd.s32 s4, s7;
	s10 =	sadd.s32 s4, s9  }
0x9: {  	s21 =	sadd.s32 s4, s12;
	s11 =	sadd.s32 s4, s15;
	s3 =	sadd.s32 s3, s13  }
0xa: {  	s17 =	sshrl.u32 s16, $0x3;
	s19 =	sshrl.u32 s10, $0x3;
	s22 =	sshrl.u32 s21, $0x3  }
0xb: {  	s10 =	sadd.s32 $0x8000, s5;
	s21 =	sadd.s32 $0x10000, s5;
	s2 =	sadd.s32 s6, s17  }
0xc: {  	s14 =	sadd.s32 s4, s21;
	[dreg:$0x4] =	wrdreg s2;
	s2 =	sshrl.u32 s18, $0x3  }
0xd: {  	s16 =	sshrl.u32 s14, $0x3;
	s14 =	rddreg [dreg:$0x1];
	s2 =	sadd.s32 s6, s2  }
0xe: {  	s24 =	sshrl.u32 s11, $0x3;
	[dreg:$0x5] =	wrdreg s2;
	s2 =	sadd.s32 s6, s19  }
0xf: {  	s23 =	sadd.s32 s4, s10;
	s19 =	sadd.s32 $0xC000, s5;
	[dreg:$0x6] =	wrdreg s2  }
0x10: {  	s2 =	sadd.s32 s6, s22;
	s25 =	sadd.s32 s4, s19;
	s22 =	sadd.s32 $0x12000, s5  }
0x11: {  	[dreg:$0x7] =	wrdreg s2;
	s2 =	sshrl.u32 s23, $0x3;
	s11 =	sshrl.u32 s25, $0x3  }
0x12: {  	s17 =	sadd.s32 s4, s22;
	s23 =	sor.u32 $0x300, s3;
	s2 =	sadd.s32 s6, s2  }
0x13: {  	s3 =	sor.u32 $0x200, s3;
	s11 =	sadd.s32 s6, s11;
	[dreg:$0x8] =	wrdreg s2  }
0x14: {  	s18 =	sshrl.u32 s17, $0x3;
	s2 =	sadd.s32 s6, s24;
	[dreg:$0xa] =	wrdreg s11  }
0x15: {  	s3 =	sshrl.u32 s3, $0x3;
	s24 =	sshrl.u32 s8, $0x3;
	[dreg:$0x9] =	wrdreg s2  }
0x16: {  	s2 =	sadd.s32 $0xE000, s5;
	s5 =	sadd.s32 s6, s16;
	s16 =	rddreg [dreg:$0x2]  }
0x17: {  	s17 =	sadd.s32 s3, s1;
	s26 =	sadd.s32 s4, s2;
	[dreg:$0xc] =	wrdreg s5  }
0x18: {  	s4 =	sshrl.u32 s4, $0x3;
	s5 =	sadd.s32 s6, s18;
	s11 =	sshrl.u32 s26, $0x3  }
0x19: {  	[dreg:$0xd] =	wrdreg s5;
	s4 =	sadd.s32 s6, s4;
	s26 =	smul.u32 $0x4E000, s20  }
0x1a: {  	s5 =	sshrl.u32 s23, $0x3;
	s23 =	sadd.s32 s1, s24;
	s11 =	sadd.s32 s6, s11  }
0x1b: {  	[dreg:$0xb] =	wrdreg s11;
	s11 =	simm.s32 $0x0;
	s6 =	sshrl.u32 s26, $0x2  }
0x1c: {  	s13 =	sadd.s32 s5, s1;
	[smem:$0x7FF] =	sst s11;
	s1 =	sadd.s32 s6, s16  }
0x1d: {  	s8 =	sadd.s32 s7, s16;
	_ =	strace $0x8000004A;
	[dreg:$0xe] =	wrdreg s1  }
0x1e: {  	s9 =	sadd.s32 s9, s16;
	[dreg:$0xf] =	wrdreg s8  }
0x1f: {  	s25 =	smul.u32 $0x4F000, s20;
	s12 =	sadd.s32 s12, s16;
	[dreg:$0x10] =	wrdreg s9  }
0x20: {  	s24 =	sadd.s32 s10, s16;
	[dreg:$0x11] =	wrdreg s12  }
0x21: {  	s5 =	sshrl.u32 s25, $0x2;
	s25 =	sadd.s32 s15, s16;
	[dreg:$0x12] =	wrdreg s24  }
0x22: {  	s26 =	sadd.s32 s19, s16;
	[dreg:$0x13] =	wrdreg s25  }
0x23: {  	s3 =	sadd.s32 $0x24900, s4;
	[dreg:$0x14] =	wrdreg s26  }
0x24: {  	s18 =	sadd.s32 s5, s16;
	s5 =	sadd.s32 $0x24D00, s4;
	[dreg:$0x15] =	wrdreg s3  }
0x25: {  	s6 =	sadd.s32 $0x25100, s4;
	[dreg:$0x16] =	wrdreg s5  }
0x26: {  	s7 =	sadd.s32 $0x25500, s4;
	[dreg:$0x17] =	wrdreg s6  }
0x27: {  	s10 =	sadd.s32 $0x26100, s4;
	[dreg:$0x18] =	wrdreg s7  }
0x28: {  	s15 =	sadd.s32 $0x26900, s4;
	[dreg:$0x1b] =	wrdreg s10  }
0x29: {  	s28 =	simm.s32 $0x2200;
	s19 =	sadd.s32 $0x26D00, s4;
	[dreg:$0x1d] =	wrdreg s15  }
0x2a: {  	p0 =	seq.s32 s20, $0xF;
	s20 =	sadd.s32 $0x2000, s18;
	[dreg:$0x1e] =	wrdreg s19  }
0x2b: {  	s29 =	simm.s32 $0x3;
	s8 =	sadd.s32 $0x25900, s4;
	[dreg:$0x1f] =	wrdreg s20  }
0x2c: {  	s30 =	simm.s32 $0x80;
	s9 =	sadd.s32 $0x25D00, s4;
	[dreg:$0x19] =	wrdreg s8  }
0x2d: {  	s31 =	smax.u32 s0, $0x1;
	s12 =	sadd.s32 $0x26500, s4;
	[dreg:$0x1a] =	wrdreg s9  }
0x2e: {  	s0 =	simm.s32 $0x180;
	s24 =	sadd.s32 $0x4000, s18;
	[dreg:$0x1c] =	wrdreg s12  }
0x2f: {  	s6 =	sadd.s32 $0x6000, s18;
	s25 =	sadd.s32 s2, s16;
	[smem:$0x7F0] =	sst s24  }
0x30: {  	s7 =	sadd.s32 $0x8000, s18;
	s26 =	sadd.s32 $0x124800, s16;
	[smem:$0x7F1] =	sst s25  }
0x31: {  	s10 =	sadd.s32 $0xE000, s18;
	s2 =	sadd.s32 $0x126800, s16;
	[smem:$0x7F2] =	sst s26  }
0x32: {  	s3 =	sadd.s32 s21, s16;
	s4 =	sadd.s32 $0x128800, s16;
	[smem:$0x7F3] =	sst s2  }
0x33: {  	s19 =	sadd.s32 $0x10000, s18;
	s5 =	sadd.s32 $0x12A800, s16;
	[smem:$0x7F4] =	sst s3  }
0x34: {  	s20 =	sadd.s32 $0x12000, s18;
	s15 =	sadd.s32 $0x12C800, s16;
	[smem:$0x7F5] =	sst s4  }
0x35: {  	s21 =	sadd.s32 $0x12E800, s16;
	s1 =	sadd.s32 $0x20, s23;
	[smem:$0x7F6] =	sst s5  }
0x36: {  	s8 =	sadd.s32 $0xA000, s18;
	s9 =	sadd.s32 $0xC000, s18;
	[smem:$0x7F8] =	sst s15  }
0x37: {  	s12 =	sadd.s32 s22, s16;
	[smem:$0x7F9] =	sst s21;
	s22 =	sadd.s32 $0x130800, s16  }
0x38: {  	s24 =	sadd.s32 $0x132800, s16;
	s5 =	smov.u32 s23;
	[smem:$0x7F7] =	sst s12  }
.Ltmp0:
0x39: {  	s25 =	sadd.s32 $0x134800, s16;
	[smem:$0x7FA] =	sst s22;
	(pc) =	sbr.rel .LBB2_1-.Ltmp0, $4  }
0x3a: {  	s26 =	sadd.s32 $0x136800, s16;
	s21 =	simm.s32 $0x200;
	[smem:$0x7FB] =	sst s24  }
0x3b: {  	s23 =	simm.s32 $0x100;
	s15 =	simm.s32 $0x4;
	[smem:$0x7FC] =	sst s25  }
0x3c: {  	s2 =	simm.s32 $0x0;
	[smem:$0x7FD] =	sst s26;
	s22 =	simm.s32 $0x5  }
0x3d: {  	v0 =	vimm.f32 $0.0e+00;
	s24 =	simm.s32 $0x1;
	s25 =	simm.s32 $0x40;
	s26 =	simm.s32 $0x2  }
.LBB2_7:
0x3e: {  	s3 =	sld [smem:$0x7F2];
	_ =	sdelay $0x2  }
0x3f: {  	[tilespmem:s21], [sflag:$0x5] =	stream.linear.gather [spmem:s3], $0x2000, $0x38;
	[tilespmem:$0x17E00] =	vst v63  }
0x40: {  	_ =	swait.ge [sflag:s22], $0x2000  }
0x41: {  	[sflag:s22] =	ssyncset.done $0x0  }
0x42: {  	s12 =	rddreg [dreg:$0x15];
	[sflag:s22] =	ssyncadd.s32 $0xFFFFE000  }
0x43: {  	[hbm4b:s12+s11] =	stream.linear.scatter [tilespmem:s21], [sflag:$0x5], $0x2000, $0x38;
	[tilespmem:$0x17E00] =	vst v63  }
0x44: {  	_ =	swait.ge [sflag:s22], $0x2000  }
0x45: {  	s4 =	sld [smem:$0x7F3]  }
0x46: {  	[sflag:s22] =	ssyncset.done $0x0  }
0x47: {  	[sflag:s22] =	ssyncadd.s32 $0xFFFFE000  }
0x48: {  	[tilespmem:s21], [sflag:$0x5] =	stream.linear.gather [spmem:s4], $0x2000, $0x38;
	[tilespmem:$0x17E00] =	vst v63  }
0x49: {  	_ =	swait.ge [sflag:s22], $0x2000  }
0x4a: {  	[sflag:s22] =	ssyncset.done $0x0  }
0x4b: {  	s12 =	rddreg [dreg:$0x16];
	[sflag:s22] =	ssyncadd.s32 $0xFFFFE000  }
0x4c: {  	[hbm4b:s12+s11] =	stream.linear.scatter [tilespmem:s21], [sflag:$0x5], $0x2000, $0x38;
	[tilespmem:$0x17E00] =	vst v63  }
0x4d: {  	_ =	swait.ge [sflag:s22], $0x2000  }
0x4e: {  	s4 =	sld [smem:$0x7F5]  }
0x4f: {  	[sflag:s22] =	ssyncset.done $0x0  }
0x50: {  	[sflag:s22] =	ssyncadd.s32 $0xFFFFE000  }
0x51: {  	[tilespmem:s21], [sflag:$0x5] =	stream.linear.gather [spmem:s4], $0x2000, $0x38;
	[tilespmem:$0x17E00] =	vst v63  }
0x52: {  	_ =	swait.ge [sflag:s22], $0x2000  }
0x53: {  	[sflag:s22] =	ssyncset.done $0x0  }
0x54: {  	s12 =	rddreg [dreg:$0x17];
	[sflag:s22] =	ssyncadd.s32 $0xFFFFE000  }
0x55: {  	[hbm4b:s12+s11] =	stream.linear.scatter [tilespmem:s21], [sflag:$0x5], $0x2000, $0x38;
	[tilespmem:$0x17E00] =	vst v63  }
0x56: {  	_ =	swait.ge [sflag:s22], $0x2000  }
0x57: {  	s4 =	sld [smem:$0x7F6]  }
0x58: {  	[sflag:s22] =	ssyncset.done $0x0  }
0x59: {  	[sflag:s22] =	ssyncadd.s32 $0xFFFFE000  }
0x5a: {  	[tilespmem:s21], [sflag:$0x5] =	stream.linear.gather [spmem:s4], $0x2000, $0x38;
	[tilespmem:$0x17E00] =	vst v63  }
0x5b: {  	_ =	swait.ge [sflag:s22], $0x2000  }
0x5c: {  	[sflag:s22] =	ssyncset.done $0x0  }
0x5d: {  	s12 =	rddreg [dreg:$0x18];
	[sflag:s22] =	ssyncadd.s32 $0xFFFFE000  }
0x5e: {  	[hbm4b:s12+s11] =	stream.linear.scatter [tilespmem:s21], [sflag:$0x5], $0x2000, $0x38;
	[tilespmem:$0x17E00] =	vst v63  }
0x5f: {  	_ =	swait.ge [sflag:s22], $0x2000  }
0x60: {  	s4 =	sld [smem:$0x7F8]  }
0x61: {  	[sflag:s22] =	ssyncset.done $0x0  }
0x62: {  	[sflag:s22] =	ssyncadd.s32 $0xFFFFE000  }
0x63: {  	[tilespmem:s21], [sflag:$0x5] =	stream.linear.gather [spmem:s4], $0x2000, $0x38;
	[tilespmem:$0x17E00] =	vst v63  }
0x64: {  	_ =	swait.ge [sflag:s22], $0x2000  }
0x65: {  	[sflag:s22] =	ssyncset.done $0x0  }
0x66: {  	s12 =	rddreg [dreg:$0x19];
	[sflag:s22] =	ssyncadd.s32 $0xFFFFE000  }
0x67: {  	[hbm4b:s12+s11] =	stream.linear.scatter [tilespmem:s21], [sflag:$0x5], $0x2000, $0x38;
	[tilespmem:$0x17E00] =	vst v63  }
0x68: {  	_ =	swait.ge [sflag:s22], $0x2000  }
0x69: {  	s4 =	sld [smem:$0x7F9]  }
0x6a: {  	[sflag:s22] =	ssyncset.done $0x0  }
0x6b: {  	[sflag:s22] =	ssyncadd.s32 $0xFFFFE000  }
0x6c: {  	[tilespmem:s21], [sflag:$0x5] =	stream.linear.gather [spmem:s4], $0x2000, $0x38;
	[tilespmem:$0x17E00] =	vst v63  }
0x6d: {  	_ =	swait.ge [sflag:s22], $0x2000  }
0x6e: {  	[sflag:s22] =	ssyncset.done $0x0  }
0x6f: {  	s12 =	rddreg [dreg:$0x1a];
	[sflag:s22] =	ssyncadd.s32 $0xFFFFE000  }
0x70: {  	[hbm4b:s12+s11] =	stream.linear.scatter [tilespmem:s21], [sflag:$0x5], $0x2000, $0x38;
	[tilespmem:$0x17E00] =	vst v63  }
0x71: {  	_ =	swait.ge [sflag:s22], $0x2000  }
0x72: {  	s4 =	sld [smem:$0x7FA]  }
0x73: {  	[sflag:s22] =	ssyncset.done $0x0  }
0x74: {  	[sflag:s22] =	ssyncadd.s32 $0xFFFFE000  }
0x75: {  	[tilespmem:s21], [sflag:$0x5] =	stream.linear.gather [spmem:s4], $0x2000, $0x38;
	[tilespmem:$0x17E00] =	vst v63  }
0x76: {  	_ =	swait.ge [sflag:s22], $0x2000  }
0x77: {  	[sflag:s22] =	ssyncset.done $0x0  }
0x78: {  	s12 =	rddreg [dreg:$0x1b];
	[sflag:s22] =	ssyncadd.s32 $0xFFFFE000  }
0x79: {  	[hbm4b:s12+s11] =	stream.linear.scatter [tilespmem:s21], [sflag:$0x5], $0x2000, $0x38;
	[tilespmem:$0x17E00] =	vst v63  }
0x7a: {  	_ =	swait.ge [sflag:s22], $0x2000  }
0x7b: {  	s4 =	sld [smem:$0x7FB]  }
0x7c: {  	[sflag:s22] =	ssyncset.done $0x0  }
0x7d: {  	[sflag:s22] =	ssyncadd.s32 $0xFFFFE000  }
0x7e: {  	[tilespmem:s21], [sflag:$0x5] =	stream.linear.gather [spmem:s4], $0x2000, $0x38;
	[tilespmem:$0x17E00] =	vst v63  }
0x7f: {  	_ =	swait.ge [sflag:s22], $0x2000  }
0x80: {  	[sflag:s22] =	ssyncset.done $0x0  }
0x81: {  	s12 =	rddreg [dreg:$0x1c];
	[sflag:s22] =	ssyncadd.s32 $0xFFFFE000  }
0x82: {  	[hbm4b:s12+s11] =	stream.linear.scatter [tilespmem:s21], [sflag:$0x5], $0x2000, $0x38;
	[tilespmem:$0x17E00] =	vst v63  }
0x83: {  	_ =	swait.ge [sflag:s22], $0x2000  }
0x84: {  	s4 =	sld [smem:$0x7FC]  }
0x85: {  	[sflag:s22] =	ssyncset.done $0x0  }
0x86: {  	[sflag:s22] =	ssyncadd.s32 $0xFFFFE000  }
0x87: {  	[tilespmem:s21], [sflag:$0x5] =	stream.linear.gather [spmem:s4], $0x2000, $0x38;
	[tilespmem:$0x17E00] =	vst v63  }
0x88: {  	_ =	swait.ge [sflag:s22], $0x2000  }
0x89: {  	[sflag:s22] =	ssyncset.done $0x0  }
0x8a: {  	s12 =	rddreg [dreg:$0x1d];
	[sflag:s22] =	ssyncadd.s32 $0xFFFFE000  }
0x8b: {  	[hbm4b:s12+s11] =	stream.linear.scatter [tilespmem:s21], [sflag:$0x5], $0x2000, $0x38;
	[tilespmem:$0x17E00] =	vst v63  }
0x8c: {  	_ =	swait.ge [sflag:s22], $0x2000  }
0x8d: {  	s4 =	sld [smem:$0x7FD]  }
0x8e: {  	[sflag:s22] =	ssyncset.done $0x0  }
0x8f: {  	[sflag:s22] =	ssyncadd.s32 $0xFFFFE000  }
0x90: {  	[tilespmem:s21], [sflag:$0x5] =	stream.linear.gather [spmem:s4], $0x2000, $0x38;
	[tilespmem:$0x17E00] =	vst v63  }
0x91: {  	_ =	swait.ge [sflag:s22], $0x2000  }
0x92: {  	[sflag:s22] =	ssyncset.done $0x0  }
0x93: {  	s12 =	rddreg [dreg:$0x1e];
	[sflag:s22] =	ssyncadd.s32 $0xFFFFE000  }
0x94: {  	[hbm4b:s12+s11] =	stream.linear.scatter [tilespmem:s21], [sflag:$0x5], $0x2000, $0x38;
	[tilespmem:$0x17E00] =	vst v63  }
0x95: {  	_ =	swait.ge [sflag:s22], $0x2000  }
0x96: {  	[sflag:s22] =	ssyncset.done $0x0  }
0x97: {  	[sflag:s22] =	ssyncadd.s32 $0xFFFFE000  }
.LBB2_8:
0x98: {  	s2 =	sadd.s32 $0x1, s2  }
0x99: {  	p1 =	sne.s32 s2, s31  }
.Ltmp1:
0x9a: {  	_ = 	snop;
	(pc) =	sbr.rel @!p1 .LBB2_9-.Ltmp1, $1  }
0x9b: {  	_ =	sdelay $0x3  }
.LBB2_1:
0x9c: {  	s3 =	simm.s32 $0x0;
	s12 =	simm.s32 $0x200  }
.LBB2_2:
0x9d: {  	p1 =	sne.s32 s12, $0x7E00;
	[tilespmem:s3+$0x270] =	vst v0  }
0x9e: {  	[tilespmem:s3+$0x200] =	vst v0  }
0x9f: {  	[tilespmem:s3+$0x210] =	vst v0  }
.Ltmp2:
0xa0: {  	[tilespmem:s3+$0x220] =	vst v0;
	(pc) =	sbr.rel @p1 .LBB2_2-.Ltmp2, $4  }
0xa1: {  	[tilespmem:s3+$0x230] =	vst v0  }
0xa2: {  	[tilespmem:s3+$0x240] =	vst v0  }
0xa3: {  	[tilespmem:s3+$0x250] =	vst v0  }
0xa4: {  	[tilespmem:s3+$0x260] =	vst v0;
	s3 =	sshra.s32 s12, $0x2;
	s12 =	sadd.s32 $0x200, s12  }
0xa5: {  	[tilespmem:s3+$0x270] =	vst v0  }
0xa6: {  	[tilespmem:s3+$0x200] =	vst v0  }
0xa7: {  	[tilespmem:s3+$0x210] =	vst v0  }
0xa8: {  	[tilespmem:s3+$0x220] =	vst v0  }
0xa9: {  	[tilespmem:s3+$0x230] =	vst v0  }
0xaa: {  	[tilespmem:s3+$0x240] =	vst v0  }
0xab: {  	[tilespmem:s3+$0x250] =	vst v0  }
0xac: {  	[tilespmem:s3+$0x260] =	vst v0  }
0xad: {  	[spmem:s18] =	stream.linear.scatter [tilespmem:s21], [sflag:$0x5], $0x2000, $0x38;
	[tilespmem:$0x17E00] =	vst v63  }
0xae: {  	_ =	swait.ge [sflag:s22], $0x2000  }
0xaf: {  	[sflag:s22] =	ssyncset.done $0x0  }
0xb0: {  	s4 =	rddreg [dreg:$0x1f];
	[sflag:s22] =	ssyncadd.s32 $0xFFFFE000  }
0xb1: {  	[spmem:s4] =	stream.linear.scatter [tilespmem:s21], [sflag:$0x5], $0x2000, $0x38;
	[tilespmem:$0x17E00] =	vst v63  }
0xb2: {  	_ =	swait.ge [sflag:s22], $0x2000  }
0xb3: {  	s12 =	sld [smem:$0x7F0]  }
0xb4: {  	[sflag:s22] =	ssyncset.done $0x0  }
0xb5: {  	[sflag:s22] =	ssyncadd.s32 $0xFFFFE000  }
0xb6: {  	[spmem:s12] =	stream.linear.scatter [tilespmem:s21], [sflag:$0x5], $0x2000, $0x38;
	[tilespmem:$0x17E00] =	vst v63  }
0xb7: {  	_ =	swait.ge [sflag:s22], $0x2000  }
0xb8: {  	[sflag:s22] =	ssyncset.done $0x0  }
0xb9: {  	[sflag:s22] =	ssyncadd.s32 $0xFFFFE000  }
0xba: {  	[spmem:s6] =	stream.linear.scatter [tilespmem:s21], [sflag:$0x5], $0x2000, $0x38;
	[tilespmem:$0x17E00] =	vst v63  }
0xbb: {  	_ =	swait.ge [sflag:s22], $0x2000  }
0xbc: {  	[sflag:s22] =	ssyncset.done $0x0  }
0xbd: {  	[sflag:s22] =	ssyncadd.s32 $0xFFFFE000  }
0xbe: {  	[spmem:s7] =	stream.linear.scatter [tilespmem:s21], [sflag:$0x5], $0x2000, $0x38;
	[tilespmem:$0x17E00] =	vst v63  }
0xbf: {  	_ =	swait.ge [sflag:s22], $0x2000  }
0xc0: {  	[sflag:s22] =	ssyncset.done $0x0  }
0xc1: {  	[sflag:s22] =	ssyncadd.s32 $0xFFFFE000  }
0xc2: {  	[spmem:s8] =	stream.linear.scatter [tilespmem:s21], [sflag:$0x5], $0x2000, $0x38;
	[tilespmem:$0x17E00] =	vst v63  }
0xc3: {  	_ =	swait.ge [sflag:s22], $0x2000  }
0xc4: {  	[sflag:s22] =	ssyncset.done $0x0  }
0xc5: {  	[sflag:s22] =	ssyncadd.s32 $0xFFFFE000  }
0xc6: {  	[spmem:s9] =	stream.linear.scatter [tilespmem:s21], [sflag:$0x5], $0x2000, $0x38;
	[tilespmem:$0x17E00] =	vst v63  }
0xc7: {  	_ =	swait.ge [sflag:s22], $0x2000  }
0xc8: {  	[sflag:s22] =	ssyncset.done $0x0  }
0xc9: {  	[sflag:s22] =	ssyncadd.s32 $0xFFFFE000  }
0xca: {  	[spmem:s10] =	stream.linear.scatter [tilespmem:s21], [sflag:$0x5], $0x2000, $0x38;
	[tilespmem:$0x17E00] =	vst v63  }
0xcb: {  	_ =	swait.ge [sflag:s22], $0x2000  }
0xcc: {  	[sflag:s22] =	ssyncset.done $0x0  }
0xcd: {  	[sflag:s22] =	ssyncadd.s32 $0xFFFFE000  }
0xce: {  	[spmem:s19] =	stream.linear.scatter [tilespmem:s21], [sflag:$0x5], $0x2000, $0x38;
	[tilespmem:$0x17E00] =	vst v63  }
0xcf: {  	_ =	swait.ge [sflag:s22], $0x2000  }
0xd0: {  	[sflag:s22] =	ssyncset.done $0x0  }
0xd1: {  	[sflag:s22] =	ssyncadd.s32 $0xFFFFE000  }
0xd2: {  	[spmem:s20] =	stream.linear.scatter [tilespmem:s21], [sflag:$0x5], $0x1C00, $0x38;
	[tilespmem:$0x17E00] =	vst v63  }
0xd3: {  	_ =	swait.ge [sflag:s22], $0x1C00  }
0xd4: {  	[sflag:s22] =	ssyncset.done $0x0  }
0xd5: {  	[sflag:s22] =	ssyncadd.s32 $0xFFFFE400  }
0xd6: {  	s4 =	simm.s32 $0x0;
	[bflag:$0x0] =	sbarrier.arrive $0xFFFF  }
0xd7: {  	[tilespmem:s4], [sflag:$0x1] =	stream.linear.gather [hbm4b:s5+s4], $0x100, $0x38;
	[tilespmem:$0x17E00] =	vst v63  }
0xd8: {  	_ = 	snop  }
0xd9: {  	[tilespmem:s23], [sflag:$0x2] =	stream.linear.gather [hbm4b:s1+s4], $0x100, $0x38;
	[tilespmem:$0x17E00] =	vst v63  }
0xda: {  	_ =	swait.ge [sflag:s24], $0x100  }
0xdb: {  	[sflag:s24] =	ssyncset.done $0x0  }
0xdc: {  	[sflag:s24] =	ssyncadd.s32 $0xFFFFFF00  }
0xdd: {  	[tilespmem:s21], [sflag:$0x3] =	stream.indirect.gather [hbm4b:s14+s25], $0x80, s4, s25, $0xb8;
	[tilespmem:$0x17E00] =	vst v63  }
0xde: {  	_ =	swait.ge [sflag:s26], $0x100  }
0xdf: {  	[sflag:s26] =	ssyncset.done $0x0  }
0xe0: {  	[sflag:s26] =	ssyncadd.s32 $0xFFFFFF00  }
0xe1: {  	[tilespmem:s28], [sflag:$0x4] =	stream.indirect.gather [hbm4b:s14+s25], $0x80, s23, s25, $0xb8;
	[tilespmem:$0x17E00] =	vst v63  }
0xe2: {  	_ =	swait.ge [sflag:s29], $0x2000  }
0xe3: {  	[sflag:s29] =	ssyncset.done $0x0  }
0xe4: {  	[sflag:s29] =	ssyncadd.s32 $0xFFFFE000  }
0xe5: {  	[spmem:s16] =	stream.indirect.scatter.add.f32 [tilespmem:s21], [sflag:$0x5], $0x80, s30, s25, $0xb8;
	[tilespmem:$0x17E00] =	vst v63  }
0xe6: {  	_ =	swait.ge [sflag:s22], $0x2000  }
0xe7: {  	[sflag:s22] =	ssyncset.done $0x0  }
0xe8: {  	s12 =	sadd.s32 $0x0, s17;
	[sflag:s22] =	ssyncadd.s32 $0xFFFFE000  }
0xe9: {  	[tilespmem:s11], [sflag:$0x1] =	stream.linear.gather [hbm4b:s12+s11], $0x100, $0x38;
	[tilespmem:$0x17E00] =	vst v63  }
0xea: {  	_ =	swait.ge [sflag:s24], $0x100  }
0xeb: {  	[sflag:s24] =	ssyncset.done $0x0  }
0xec: {  	[sflag:s24] =	ssyncadd.s32 $0xFFFFFF00  }
0xed: {  	[tilespmem:s21], [sflag:$0x3] =	stream.indirect.gather [hbm4b:s14+s25], $0x80, s11, s25, $0xb8;
	[tilespmem:$0x17E00] =	vst v63  }
0xee: {  	_ =	swait.ge [sflag:s15], $0x2000  }
0xef: {  	[sflag:s15] =	ssyncset.done $0x0  }
0xf0: {  	[sflag:s15] =	ssyncadd.s32 $0xFFFFE000  }
0xf1: {  	[spmem:s16] =	stream.indirect.scatter.add.f32 [tilespmem:s28], [sflag:$0x5], $0x80, s0, s25, $0xb8;
	[tilespmem:$0x17E00] =	vst v63  }
0xf2: {  	_ =	swait.ge [sflag:s22], $0x2000  }
0xf3: {  	[sflag:s22] =	ssyncset.done $0x0  }
0xf4: {  	s3 =	simm.s32 $0x40;
	s12 =	sadd.s32 $0x0, s13;
	[sflag:s22] =	ssyncadd.s32 $0xFFFFE000  }
.LBB2_4:
0xf5: {  	[tilespmem:s23], [sflag:$0x2] =	stream.linear.gather [hbm4b:s12+s11], $0x100, $0x38;
	[tilespmem:$0x17E00] =	vst v63  }
0xf6: {  	s12 =	smov.u32 s3  }
0xf7: {  	p1 =	sne.s32 s3, $0x1380;
	s3 =	sadd.s32 $0x40, s3;
	_ =	swait.ge [sflag:s26], $0x100  }
0xf8: {  	[sflag:s26] =	ssyncset.done $0x0  }
0xf9: {  	[sflag:s26] =	ssyncadd.s32 $0xFFFFFF00  }
0xfa: {  	[tilespmem:s28], [sflag:$0x4] =	stream.indirect.gather [hbm4b:s14+s25], $0x80, s23, s25, $0xb8;
	[tilespmem:$0x17E00] =	vst v63  }
0xfb: {  	_ =	swait.ge [sflag:s29], $0x2000  }
0xfc: {  	[sflag:s29] =	ssyncset.done $0x0  }
0xfd: {  	[sflag:s29] =	ssyncadd.s32 $0xFFFFE000  }
0xfe: {  	[spmem:s16] =	stream.indirect.scatter.add.f32 [tilespmem:s21], [sflag:$0x5], $0x80, s30, s25, $0xb8;
	[tilespmem:$0x17E00] =	vst v63  }
0xff: {  	_ =	swait.ge [sflag:s22], $0x2000  }
0x100: {  	[sflag:s22] =	ssyncset.done $0x0  }
0x101: {  	s4 =	sadd.s32 s12, s17;
	[sflag:s22] =	ssyncadd.s32 $0xFFFFE000  }
0x102: {  	[tilespmem:s11], [sflag:$0x1] =	stream.linear.gather [hbm4b:s4+s11], $0x100, $0x38;
	[tilespmem:$0x17E00] =	vst v63  }
0x103: {  	_ =	swait.ge [sflag:s24], $0x100  }
0x104: {  	[sflag:s24] =	ssyncset.done $0x0  }
0x105: {  	[sflag:s24] =	ssyncadd.s32 $0xFFFFFF00  }
0x106: {  	[tilespmem:s21], [sflag:$0x3] =	stream.indirect.gather [hbm4b:s14+s25], $0x80, s11, s25, $0xb8;
	[tilespmem:$0x17E00] =	vst v63  }
0x107: {  	_ =	swait.ge [sflag:s15], $0x2000  }
0x108: {  	[sflag:s15] =	ssyncset.done $0x0  }
.Ltmp3:
0x109: {  	[sflag:s15] =	ssyncadd.s32 $0xFFFFE000;
	(pc) =	sbr.rel @p1 .LBB2_4-.Ltmp3, $4  }
0x10a: {  	[spmem:s16] =	stream.indirect.scatter.add.f32 [tilespmem:s28], [sflag:$0x5], $0x80, s0, s25, $0xb8;
	[tilespmem:$0x17E00] =	vst v63  }
0x10b: {  	_ =	swait.ge [sflag:s22], $0x2000  }
0x10c: {  	[sflag:s22] =	ssyncset.done $0x0  }
0x10d: {  	s12 =	sadd.s32 s12, s13;
	[sflag:s22] =	ssyncadd.s32 $0xFFFFE000  }
0x10e: {  	[tilespmem:s23], [sflag:$0x2] =	stream.linear.gather [hbm4b:s12+s11], $0x100, $0x38;
	[tilespmem:$0x17E00] =	vst v63  }
0x10f: {  	_ =	swait.ge [sflag:s26], $0x100  }
0x110: {  	[sflag:s26] =	ssyncset.done $0x0  }
0x111: {  	[sflag:s26] =	ssyncadd.s32 $0xFFFFFF00  }
0x112: {  	[tilespmem:s28], [sflag:$0x4] =	stream.indirect.gather [hbm4b:s14+s25], $0x80, s23, s25, $0xb8;
	[tilespmem:$0x17E00] =	vst v63  }
0x113: {  	_ =	swait.ge [sflag:s29], $0x2000  }
0x114: {  	[sflag:s29] =	ssyncset.done $0x0  }
0x115: {  	[sflag:s29] =	ssyncadd.s32 $0xFFFFE000  }
0x116: {  	[spmem:s16] =	stream.indirect.scatter.add.f32 [tilespmem:s21], [sflag:$0x5], $0x80, s30, s25, $0xb8;
	[tilespmem:$0x17E00] =	vst v63  }
0x117: {  	_ =	swait.ge [sflag:s22], $0x2000  }
0x118: {  	[sflag:s22] =	ssyncset.done $0x0  }
0x119: {  	[sflag:s22] =	ssyncadd.s32 $0xFFFFE000  }
0x11a: {  	_ =	swait.ge [sflag:s15], $0x2000  }
0x11b: {  	[sflag:s15] =	ssyncset.done $0x0  }
0x11c: {  	[sflag:s15] =	ssyncadd.s32 $0xFFFFE000  }
0x11d: {  	[spmem:s16] =	stream.indirect.scatter.add.f32 [tilespmem:s28], [sflag:$0x5], $0x80, s0, s25, $0xb8;
	[tilespmem:$0x17E00] =	vst v63  }
.Ltmp4:
0x11e: {  	_ =	swait.ge [sflag:s22], $0x2000;
	(pc) =	sbr.rel @p0 .LBB2_7-.Ltmp4, $3  }
0x11f: {  	[sflag:s22] =	ssyncset.done $0x0  }
0x120: {  	[sflag:s22] =	ssyncadd.s32 $0xFFFFE000  }
0x121: {  	[bflag:$0x0] =	sbarrier.arrive $0xFFFF;
	_ =	sdelay $0x1  }
0x122: {  	s3 =	rddreg [dreg:$0xe]  }
0x123: {  	[tilespmem:s21], [sflag:$0x5] =	stream.linear.gather [spmem:s3], $0x2000, $0x38;
	[tilespmem:$0x17E00] =	vst v63  }
0x124: {  	_ =	swait.ge [sflag:s22], $0x2000  }
0x125: {  	[sflag:s22] =	ssyncset.done $0x0  }
0x126: {  	s12 =	rddreg [dreg:$0x4];
	[sflag:s22] =	ssyncadd.s32 $0xFFFFE000  }
0x127: {  	[hbm4b:s12+s11] =	stream.linear.scatter [tilespmem:s21], [sflag:$0x5], $0x2000, $0x38;
	[tilespmem:$0x17E00] =	vst v63  }
0x128: {  	_ =	swait.ge [sflag:s22], $0x2000  }
0x129: {  	[sflag:s22] =	ssyncset.done $0x0  }
0x12a: {  	s4 =	rddreg [dreg:$0xf];
	[sflag:s22] =	ssyncadd.s32 $0xFFFFE000  }
0x12b: {  	[tilespmem:s21], [sflag:$0x5] =	stream.linear.gather [spmem:s4], $0x2000, $0x38;
	[tilespmem:$0x17E00] =	vst v63  }
0x12c: {  	_ =	swait.ge [sflag:s22], $0x2000  }
0x12d: {  	[sflag:s22] =	ssyncset.done $0x0  }
0x12e: {  	s12 =	rddreg [dreg:$0x5];
	[sflag:s22] =	ssyncadd.s32 $0xFFFFE000  }
0x12f: {  	[hbm4b:s12+s11] =	stream.linear.scatter [tilespmem:s21], [sflag:$0x5], $0x2000, $0x38;
	[tilespmem:$0x17E00] =	vst v63  }
0x130: {  	_ =	swait.ge [sflag:s22], $0x2000  }
0x131: {  	[sflag:s22] =	ssyncset.done $0x0  }
0x132: {  	s4 =	rddreg [dreg:$0x10];
	[sflag:s22] =	ssyncadd.s32 $0xFFFFE000  }
0x133: {  	[tilespmem:s21], [sflag:$0x5] =	stream.linear.gather [spmem:s4], $0x2000, $0x38;
	[tilespmem:$0x17E00] =	vst v63  }
0x134: {  	_ =	swait.ge [sflag:s22], $0x2000  }
0x135: {  	[sflag:s22] =	ssyncset.done $0x0  }
0x136: {  	s12 =	rddreg [dreg:$0x6];
	[sflag:s22] =	ssyncadd.s32 $0xFFFFE000  }
0x137: {  	[hbm4b:s12+s11] =	stream.linear.scatter [tilespmem:s21], [sflag:$0x5], $0x2000, $0x38;
	[tilespmem:$0x17E00] =	vst v63  }
0x138: {  	_ =	swait.ge [sflag:s22], $0x2000  }
0x139: {  	[sflag:s22] =	ssyncset.done $0x0  }
0x13a: {  	s4 =	rddreg [dreg:$0x11];
	[sflag:s22] =	ssyncadd.s32 $0xFFFFE000  }
0x13b: {  	[tilespmem:s21], [sflag:$0x5] =	stream.linear.gather [spmem:s4], $0x2000, $0x38;
	[tilespmem:$0x17E00] =	vst v63  }
0x13c: {  	_ =	swait.ge [sflag:s22], $0x2000  }
0x13d: {  	[sflag:s22] =	ssyncset.done $0x0  }
0x13e: {  	s12 =	rddreg [dreg:$0x7];
	[sflag:s22] =	ssyncadd.s32 $0xFFFFE000  }
0x13f: {  	[hbm4b:s12+s11] =	stream.linear.scatter [tilespmem:s21], [sflag:$0x5], $0x2000, $0x38;
	[tilespmem:$0x17E00] =	vst v63  }
0x140: {  	_ =	swait.ge [sflag:s22], $0x2000  }
0x141: {  	[sflag:s22] =	ssyncset.done $0x0  }
0x142: {  	s4 =	rddreg [dreg:$0x12];
	[sflag:s22] =	ssyncadd.s32 $0xFFFFE000  }
0x143: {  	[tilespmem:s21], [sflag:$0x5] =	stream.linear.gather [spmem:s4], $0x2000, $0x38;
	[tilespmem:$0x17E00] =	vst v63  }
0x144: {  	_ =	swait.ge [sflag:s22], $0x2000  }
0x145: {  	[sflag:s22] =	ssyncset.done $0x0  }
0x146: {  	s12 =	rddreg [dreg:$0x8];
	[sflag:s22] =	ssyncadd.s32 $0xFFFFE000  }
0x147: {  	[hbm4b:s12+s11] =	stream.linear.scatter [tilespmem:s21], [sflag:$0x5], $0x2000, $0x38;
	[tilespmem:$0x17E00] =	vst v63  }
0x148: {  	_ =	swait.ge [sflag:s22], $0x2000  }
0x149: {  	[sflag:s22] =	ssyncset.done $0x0  }
0x14a: {  	s4 =	rddreg [dreg:$0x13];
	[sflag:s22] =	ssyncadd.s32 $0xFFFFE000  }
0x14b: {  	[tilespmem:s21], [sflag:$0x5] =	stream.linear.gather [spmem:s4], $0x2000, $0x38;
	[tilespmem:$0x17E00] =	vst v63  }
0x14c: {  	_ =	swait.ge [sflag:s22], $0x2000  }
0x14d: {  	[sflag:s22] =	ssyncset.done $0x0  }
0x14e: {  	s12 =	rddreg [dreg:$0x9];
	[sflag:s22] =	ssyncadd.s32 $0xFFFFE000  }
0x14f: {  	[hbm4b:s12+s11] =	stream.linear.scatter [tilespmem:s21], [sflag:$0x5], $0x2000, $0x38;
	[tilespmem:$0x17E00] =	vst v63  }
0x150: {  	_ =	swait.ge [sflag:s22], $0x2000  }
0x151: {  	[sflag:s22] =	ssyncset.done $0x0  }
0x152: {  	s4 =	rddreg [dreg:$0x14];
	[sflag:s22] =	ssyncadd.s32 $0xFFFFE000  }
0x153: {  	[tilespmem:s21], [sflag:$0x5] =	stream.linear.gather [spmem:s4], $0x2000, $0x38;
	[tilespmem:$0x17E00] =	vst v63  }
0x154: {  	_ =	swait.ge [sflag:s22], $0x2000  }
0x155: {  	[sflag:s22] =	ssyncset.done $0x0  }
0x156: {  	s12 =	rddreg [dreg:$0xa];
	[sflag:s22] =	ssyncadd.s32 $0xFFFFE000  }
0x157: {  	[hbm4b:s12+s11] =	stream.linear.scatter [tilespmem:s21], [sflag:$0x5], $0x2000, $0x38;
	[tilespmem:$0x17E00] =	vst v63  }
0x158: {  	_ =	swait.ge [sflag:s22], $0x2000  }
0x159: {  	s4 =	sld [smem:$0x7F1]  }
0x15a: {  	[sflag:s22] =	ssyncset.done $0x0  }
0x15b: {  	[sflag:s22] =	ssyncadd.s32 $0xFFFFE000  }
0x15c: {  	[tilespmem:s21], [sflag:$0x5] =	stream.linear.gather [spmem:s4], $0x2000, $0x38;
	[tilespmem:$0x17E00] =	vst v63  }
0x15d: {  	_ =	swait.ge [sflag:s22], $0x2000  }
0x15e: {  	[sflag:s22] =	ssyncset.done $0x0  }
0x15f: {  	s12 =	rddreg [dreg:$0xb];
	[sflag:s22] =	ssyncadd.s32 $0xFFFFE000  }
0x160: {  	[hbm4b:s12+s11] =	stream.linear.scatter [tilespmem:s21], [sflag:$0x5], $0x2000, $0x38;
	[tilespmem:$0x17E00] =	vst v63  }
0x161: {  	_ =	swait.ge [sflag:s22], $0x2000  }
0x162: {  	s4 =	sld [smem:$0x7F4]  }
0x163: {  	[sflag:s22] =	ssyncset.done $0x0  }
0x164: {  	[sflag:s22] =	ssyncadd.s32 $0xFFFFE000  }
0x165: {  	[tilespmem:s21], [sflag:$0x5] =	stream.linear.gather [spmem:s4], $0x2000, $0x38;
	[tilespmem:$0x17E00] =	vst v63  }
0x166: {  	_ =	swait.ge [sflag:s22], $0x2000  }
0x167: {  	[sflag:s22] =	ssyncset.done $0x0  }
0x168: {  	s12 =	rddreg [dreg:$0xc];
	[sflag:s22] =	ssyncadd.s32 $0xFFFFE000  }
0x169: {  	[hbm4b:s12+s11] =	stream.linear.scatter [tilespmem:s21], [sflag:$0x5], $0x2000, $0x38;
	[tilespmem:$0x17E00] =	vst v63  }
0x16a: {  	_ =	swait.ge [sflag:s22], $0x2000  }
0x16b: {  	s4 =	sld [smem:$0x7F7]  }
0x16c: {  	[sflag:s22] =	ssyncset.done $0x0  }
0x16d: {  	[sflag:s22] =	ssyncadd.s32 $0xFFFFE000  }
0x16e: {  	[tilespmem:s21], [sflag:$0x5] =	stream.linear.gather [spmem:s4], $0x1800, $0x38;
	[tilespmem:$0x17E00] =	vst v63  }
0x16f: {  	_ =	swait.ge [sflag:s22], $0x1800  }
0x170: {  	[sflag:s22] =	ssyncset.done $0x0  }
.Ltmp5:
0x171: {  	s12 =	rddreg [dreg:$0xd];
	[sflag:s22] =	ssyncadd.s32 $0xFFFFE800;
	(pc) =	sbr.rel .LBB2_8-.Ltmp5, $4  }
0x172: {  	[hbm4b:s12+s11] =	stream.linear.scatter [tilespmem:s21], [sflag:$0x5], $0x1800, $0x38;
	[tilespmem:$0x17E00] =	vst v63  }
0x173: {  	_ =	swait.ge [sflag:s22], $0x1800  }
0x174: {  	[sflag:s22] =	ssyncset.done $0x0  }
0x175: {  	[sflag:s22] =	ssyncadd.s32 $0xFFFFE800  }
.LBB2_9:
0x176: {  	_ =	sfence.sel $0x180000  }
0x177: {  	[bflag:$0x0] =	sbarrier.arrive $0xFFFF  }
0x178: {  	_ =	strace $0x9000004A  }
0x179: {  	s0 =	stileid.u32;
	[bflag:$0x2] =	sbarrier.arrive $0xFFFF  }
0x17a: {  	p0 =	sne.s32 s0, $0x0;
	s0 =	rddreg [dreg:$0x3]  }
0x17b: {  	s0 =	sadd.s32 @!p0 $0x100000, s0  }
0x17c: {  	[sflag:s0] =	ssyncadd.tile.s32 @!p0 $0x1;
	_ =	shalt  }
.Lfunc_end2:
_tile_overlayer_lowered:
.L_overlay_start_2:
0x17d: {  	(tag) =	ssettag $0x2  }
0x17e: {  	s0 =	rddreg [dreg:$0x0];
	s2 =	stileid.u32  }
0x17f: {  	s1 =	rddreg [dreg:$0x1];
	p0 =	sne.s32 s2, $0x0  }
0x180: {  	s3 =	rddreg [dreg:$0x2];
	[bflag:$0x3] =	sbarrier.arrive $0xFFFF;
	s2 =	simm.s32 @!p0 $0x1C05  }
0x181: {  	[timem:s3], [sflag:s2] =	dma.local @!p0 [hbm:s0], s1  }
0x182: {  	s0 =	simm.s32 @!p0 $0x5  }
0x183: {  	_ =	swait.ge @!p0 [sflag:s0], s1  }
0x184: {  	s1 =	ssub.s32 @!p0 $0x0, s1;
	[sflag:s0] =	ssyncset.done @!p0 $0x0  }
0x185: {  	[sflag:s0] =	ssyncadd.s32 @!p0 s1  }
0x186: {  	[bflag:$0x3] =	sbarrier.arrive $0xFFFF  }
0x187: {  	_ =	shalt  }

</sc_bundles>
